<compile_context>
chip_gen: v7x
topology: tpu7x:2x2x1
jax: 0.10.2.dev20260603
libtpu: 0.0.44.dev20260713+nightly
codegen_flags: <defaults>
</compile_context>

<pallas_src>
import functools

import jax
import jax.numpy as jnp
from jax import lax
from jax.experimental import pallas as pl
from jax.experimental.pallas import tpu as pltpu
from jax.experimental.pallas import tpu_sc as plsc

NC, NS = 2, 16
NW = NC * NS
B = 16384
S = 50
D = 32
L = 128
NITEMS = S * (B // L)
IPW = NITEMS // NW
FT = D // 8
NG = 4
NO = 4

_mesh = plsc.VectorSubcoreMesh(
    core_axis_name="c", subcore_axis_name="s", num_cores=NC, num_subcores=NS
)


@functools.partial(
    pl.kernel,
    out_type=jax.ShapeDtypeStruct((S, FT, B // L, 8, L), jnp.float32),
    mesh=_mesh,
    scratch_types=[
        pltpu.VMEM((IPW, L), jnp.int32),
        pltpu.VMEM((NG, L, D), jnp.float32),
        pltpu.VMEM((NO, D, L + 9), jnp.float32),
        pltpu.SemaphoreType.DMA((NG,)),
        pltpu.SemaphoreType.DMA((NO,)),
    ],
    compiler_params=pltpu.CompilerParams(
        use_tc_tiling_on_sc=False, needs_layout_passes=False
    ),
)
def _gather_kernel(table_hbm, idx_hbm, out_hbm, idx_v, gbuf, obuf, gsem, osem):
    wid = lax.axis_index("s") * NC + lax.axis_index("c")
    t0 = wid * IPW
    pltpu.sync_copy(idx_hbm.at[pl.ds(t0, IPW)], idx_v)

    lane = lax.broadcasted_iota(jnp.int32, (16,), 0)
    lane16 = lane + 16

    def fire(k, g):
        pltpu.async_copy(table_hbm.at[idx_v.at[k]], gbuf.at[g], gsem.at[g])

    def gwait(g):
        pltpu.make_async_copy(
            table_hbm.at[pl.ds(0, L)], gbuf.at[g], gsem.at[g]
        ).wait()

    def owait(o):
        for ti in range(FT):
            pltpu.make_async_copy(
                obuf.at[o, pl.ds(ti * 8, 8), pl.ds(0, L)],
                out_hbm.at[0, ti, 0],
                osem.at[o],
            ).wait()

    for g in range(NG):
        fire(g, g)

    def item(k0):
        for u in range(NG):
            g = u % NG
            o = u % NO
            k = k0 + u
            t = t0 + k
            s = t // L
            tj = lax.rem(t, L)

            gwait(g)

            @pl.when(k >= NO)
            def _():
                owait(o)

            def rows(c):
                cvec = jnp.full((16,), c, jnp.int32)
                v0 = gbuf[g, c, pl.ds(0, 16)]
                v1 = gbuf[g, c, pl.ds(16, 16)]
                plsc.store_scatter(obuf.at[o], [lane, cvec], v0)
                plsc.store_scatter(obuf.at[o], [lane16, cvec], v1)

            pl.loop(0, L, unroll=8)(rows)

            for ti in range(FT):
                pltpu.async_copy(
                    obuf.at[o, pl.ds(ti * 8, 8), pl.ds(0, L)],
                    out_hbm.at[s, ti, tj],
                    osem.at[o],
                )

            @pl.when(k + NG < IPW)
            def _():
                fire(k + NG, g)

    pl.loop(0, IPW, step=NG)(item)

    for o in range(NO):
        owait(o)


@jax.jit
def kernel(inputs, embeddings):
    idx2 = inputs.T.reshape(NITEMS, L).astype(jnp.int32)
    out5 = _gather_kernel(embeddings, idx2)
    return out5.transpose(2, 4, 0, 1, 3).reshape(B, S, D)

# --- scband reference (transcript-rebuilt; emitter-appended) ---
"""Pipeline reference for scband-embedding-dime-block-24953759989852 (READ-ONLY COPY).

The authoritative reference and input builder live on the scoring server;
editing this copy changes nothing except your own understanding.
"""

import jax, jax.numpy as jnp
import numpy as np

INPUT_DIM = 1000000
OUTPUT_DIM = 32

def setup_inputs(seed: int = 0) -> dict:
    key = jax.random.key(seed)
    k1, k2 = jax.random.split(key)
    inputs = jax.random.randint(k1, (16384, 50), 0, INPUT_DIM, dtype=jnp.int64 if jax.config.jax_enable_x64 else jnp.int32)
    # Keras 'uniform' initializer: U(-0.05, 0.05); table has input_dim + 1 rows
    embeddings = jax.random.uniform(k2, (INPUT_DIM + 1, OUTPUT_DIM), dtype=jnp.float32, minval=-0.05, maxval=0.05)
    return {"inputs": inputs, "embeddings": embeddings}

def reference(inputs, embeddings):
    # out = ops.take(self.embeddings, inputs, axis=0)
    out = jnp.take(embeddings, inputs, axis=0)
    return out

if __name__ == "__main__":
    import jax
    _d = setup_inputs()
    print(jax.jit(kernel)(*tuple(_d.values())))

</pallas_src>

<mosaic_0001>
#map = affine_map<(d0, d1) -> (0, 0)>
#map1 = affine_map<(d0, d1) -> (0, 0, 0, 0, 0)>
module attributes {stable_mosaic.version = 14 : i64} {
  func.func @_gather_kernel(%arg0: i32, %arg1: i32, %arg2: memref<1000001x32xf32, #tpu.memory_space<hbm>>, %arg3: memref<6400x128xi32, #tpu.memory_space<hbm>>, %arg4: memref<50x4x128x8x128xf32, #tpu.memory_space<hbm>>, %arg5: memref<200x128xi32, #tpu.memory_space<vmem>>, %arg6: memref<4x128x32xf32, #tpu.memory_space<vmem>>, %arg7: memref<4x32x137xf32, #tpu.memory_space<vmem>>, %arg8: memref<4x!tpu.dma_semaphore, #tpu.memory_space<semaphore_mem>>, %arg9: memref<4x!tpu.dma_semaphore, #tpu.memory_space<semaphore_mem>>) attributes {dimension_semantics = [#tpu.dimension_semantics<core_parallel>, #tpu.dimension_semantics<subcore_parallel>], iteration_bounds = array<i64: 2, 16>, scalar_prefetch = 0 : i64, scratch_operands = 5 : i64, tpu.core_type = #tpu.core_type<sc_vector_subcore>, window_params = [{transform_indices = #map}, {transform_indices = #map}, {transform_indices = #map1}]} {
    %mul3A = arith.constant 2 : i32
    %mul3A_0 = arith.muli %arg1, %mul3A : i32
    %add3A = arith.addi %mul3A_0, %arg0 : i32
    %mul3A_1 = arith.constant 200 : i32
    %mul3A_2 = arith.muli %add3A, %mul3A_1 : i32
    "tpu.region"() ({
      %run_scoped3A = tpu.sem_alloc : memref<!tpu.dma_semaphore, #tpu.memory_space<semaphore_mem>>
      %dma_start3A_436 = arith.constant 0 : i32
      %dma_start3A_437 = tpu.memref_slice %arg3[%mul3A_2, %dma_start3A_436] : memref<6400x128xi32, #tpu.memory_space<hbm>> -> memref<200x128xi32, #tpu.memory_space<hbm>>
      %dma_start3A_438 = arith.constant 0 : i32
      %dma_start3A_439 = tpu.memref_slice %arg3[%mul3A_2, %dma_start3A_438] : memref<6400x128xi32, #tpu.memory_space<hbm>> -> memref<200x128xi32, #tpu.memory_space<hbm>>
      tpu.enqueue_dma source(%dma_start3A_439 : memref<200x128xi32, #tpu.memory_space<hbm>>) target(%arg5 : memref<200x128xi32, #tpu.memory_space<vmem>>) target_semaphore(%run_scoped3A : memref<!tpu.dma_semaphore, #tpu.memory_space<semaphore_mem>>)
      %dma_wait3A_440 = arith.constant 0 : i32
      %dma_wait3A_441 = tpu.memref_slice %arg3[%mul3A_2, %dma_wait3A_440] : memref<6400x128xi32, #tpu.memory_space<hbm>> -> memref<200x128xi32, #tpu.memory_space<hbm>>
      %dma_wait3A_442 = arith.constant 0 : i32
      %dma_wait3A_443 = tpu.memref_slice %arg3[%mul3A_2, %dma_wait3A_442] : memref<6400x128xi32, #tpu.memory_space<hbm>> -> memref<200x128xi32, #tpu.memory_space<hbm>>
      tpu.wait_dma2 semaphore(%run_scoped3A : memref<!tpu.dma_semaphore, #tpu.memory_space<semaphore_mem>>) src(%dma_wait3A_443 : memref<200x128xi32, #tpu.memory_space<hbm>>) dst(%arg5 : memref<200x128xi32, #tpu.memory_space<vmem>>)
      tpu.yield
    }) : () -> ()
    %iota3A = tpu.iota {dimensions = array<i32: 0>} : vector<16xi32>
    %add3A_3 = arith.constant 16 : i32
    %add3A_4 = vector.broadcast %add3A_3 : i32 to vector<16xi32>
    %add3A_5 = arith.addi %iota3A, %add3A_4 : vector<16xi32>
    %dma_start3A = arith.constant 0 : i32
    %dma_start3A_6 = arith.constant 0 : i32
    %dma_start3A_7 = arith.constant 0 : i32
    %dma_start3A_8 = arith.constant 0 : i32
    %dma_start3A_9 = arith.constant 0 : i32
    %dma_start3A_10 = tpu.memref_slice %arg6[%dma_start3A_6, %dma_start3A_8, %dma_start3A_9] : memref<4x128x32xf32, #tpu.memory_space<vmem>> -> memref<1x128x32xf32, #tpu.memory_space<vmem>>
    %dma_start3A_11 = tpu.memref_squeeze %dma_start3A_10 : memref<1x128x32xf32, #tpu.memory_space<vmem>> -> memref<128x32xf32, #tpu.memory_space<vmem>>
    %dma_start3A_12 = arith.constant 0 : i32
    %dma_start3A_13 = tpu.memref_slice %arg5[%dma_start3A, %dma_start3A_12] : memref<200x128xi32, #tpu.memory_space<vmem>> -> memref<1x128xi32, #tpu.memory_space<vmem>>
    %dma_start3A_14 = tpu.memref_squeeze %dma_start3A_13 : memref<1x128xi32, #tpu.memory_space<vmem>> -> memref<128xi32, #tpu.memory_space<vmem>>
    %dma_start3A_15 = arith.constant 0 : i32
    %dma_start3A_16 = arith.constant 0 : i32
    %dma_start3A_17 = tpu.memref_slice %arg2[%dma_start3A_15, %dma_start3A_16] : memref<1000001x32xf32, #tpu.memory_space<hbm>> -> memref<1000001x32xf32, #tpu.memory_space<hbm>>
    %dma_start3A_18 = tpu.memref_slice %arg8[%dma_start3A_7] : memref<4x!tpu.dma_semaphore, #tpu.memory_space<semaphore_mem>> -> memref<1x!tpu.dma_semaphore, #tpu.memory_space<semaphore_mem>>
    %dma_start3A_19 = tpu.memref_squeeze %dma_start3A_18 : memref<1x!tpu.dma_semaphore, #tpu.memory_space<semaphore_mem>> -> memref<!tpu.dma_semaphore, #tpu.memory_space<semaphore_mem>>
    tpu.enqueue_indirect_dma source(%dma_start3A_17 : memref<1000001x32xf32, #tpu.memory_space<hbm>>) target(%dma_start3A_11 : memref<128x32xf32, #tpu.memory_space<vmem>>) offsets(%dma_start3A_14 : memref<128xi32, #tpu.memory_space<vmem>>) semaphore(%dma_start3A_19 : memref<!tpu.dma_semaphore, #tpu.memory_space<semaphore_mem>>)
    %dma_start3A_20 = arith.constant 1 : i32
    %dma_start3A_21 = arith.constant 1 : i32
    %dma_start3A_22 = arith.constant 1 : i32
    %dma_start3A_23 = arith.constant 0 : i32
    %dma_start3A_24 = arith.constant 0 : i32
    %dma_start3A_25 = tpu.memref_slice %arg6[%dma_start3A_21, %dma_start3A_23, %dma_start3A_24] : memref<4x128x32xf32, #tpu.memory_space<vmem>> -> memref<1x128x32xf32, #tpu.memory_space<vmem>>
    %dma_start3A_26 = tpu.memref_squeeze %dma_start3A_25 : memref<1x128x32xf32, #tpu.memory_space<vmem>> -> memref<128x32xf32, #tpu.memory_space<vmem>>
    %dma_start3A_27 = arith.constant 0 : i32
    %dma_start3A_28 = tpu.memref_slice %arg5[%dma_start3A_20, %dma_start3A_27] : memref<200x128xi32, #tpu.memory_space<vmem>> -> memref<1x128xi32, #tpu.memory_space<vmem>>
    %dma_start3A_29 = tpu.memref_squeeze %dma_start3A_28 : memref<1x128xi32, #tpu.memory_space<vmem>> -> memref<128xi32, #tpu.memory_space<vmem>>
    %dma_start3A_30 = arith.constant 0 : i32
    %dma_start3A_31 = arith.constant 0 : i32
    %dma_start3A_32 = tpu.memref_slice %arg2[%dma_start3A_30, %dma_start3A_31] : memref<1000001x32xf32, #tpu.memory_space<hbm>> -> memref<1000001x32xf32, #tpu.memory_space<hbm>>
    %dma_start3A_33 = tpu.memref_slice %arg8[%dma_start3A_22] : memref<4x!tpu.dma_semaphore, #tpu.memory_space<semaphore_mem>> -> memref<1x!tpu.dma_semaphore, #tpu.memory_space<semaphore_mem>>
    %dma_start3A_34 = tpu.memref_squeeze %dma_start3A_33 : memref<1x!tpu.dma_semaphore, #tpu.memory_space<semaphore_mem>> -> memref<!tpu.dma_semaphore, #tpu.memory_space<semaphore_mem>>
    tpu.enqueue_indirect_dma source(%dma_start3A_32 : memref<1000001x32xf32, #tpu.memory_space<hbm>>) target(%dma_start3A_26 : memref<128x32xf32, #tpu.memory_space<vmem>>) offsets(%dma_start3A_29 : memref<128xi32, #tpu.memory_space<vmem>>) semaphore(%dma_start3A_34 : memref<!tpu.dma_semaphore, #tpu.memory_space<semaphore_mem>>)
    %dma_start3A_35 = arith.constant 2 : i32
    %dma_start3A_36 = arith.constant 2 : i32
    %dma_start3A_37 = arith.constant 2 : i32
    %dma_start3A_38 = arith.constant 0 : i32
    %dma_start3A_39 = arith.constant 0 : i32
    %dma_start3A_40 = tpu.memref_slice %arg6[%dma_start3A_36, %dma_start3A_38, %dma_start3A_39] : memref<4x128x32xf32, #tpu.memory_space<vmem>> -> memref<1x128x32xf32, #tpu.memory_space<vmem>>
    %dma_start3A_41 = tpu.memref_squeeze %dma_start3A_40 : memref<1x128x32xf32, #tpu.memory_space<vmem>> -> memref<128x32xf32, #tpu.memory_space<vmem>>
    %dma_start3A_42 = arith.constant 0 : i32
    %dma_start3A_43 = tpu.memref_slice %arg5[%dma_start3A_35, %dma_start3A_42] : memref<200x128xi32, #tpu.memory_space<vmem>> -> memref<1x128xi32, #tpu.memory_space<vmem>>
    %dma_start3A_44 = tpu.memref_squeeze %dma_start3A_43 : memref<1x128xi32, #tpu.memory_space<vmem>> -> memref<128xi32, #tpu.memory_space<vmem>>
    %dma_start3A_45 = arith.constant 0 : i32
    %dma_start3A_46 = arith.constant 0 : i32
    %dma_start3A_47 = tpu.memref_slice %arg2[%dma_start3A_45, %dma_start3A_46] : memref<1000001x32xf32, #tpu.memory_space<hbm>> -> memref<1000001x32xf32, #tpu.memory_space<hbm>>
    %dma_start3A_48 = tpu.memref_slice %arg8[%dma_start3A_37] : memref<4x!tpu.dma_semaphore, #tpu.memory_space<semaphore_mem>> -> memref<1x!tpu.dma_semaphore, #tpu.memory_space<semaphore_mem>>
    %dma_start3A_49 = tpu.memref_squeeze %dma_start3A_48 : memref<1x!tpu.dma_semaphore, #tpu.memory_space<semaphore_mem>> -> memref<!tpu.dma_semaphore, #tpu.memory_space<semaphore_mem>>
    tpu.enqueue_indirect_dma source(%dma_start3A_47 : memref<1000001x32xf32, #tpu.memory_space<hbm>>) target(%dma_start3A_41 : memref<128x32xf32, #tpu.memory_space<vmem>>) offsets(%dma_start3A_44 : memref<128xi32, #tpu.memory_space<vmem>>) semaphore(%dma_start3A_49 : memref<!tpu.dma_semaphore, #tpu.memory_space<semaphore_mem>>)
    %dma_start3A_50 = arith.constant 3 : i32
    %dma_start3A_51 = arith.constant 3 : i32
    %dma_start3A_52 = arith.constant 3 : i32
    %dma_start3A_53 = arith.constant 0 : i32
    %dma_start3A_54 = arith.constant 0 : i32
    %dma_start3A_55 = tpu.memref_slice %arg6[%dma_start3A_51, %dma_start3A_53, %dma_start3A_54] : memref<4x128x32xf32, #tpu.memory_space<vmem>> -> memref<1x128x32xf32, #tpu.memory_space<vmem>>
    %dma_start3A_56 = tpu.memref_squeeze %dma_start3A_55 : memref<1x128x32xf32, #tpu.memory_space<vmem>> -> memref<128x32xf32, #tpu.memory_space<vmem>>
    %dma_start3A_57 = arith.constant 0 : i32
    %dma_start3A_58 = tpu.memref_slice %arg5[%dma_start3A_50, %dma_start3A_57] : memref<200x128xi32, #tpu.memory_space<vmem>> -> memref<1x128xi32, #tpu.memory_space<vmem>>
    %dma_start3A_59 = tpu.memref_squeeze %dma_start3A_58 : memref<1x128xi32, #tpu.memory_space<vmem>> -> memref<128xi32, #tpu.memory_space<vmem>>
    %dma_start3A_60 = arith.constant 0 : i32
    %dma_start3A_61 = arith.constant 0 : i32
    %dma_start3A_62 = tpu.memref_slice %arg2[%dma_start3A_60, %dma_start3A_61] : memref<1000001x32xf32, #tpu.memory_space<hbm>> -> memref<1000001x32xf32, #tpu.memory_space<hbm>>
    %dma_start3A_63 = tpu.memref_slice %arg8[%dma_start3A_52] : memref<4x!tpu.dma_semaphore, #tpu.memory_space<semaphore_mem>> -> memref<1x!tpu.dma_semaphore, #tpu.memory_space<semaphore_mem>>
    %dma_start3A_64 = tpu.memref_squeeze %dma_start3A_63 : memref<1x!tpu.dma_semaphore, #tpu.memory_space<semaphore_mem>> -> memref<!tpu.dma_semaphore, #tpu.memory_space<semaphore_mem>>
    tpu.enqueue_indirect_dma source(%dma_start3A_62 : memref<1000001x32xf32, #tpu.memory_space<hbm>>) target(%dma_start3A_56 : memref<128x32xf32, #tpu.memory_space<vmem>>) offsets(%dma_start3A_59 : memref<128xi32, #tpu.memory_space<vmem>>) semaphore(%dma_start3A_64 : memref<!tpu.dma_semaphore, #tpu.memory_space<semaphore_mem>>)
    %scan3A = arith.constant 0 : i32
    %scan3A_65 = arith.constant 50 : i32
    %scan3A_66 = arith.addi %scan3A, %scan3A_65 : i32
    %scan3A_67 = arith.constant 1 : i32
    scf.for %scan3A_436 = %scan3A to %scan3A_66 step %scan3A_67  : i32 {
      %mul3A_437 = arith.constant 4 : i32
      %mul3A_438 = arith.muli %scan3A_436, %mul3A_437 : i32
      %add3A_439 = arith.constant 0 : i32
      %add3A_440 = arith.addi %add3A_439, %mul3A_438 : i32
      %add3A_441 = arith.constant 0 : i32
      %add3A_442 = arith.addi %add3A_440, %add3A_441 : i32
      %add3A_443 = arith.addi %mul3A_2, %add3A_442 : i32
      %jit3A = arith.constant 128 : i32
      %div3A = arith.divsi %add3A_443, %jit3A : i32
      %sign3A = arith.constant 0 : i32
      %sign3A_444 = arith.cmpi sgt, %add3A_443, %sign3A : i32
      %sign3A_445 = arith.extui %sign3A_444 : i1 to i32
      %sign3A_446 = arith.constant 0 : i32
      %sign3A_447 = arith.cmpi slt, %add3A_443, %sign3A_446 : i32
      %sign3A_448 = arith.extui %sign3A_447 : i1 to i32
      %sign3A_449 = arith.subi %sign3A_445, %sign3A_448 : i32
      %sign3A_450 = arith.constant 0 : i32
      %sign3A_451 = arith.cmpi sgt, %jit3A, %sign3A_450 : i32
      %sign3A_452 = arith.extui %sign3A_451 : i1 to i32
      %sign3A_453 = arith.constant 0 : i32
      %sign3A_454 = arith.cmpi slt, %jit3A, %sign3A_453 : i32
      %sign3A_455 = arith.extui %sign3A_454 : i1 to i32
      %sign3A_456 = arith.subi %sign3A_452, %sign3A_455 : i32
      %ne3A = arith.cmpi ne, %sign3A_449, %sign3A_456 : i32
      %rem3A = arith.remsi %add3A_443, %jit3A : i32
      %ne3A_457 = arith.constant 0 : i32
      %ne3A_458 = arith.cmpi ne, %rem3A, %ne3A_457 : i32
      %and3A = arith.andi %ne3A, %ne3A_458 : i1
      %sub3A = arith.constant 1 : i32
      %sub3A_459 = arith.subi %div3A, %sub3A : i32
      %select_n3A = arith.select %and3A, %sub3A_459, %div3A : i32
      %rem3A_460 = arith.constant 128 : i32
      %rem3A_461 = arith.remsi %add3A_443, %rem3A_460 : i32
      %dma_wait3A_462 = arith.constant 0 : i32
      %dma_wait3A_463 = arith.constant 0 : i32
      %dma_wait3A_464 = arith.constant 0 : i32
      %dma_wait3A_465 = arith.constant 0 : i32
      %dma_wait3A_466 = tpu.memref_slice %arg6[%dma_wait3A_462, %dma_wait3A_464, %dma_wait3A_465] : memref<4x128x32xf32, #tpu.memory_space<vmem>> -> memref<1x128x32xf32, #tpu.memory_space<vmem>>
      %dma_wait3A_467 = tpu.memref_squeeze %dma_wait3A_466 : memref<1x128x32xf32, #tpu.memory_space<vmem>> -> memref<128x32xf32, #tpu.memory_space<vmem>>
      %dma_wait3A_468 = arith.constant 0 : i32
      %dma_wait3A_469 = arith.constant 0 : i32
      %dma_wait3A_470 = tpu.memref_slice %arg2[%dma_wait3A_468, %dma_wait3A_469] : memref<1000001x32xf32, #tpu.memory_space<hbm>> -> memref<128x32xf32, #tpu.memory_space<hbm>>
      %dma_wait3A_471 = tpu.memref_slice %arg8[%dma_wait3A_463] : memref<4x!tpu.dma_semaphore, #tpu.memory_space<semaphore_mem>> -> memref<1x!tpu.dma_semaphore, #tpu.memory_space<semaphore_mem>>
      %dma_wait3A_472 = tpu.memref_squeeze %dma_wait3A_471 : memref<1x!tpu.dma_semaphore, #tpu.memory_space<semaphore_mem>> -> memref<!tpu.dma_semaphore, #tpu.memory_space<semaphore_mem>>
      %dma_wait3A_473 = arith.constant 0 : i32
      %dma_wait3A_474 = arith.constant 0 : i32
      %dma_wait3A_475 = tpu.memref_slice %arg6[%dma_wait3A_462, %dma_wait3A_473, %dma_wait3A_474] : memref<4x128x32xf32, #tpu.memory_space<vmem>> -> memref<1x128x32xf32, #tpu.memory_space<vmem>>
      %dma_wait3A_476 = tpu.memref_squeeze %dma_wait3A_475 : memref<1x128x32xf32, #tpu.memory_space<vmem>> -> memref<128x32xf32, #tpu.memory_space<vmem>>
      %dma_wait3A_477 = arith.constant 0 : i32
      %dma_wait3A_478 = arith.constant 0 : i32
      %dma_wait3A_479 = tpu.memref_slice %arg2[%dma_wait3A_477, %dma_wait3A_478] : memref<1000001x32xf32, #tpu.memory_space<hbm>> -> memref<128x32xf32, #tpu.memory_space<hbm>>
      tpu.wait_dma2 semaphore(%dma_wait3A_472 : memref<!tpu.dma_semaphore, #tpu.memory_space<semaphore_mem>>) src(%dma_wait3A_479 : memref<128x32xf32, #tpu.memory_space<hbm>>) dst(%dma_wait3A_476 : memref<128x32xf32, #tpu.memory_space<vmem>>)
      %ge3A = arith.constant 4 : i32
      %ge3A_480 = arith.cmpi sge, %add3A_442, %ge3A : i32
      %convert_element_type3A = arith.extui %ge3A_480 : i1 to i32
      %cond3A = arith.constant 0 : i32
      %cond3A_481 = arith.cmpi ne, %convert_element_type3A, %cond3A : i32
      scf.if %cond3A_481 {
        %dma_wait3A_1021 = arith.constant 0 : i32
        %dma_wait3A_1022 = arith.constant 0 : i32
        %dma_wait3A_1023 = arith.constant 0 : i32
        %dma_wait3A_1024 = arith.constant 0 : i32
        %dma_wait3A_1025 = arith.constant 0 : i32
        %dma_wait3A_1026 = arith.constant 0 : i32
        %dma_wait3A_1027 = arith.constant 0 : i32
        %dma_wait3A_1028 = tpu.memref_slice %arg7[%dma_wait3A_1021, %dma_wait3A_1026, %dma_wait3A_1027] : memref<4x32x137xf32, #tpu.memory_space<vmem>> -> memref<1x8x128xf32, #tpu.memory_space<vmem>>
        %dma_wait3A_1029 = tpu.memref_squeeze %dma_wait3A_1028 : memref<1x8x128xf32, #tpu.memory_space<vmem>> -> memref<8x128xf32, #tpu.memory_space<vmem>>
        %dma_wait3A_1030 = arith.constant 0 : i32
        %dma_wait3A_1031 = arith.constant 0 : i32
        %dma_wait3A_1032 = tpu.memref_slice %arg4[%dma_wait3A_1022, %dma_wait3A_1023, %dma_wait3A_1024, %dma_wait3A_1030, %dma_wait3A_1031] : memref<50x4x128x8x128xf32, #tpu.memory_space<hbm>> -> memref<1x1x1x8x128xf32, #tpu.memory_space<hbm>>
        %dma_wait3A_1033 = tpu.memref_squeeze %dma_wait3A_1032 : memref<1x1x1x8x128xf32, #tpu.memory_space<hbm>> -> memref<8x128xf32, #tpu.memory_space<hbm>>
        %dma_wait3A_1034 = tpu.memref_slice %arg9[%dma_wait3A_1025] : memref<4x!tpu.dma_semaphore, #tpu.memory_space<semaphore_mem>> -> memref<1x!tpu.dma_semaphore, #tpu.memory_space<semaphore_mem>>
        %dma_wait3A_1035 = tpu.memref_squeeze %dma_wait3A_1034 : memref<1x!tpu.dma_semaphore, #tpu.memory_space<semaphore_mem>> -> memref<!tpu.dma_semaphore, #tpu.memory_space<semaphore_mem>>
        %dma_wait3A_1036 = arith.constant 0 : i32
        %dma_wait3A_1037 = arith.constant 0 : i32
        %dma_wait3A_1038 = tpu.memref_slice %arg4[%dma_wait3A_1022, %dma_wait3A_1023, %dma_wait3A_1024, %dma_wait3A_1036, %dma_wait3A_1037] : memref<50x4x128x8x128xf32, #tpu.memory_space<hbm>> -> memref<1x1x1x8x128xf32, #tpu.memory_space<hbm>>
        %dma_wait3A_1039 = tpu.memref_squeeze %dma_wait3A_1038 : memref<1x1x1x8x128xf32, #tpu.memory_space<hbm>> -> memref<8x128xf32, #tpu.memory_space<hbm>>
        %dma_wait3A_1040 = arith.constant 0 : i32
        %dma_wait3A_1041 = arith.constant 0 : i32
        %dma_wait3A_1042 = tpu.memref_slice %arg7[%dma_wait3A_1021, %dma_wait3A_1040, %dma_wait3A_1041] : memref<4x32x137xf32, #tpu.memory_space<vmem>> -> memref<1x8x128xf32, #tpu.memory_space<vmem>>
        %dma_wait3A_1043 = tpu.memref_squeeze %dma_wait3A_1042 : memref<1x8x128xf32, #tpu.memory_space<vmem>> -> memref<8x128xf32, #tpu.memory_space<vmem>>
        tpu.wait_dma2 semaphore(%dma_wait3A_1035 : memref<!tpu.dma_semaphore, #tpu.memory_space<semaphore_mem>>) src(%dma_wait3A_1043 : memref<8x128xf32, #tpu.memory_space<vmem>>) dst(%dma_wait3A_1039 : memref<8x128xf32, #tpu.memory_space<hbm>>)
        %dma_wait3A_1044 = arith.constant 0 : i32
        %dma_wait3A_1045 = arith.constant 0 : i32
        %dma_wait3A_1046 = arith.constant 1 : i32
        %dma_wait3A_1047 = arith.constant 0 : i32
        %dma_wait3A_1048 = arith.constant 0 : i32
        %dma_wait3A_1049 = arith.constant 8 : i32
        %dma_wait3A_1050 = arith.constant 0 : i32
        %dma_wait3A_1051 = tpu.memref_slice %arg7[%dma_wait3A_1044, %dma_wait3A_1049, %dma_wait3A_1050] : memref<4x32x137xf32, #tpu.memory_space<vmem>> -> memref<1x8x128xf32, #tpu.memory_space<vmem>>
        %dma_wait3A_1052 = tpu.memref_squeeze %dma_wait3A_1051 : memref<1x8x128xf32, #tpu.memory_space<vmem>> -> memref<8x128xf32, #tpu.memory_space<vmem>>
        %dma_wait3A_1053 = arith.constant 0 : i32
        %dma_wait3A_1054 = arith.constant 0 : i32
        %dma_wait3A_1055 = tpu.memref_slice %arg4[%dma_wait3A_1045, %dma_wait3A_1046, %dma_wait3A_1047, %dma_wait3A_1053, %dma_wait3A_1054] : memref<50x4x128x8x128xf32, #tpu.memory_space<hbm>> -> memref<1x1x1x8x128xf32, #tpu.memory_space<hbm>>
        %dma_wait3A_1056 = tpu.memref_squeeze %dma_wait3A_1055 : memref<1x1x1x8x128xf32, #tpu.memory_space<hbm>> -> memref<8x128xf32, #tpu.memory_space<hbm>>
        %dma_wait3A_1057 = tpu.memref_slice %arg9[%dma_wait3A_1048] : memref<4x!tpu.dma_semaphore, #tpu.memory_space<semaphore_mem>> -> memref<1x!tpu.dma_semaphore, #tpu.memory_space<semaphore_mem>>
        %dma_wait3A_1058 = tpu.memref_squeeze %dma_wait3A_1057 : memref<1x!tpu.dma_semaphore, #tpu.memory_space<semaphore_mem>> -> memref<!tpu.dma_semaphore, #tpu.memory_space<semaphore_mem>>
        %dma_wait3A_1059 = arith.constant 0 : i32
        %dma_wait3A_1060 = arith.constant 0 : i32
        %dma_wait3A_1061 = tpu.memref_slice %arg4[%dma_wait3A_1045, %dma_wait3A_1046, %dma_wait3A_1047, %dma_wait3A_1059, %dma_wait3A_1060] : memref<50x4x128x8x128xf32, #tpu.memory_space<hbm>> -> memref<1x1x1x8x128xf32, #tpu.memory_space<hbm>>
        %dma_wait3A_1062 = tpu.memref_squeeze %dma_wait3A_1061 : memref<1x1x1x8x128xf32, #tpu.memory_space<hbm>> -> memref<8x128xf32, #tpu.memory_space<hbm>>
        %dma_wait3A_1063 = arith.constant 8 : i32
        %dma_wait3A_1064 = arith.constant 0 : i32
        %dma_wait3A_1065 = tpu.memref_slice %arg7[%dma_wait3A_1044, %dma_wait3A_1063, %dma_wait3A_1064] : memref<4x32x137xf32, #tpu.memory_space<vmem>> -> memref<1x8x128xf32, #tpu.memory_space<vmem>>
        %dma_wait3A_1066 = tpu.memref_squeeze %dma_wait3A_1065 : memref<1x8x128xf32, #tpu.memory_space<vmem>> -> memref<8x128xf32, #tpu.memory_space<vmem>>
        tpu.wait_dma2 semaphore(%dma_wait3A_1058 : memref<!tpu.dma_semaphore, #tpu.memory_space<semaphore_mem>>) src(%dma_wait3A_1066 : memref<8x128xf32, #tpu.memory_space<vmem>>) dst(%dma_wait3A_1062 : memref<8x128xf32, #tpu.memory_space<hbm>>)
        %dma_wait3A_1067 = arith.constant 0 : i32
        %dma_wait3A_1068 = arith.constant 0 : i32
        %dma_wait3A_1069 = arith.constant 2 : i32
        %dma_wait3A_1070 = arith.constant 0 : i32
        %dma_wait3A_1071 = arith.constant 0 : i32
        %dma_wait3A_1072 = arith.constant 16 : i32
        %dma_wait3A_1073 = arith.constant 0 : i32
        %dma_wait3A_1074 = tpu.memref_slice %arg7[%dma_wait3A_1067, %dma_wait3A_1072, %dma_wait3A_1073] : memref<4x32x137xf32, #tpu.memory_space<vmem>> -> memref<1x8x128xf32, #tpu.memory_space<vmem>>
        %dma_wait3A_1075 = tpu.memref_squeeze %dma_wait3A_1074 : memref<1x8x128xf32, #tpu.memory_space<vmem>> -> memref<8x128xf32, #tpu.memory_space<vmem>>
        %dma_wait3A_1076 = arith.constant 0 : i32
        %dma_wait3A_1077 = arith.constant 0 : i32
        %dma_wait3A_1078 = tpu.memref_slice %arg4[%dma_wait3A_1068, %dma_wait3A_1069, %dma_wait3A_1070, %dma_wait3A_1076, %dma_wait3A_1077] : memref<50x4x128x8x128xf32, #tpu.memory_space<hbm>> -> memref<1x1x1x8x128xf32, #tpu.memory_space<hbm>>
        %dma_wait3A_1079 = tpu.memref_squeeze %dma_wait3A_1078 : memref<1x1x1x8x128xf32, #tpu.memory_space<hbm>> -> memref<8x128xf32, #tpu.memory_space<hbm>>
        %dma_wait3A_1080 = tpu.memref_slice %arg9[%dma_wait3A_1071] : memref<4x!tpu.dma_semaphore, #tpu.memory_space<semaphore_mem>> -> memref<1x!tpu.dma_semaphore, #tpu.memory_space<semaphore_mem>>
        %dma_wait3A_1081 = tpu.memref_squeeze %dma_wait3A_1080 : memref<1x!tpu.dma_semaphore, #tpu.memory_space<semaphore_mem>> -> memref<!tpu.dma_semaphore, #tpu.memory_space<semaphore_mem>>
        %dma_wait3A_1082 = arith.constant 0 : i32
        %dma_wait3A_1083 = arith.constant 0 : i32
        %dma_wait3A_1084 = tpu.memref_slice %arg4[%dma_wait3A_1068, %dma_wait3A_1069, %dma_wait3A_1070, %dma_wait3A_1082, %dma_wait3A_1083] : memref<50x4x128x8x128xf32, #tpu.memory_space<hbm>> -> memref<1x1x1x8x128xf32, #tpu.memory_space<hbm>>
        %dma_wait3A_1085 = tpu.memref_squeeze %dma_wait3A_1084 : memref<1x1x1x8x128xf32, #tpu.memory_space<hbm>> -> memref<8x128xf32, #tpu.memory_space<hbm>>
        %dma_wait3A_1086 = arith.constant 16 : i32
        %dma_wait3A_1087 = arith.constant 0 : i32
        %dma_wait3A_1088 = tpu.memref_slice %arg7[%dma_wait3A_1067, %dma_wait3A_1086, %dma_wait3A_1087] : memref<4x32x137xf32, #tpu.memory_space<vmem>> -> memref<1x8x128xf32, #tpu.memory_space<vmem>>
        %dma_wait3A_1089 = tpu.memref_squeeze %dma_wait3A_1088 : memref<1x8x128xf32, #tpu.memory_space<vmem>> -> memref<8x128xf32, #tpu.memory_space<vmem>>
        tpu.wait_dma2 semaphore(%dma_wait3A_1081 : memref<!tpu.dma_semaphore, #tpu.memory_space<semaphore_mem>>) src(%dma_wait3A_1089 : memref<8x128xf32, #tpu.memory_space<vmem>>) dst(%dma_wait3A_1085 : memref<8x128xf32, #tpu.memory_space<hbm>>)
        %dma_wait3A_1090 = arith.constant 0 : i32
        %dma_wait3A_1091 = arith.constant 0 : i32
        %dma_wait3A_1092 = arith.constant 3 : i32
        %dma_wait3A_1093 = arith.constant 0 : i32
        %dma_wait3A_1094 = arith.constant 0 : i32
        %dma_wait3A_1095 = arith.constant 24 : i32
        %dma_wait3A_1096 = arith.constant 0 : i32
        %dma_wait3A_1097 = tpu.memref_slice %arg7[%dma_wait3A_1090, %dma_wait3A_1095, %dma_wait3A_1096] : memref<4x32x137xf32, #tpu.memory_space<vmem>> -> memref<1x8x128xf32, #tpu.memory_space<vmem>>
        %dma_wait3A_1098 = tpu.memref_squeeze %dma_wait3A_1097 : memref<1x8x128xf32, #tpu.memory_space<vmem>> -> memref<8x128xf32, #tpu.memory_space<vmem>>
        %dma_wait3A_1099 = arith.constant 0 : i32
        %dma_wait3A_1100 = arith.constant 0 : i32
        %dma_wait3A_1101 = tpu.memref_slice %arg4[%dma_wait3A_1091, %dma_wait3A_1092, %dma_wait3A_1093, %dma_wait3A_1099, %dma_wait3A_1100] : memref<50x4x128x8x128xf32, #tpu.memory_space<hbm>> -> memref<1x1x1x8x128xf32, #tpu.memory_space<hbm>>
        %dma_wait3A_1102 = tpu.memref_squeeze %dma_wait3A_1101 : memref<1x1x1x8x128xf32, #tpu.memory_space<hbm>> -> memref<8x128xf32, #tpu.memory_space<hbm>>
        %dma_wait3A_1103 = tpu.memref_slice %arg9[%dma_wait3A_1094] : memref<4x!tpu.dma_semaphore, #tpu.memory_space<semaphore_mem>> -> memref<1x!tpu.dma_semaphore, #tpu.memory_space<semaphore_mem>>
        %dma_wait3A_1104 = tpu.memref_squeeze %dma_wait3A_1103 : memref<1x!tpu.dma_semaphore, #tpu.memory_space<semaphore_mem>> -> memref<!tpu.dma_semaphore, #tpu.memory_space<semaphore_mem>>
        %dma_wait3A_1105 = arith.constant 0 : i32
        %dma_wait3A_1106 = arith.constant 0 : i32
        %dma_wait3A_1107 = tpu.memref_slice %arg4[%dma_wait3A_1091, %dma_wait3A_1092, %dma_wait3A_1093, %dma_wait3A_1105, %dma_wait3A_1106] : memref<50x4x128x8x128xf32, #tpu.memory_space<hbm>> -> memref<1x1x1x8x128xf32, #tpu.memory_space<hbm>>
        %dma_wait3A_1108 = tpu.memref_squeeze %dma_wait3A_1107 : memref<1x1x1x8x128xf32, #tpu.memory_space<hbm>> -> memref<8x128xf32, #tpu.memory_space<hbm>>
        %dma_wait3A_1109 = arith.constant 24 : i32
        %dma_wait3A_1110 = arith.constant 0 : i32
        %dma_wait3A_1111 = tpu.memref_slice %arg7[%dma_wait3A_1090, %dma_wait3A_1109, %dma_wait3A_1110] : memref<4x32x137xf32, #tpu.memory_space<vmem>> -> memref<1x8x128xf32, #tpu.memory_space<vmem>>
        %dma_wait3A_1112 = tpu.memref_squeeze %dma_wait3A_1111 : memref<1x8x128xf32, #tpu.memory_space<vmem>> -> memref<8x128xf32, #tpu.memory_space<vmem>>
        tpu.wait_dma2 semaphore(%dma_wait3A_1104 : memref<!tpu.dma_semaphore, #tpu.memory_space<semaphore_mem>>) src(%dma_wait3A_1112 : memref<8x128xf32, #tpu.memory_space<vmem>>) dst(%dma_wait3A_1108 : memref<8x128xf32, #tpu.memory_space<hbm>>)
      } else {
      }
      %scan3A_482 = arith.constant 0 : i32
      %scan3A_483 = arith.constant 128 : i32
      %scan3A_484 = arith.addi %scan3A_482, %scan3A_483 : i32
      %scan3A_485 = arith.constant 8 : i32
      scf.for %scan3A_1021 = %scan3A_482 to %scan3A_484 step %scan3A_485  : i32 {
        %mul3A_1022 = arith.constant 1 : i32
        %mul3A_1023 = arith.muli %scan3A_1021, %mul3A_1022 : i32
        %add3A_1024 = arith.constant 0 : i32
        %add3A_1025 = arith.addi %add3A_1024, %mul3A_1023 : i32
        %broadcast_in_dim3A = vector.broadcast %add3A_1025 : i32 to vector<16xi32>
        %get3A = arith.constant 0 : i32
        %get3A_1026 = arith.index_cast %get3A : i32 to index
        %get3A_1027 = arith.index_cast %add3A_1025 : i32 to index
        %get3A_1028 = arith.constant 0 : index
        %get3A_1029 = tpu.vector_load %arg6[%get3A_1026, %get3A_1027, %get3A_1028] {strides = array<i32>} : memref<4x128x32xf32, #tpu.memory_space<vmem>>, vector<16xf32>,
        %get3A_1030 = arith.constant 0 : i32
        %get3A_1031 = arith.index_cast %get3A_1030 : i32 to index
        %get3A_1032 = arith.index_cast %add3A_1025 : i32 to index
        %get3A_1033 = arith.constant 16 : index
        %get3A_1034 = tpu.vector_load %arg6[%get3A_1031, %get3A_1032, %get3A_1033] {strides = array<i32>} : memref<4x128x32xf32, #tpu.memory_space<vmem>>, vector<16xf32>,
        %scatter3A = arith.constant 0 : i32
        %scatter3A_1035 = arith.constant 0 : i32
        %scatter3A_1036 = arith.constant 0 : i32
        %scatter3A_1037 = tpu.memref_slice %arg7[%scatter3A, %scatter3A_1035, %scatter3A_1036] : memref<4x32x137xf32, #tpu.memory_space<vmem>> -> memref<1x32x137xf32, #tpu.memory_space<vmem>>
        %scatter3A_1038 = tpu.memref_squeeze %scatter3A_1037 : memref<1x32x137xf32, #tpu.memory_space<vmem>> -> memref<32x137xf32, #tpu.memory_space<vmem>>
        tpu.vector_store_idx %scatter3A_1038[%iota3A, %broadcast_in_dim3A], %get3A_1029 : memref<32x137xf32, #tpu.memory_space<vmem>>[vector<16xi32>, vector<16xi32>], vector<16xf32>,
        %scatter3A_1039 = arith.constant 0 : i32
        %scatter3A_1040 = arith.constant 0 : i32
        %scatter3A_1041 = arith.constant 0 : i32
        %scatter3A_1042 = tpu.memref_slice %arg7[%scatter3A_1039, %scatter3A_1040, %scatter3A_1041] : memref<4x32x137xf32, #tpu.memory_space<vmem>> -> memref<1x32x137xf32, #tpu.memory_space<vmem>>
        %scatter3A_1043 = tpu.memref_squeeze %scatter3A_1042 : memref<1x32x137xf32, #tpu.memory_space<vmem>> -> memref<32x137xf32, #tpu.memory_space<vmem>>
        tpu.vector_store_idx %scatter3A_1043[%add3A_5, %broadcast_in_dim3A], %get3A_1034 : memref<32x137xf32, #tpu.memory_space<vmem>>[vector<16xi32>, vector<16xi32>], vector<16xf32>,
        %scan3A_1044 = arith.constant 1 : i32
        %scan3A_1045 = arith.addi %scan3A_1021, %scan3A_1044 : i32
        %mul3A_1046 = arith.constant 1 : i32
        %mul3A_1047 = arith.muli %scan3A_1045, %mul3A_1046 : i32
        %add3A_1048 = arith.constant 0 : i32
        %add3A_1049 = arith.addi %add3A_1048, %mul3A_1047 : i32
        %broadcast_in_dim3A_1050 = vector.broadcast %add3A_1049 : i32 to vector<16xi32>
        %get3A_1051 = arith.constant 0 : i32
        %get3A_1052 = arith.index_cast %get3A_1051 : i32 to index
        %get3A_1053 = arith.index_cast %add3A_1049 : i32 to index
        %get3A_1054 = arith.constant 0 : index
        %get3A_1055 = tpu.vector_load %arg6[%get3A_1052, %get3A_1053, %get3A_1054] {strides = array<i32>} : memref<4x128x32xf32, #tpu.memory_space<vmem>>, vector<16xf32>,
        %get3A_1056 = arith.constant 0 : i32
        %get3A_1057 = arith.index_cast %get3A_1056 : i32 to index
        %get3A_1058 = arith.index_cast %add3A_1049 : i32 to index
        %get3A_1059 = arith.constant 16 : index
        %get3A_1060 = tpu.vector_load %arg6[%get3A_1057, %get3A_1058, %get3A_1059] {strides = array<i32>} : memref<4x128x32xf32, #tpu.memory_space<vmem>>, vector<16xf32>,
        %scatter3A_1061 = arith.constant 0 : i32
        %scatter3A_1062 = arith.constant 0 : i32
        %scatter3A_1063 = arith.constant 0 : i32
        %scatter3A_1064 = tpu.memref_slice %arg7[%scatter3A_1061, %scatter3A_1062, %scatter3A_1063] : memref<4x32x137xf32, #tpu.memory_space<vmem>> -> memref<1x32x137xf32, #tpu.memory_space<vmem>>
        %scatter3A_1065 = tpu.memref_squeeze %scatter3A_1064 : memref<1x32x137xf32, #tpu.memory_space<vmem>> -> memref<32x137xf32, #tpu.memory_space<vmem>>
        tpu.vector_store_idx %scatter3A_1065[%iota3A, %broadcast_in_dim3A_1050], %get3A_1055 : memref<32x137xf32, #tpu.memory_space<vmem>>[vector<16xi32>, vector<16xi32>], vector<16xf32>,
        %scatter3A_1066 = arith.constant 0 : i32
        %scatter3A_1067 = arith.constant 0 : i32
        %scatter3A_1068 = arith.constant 0 : i32
        %scatter3A_1069 = tpu.memref_slice %arg7[%scatter3A_1066, %scatter3A_1067, %scatter3A_1068] : memref<4x32x137xf32, #tpu.memory_space<vmem>> -> memref<1x32x137xf32, #tpu.memory_space<vmem>>
        %scatter3A_1070 = tpu.memref_squeeze %scatter3A_1069 : memref<1x32x137xf32, #tpu.memory_space<vmem>> -> memref<32x137xf32, #tpu.memory_space<vmem>>
        tpu.vector_store_idx %scatter3A_1070[%add3A_5, %broadcast_in_dim3A_1050], %get3A_1060 : memref<32x137xf32, #tpu.memory_space<vmem>>[vector<16xi32>, vector<16xi32>], vector<16xf32>,
        %scan3A_1071 = arith.constant 2 : i32
        %scan3A_1072 = arith.addi %scan3A_1021, %scan3A_1071 : i32
        %mul3A_1073 = arith.constant 1 : i32
        %mul3A_1074 = arith.muli %scan3A_1072, %mul3A_1073 : i32
        %add3A_1075 = arith.constant 0 : i32
        %add3A_1076 = arith.addi %add3A_1075, %mul3A_1074 : i32
        %broadcast_in_dim3A_1077 = vector.broadcast %add3A_1076 : i32 to vector<16xi32>
        %get3A_1078 = arith.constant 0 : i32
        %get3A_1079 = arith.index_cast %get3A_1078 : i32 to index
        %get3A_1080 = arith.index_cast %add3A_1076 : i32 to index
        %get3A_1081 = arith.constant 0 : index
        %get3A_1082 = tpu.vector_load %arg6[%get3A_1079, %get3A_1080, %get3A_1081] {strides = array<i32>} : memref<4x128x32xf32, #tpu.memory_space<vmem>>, vector<16xf32>,
        %get3A_1083 = arith.constant 0 : i32
        %get3A_1084 = arith.index_cast %get3A_1083 : i32 to index
        %get3A_1085 = arith.index_cast %add3A_1076 : i32 to index
        %get3A_1086 = arith.constant 16 : index
        %get3A_1087 = tpu.vector_load %arg6[%get3A_1084, %get3A_1085, %get3A_1086] {strides = array<i32>} : memref<4x128x32xf32, #tpu.memory_space<vmem>>, vector<16xf32>,
        %scatter3A_1088 = arith.constant 0 : i32
        %scatter3A_1089 = arith.constant 0 : i32
        %scatter3A_1090 = arith.constant 0 : i32
        %scatter3A_1091 = tpu.memref_slice %arg7[%scatter3A_1088, %scatter3A_1089, %scatter3A_1090] : memref<4x32x137xf32, #tpu.memory_space<vmem>> -> memref<1x32x137xf32, #tpu.memory_space<vmem>>
        %scatter3A_1092 = tpu.memref_squeeze %scatter3A_1091 : memref<1x32x137xf32, #tpu.memory_space<vmem>> -> memref<32x137xf32, #tpu.memory_space<vmem>>
        tpu.vector_store_idx %scatter3A_1092[%iota3A, %broadcast_in_dim3A_1077], %get3A_1082 : memref<32x137xf32, #tpu.memory_space<vmem>>[vector<16xi32>, vector<16xi32>], vector<16xf32>,
        %scatter3A_1093 = arith.constant 0 : i32
        %scatter3A_1094 = arith.constant 0 : i32
        %scatter3A_1095 = arith.constant 0 : i32
        %scatter3A_1096 = tpu.memref_slice %arg7[%scatter3A_1093, %scatter3A_1094, %scatter3A_1095] : memref<4x32x137xf32, #tpu.memory_space<vmem>> -> memref<1x32x137xf32, #tpu.memory_space<vmem>>
        %scatter3A_1097 = tpu.memref_squeeze %scatter3A_1096 : memref<1x32x137xf32, #tpu.memory_space<vmem>> -> memref<32x137xf32, #tpu.memory_space<vmem>>
        tpu.vector_store_idx %scatter3A_1097[%add3A_5, %broadcast_in_dim3A_1077], %get3A_1087 : memref<32x137xf32, #tpu.memory_space<vmem>>[vector<16xi32>, vector<16xi32>], vector<16xf32>,
        %scan3A_1098 = arith.constant 3 : i32
        %scan3A_1099 = arith.addi %scan3A_1021, %scan3A_1098 : i32
        %mul3A_1100 = arith.constant 1 : i32
        %mul3A_1101 = arith.muli %scan3A_1099, %mul3A_1100 : i32
        %add3A_1102 = arith.constant 0 : i32
        %add3A_1103 = arith.addi %add3A_1102, %mul3A_1101 : i32
        %broadcast_in_dim3A_1104 = vector.broadcast %add3A_1103 : i32 to vector<16xi32>
        %get3A_1105 = arith.constant 0 : i32
        %get3A_1106 = arith.index_cast %get3A_1105 : i32 to index
        %get3A_1107 = arith.index_cast %add3A_1103 : i32 to index
        %get3A_1108 = arith.constant 0 : index
        %get3A_1109 = tpu.vector_load %arg6[%get3A_1106, %get3A_1107, %get3A_1108] {strides = array<i32>} : memref<4x128x32xf32, #tpu.memory_space<vmem>>, vector<16xf32>,
        %get3A_1110 = arith.constant 0 : i32
        %get3A_1111 = arith.index_cast %get3A_1110 : i32 to index
        %get3A_1112 = arith.index_cast %add3A_1103 : i32 to index
        %get3A_1113 = arith.constant 16 : index
        %get3A_1114 = tpu.vector_load %arg6[%get3A_1111, %get3A_1112, %get3A_1113] {strides = array<i32>} : memref<4x128x32xf32, #tpu.memory_space<vmem>>, vector<16xf32>,
        %scatter3A_1115 = arith.constant 0 : i32
        %scatter3A_1116 = arith.constant 0 : i32
        %scatter3A_1117 = arith.constant 0 : i32
        %scatter3A_1118 = tpu.memref_slice %arg7[%scatter3A_1115, %scatter3A_1116, %scatter3A_1117] : memref<4x32x137xf32, #tpu.memory_space<vmem>> -> memref<1x32x137xf32, #tpu.memory_space<vmem>>
        %scatter3A_1119 = tpu.memref_squeeze %scatter3A_1118 : memref<1x32x137xf32, #tpu.memory_space<vmem>> -> memref<32x137xf32, #tpu.memory_space<vmem>>
        tpu.vector_store_idx %scatter3A_1119[%iota3A, %broadcast_in_dim3A_1104], %get3A_1109 : memref<32x137xf32, #tpu.memory_space<vmem>>[vector<16xi32>, vector<16xi32>], vector<16xf32>,
        %scatter3A_1120 = arith.constant 0 : i32
        %scatter3A_1121 = arith.constant 0 : i32
        %scatter3A_1122 = arith.constant 0 : i32
        %scatter3A_1123 = tpu.memref_slice %arg7[%scatter3A_1120, %scatter3A_1121, %scatter3A_1122] : memref<4x32x137xf32, #tpu.memory_space<vmem>> -> memref<1x32x137xf32, #tpu.memory_space<vmem>>
        %scatter3A_1124 = tpu.memref_squeeze %scatter3A_1123 : memref<1x32x137xf32, #tpu.memory_space<vmem>> -> memref<32x137xf32, #tpu.memory_space<vmem>>
        tpu.vector_store_idx %scatter3A_1124[%add3A_5, %broadcast_in_dim3A_1104], %get3A_1114 : memref<32x137xf32, #tpu.memory_space<vmem>>[vector<16xi32>, vector<16xi32>], vector<16xf32>,
        %scan3A_1125 = arith.constant 4 : i32
        %scan3A_1126 = arith.addi %scan3A_1021, %scan3A_1125 : i32
        %mul3A_1127 = arith.constant 1 : i32
        %mul3A_1128 = arith.muli %scan3A_1126, %mul3A_1127 : i32
        %add3A_1129 = arith.constant 0 : i32
        %add3A_1130 = arith.addi %add3A_1129, %mul3A_1128 : i32
        %broadcast_in_dim3A_1131 = vector.broadcast %add3A_1130 : i32 to vector<16xi32>
        %get3A_1132 = arith.constant 0 : i32
        %get3A_1133 = arith.index_cast %get3A_1132 : i32 to index
        %get3A_1134 = arith.index_cast %add3A_1130 : i32 to index
        %get3A_1135 = arith.constant 0 : index
        %get3A_1136 = tpu.vector_load %arg6[%get3A_1133, %get3A_1134, %get3A_1135] {strides = array<i32>} : memref<4x128x32xf32, #tpu.memory_space<vmem>>, vector<16xf32>,
        %get3A_1137 = arith.constant 0 : i32
        %get3A_1138 = arith.index_cast %get3A_1137 : i32 to index
        %get3A_1139 = arith.index_cast %add3A_1130 : i32 to index
        %get3A_1140 = arith.constant 16 : index
        %get3A_1141 = tpu.vector_load %arg6[%get3A_1138, %get3A_1139, %get3A_1140] {strides = array<i32>} : memref<4x128x32xf32, #tpu.memory_space<vmem>>, vector<16xf32>,
        %scatter3A_1142 = arith.constant 0 : i32
        %scatter3A_1143 = arith.constant 0 : i32
        %scatter3A_1144 = arith.constant 0 : i32
        %scatter3A_1145 = tpu.memref_slice %arg7[%scatter3A_1142, %scatter3A_1143, %scatter3A_1144] : memref<4x32x137xf32, #tpu.memory_space<vmem>> -> memref<1x32x137xf32, #tpu.memory_space<vmem>>
        %scatter3A_1146 = tpu.memref_squeeze %scatter3A_1145 : memref<1x32x137xf32, #tpu.memory_space<vmem>> -> memref<32x137xf32, #tpu.memory_space<vmem>>
        tpu.vector_store_idx %scatter3A_1146[%iota3A, %broadcast_in_dim3A_1131], %get3A_1136 : memref<32x137xf32, #tpu.memory_space<vmem>>[vector<16xi32>, vector<16xi32>], vector<16xf32>,
        %scatter3A_1147 = arith.constant 0 : i32
        %scatter3A_1148 = arith.constant 0 : i32
        %scatter3A_1149 = arith.constant 0 : i32
        %scatter3A_1150 = tpu.memref_slice %arg7[%scatter3A_1147, %scatter3A_1148, %scatter3A_1149] : memref<4x32x137xf32, #tpu.memory_space<vmem>> -> memref<1x32x137xf32, #tpu.memory_space<vmem>>
        %scatter3A_1151 = tpu.memref_squeeze %scatter3A_1150 : memref<1x32x137xf32, #tpu.memory_space<vmem>> -> memref<32x137xf32, #tpu.memory_space<vmem>>
        tpu.vector_store_idx %scatter3A_1151[%add3A_5, %broadcast_in_dim3A_1131], %get3A_1141 : memref<32x137xf32, #tpu.memory_space<vmem>>[vector<16xi32>, vector<16xi32>], vector<16xf32>,
        %scan3A_1152 = arith.constant 5 : i32
        %scan3A_1153 = arith.addi %scan3A_1021, %scan3A_1152 : i32
        %mul3A_1154 = arith.constant 1 : i32
        %mul3A_1155 = arith.muli %scan3A_1153, %mul3A_1154 : i32
        %add3A_1156 = arith.constant 0 : i32
        %add3A_1157 = arith.addi %add3A_1156, %mul3A_1155 : i32
        %broadcast_in_dim3A_1158 = vector.broadcast %add3A_1157 : i32 to vector<16xi32>
        %get3A_1159 = arith.constant 0 : i32
        %get3A_1160 = arith.index_cast %get3A_1159 : i32 to index
        %get3A_1161 = arith.index_cast %add3A_1157 : i32 to index
        %get3A_1162 = arith.constant 0 : index
        %get3A_1163 = tpu.vector_load %arg6[%get3A_1160, %get3A_1161, %get3A_1162] {strides = array<i32>} : memref<4x128x32xf32, #tpu.memory_space<vmem>>, vector<16xf32>,
        %get3A_1164 = arith.constant 0 : i32
        %get3A_1165 = arith.index_cast %get3A_1164 : i32 to index
        %get3A_1166 = arith.index_cast %add3A_1157 : i32 to index
        %get3A_1167 = arith.constant 16 : index
        %get3A_1168 = tpu.vector_load %arg6[%get3A_1165, %get3A_1166, %get3A_1167] {strides = array<i32>} : memref<4x128x32xf32, #tpu.memory_space<vmem>>, vector<16xf32>,
        %scatter3A_1169 = arith.constant 0 : i32
        %scatter3A_1170 = arith.constant 0 : i32
        %scatter3A_1171 = arith.constant 0 : i32
        %scatter3A_1172 = tpu.memref_slice %arg7[%scatter3A_1169, %scatter3A_1170, %scatter3A_1171] : memref<4x32x137xf32, #tpu.memory_space<vmem>> -> memref<1x32x137xf32, #tpu.memory_space<vmem>>
        %scatter3A_1173 = tpu.memref_squeeze %scatter3A_1172 : memref<1x32x137xf32, #tpu.memory_space<vmem>> -> memref<32x137xf32, #tpu.memory_space<vmem>>
        tpu.vector_store_idx %scatter3A_1173[%iota3A, %broadcast_in_dim3A_1158], %get3A_1163 : memref<32x137xf32, #tpu.memory_space<vmem>>[vector<16xi32>, vector<16xi32>], vector<16xf32>,
        %scatter3A_1174 = arith.constant 0 : i32
        %scatter3A_1175 = arith.constant 0 : i32
        %scatter3A_1176 = arith.constant 0 : i32
        %scatter3A_1177 = tpu.memref_slice %arg7[%scatter3A_1174, %scatter3A_1175, %scatter3A_1176] : memref<4x32x137xf32, #tpu.memory_space<vmem>> -> memref<1x32x137xf32, #tpu.memory_space<vmem>>
        %scatter3A_1178 = tpu.memref_squeeze %scatter3A_1177 : memref<1x32x137xf32, #tpu.memory_space<vmem>> -> memref<32x137xf32, #tpu.memory_space<vmem>>
        tpu.vector_store_idx %scatter3A_1178[%add3A_5, %broadcast_in_dim3A_1158], %get3A_1168 : memref<32x137xf32, #tpu.memory_space<vmem>>[vector<16xi32>, vector<16xi32>], vector<16xf32>,
        %scan3A_1179 = arith.constant 6 : i32
        %scan3A_1180 = arith.addi %scan3A_1021, %scan3A_1179 : i32
        %mul3A_1181 = arith.constant 1 : i32
        %mul3A_1182 = arith.muli %scan3A_1180, %mul3A_1181 : i32
        %add3A_1183 = arith.constant 0 : i32
        %add3A_1184 = arith.addi %add3A_1183, %mul3A_1182 : i32
        %broadcast_in_dim3A_1185 = vector.broadcast %add3A_1184 : i32 to vector<16xi32>
        %get3A_1186 = arith.constant 0 : i32
        %get3A_1187 = arith.index_cast %get3A_1186 : i32 to index
        %get3A_1188 = arith.index_cast %add3A_1184 : i32 to index
        %get3A_1189 = arith.constant 0 : index
        %get3A_1190 = tpu.vector_load %arg6[%get3A_1187, %get3A_1188, %get3A_1189] {strides = array<i32>} : memref<4x128x32xf32, #tpu.memory_space<vmem>>, vector<16xf32>,
        %get3A_1191 = arith.constant 0 : i32
        %get3A_1192 = arith.index_cast %get3A_1191 : i32 to index
        %get3A_1193 = arith.index_cast %add3A_1184 : i32 to index
        %get3A_1194 = arith.constant 16 : index
        %get3A_1195 = tpu.vector_load %arg6[%get3A_1192, %get3A_1193, %get3A_1194] {strides = array<i32>} : memref<4x128x32xf32, #tpu.memory_space<vmem>>, vector<16xf32>,
        %scatter3A_1196 = arith.constant 0 : i32
        %scatter3A_1197 = arith.constant 0 : i32
        %scatter3A_1198 = arith.constant 0 : i32
        %scatter3A_1199 = tpu.memref_slice %arg7[%scatter3A_1196, %scatter3A_1197, %scatter3A_1198] : memref<4x32x137xf32, #tpu.memory_space<vmem>> -> memref<1x32x137xf32, #tpu.memory_space<vmem>>
        %scatter3A_1200 = tpu.memref_squeeze %scatter3A_1199 : memref<1x32x137xf32, #tpu.memory_space<vmem>> -> memref<32x137xf32, #tpu.memory_space<vmem>>
        tpu.vector_store_idx %scatter3A_1200[%iota3A, %broadcast_in_dim3A_1185], %get3A_1190 : memref<32x137xf32, #tpu.memory_space<vmem>>[vector<16xi32>, vector<16xi32>], vector<16xf32>,
        %scatter3A_1201 = arith.constant 0 : i32
        %scatter3A_1202 = arith.constant 0 : i32
        %scatter3A_1203 = arith.constant 0 : i32
        %scatter3A_1204 = tpu.memref_slice %arg7[%scatter3A_1201, %scatter3A_1202, %scatter3A_1203] : memref<4x32x137xf32, #tpu.memory_space<vmem>> -> memref<1x32x137xf32, #tpu.memory_space<vmem>>
        %scatter3A_1205 = tpu.memref_squeeze %scatter3A_1204 : memref<1x32x137xf32, #tpu.memory_space<vmem>> -> memref<32x137xf32, #tpu.memory_space<vmem>>
        tpu.vector_store_idx %scatter3A_1205[%add3A_5, %broadcast_in_dim3A_1185], %get3A_1195 : memref<32x137xf32, #tpu.memory_space<vmem>>[vector<16xi32>, vector<16xi32>], vector<16xf32>,
        %scan3A_1206 = arith.constant 7 : i32
        %scan3A_1207 = arith.addi %scan3A_1021, %scan3A_1206 : i32
        %mul3A_1208 = arith.constant 1 : i32
        %mul3A_1209 = arith.muli %scan3A_1207, %mul3A_1208 : i32
        %add3A_1210 = arith.constant 0 : i32
        %add3A_1211 = arith.addi %add3A_1210, %mul3A_1209 : i32
        %broadcast_in_dim3A_1212 = vector.broadcast %add3A_1211 : i32 to vector<16xi32>
        %get3A_1213 = arith.constant 0 : i32
        %get3A_1214 = arith.index_cast %get3A_1213 : i32 to index
        %get3A_1215 = arith.index_cast %add3A_1211 : i32 to index
        %get3A_1216 = arith.constant 0 : index
        %get3A_1217 = tpu.vector_load %arg6[%get3A_1214, %get3A_1215, %get3A_1216] {strides = array<i32>} : memref<4x128x32xf32, #tpu.memory_space<vmem>>, vector<16xf32>,
        %get3A_1218 = arith.constant 0 : i32
        %get3A_1219 = arith.index_cast %get3A_1218 : i32 to index
        %get3A_1220 = arith.index_cast %add3A_1211 : i32 to index
        %get3A_1221 = arith.constant 16 : index
        %get3A_1222 = tpu.vector_load %arg6[%get3A_1219, %get3A_1220, %get3A_1221] {strides = array<i32>} : memref<4x128x32xf32, #tpu.memory_space<vmem>>, vector<16xf32>,
        %scatter3A_1223 = arith.constant 0 : i32
        %scatter3A_1224 = arith.constant 0 : i32
        %scatter3A_1225 = arith.constant 0 : i32
        %scatter3A_1226 = tpu.memref_slice %arg7[%scatter3A_1223, %scatter3A_1224, %scatter3A_1225] : memref<4x32x137xf32, #tpu.memory_space<vmem>> -> memref<1x32x137xf32, #tpu.memory_space<vmem>>
        %scatter3A_1227 = tpu.memref_squeeze %scatter3A_1226 : memref<1x32x137xf32, #tpu.memory_space<vmem>> -> memref<32x137xf32, #tpu.memory_space<vmem>>
        tpu.vector_store_idx %scatter3A_1227[%iota3A, %broadcast_in_dim3A_1212], %get3A_1217 : memref<32x137xf32, #tpu.memory_space<vmem>>[vector<16xi32>, vector<16xi32>], vector<16xf32>,
        %scatter3A_1228 = arith.constant 0 : i32
        %scatter3A_1229 = arith.constant 0 : i32
        %scatter3A_1230 = arith.constant 0 : i32
        %scatter3A_1231 = tpu.memref_slice %arg7[%scatter3A_1228, %scatter3A_1229, %scatter3A_1230] : memref<4x32x137xf32, #tpu.memory_space<vmem>> -> memref<1x32x137xf32, #tpu.memory_space<vmem>>
        %scatter3A_1232 = tpu.memref_squeeze %scatter3A_1231 : memref<1x32x137xf32, #tpu.memory_space<vmem>> -> memref<32x137xf32, #tpu.memory_space<vmem>>
        tpu.vector_store_idx %scatter3A_1232[%add3A_5, %broadcast_in_dim3A_1212], %get3A_1222 : memref<32x137xf32, #tpu.memory_space<vmem>>[vector<16xi32>, vector<16xi32>], vector<16xf32>,
      }
      %scan3A_486 = arith.constant 128 : i32
      %dma_start3A_487 = arith.constant 0 : i32
      %dma_start3A_488 = arith.constant 0 : i32
      %dma_start3A_489 = arith.constant 0 : i32
      %dma_start3A_490 = arith.constant 0 : i32
      %dma_start3A_491 = arith.constant 0 : i32
      %dma_start3A_492 = tpu.memref_slice %arg7[%dma_start3A_487, %dma_start3A_490, %dma_start3A_491] : memref<4x32x137xf32, #tpu.memory_space<vmem>> -> memref<1x8x128xf32, #tpu.memory_space<vmem>>
      %dma_start3A_493 = tpu.memref_squeeze %dma_start3A_492 : memref<1x8x128xf32, #tpu.memory_space<vmem>> -> memref<8x128xf32, #tpu.memory_space<vmem>>
      %dma_start3A_494 = arith.constant 0 : i32
      %dma_start3A_495 = arith.constant 0 : i32
      %dma_start3A_496 = tpu.memref_slice %arg4[%select_n3A, %dma_start3A_488, %rem3A_461, %dma_start3A_494, %dma_start3A_495] : memref<50x4x128x8x128xf32, #tpu.memory_space<hbm>> -> memref<1x1x1x8x128xf32, #tpu.memory_space<hbm>>
      %dma_start3A_497 = tpu.memref_squeeze %dma_start3A_496 : memref<1x1x1x8x128xf32, #tpu.memory_space<hbm>> -> memref<8x128xf32, #tpu.memory_space<hbm>>
      %dma_start3A_498 = tpu.memref_slice %arg9[%dma_start3A_489] : memref<4x!tpu.dma_semaphore, #tpu.memory_space<semaphore_mem>> -> memref<1x!tpu.dma_semaphore, #tpu.memory_space<semaphore_mem>>
      %dma_start3A_499 = tpu.memref_squeeze %dma_start3A_498 : memref<1x!tpu.dma_semaphore, #tpu.memory_space<semaphore_mem>> -> memref<!tpu.dma_semaphore, #tpu.memory_space<semaphore_mem>>
      %dma_start3A_500 = arith.constant 0 : i32
      %dma_start3A_501 = arith.constant 0 : i32
      %dma_start3A_502 = tpu.memref_slice %arg4[%select_n3A, %dma_start3A_488, %rem3A_461, %dma_start3A_500, %dma_start3A_501] : memref<50x4x128x8x128xf32, #tpu.memory_space<hbm>> -> memref<1x1x1x8x128xf32, #tpu.memory_space<hbm>>
      %dma_start3A_503 = tpu.memref_squeeze %dma_start3A_502 : memref<1x1x1x8x128xf32, #tpu.memory_space<hbm>> -> memref<8x128xf32, #tpu.memory_space<hbm>>
      %dma_start3A_504 = arith.constant 0 : i32
      %dma_start3A_505 = arith.constant 0 : i32
      %dma_start3A_506 = tpu.memref_slice %arg7[%dma_start3A_487, %dma_start3A_504, %dma_start3A_505] : memref<4x32x137xf32, #tpu.memory_space<vmem>> -> memref<1x8x128xf32, #tpu.memory_space<vmem>>
      %dma_start3A_507 = tpu.memref_squeeze %dma_start3A_506 : memref<1x8x128xf32, #tpu.memory_space<vmem>> -> memref<8x128xf32, #tpu.memory_space<vmem>>
      tpu.enqueue_dma source(%dma_start3A_507 : memref<8x128xf32, #tpu.memory_space<vmem>>) target(%dma_start3A_503 : memref<8x128xf32, #tpu.memory_space<hbm>>) target_semaphore(%dma_start3A_499 : memref<!tpu.dma_semaphore, #tpu.memory_space<semaphore_mem>>)
      %dma_start3A_508 = arith.constant 0 : i32
      %dma_start3A_509 = arith.constant 1 : i32
      %dma_start3A_510 = arith.constant 0 : i32
      %dma_start3A_511 = arith.constant 8 : i32
      %dma_start3A_512 = arith.constant 0 : i32
      %dma_start3A_513 = tpu.memref_slice %arg7[%dma_start3A_508, %dma_start3A_511, %dma_start3A_512] : memref<4x32x137xf32, #tpu.memory_space<vmem>> -> memref<1x8x128xf32, #tpu.memory_space<vmem>>
      %dma_start3A_514 = tpu.memref_squeeze %dma_start3A_513 : memref<1x8x128xf32, #tpu.memory_space<vmem>> -> memref<8x128xf32, #tpu.memory_space<vmem>>
      %dma_start3A_515 = arith.constant 0 : i32
      %dma_start3A_516 = arith.constant 0 : i32
      %dma_start3A_517 = tpu.memref_slice %arg4[%select_n3A, %dma_start3A_509, %rem3A_461, %dma_start3A_515, %dma_start3A_516] : memref<50x4x128x8x128xf32, #tpu.memory_space<hbm>> -> memref<1x1x1x8x128xf32, #tpu.memory_space<hbm>>
      %dma_start3A_518 = tpu.memref_squeeze %dma_start3A_517 : memref<1x1x1x8x128xf32, #tpu.memory_space<hbm>> -> memref<8x128xf32, #tpu.memory_space<hbm>>
      %dma_start3A_519 = tpu.memref_slice %arg9[%dma_start3A_510] : memref<4x!tpu.dma_semaphore, #tpu.memory_space<semaphore_mem>> -> memref<1x!tpu.dma_semaphore, #tpu.memory_space<semaphore_mem>>
      %dma_start3A_520 = tpu.memref_squeeze %dma_start3A_519 : memref<1x!tpu.dma_semaphore, #tpu.memory_space<semaphore_mem>> -> memref<!tpu.dma_semaphore, #tpu.memory_space<semaphore_mem>>
      %dma_start3A_521 = arith.constant 0 : i32
      %dma_start3A_522 = arith.constant 0 : i32
      %dma_start3A_523 = tpu.memref_slice %arg4[%select_n3A, %dma_start3A_509, %rem3A_461, %dma_start3A_521, %dma_start3A_522] : memref<50x4x128x8x128xf32, #tpu.memory_space<hbm>> -> memref<1x1x1x8x128xf32, #tpu.memory_space<hbm>>
      %dma_start3A_524 = tpu.memref_squeeze %dma_start3A_523 : memref<1x1x1x8x128xf32, #tpu.memory_space<hbm>> -> memref<8x128xf32, #tpu.memory_space<hbm>>
      %dma_start3A_525 = arith.constant 8 : i32
      %dma_start3A_526 = arith.constant 0 : i32
      %dma_start3A_527 = tpu.memref_slice %arg7[%dma_start3A_508, %dma_start3A_525, %dma_start3A_526] : memref<4x32x137xf32, #tpu.memory_space<vmem>> -> memref<1x8x128xf32, #tpu.memory_space<vmem>>
      %dma_start3A_528 = tpu.memref_squeeze %dma_start3A_527 : memref<1x8x128xf32, #tpu.memory_space<vmem>> -> memref<8x128xf32, #tpu.memory_space<vmem>>
      tpu.enqueue_dma source(%dma_start3A_528 : memref<8x128xf32, #tpu.memory_space<vmem>>) target(%dma_start3A_524 : memref<8x128xf32, #tpu.memory_space<hbm>>) target_semaphore(%dma_start3A_520 : memref<!tpu.dma_semaphore, #tpu.memory_space<semaphore_mem>>)
      %dma_start3A_529 = arith.constant 0 : i32
      %dma_start3A_530 = arith.constant 2 : i32
      %dma_start3A_531 = arith.constant 0 : i32
      %dma_start3A_532 = arith.constant 16 : i32
      %dma_start3A_533 = arith.constant 0 : i32
      %dma_start3A_534 = tpu.memref_slice %arg7[%dma_start3A_529, %dma_start3A_532, %dma_start3A_533] : memref<4x32x137xf32, #tpu.memory_space<vmem>> -> memref<1x8x128xf32, #tpu.memory_space<vmem>>
      %dma_start3A_535 = tpu.memref_squeeze %dma_start3A_534 : memref<1x8x128xf32, #tpu.memory_space<vmem>> -> memref<8x128xf32, #tpu.memory_space<vmem>>
      %dma_start3A_536 = arith.constant 0 : i32
      %dma_start3A_537 = arith.constant 0 : i32
      %dma_start3A_538 = tpu.memref_slice %arg4[%select_n3A, %dma_start3A_530, %rem3A_461, %dma_start3A_536, %dma_start3A_537] : memref<50x4x128x8x128xf32, #tpu.memory_space<hbm>> -> memref<1x1x1x8x128xf32, #tpu.memory_space<hbm>>
      %dma_start3A_539 = tpu.memref_squeeze %dma_start3A_538 : memref<1x1x1x8x128xf32, #tpu.memory_space<hbm>> -> memref<8x128xf32, #tpu.memory_space<hbm>>
      %dma_start3A_540 = tpu.memref_slice %arg9[%dma_start3A_531] : memref<4x!tpu.dma_semaphore, #tpu.memory_space<semaphore_mem>> -> memref<1x!tpu.dma_semaphore, #tpu.memory_space<semaphore_mem>>
      %dma_start3A_541 = tpu.memref_squeeze %dma_start3A_540 : memref<1x!tpu.dma_semaphore, #tpu.memory_space<semaphore_mem>> -> memref<!tpu.dma_semaphore, #tpu.memory_space<semaphore_mem>>
      %dma_start3A_542 = arith.constant 0 : i32
      %dma_start3A_543 = arith.constant 0 : i32
      %dma_start3A_544 = tpu.memref_slice %arg4[%select_n3A, %dma_start3A_530, %rem3A_461, %dma_start3A_542, %dma_start3A_543] : memref<50x4x128x8x128xf32, #tpu.memory_space<hbm>> -> memref<1x1x1x8x128xf32, #tpu.memory_space<hbm>>
      %dma_start3A_545 = tpu.memref_squeeze %dma_start3A_544 : memref<1x1x1x8x128xf32, #tpu.memory_space<hbm>> -> memref<8x128xf32, #tpu.memory_space<hbm>>
      %dma_start3A_546 = arith.constant 16 : i32
      %dma_start3A_547 = arith.constant 0 : i32
      %dma_start3A_548 = tpu.memref_slice %arg7[%dma_start3A_529, %dma_start3A_546, %dma_start3A_547] : memref<4x32x137xf32, #tpu.memory_space<vmem>> -> memref<1x8x128xf32, #tpu.memory_space<vmem>>
      %dma_start3A_549 = tpu.memref_squeeze %dma_start3A_548 : memref<1x8x128xf32, #tpu.memory_space<vmem>> -> memref<8x128xf32, #tpu.memory_space<vmem>>
      tpu.enqueue_dma source(%dma_start3A_549 : memref<8x128xf32, #tpu.memory_space<vmem>>) target(%dma_start3A_545 : memref<8x128xf32, #tpu.memory_space<hbm>>) target_semaphore(%dma_start3A_541 : memref<!tpu.dma_semaphore, #tpu.memory_space<semaphore_mem>>)
      %dma_start3A_550 = arith.constant 0 : i32
      %dma_start3A_551 = arith.constant 3 : i32
      %dma_start3A_552 = arith.constant 0 : i32
      %dma_start3A_553 = arith.constant 24 : i32
      %dma_start3A_554 = arith.constant 0 : i32
      %dma_start3A_555 = tpu.memref_slice %arg7[%dma_start3A_550, %dma_start3A_553, %dma_start3A_554] : memref<4x32x137xf32, #tpu.memory_space<vmem>> -> memref<1x8x128xf32, #tpu.memory_space<vmem>>
      %dma_start3A_556 = tpu.memref_squeeze %dma_start3A_555 : memref<1x8x128xf32, #tpu.memory_space<vmem>> -> memref<8x128xf32, #tpu.memory_space<vmem>>
      %dma_start3A_557 = arith.constant 0 : i32
      %dma_start3A_558 = arith.constant 0 : i32
      %dma_start3A_559 = tpu.memref_slice %arg4[%select_n3A, %dma_start3A_551, %rem3A_461, %dma_start3A_557, %dma_start3A_558] : memref<50x4x128x8x128xf32, #tpu.memory_space<hbm>> -> memref<1x1x1x8x128xf32, #tpu.memory_space<hbm>>
      %dma_start3A_560 = tpu.memref_squeeze %dma_start3A_559 : memref<1x1x1x8x128xf32, #tpu.memory_space<hbm>> -> memref<8x128xf32, #tpu.memory_space<hbm>>
      %dma_start3A_561 = tpu.memref_slice %arg9[%dma_start3A_552] : memref<4x!tpu.dma_semaphore, #tpu.memory_space<semaphore_mem>> -> memref<1x!tpu.dma_semaphore, #tpu.memory_space<semaphore_mem>>
      %dma_start3A_562 = tpu.memref_squeeze %dma_start3A_561 : memref<1x!tpu.dma_semaphore, #tpu.memory_space<semaphore_mem>> -> memref<!tpu.dma_semaphore, #tpu.memory_space<semaphore_mem>>
      %dma_start3A_563 = arith.constant 0 : i32
      %dma_start3A_564 = arith.constant 0 : i32
      %dma_start3A_565 = tpu.memref_slice %arg4[%select_n3A, %dma_start3A_551, %rem3A_461, %dma_start3A_563, %dma_start3A_564] : memref<50x4x128x8x128xf32, #tpu.memory_space<hbm>> -> memref<1x1x1x8x128xf32, #tpu.memory_space<hbm>>
      %dma_start3A_566 = tpu.memref_squeeze %dma_start3A_565 : memref<1x1x1x8x128xf32, #tpu.memory_space<hbm>> -> memref<8x128xf32, #tpu.memory_space<hbm>>
      %dma_start3A_567 = arith.constant 24 : i32
      %dma_start3A_568 = arith.constant 0 : i32
      %dma_start3A_569 = tpu.memref_slice %arg7[%dma_start3A_550, %dma_start3A_567, %dma_start3A_568] : memref<4x32x137xf32, #tpu.memory_space<vmem>> -> memref<1x8x128xf32, #tpu.memory_space<vmem>>
      %dma_start3A_570 = tpu.memref_squeeze %dma_start3A_569 : memref<1x8x128xf32, #tpu.memory_space<vmem>> -> memref<8x128xf32, #tpu.memory_space<vmem>>
      tpu.enqueue_dma source(%dma_start3A_570 : memref<8x128xf32, #tpu.memory_space<vmem>>) target(%dma_start3A_566 : memref<8x128xf32, #tpu.memory_space<hbm>>) target_semaphore(%dma_start3A_562 : memref<!tpu.dma_semaphore, #tpu.memory_space<semaphore_mem>>)
      %add3A_571 = arith.constant 4 : i32
      %add3A_572 = arith.addi %add3A_442, %add3A_571 : i32
      %lt3A = arith.constant 200 : i32
      %lt3A_573 = arith.cmpi slt, %add3A_572, %lt3A : i32
      %convert_element_type3A_574 = arith.extui %lt3A_573 : i1 to i32
      %cond3A_575 = arith.constant 0 : i32
      %cond3A_576 = arith.cmpi ne, %convert_element_type3A_574, %cond3A_575 : i32
      scf.if %cond3A_576 {
        %add3A_1021 = arith.constant 4 : i32
        %add3A_1022 = arith.addi %add3A_442, %add3A_1021 : i32
        %dma_start3A_1023 = arith.constant 0 : i32
        %dma_start3A_1024 = arith.constant 0 : i32
        %dma_start3A_1025 = arith.constant 0 : i32
        %dma_start3A_1026 = arith.constant 0 : i32
        %dma_start3A_1027 = tpu.memref_slice %arg6[%dma_start3A_1023, %dma_start3A_1025, %dma_start3A_1026] : memref<4x128x32xf32, #tpu.memory_space<vmem>> -> memref<1x128x32xf32, #tpu.memory_space<vmem>>
        %dma_start3A_1028 = tpu.memref_squeeze %dma_start3A_1027 : memref<1x128x32xf32, #tpu.memory_space<vmem>> -> memref<128x32xf32, #tpu.memory_space<vmem>>
        %dma_start3A_1029 = arith.constant 0 : i32
        %dma_start3A_1030 = tpu.memref_slice %arg5[%add3A_1022, %dma_start3A_1029] : memref<200x128xi32, #tpu.memory_space<vmem>> -> memref<1x128xi32, #tpu.memory_space<vmem>>
        %dma_start3A_1031 = tpu.memref_squeeze %dma_start3A_1030 : memref<1x128xi32, #tpu.memory_space<vmem>> -> memref<128xi32, #tpu.memory_space<vmem>>
        %dma_start3A_1032 = arith.constant 0 : i32
        %dma_start3A_1033 = arith.constant 0 : i32
        %dma_start3A_1034 = tpu.memref_slice %arg2[%dma_start3A_1032, %dma_start3A_1033] : memref<1000001x32xf32, #tpu.memory_space<hbm>> -> memref<1000001x32xf32, #tpu.memory_space<hbm>>
        %dma_start3A_1035 = tpu.memref_slice %arg8[%dma_start3A_1024] : memref<4x!tpu.dma_semaphore, #tpu.memory_space<semaphore_mem>> -> memref<1x!tpu.dma_semaphore, #tpu.memory_space<semaphore_mem>>
        %dma_start3A_1036 = tpu.memref_squeeze %dma_start3A_1035 : memref<1x!tpu.dma_semaphore, #tpu.memory_space<semaphore_mem>> -> memref<!tpu.dma_semaphore, #tpu.memory_space<semaphore_mem>>
        tpu.enqueue_indirect_dma source(%dma_start3A_1034 : memref<1000001x32xf32, #tpu.memory_space<hbm>>) target(%dma_start3A_1028 : memref<128x32xf32, #tpu.memory_space<vmem>>) offsets(%dma_start3A_1031 : memref<128xi32, #tpu.memory_space<vmem>>) semaphore(%dma_start3A_1036 : memref<!tpu.dma_semaphore, #tpu.memory_space<semaphore_mem>>)
      } else {
      }
      %add3A_577 = arith.constant 1 : i32
      %add3A_578 = arith.addi %add3A_440, %add3A_577 : i32
      %add3A_579 = arith.addi %mul3A_2, %add3A_578 : i32
      %jit3A_580 = arith.constant 128 : i32
      %div3A_581 = arith.divsi %add3A_579, %jit3A_580 : i32
      %sign3A_582 = arith.constant 0 : i32
      %sign3A_583 = arith.cmpi sgt, %add3A_579, %sign3A_582 : i32
      %sign3A_584 = arith.extui %sign3A_583 : i1 to i32
      %sign3A_585 = arith.constant 0 : i32
      %sign3A_586 = arith.cmpi slt, %add3A_579, %sign3A_585 : i32
      %sign3A_587 = arith.extui %sign3A_586 : i1 to i32
      %sign3A_588 = arith.subi %sign3A_584, %sign3A_587 : i32
      %sign3A_589 = arith.constant 0 : i32
      %sign3A_590 = arith.cmpi sgt, %jit3A_580, %sign3A_589 : i32
      %sign3A_591 = arith.extui %sign3A_590 : i1 to i32
      %sign3A_592 = arith.constant 0 : i32
      %sign3A_593 = arith.cmpi slt, %jit3A_580, %sign3A_592 : i32
      %sign3A_594 = arith.extui %sign3A_593 : i1 to i32
      %sign3A_595 = arith.subi %sign3A_591, %sign3A_594 : i32
      %ne3A_596 = arith.cmpi ne, %sign3A_588, %sign3A_595 : i32
      %rem3A_597 = arith.remsi %add3A_579, %jit3A_580 : i32
      %ne3A_598 = arith.constant 0 : i32
      %ne3A_599 = arith.cmpi ne, %rem3A_597, %ne3A_598 : i32
      %and3A_600 = arith.andi %ne3A_596, %ne3A_599 : i1
      %sub3A_601 = arith.constant 1 : i32
      %sub3A_602 = arith.subi %div3A_581, %sub3A_601 : i32
      %select_n3A_603 = arith.select %and3A_600, %sub3A_602, %div3A_581 : i32
      %rem3A_604 = arith.constant 128 : i32
      %rem3A_605 = arith.remsi %add3A_579, %rem3A_604 : i32
      %dma_wait3A_606 = arith.constant 1 : i32
      %dma_wait3A_607 = arith.constant 1 : i32
      %dma_wait3A_608 = arith.constant 0 : i32
      %dma_wait3A_609 = arith.constant 0 : i32
      %dma_wait3A_610 = tpu.memref_slice %arg6[%dma_wait3A_606, %dma_wait3A_608, %dma_wait3A_609] : memref<4x128x32xf32, #tpu.memory_space<vmem>> -> memref<1x128x32xf32, #tpu.memory_space<vmem>>
      %dma_wait3A_611 = tpu.memref_squeeze %dma_wait3A_610 : memref<1x128x32xf32, #tpu.memory_space<vmem>> -> memref<128x32xf32, #tpu.memory_space<vmem>>
      %dma_wait3A_612 = arith.constant 0 : i32
      %dma_wait3A_613 = arith.constant 0 : i32
      %dma_wait3A_614 = tpu.memref_slice %arg2[%dma_wait3A_612, %dma_wait3A_613] : memref<1000001x32xf32, #tpu.memory_space<hbm>> -> memref<128x32xf32, #tpu.memory_space<hbm>>
      %dma_wait3A_615 = tpu.memref_slice %arg8[%dma_wait3A_607] : memref<4x!tpu.dma_semaphore, #tpu.memory_space<semaphore_mem>> -> memref<1x!tpu.dma_semaphore, #tpu.memory_space<semaphore_mem>>
      %dma_wait3A_616 = tpu.memref_squeeze %dma_wait3A_615 : memref<1x!tpu.dma_semaphore, #tpu.memory_space<semaphore_mem>> -> memref<!tpu.dma_semaphore, #tpu.memory_space<semaphore_mem>>
      %dma_wait3A_617 = arith.constant 0 : i32
      %dma_wait3A_618 = arith.constant 0 : i32
      %dma_wait3A_619 = tpu.memref_slice %arg6[%dma_wait3A_606, %dma_wait3A_617, %dma_wait3A_618] : memref<4x128x32xf32, #tpu.memory_space<vmem>> -> memref<1x128x32xf32, #tpu.memory_space<vmem>>
      %dma_wait3A_620 = tpu.memref_squeeze %dma_wait3A_619 : memref<1x128x32xf32, #tpu.memory_space<vmem>> -> memref<128x32xf32, #tpu.memory_space<vmem>>
      %dma_wait3A_621 = arith.constant 0 : i32
      %dma_wait3A_622 = arith.constant 0 : i32
      %dma_wait3A_623 = tpu.memref_slice %arg2[%dma_wait3A_621, %dma_wait3A_622] : memref<1000001x32xf32, #tpu.memory_space<hbm>> -> memref<128x32xf32, #tpu.memory_space<hbm>>
      tpu.wait_dma2 semaphore(%dma_wait3A_616 : memref<!tpu.dma_semaphore, #tpu.memory_space<semaphore_mem>>) src(%dma_wait3A_623 : memref<128x32xf32, #tpu.memory_space<hbm>>) dst(%dma_wait3A_620 : memref<128x32xf32, #tpu.memory_space<vmem>>)
      %ge3A_624 = arith.constant 4 : i32
      %ge3A_625 = arith.cmpi sge, %add3A_578, %ge3A_624 : i32
      %convert_element_type3A_626 = arith.extui %ge3A_625 : i1 to i32
      %cond3A_627 = arith.constant 0 : i32
      %cond3A_628 = arith.cmpi ne, %convert_element_type3A_626, %cond3A_627 : i32
      scf.if %cond3A_628 {
        %dma_wait3A_1021 = arith.constant 1 : i32
        %dma_wait3A_1022 = arith.constant 0 : i32
        %dma_wait3A_1023 = arith.constant 0 : i32
        %dma_wait3A_1024 = arith.constant 0 : i32
        %dma_wait3A_1025 = arith.constant 1 : i32
        %dma_wait3A_1026 = arith.constant 0 : i32
        %dma_wait3A_1027 = arith.constant 0 : i32
        %dma_wait3A_1028 = tpu.memref_slice %arg7[%dma_wait3A_1021, %dma_wait3A_1026, %dma_wait3A_1027] : memref<4x32x137xf32, #tpu.memory_space<vmem>> -> memref<1x8x128xf32, #tpu.memory_space<vmem>>
        %dma_wait3A_1029 = tpu.memref_squeeze %dma_wait3A_1028 : memref<1x8x128xf32, #tpu.memory_space<vmem>> -> memref<8x128xf32, #tpu.memory_space<vmem>>
        %dma_wait3A_1030 = arith.constant 0 : i32
        %dma_wait3A_1031 = arith.constant 0 : i32
        %dma_wait3A_1032 = tpu.memref_slice %arg4[%dma_wait3A_1022, %dma_wait3A_1023, %dma_wait3A_1024, %dma_wait3A_1030, %dma_wait3A_1031] : memref<50x4x128x8x128xf32, #tpu.memory_space<hbm>> -> memref<1x1x1x8x128xf32, #tpu.memory_space<hbm>>
        %dma_wait3A_1033 = tpu.memref_squeeze %dma_wait3A_1032 : memref<1x1x1x8x128xf32, #tpu.memory_space<hbm>> -> memref<8x128xf32, #tpu.memory_space<hbm>>
        %dma_wait3A_1034 = tpu.memref_slice %arg9[%dma_wait3A_1025] : memref<4x!tpu.dma_semaphore, #tpu.memory_space<semaphore_mem>> -> memref<1x!tpu.dma_semaphore, #tpu.memory_space<semaphore_mem>>
        %dma_wait3A_1035 = tpu.memref_squeeze %dma_wait3A_1034 : memref<1x!tpu.dma_semaphore, #tpu.memory_space<semaphore_mem>> -> memref<!tpu.dma_semaphore, #tpu.memory_space<semaphore_mem>>
        %dma_wait3A_1036 = arith.constant 0 : i32
        %dma_wait3A_1037 = arith.constant 0 : i32
        %dma_wait3A_1038 = tpu.memref_slice %arg4[%dma_wait3A_1022, %dma_wait3A_1023, %dma_wait3A_1024, %dma_wait3A_1036, %dma_wait3A_1037] : memref<50x4x128x8x128xf32, #tpu.memory_space<hbm>> -> memref<1x1x1x8x128xf32, #tpu.memory_space<hbm>>
        %dma_wait3A_1039 = tpu.memref_squeeze %dma_wait3A_1038 : memref<1x1x1x8x128xf32, #tpu.memory_space<hbm>> -> memref<8x128xf32, #tpu.memory_space<hbm>>
        %dma_wait3A_1040 = arith.constant 0 : i32
        %dma_wait3A_1041 = arith.constant 0 : i32
        %dma_wait3A_1042 = tpu.memref_slice %arg7[%dma_wait3A_1021, %dma_wait3A_1040, %dma_wait3A_1041] : memref<4x32x137xf32, #tpu.memory_space<vmem>> -> memref<1x8x128xf32, #tpu.memory_space<vmem>>
        %dma_wait3A_1043 = tpu.memref_squeeze %dma_wait3A_1042 : memref<1x8x128xf32, #tpu.memory_space<vmem>> -> memref<8x128xf32, #tpu.memory_space<vmem>>
        tpu.wait_dma2 semaphore(%dma_wait3A_1035 : memref<!tpu.dma_semaphore, #tpu.memory_space<semaphore_mem>>) src(%dma_wait3A_1043 : memref<8x128xf32, #tpu.memory_space<vmem>>) dst(%dma_wait3A_1039 : memref<8x128xf32, #tpu.memory_space<hbm>>)
        %dma_wait3A_1044 = arith.constant 1 : i32
        %dma_wait3A_1045 = arith.constant 0 : i32
        %dma_wait3A_1046 = arith.constant 1 : i32
        %dma_wait3A_1047 = arith.constant 0 : i32
        %dma_wait3A_1048 = arith.constant 1 : i32
        %dma_wait3A_1049 = arith.constant 8 : i32
        %dma_wait3A_1050 = arith.constant 0 : i32
        %dma_wait3A_1051 = tpu.memref_slice %arg7[%dma_wait3A_1044, %dma_wait3A_1049, %dma_wait3A_1050] : memref<4x32x137xf32, #tpu.memory_space<vmem>> -> memref<1x8x128xf32, #tpu.memory_space<vmem>>
        %dma_wait3A_1052 = tpu.memref_squeeze %dma_wait3A_1051 : memref<1x8x128xf32, #tpu.memory_space<vmem>> -> memref<8x128xf32, #tpu.memory_space<vmem>>
        %dma_wait3A_1053 = arith.constant 0 : i32
        %dma_wait3A_1054 = arith.constant 0 : i32
        %dma_wait3A_1055 = tpu.memref_slice %arg4[%dma_wait3A_1045, %dma_wait3A_1046, %dma_wait3A_1047, %dma_wait3A_1053, %dma_wait3A_1054] : memref<50x4x128x8x128xf32, #tpu.memory_space<hbm>> -> memref<1x1x1x8x128xf32, #tpu.memory_space<hbm>>
        %dma_wait3A_1056 = tpu.memref_squeeze %dma_wait3A_1055 : memref<1x1x1x8x128xf32, #tpu.memory_space<hbm>> -> memref<8x128xf32, #tpu.memory_space<hbm>>
        %dma_wait3A_1057 = tpu.memref_slice %arg9[%dma_wait3A_1048] : memref<4x!tpu.dma_semaphore, #tpu.memory_space<semaphore_mem>> -> memref<1x!tpu.dma_semaphore, #tpu.memory_space<semaphore_mem>>
        %dma_wait3A_1058 = tpu.memref_squeeze %dma_wait3A_1057 : memref<1x!tpu.dma_semaphore, #tpu.memory_space<semaphore_mem>> -> memref<!tpu.dma_semaphore, #tpu.memory_space<semaphore_mem>>
        %dma_wait3A_1059 = arith.constant 0 : i32
        %dma_wait3A_1060 = arith.constant 0 : i32
        %dma_wait3A_1061 = tpu.memref_slice %arg4[%dma_wait3A_1045, %dma_wait3A_1046, %dma_wait3A_1047, %dma_wait3A_1059, %dma_wait3A_1060] : memref<50x4x128x8x128xf32, #tpu.memory_space<hbm>> -> memref<1x1x1x8x128xf32, #tpu.memory_space<hbm>>
        %dma_wait3A_1062 = tpu.memref_squeeze %dma_wait3A_1061 : memref<1x1x1x8x128xf32, #tpu.memory_space<hbm>> -> memref<8x128xf32, #tpu.memory_space<hbm>>
        %dma_wait3A_1063 = arith.constant 8 : i32
        %dma_wait3A_1064 = arith.constant 0 : i32
        %dma_wait3A_1065 = tpu.memref_slice %arg7[%dma_wait3A_1044, %dma_wait3A_1063, %dma_wait3A_1064] : memref<4x32x137xf32, #tpu.memory_space<vmem>> -> memref<1x8x128xf32, #tpu.memory_space<vmem>>
        %dma_wait3A_1066 = tpu.memref_squeeze %dma_wait3A_1065 : memref<1x8x128xf32, #tpu.memory_space<vmem>> -> memref<8x128xf32, #tpu.memory_space<vmem>>
        tpu.wait_dma2 semaphore(%dma_wait3A_1058 : memref<!tpu.dma_semaphore, #tpu.memory_space<semaphore_mem>>) src(%dma_wait3A_1066 : memref<8x128xf32, #tpu.memory_space<vmem>>) dst(%dma_wait3A_1062 : memref<8x128xf32, #tpu.memory_space<hbm>>)
        %dma_wait3A_1067 = arith.constant 1 : i32
        %dma_wait3A_1068 = arith.constant 0 : i32
        %dma_wait3A_1069 = arith.constant 2 : i32
        %dma_wait3A_1070 = arith.constant 0 : i32
        %dma_wait3A_1071 = arith.constant 1 : i32
        %dma_wait3A_1072 = arith.constant 16 : i32
        %dma_wait3A_1073 = arith.constant 0 : i32
        %dma_wait3A_1074 = tpu.memref_slice %arg7[%dma_wait3A_1067, %dma_wait3A_1072, %dma_wait3A_1073] : memref<4x32x137xf32, #tpu.memory_space<vmem>> -> memref<1x8x128xf32, #tpu.memory_space<vmem>>
        %dma_wait3A_1075 = tpu.memref_squeeze %dma_wait3A_1074 : memref<1x8x128xf32, #tpu.memory_space<vmem>> -> memref<8x128xf32, #tpu.memory_space<vmem>>
        %dma_wait3A_1076 = arith.constant 0 : i32
        %dma_wait3A_1077 = arith.constant 0 : i32
        %dma_wait3A_1078 = tpu.memref_slice %arg4[%dma_wait3A_1068, %dma_wait3A_1069, %dma_wait3A_1070, %dma_wait3A_1076, %dma_wait3A_1077] : memref<50x4x128x8x128xf32, #tpu.memory_space<hbm>> -> memref<1x1x1x8x128xf32, #tpu.memory_space<hbm>>
        %dma_wait3A_1079 = tpu.memref_squeeze %dma_wait3A_1078 : memref<1x1x1x8x128xf32, #tpu.memory_space<hbm>> -> memref<8x128xf32, #tpu.memory_space<hbm>>
        %dma_wait3A_1080 = tpu.memref_slice %arg9[%dma_wait3A_1071] : memref<4x!tpu.dma_semaphore, #tpu.memory_space<semaphore_mem>> -> memref<1x!tpu.dma_semaphore, #tpu.memory_space<semaphore_mem>>
        %dma_wait3A_1081 = tpu.memref_squeeze %dma_wait3A_1080 : memref<1x!tpu.dma_semaphore, #tpu.memory_space<semaphore_mem>> -> memref<!tpu.dma_semaphore, #tpu.memory_space<semaphore_mem>>
        %dma_wait3A_1082 = arith.constant 0 : i32
        %dma_wait3A_1083 = arith.constant 0 : i32
        %dma_wait3A_1084 = tpu.memref_slice %arg4[%dma_wait3A_1068, %dma_wait3A_1069, %dma_wait3A_1070, %dma_wait3A_1082, %dma_wait3A_1083] : memref<50x4x128x8x128xf32, #tpu.memory_space<hbm>> -> memref<1x1x1x8x128xf32, #tpu.memory_space<hbm>>
        %dma_wait3A_1085 = tpu.memref_squeeze %dma_wait3A_1084 : memref<1x1x1x8x128xf32, #tpu.memory_space<hbm>> -> memref<8x128xf32, #tpu.memory_space<hbm>>
        %dma_wait3A_1086 = arith.constant 16 : i32
        %dma_wait3A_1087 = arith.constant 0 : i32
        %dma_wait3A_1088 = tpu.memref_slice %arg7[%dma_wait3A_1067, %dma_wait3A_1086, %dma_wait3A_1087] : memref<4x32x137xf32, #tpu.memory_space<vmem>> -> memref<1x8x128xf32, #tpu.memory_space<vmem>>
        %dma_wait3A_1089 = tpu.memref_squeeze %dma_wait3A_1088 : memref<1x8x128xf32, #tpu.memory_space<vmem>> -> memref<8x128xf32, #tpu.memory_space<vmem>>
        tpu.wait_dma2 semaphore(%dma_wait3A_1081 : memref<!tpu.dma_semaphore, #tpu.memory_space<semaphore_mem>>) src(%dma_wait3A_1089 : memref<8x128xf32, #tpu.memory_space<vmem>>) dst(%dma_wait3A_1085 : memref<8x128xf32, #tpu.memory_space<hbm>>)
        %dma_wait3A_1090 = arith.constant 1 : i32
        %dma_wait3A_1091 = arith.constant 0 : i32
        %dma_wait3A_1092 = arith.constant 3 : i32
        %dma_wait3A_1093 = arith.constant 0 : i32
        %dma_wait3A_1094 = arith.constant 1 : i32
        %dma_wait3A_1095 = arith.constant 24 : i32
        %dma_wait3A_1096 = arith.constant 0 : i32
        %dma_wait3A_1097 = tpu.memref_slice %arg7[%dma_wait3A_1090, %dma_wait3A_1095, %dma_wait3A_1096] : memref<4x32x137xf32, #tpu.memory_space<vmem>> -> memref<1x8x128xf32, #tpu.memory_space<vmem>>
        %dma_wait3A_1098 = tpu.memref_squeeze %dma_wait3A_1097 : memref<1x8x128xf32, #tpu.memory_space<vmem>> -> memref<8x128xf32, #tpu.memory_space<vmem>>
        %dma_wait3A_1099 = arith.constant 0 : i32
        %dma_wait3A_1100 = arith.constant 0 : i32
        %dma_wait3A_1101 = tpu.memref_slice %arg4[%dma_wait3A_1091, %dma_wait3A_1092, %dma_wait3A_1093, %dma_wait3A_1099, %dma_wait3A_1100] : memref<50x4x128x8x128xf32, #tpu.memory_space<hbm>> -> memref<1x1x1x8x128xf32, #tpu.memory_space<hbm>>
        %dma_wait3A_1102 = tpu.memref_squeeze %dma_wait3A_1101 : memref<1x1x1x8x128xf32, #tpu.memory_space<hbm>> -> memref<8x128xf32, #tpu.memory_space<hbm>>
        %dma_wait3A_1103 = tpu.memref_slice %arg9[%dma_wait3A_1094] : memref<4x!tpu.dma_semaphore, #tpu.memory_space<semaphore_mem>> -> memref<1x!tpu.dma_semaphore, #tpu.memory_space<semaphore_mem>>
        %dma_wait3A_1104 = tpu.memref_squeeze %dma_wait3A_1103 : memref<1x!tpu.dma_semaphore, #tpu.memory_space<semaphore_mem>> -> memref<!tpu.dma_semaphore, #tpu.memory_space<semaphore_mem>>
        %dma_wait3A_1105 = arith.constant 0 : i32
        %dma_wait3A_1106 = arith.constant 0 : i32
        %dma_wait3A_1107 = tpu.memref_slice %arg4[%dma_wait3A_1091, %dma_wait3A_1092, %dma_wait3A_1093, %dma_wait3A_1105, %dma_wait3A_1106] : memref<50x4x128x8x128xf32, #tpu.memory_space<hbm>> -> memref<1x1x1x8x128xf32, #tpu.memory_space<hbm>>
        %dma_wait3A_1108 = tpu.memref_squeeze %dma_wait3A_1107 : memref<1x1x1x8x128xf32, #tpu.memory_space<hbm>> -> memref<8x128xf32, #tpu.memory_space<hbm>>
        %dma_wait3A_1109 = arith.constant 24 : i32
        %dma_wait3A_1110 = arith.constant 0 : i32
        %dma_wait3A_1111 = tpu.memref_slice %arg7[%dma_wait3A_1090, %dma_wait3A_1109, %dma_wait3A_1110] : memref<4x32x137xf32, #tpu.memory_space<vmem>> -> memref<1x8x128xf32, #tpu.memory_space<vmem>>
        %dma_wait3A_1112 = tpu.memref_squeeze %dma_wait3A_1111 : memref<1x8x128xf32, #tpu.memory_space<vmem>> -> memref<8x128xf32, #tpu.memory_space<vmem>>
        tpu.wait_dma2 semaphore(%dma_wait3A_1104 : memref<!tpu.dma_semaphore, #tpu.memory_space<semaphore_mem>>) src(%dma_wait3A_1112 : memref<8x128xf32, #tpu.memory_space<vmem>>) dst(%dma_wait3A_1108 : memref<8x128xf32, #tpu.memory_space<hbm>>)
      } else {
      }
      %scan3A_629 = arith.constant 0 : i32
      %scan3A_630 = arith.constant 128 : i32
      %scan3A_631 = arith.addi %scan3A_629, %scan3A_630 : i32
      %scan3A_632 = arith.constant 8 : i32
      scf.for %scan3A_1021 = %scan3A_629 to %scan3A_631 step %scan3A_632  : i32 {
        %mul3A_1022 = arith.constant 1 : i32
        %mul3A_1023 = arith.muli %scan3A_1021, %mul3A_1022 : i32
        %add3A_1024 = arith.constant 0 : i32
        %add3A_1025 = arith.addi %add3A_1024, %mul3A_1023 : i32
        %broadcast_in_dim3A = vector.broadcast %add3A_1025 : i32 to vector<16xi32>
        %get3A = arith.constant 1 : i32
        %get3A_1026 = arith.index_cast %get3A : i32 to index
        %get3A_1027 = arith.index_cast %add3A_1025 : i32 to index
        %get3A_1028 = arith.constant 0 : index
        %get3A_1029 = tpu.vector_load %arg6[%get3A_1026, %get3A_1027, %get3A_1028] {strides = array<i32>} : memref<4x128x32xf32, #tpu.memory_space<vmem>>, vector<16xf32>,
        %get3A_1030 = arith.constant 1 : i32
        %get3A_1031 = arith.index_cast %get3A_1030 : i32 to index
        %get3A_1032 = arith.index_cast %add3A_1025 : i32 to index
        %get3A_1033 = arith.constant 16 : index
        %get3A_1034 = tpu.vector_load %arg6[%get3A_1031, %get3A_1032, %get3A_1033] {strides = array<i32>} : memref<4x128x32xf32, #tpu.memory_space<vmem>>, vector<16xf32>,
        %scatter3A = arith.constant 1 : i32
        %scatter3A_1035 = arith.constant 0 : i32
        %scatter3A_1036 = arith.constant 0 : i32
        %scatter3A_1037 = tpu.memref_slice %arg7[%scatter3A, %scatter3A_1035, %scatter3A_1036] : memref<4x32x137xf32, #tpu.memory_space<vmem>> -> memref<1x32x137xf32, #tpu.memory_space<vmem>>
        %scatter3A_1038 = tpu.memref_squeeze %scatter3A_1037 : memref<1x32x137xf32, #tpu.memory_space<vmem>> -> memref<32x137xf32, #tpu.memory_space<vmem>>
        tpu.vector_store_idx %scatter3A_1038[%iota3A, %broadcast_in_dim3A], %get3A_1029 : memref<32x137xf32, #tpu.memory_space<vmem>>[vector<16xi32>, vector<16xi32>], vector<16xf32>,
        %scatter3A_1039 = arith.constant 1 : i32
        %scatter3A_1040 = arith.constant 0 : i32
        %scatter3A_1041 = arith.constant 0 : i32
        %scatter3A_1042 = tpu.memref_slice %arg7[%scatter3A_1039, %scatter3A_1040, %scatter3A_1041] : memref<4x32x137xf32, #tpu.memory_space<vmem>> -> memref<1x32x137xf32, #tpu.memory_space<vmem>>
        %scatter3A_1043 = tpu.memref_squeeze %scatter3A_1042 : memref<1x32x137xf32, #tpu.memory_space<vmem>> -> memref<32x137xf32, #tpu.memory_space<vmem>>
        tpu.vector_store_idx %scatter3A_1043[%add3A_5, %broadcast_in_dim3A], %get3A_1034 : memref<32x137xf32, #tpu.memory_space<vmem>>[vector<16xi32>, vector<16xi32>], vector<16xf32>,
        %scan3A_1044 = arith.constant 1 : i32
        %scan3A_1045 = arith.addi %scan3A_1021, %scan3A_1044 : i32
        %mul3A_1046 = arith.constant 1 : i32
        %mul3A_1047 = arith.muli %scan3A_1045, %mul3A_1046 : i32
        %add3A_1048 = arith.constant 0 : i32
        %add3A_1049 = arith.addi %add3A_1048, %mul3A_1047 : i32
        %broadcast_in_dim3A_1050 = vector.broadcast %add3A_1049 : i32 to vector<16xi32>
        %get3A_1051 = arith.constant 1 : i32
        %get3A_1052 = arith.index_cast %get3A_1051 : i32 to index
        %get3A_1053 = arith.index_cast %add3A_1049 : i32 to index
        %get3A_1054 = arith.constant 0 : index
        %get3A_1055 = tpu.vector_load %arg6[%get3A_1052, %get3A_1053, %get3A_1054] {strides = array<i32>} : memref<4x128x32xf32, #tpu.memory_space<vmem>>, vector<16xf32>,
        %get3A_1056 = arith.constant 1 : i32
        %get3A_1057 = arith.index_cast %get3A_1056 : i32 to index
        %get3A_1058 = arith.index_cast %add3A_1049 : i32 to index
        %get3A_1059 = arith.constant 16 : index
        %get3A_1060 = tpu.vector_load %arg6[%get3A_1057, %get3A_1058, %get3A_1059] {strides = array<i32>} : memref<4x128x32xf32, #tpu.memory_space<vmem>>, vector<16xf32>,
        %scatter3A_1061 = arith.constant 1 : i32
        %scatter3A_1062 = arith.constant 0 : i32
        %scatter3A_1063 = arith.constant 0 : i32
        %scatter3A_1064 = tpu.memref_slice %arg7[%scatter3A_1061, %scatter3A_1062, %scatter3A_1063] : memref<4x32x137xf32, #tpu.memory_space<vmem>> -> memref<1x32x137xf32, #tpu.memory_space<vmem>>
        %scatter3A_1065 = tpu.memref_squeeze %scatter3A_1064 : memref<1x32x137xf32, #tpu.memory_space<vmem>> -> memref<32x137xf32, #tpu.memory_space<vmem>>
        tpu.vector_store_idx %scatter3A_1065[%iota3A, %broadcast_in_dim3A_1050], %get3A_1055 : memref<32x137xf32, #tpu.memory_space<vmem>>[vector<16xi32>, vector<16xi32>], vector<16xf32>,
        %scatter3A_1066 = arith.constant 1 : i32
        %scatter3A_1067 = arith.constant 0 : i32
        %scatter3A_1068 = arith.constant 0 : i32
        %scatter3A_1069 = tpu.memref_slice %arg7[%scatter3A_1066, %scatter3A_1067, %scatter3A_1068] : memref<4x32x137xf32, #tpu.memory_space<vmem>> -> memref<1x32x137xf32, #tpu.memory_space<vmem>>
        %scatter3A_1070 = tpu.memref_squeeze %scatter3A_1069 : memref<1x32x137xf32, #tpu.memory_space<vmem>> -> memref<32x137xf32, #tpu.memory_space<vmem>>
        tpu.vector_store_idx %scatter3A_1070[%add3A_5, %broadcast_in_dim3A_1050], %get3A_1060 : memref<32x137xf32, #tpu.memory_space<vmem>>[vector<16xi32>, vector<16xi32>], vector<16xf32>,
        %scan3A_1071 = arith.constant 2 : i32
        %scan3A_1072 = arith.addi %scan3A_1021, %scan3A_1071 : i32
        %mul3A_1073 = arith.constant 1 : i32
        %mul3A_1074 = arith.muli %scan3A_1072, %mul3A_1073 : i32
        %add3A_1075 = arith.constant 0 : i32
        %add3A_1076 = arith.addi %add3A_1075, %mul3A_1074 : i32
        %broadcast_in_dim3A_1077 = vector.broadcast %add3A_1076 : i32 to vector<16xi32>
        %get3A_1078 = arith.constant 1 : i32
        %get3A_1079 = arith.index_cast %get3A_1078 : i32 to index
        %get3A_1080 = arith.index_cast %add3A_1076 : i32 to index
        %get3A_1081 = arith.constant 0 : index
        %get3A_1082 = tpu.vector_load %arg6[%get3A_1079, %get3A_1080, %get3A_1081] {strides = array<i32>} : memref<4x128x32xf32, #tpu.memory_space<vmem>>, vector<16xf32>,
        %get3A_1083 = arith.constant 1 : i32
        %get3A_1084 = arith.index_cast %get3A_1083 : i32 to index
        %get3A_1085 = arith.index_cast %add3A_1076 : i32 to index
        %get3A_1086 = arith.constant 16 : index
        %get3A_1087 = tpu.vector_load %arg6[%get3A_1084, %get3A_1085, %get3A_1086] {strides = array<i32>} : memref<4x128x32xf32, #tpu.memory_space<vmem>>, vector<16xf32>,
        %scatter3A_1088 = arith.constant 1 : i32
        %scatter3A_1089 = arith.constant 0 : i32
        %scatter3A_1090 = arith.constant 0 : i32
        %scatter3A_1091 = tpu.memref_slice %arg7[%scatter3A_1088, %scatter3A_1089, %scatter3A_1090] : memref<4x32x137xf32, #tpu.memory_space<vmem>> -> memref<1x32x137xf32, #tpu.memory_space<vmem>>
        %scatter3A_1092 = tpu.memref_squeeze %scatter3A_1091 : memref<1x32x137xf32, #tpu.memory_space<vmem>> -> memref<32x137xf32, #tpu.memory_space<vmem>>
        tpu.vector_store_idx %scatter3A_1092[%iota3A, %broadcast_in_dim3A_1077], %get3A_1082 : memref<32x137xf32, #tpu.memory_space<vmem>>[vector<16xi32>, vector<16xi32>], vector<16xf32>,
        %scatter3A_1093 = arith.constant 1 : i32
        %scatter3A_1094 = arith.constant 0 : i32
        %scatter3A_1095 = arith.constant 0 : i32
        %scatter3A_1096 = tpu.memref_slice %arg7[%scatter3A_1093, %scatter3A_1094, %scatter3A_1095] : memref<4x32x137xf32, #tpu.memory_space<vmem>> -> memref<1x32x137xf32, #tpu.memory_space<vmem>>
        %scatter3A_1097 = tpu.memref_squeeze %scatter3A_1096 : memref<1x32x137xf32, #tpu.memory_space<vmem>> -> memref<32x137xf32, #tpu.memory_space<vmem>>
        tpu.vector_store_idx %scatter3A_1097[%add3A_5, %broadcast_in_dim3A_1077], %get3A_1087 : memref<32x137xf32, #tpu.memory_space<vmem>>[vector<16xi32>, vector<16xi32>], vector<16xf32>,
        %scan3A_1098 = arith.constant 3 : i32
        %scan3A_1099 = arith.addi %scan3A_1021, %scan3A_1098 : i32
        %mul3A_1100 = arith.constant 1 : i32
        %mul3A_1101 = arith.muli %scan3A_1099, %mul3A_1100 : i32
        %add3A_1102 = arith.constant 0 : i32
        %add3A_1103 = arith.addi %add3A_1102, %mul3A_1101 : i32
        %broadcast_in_dim3A_1104 = vector.broadcast %add3A_1103 : i32 to vector<16xi32>
        %get3A_1105 = arith.constant 1 : i32
        %get3A_1106 = arith.index_cast %get3A_1105 : i32 to index
        %get3A_1107 = arith.index_cast %add3A_1103 : i32 to index
        %get3A_1108 = arith.constant 0 : index
        %get3A_1109 = tpu.vector_load %arg6[%get3A_1106, %get3A_1107, %get3A_1108] {strides = array<i32>} : memref<4x128x32xf32, #tpu.memory_space<vmem>>, vector<16xf32>,
        %get3A_1110 = arith.constant 1 : i32
        %get3A_1111 = arith.index_cast %get3A_1110 : i32 to index
        %get3A_1112 = arith.index_cast %add3A_1103 : i32 to index
        %get3A_1113 = arith.constant 16 : index
        %get3A_1114 = tpu.vector_load %arg6[%get3A_1111, %get3A_1112, %get3A_1113] {strides = array<i32>} : memref<4x128x32xf32, #tpu.memory_space<vmem>>, vector<16xf32>,
        %scatter3A_1115 = arith.constant 1 : i32
        %scatter3A_1116 = arith.constant 0 : i32
        %scatter3A_1117 = arith.constant 0 : i32
        %scatter3A_1118 = tpu.memref_slice %arg7[%scatter3A_1115, %scatter3A_1116, %scatter3A_1117] : memref<4x32x137xf32, #tpu.memory_space<vmem>> -> memref<1x32x137xf32, #tpu.memory_space<vmem>>
        %scatter3A_1119 = tpu.memref_squeeze %scatter3A_1118 : memref<1x32x137xf32, #tpu.memory_space<vmem>> -> memref<32x137xf32, #tpu.memory_space<vmem>>
        tpu.vector_store_idx %scatter3A_1119[%iota3A, %broadcast_in_dim3A_1104], %get3A_1109 : memref<32x137xf32, #tpu.memory_space<vmem>>[vector<16xi32>, vector<16xi32>], vector<16xf32>,
        %scatter3A_1120 = arith.constant 1 : i32
        %scatter3A_1121 = arith.constant 0 : i32
        %scatter3A_1122 = arith.constant 0 : i32
        %scatter3A_1123 = tpu.memref_slice %arg7[%scatter3A_1120, %scatter3A_1121, %scatter3A_1122] : memref<4x32x137xf32, #tpu.memory_space<vmem>> -> memref<1x32x137xf32, #tpu.memory_space<vmem>>
        %scatter3A_1124 = tpu.memref_squeeze %scatter3A_1123 : memref<1x32x137xf32, #tpu.memory_space<vmem>> -> memref<32x137xf32, #tpu.memory_space<vmem>>
        tpu.vector_store_idx %scatter3A_1124[%add3A_5, %broadcast_in_dim3A_1104], %get3A_1114 : memref<32x137xf32, #tpu.memory_space<vmem>>[vector<16xi32>, vector<16xi32>], vector<16xf32>,
        %scan3A_1125 = arith.constant 4 : i32
        %scan3A_1126 = arith.addi %scan3A_1021, %scan3A_1125 : i32
        %mul3A_1127 = arith.constant 1 : i32
        %mul3A_1128 = arith.muli %scan3A_1126, %mul3A_1127 : i32
        %add3A_1129 = arith.constant 0 : i32
        %add3A_1130 = arith.addi %add3A_1129, %mul3A_1128 : i32
        %broadcast_in_dim3A_1131 = vector.broadcast %add3A_1130 : i32 to vector<16xi32>
        %get3A_1132 = arith.constant 1 : i32
        %get3A_1133 = arith.index_cast %get3A_1132 : i32 to index
        %get3A_1134 = arith.index_cast %add3A_1130 : i32 to index
        %get3A_1135 = arith.constant 0 : index
        %get3A_1136 = tpu.vector_load %arg6[%get3A_1133, %get3A_1134, %get3A_1135] {strides = array<i32>} : memref<4x128x32xf32, #tpu.memory_space<vmem>>, vector<16xf32>,
        %get3A_1137 = arith.constant 1 : i32
        %get3A_1138 = arith.index_cast %get3A_1137 : i32 to index
        %get3A_1139 = arith.index_cast %add3A_1130 : i32 to index
        %get3A_1140 = arith.constant 16 : index
        %get3A_1141 = tpu.vector_load %arg6[%get3A_1138, %get3A_1139, %get3A_1140] {strides = array<i32>} : memref<4x128x32xf32, #tpu.memory_space<vmem>>, vector<16xf32>,
        %scatter3A_1142 = arith.constant 1 : i32
        %scatter3A_1143 = arith.constant 0 : i32
        %scatter3A_1144 = arith.constant 0 : i32
        %scatter3A_1145 = tpu.memref_slice %arg7[%scatter3A_1142, %scatter3A_1143, %scatter3A_1144] : memref<4x32x137xf32, #tpu.memory_space<vmem>> -> memref<1x32x137xf32, #tpu.memory_space<vmem>>
        %scatter3A_1146 = tpu.memref_squeeze %scatter3A_1145 : memref<1x32x137xf32, #tpu.memory_space<vmem>> -> memref<32x137xf32, #tpu.memory_space<vmem>>
        tpu.vector_store_idx %scatter3A_1146[%iota3A, %broadcast_in_dim3A_1131], %get3A_1136 : memref<32x137xf32, #tpu.memory_space<vmem>>[vector<16xi32>, vector<16xi32>], vector<16xf32>,
        %scatter3A_1147 = arith.constant 1 : i32
        %scatter3A_1148 = arith.constant 0 : i32
        %scatter3A_1149 = arith.constant 0 : i32
        %scatter3A_1150 = tpu.memref_slice %arg7[%scatter3A_1147, %scatter3A_1148, %scatter3A_1149] : memref<4x32x137xf32, #tpu.memory_space<vmem>> -> memref<1x32x137xf32, #tpu.memory_space<vmem>>
        %scatter3A_1151 = tpu.memref_squeeze %scatter3A_1150 : memref<1x32x137xf32, #tpu.memory_space<vmem>> -> memref<32x137xf32, #tpu.memory_space<vmem>>
        tpu.vector_store_idx %scatter3A_1151[%add3A_5, %broadcast_in_dim3A_1131], %get3A_1141 : memref<32x137xf32, #tpu.memory_space<vmem>>[vector<16xi32>, vector<16xi32>], vector<16xf32>,
        %scan3A_1152 = arith.constant 5 : i32
        %scan3A_1153 = arith.addi %scan3A_1021, %scan3A_1152 : i32
        %mul3A_1154 = arith.constant 1 : i32
        %mul3A_1155 = arith.muli %scan3A_1153, %mul3A_1154 : i32
        %add3A_1156 = arith.constant 0 : i32
        %add3A_1157 = arith.addi %add3A_1156, %mul3A_1155 : i32
        %broadcast_in_dim3A_1158 = vector.broadcast %add3A_1157 : i32 to vector<16xi32>
        %get3A_1159 = arith.constant 1 : i32
        %get3A_1160 = arith.index_cast %get3A_1159 : i32 to index
        %get3A_1161 = arith.index_cast %add3A_1157 : i32 to index
        %get3A_1162 = arith.constant 0 : index
        %get3A_1163 = tpu.vector_load %arg6[%get3A_1160, %get3A_1161, %get3A_1162] {strides = array<i32>} : memref<4x128x32xf32, #tpu.memory_space<vmem>>, vector<16xf32>,
        %get3A_1164 = arith.constant 1 : i32
        %get3A_1165 = arith.index_cast %get3A_1164 : i32 to index
        %get3A_1166 = arith.index_cast %add3A_1157 : i32 to index
        %get3A_1167 = arith.constant 16 : index
        %get3A_1168 = tpu.vector_load %arg6[%get3A_1165, %get3A_1166, %get3A_1167] {strides = array<i32>} : memref<4x128x32xf32, #tpu.memory_space<vmem>>, vector<16xf32>,
        %scatter3A_1169 = arith.constant 1 : i32
        %scatter3A_1170 = arith.constant 0 : i32
        %scatter3A_1171 = arith.constant 0 : i32
        %scatter3A_1172 = tpu.memref_slice %arg7[%scatter3A_1169, %scatter3A_1170, %scatter3A_1171] : memref<4x32x137xf32, #tpu.memory_space<vmem>> -> memref<1x32x137xf32, #tpu.memory_space<vmem>>
        %scatter3A_1173 = tpu.memref_squeeze %scatter3A_1172 : memref<1x32x137xf32, #tpu.memory_space<vmem>> -> memref<32x137xf32, #tpu.memory_space<vmem>>
        tpu.vector_store_idx %scatter3A_1173[%iota3A, %broadcast_in_dim3A_1158], %get3A_1163 : memref<32x137xf32, #tpu.memory_space<vmem>>[vector<16xi32>, vector<16xi32>], vector<16xf32>,
        %scatter3A_1174 = arith.constant 1 : i32
        %scatter3A_1175 = arith.constant 0 : i32
        %scatter3A_1176 = arith.constant 0 : i32
        %scatter3A_1177 = tpu.memref_slice %arg7[%scatter3A_1174, %scatter3A_1175, %scatter3A_1176] : memref<4x32x137xf32, #tpu.memory_space<vmem>> -> memref<1x32x137xf32, #tpu.memory_space<vmem>>
        %scatter3A_1178 = tpu.memref_squeeze %scatter3A_1177 : memref<1x32x137xf32, #tpu.memory_space<vmem>> -> memref<32x137xf32, #tpu.memory_space<vmem>>
        tpu.vector_store_idx %scatter3A_1178[%add3A_5, %broadcast_in_dim3A_1158], %get3A_1168 : memref<32x137xf32, #tpu.memory_space<vmem>>[vector<16xi32>, vector<16xi32>], vector<16xf32>,
        %scan3A_1179 = arith.constant 6 : i32
        %scan3A_1180 = arith.addi %scan3A_1021, %scan3A_1179 : i32
        %mul3A_1181 = arith.constant 1 : i32
        %mul3A_1182 = arith.muli %scan3A_1180, %mul3A_1181 : i32
        %add3A_1183 = arith.constant 0 : i32
        %add3A_1184 = arith.addi %add3A_1183, %mul3A_1182 : i32
        %broadcast_in_dim3A_1185 = vector.broadcast %add3A_1184 : i32 to vector<16xi32>
        %get3A_1186 = arith.constant 1 : i32
        %get3A_1187 = arith.index_cast %get3A_1186 : i32 to index
        %get3A_1188 = arith.index_cast %add3A_1184 : i32 to index
        %get3A_1189 = arith.constant 0 : index
        %get3A_1190 = tpu.vector_load %arg6[%get3A_1187, %get3A_1188, %get3A_1189] {strides = array<i32>} : memref<4x128x32xf32, #tpu.memory_space<vmem>>, vector<16xf32>,
        %get3A_1191 = arith.constant 1 : i32
        %get3A_1192 = arith.index_cast %get3A_1191 : i32 to index
        %get3A_1193 = arith.index_cast %add3A_1184 : i32 to index
        %get3A_1194 = arith.constant 16 : index
        %get3A_1195 = tpu.vector_load %arg6[%get3A_1192, %get3A_1193, %get3A_1194] {strides = array<i32>} : memref<4x128x32xf32, #tpu.memory_space<vmem>>, vector<16xf32>,
        %scatter3A_1196 = arith.constant 1 : i32
        %scatter3A_1197 = arith.constant 0 : i32
        %scatter3A_1198 = arith.constant 0 : i32
        %scatter3A_1199 = tpu.memref_slice %arg7[%scatter3A_1196, %scatter3A_1197, %scatter3A_1198] : memref<4x32x137xf32, #tpu.memory_space<vmem>> -> memref<1x32x137xf32, #tpu.memory_space<vmem>>
        %scatter3A_1200 = tpu.memref_squeeze %scatter3A_1199 : memref<1x32x137xf32, #tpu.memory_space<vmem>> -> memref<32x137xf32, #tpu.memory_space<vmem>>
        tpu.vector_store_idx %scatter3A_1200[%iota3A, %broadcast_in_dim3A_1185], %get3A_1190 : memref<32x137xf32, #tpu.memory_space<vmem>>[vector<16xi32>, vector<16xi32>], vector<16xf32>,
        %scatter3A_1201 = arith.constant 1 : i32
        %scatter3A_1202 = arith.constant 0 : i32
        %scatter3A_1203 = arith.constant 0 : i32
        %scatter3A_1204 = tpu.memref_slice %arg7[%scatter3A_1201, %scatter3A_1202, %scatter3A_1203] : memref<4x32x137xf32, #tpu.memory_space<vmem>> -> memref<1x32x137xf32, #tpu.memory_space<vmem>>
        %scatter3A_1205 = tpu.memref_squeeze %scatter3A_1204 : memref<1x32x137xf32, #tpu.memory_space<vmem>> -> memref<32x137xf32, #tpu.memory_space<vmem>>
        tpu.vector_store_idx %scatter3A_1205[%add3A_5, %broadcast_in_dim3A_1185], %get3A_1195 : memref<32x137xf32, #tpu.memory_space<vmem>>[vector<16xi32>, vector<16xi32>], vector<16xf32>,
        %scan3A_1206 = arith.constant 7 : i32
        %scan3A_1207 = arith.addi %scan3A_1021, %scan3A_1206 : i32
        %mul3A_1208 = arith.constant 1 : i32
        %mul3A_1209 = arith.muli %scan3A_1207, %mul3A_1208 : i32
        %add3A_1210 = arith.constant 0 : i32
        %add3A_1211 = arith.addi %add3A_1210, %mul3A_1209 : i32
        %broadcast_in_dim3A_1212 = vector.broadcast %add3A_1211 : i32 to vector<16xi32>
        %get3A_1213 = arith.constant 1 : i32
        %get3A_1214 = arith.index_cast %get3A_1213 : i32 to index
        %get3A_1215 = arith.index_cast %add3A_1211 : i32 to index
        %get3A_1216 = arith.constant 0 : index
        %get3A_1217 = tpu.vector_load %arg6[%get3A_1214, %get3A_1215, %get3A_1216] {strides = array<i32>} : memref<4x128x32xf32, #tpu.memory_space<vmem>>, vector<16xf32>,
        %get3A_1218 = arith.constant 1 : i32
        %get3A_1219 = arith.index_cast %get3A_1218 : i32 to index
        %get3A_1220 = arith.index_cast %add3A_1211 : i32 to index
        %get3A_1221 = arith.constant 16 : index
        %get3A_1222 = tpu.vector_load %arg6[%get3A_1219, %get3A_1220, %get3A_1221] {strides = array<i32>} : memref<4x128x32xf32, #tpu.memory_space<vmem>>, vector<16xf32>,
        %scatter3A_1223 = arith.constant 1 : i32
        %scatter3A_1224 = arith.constant 0 : i32
        %scatter3A_1225 = arith.constant 0 : i32
        %scatter3A_1226 = tpu.memref_slice %arg7[%scatter3A_1223, %scatter3A_1224, %scatter3A_1225] : memref<4x32x137xf32, #tpu.memory_space<vmem>> -> memref<1x32x137xf32, #tpu.memory_space<vmem>>
        %scatter3A_1227 = tpu.memref_squeeze %scatter3A_1226 : memref<1x32x137xf32, #tpu.memory_space<vmem>> -> memref<32x137xf32, #tpu.memory_space<vmem>>
        tpu.vector_store_idx %scatter3A_1227[%iota3A, %broadcast_in_dim3A_1212], %get3A_1217 : memref<32x137xf32, #tpu.memory_space<vmem>>[vector<16xi32>, vector<16xi32>], vector<16xf32>,
        %scatter3A_1228 = arith.constant 1 : i32
        %scatter3A_1229 = arith.constant 0 : i32
        %scatter3A_1230 = arith.constant 0 : i32
        %scatter3A_1231 = tpu.memref_slice %arg7[%scatter3A_1228, %scatter3A_1229, %scatter3A_1230] : memref<4x32x137xf32, #tpu.memory_space<vmem>> -> memref<1x32x137xf32, #tpu.memory_space<vmem>>
        %scatter3A_1232 = tpu.memref_squeeze %scatter3A_1231 : memref<1x32x137xf32, #tpu.memory_space<vmem>> -> memref<32x137xf32, #tpu.memory_space<vmem>>
        tpu.vector_store_idx %scatter3A_1232[%add3A_5, %broadcast_in_dim3A_1212], %get3A_1222 : memref<32x137xf32, #tpu.memory_space<vmem>>[vector<16xi32>, vector<16xi32>], vector<16xf32>,
      }
      %scan3A_633 = arith.constant 128 : i32
      %dma_start3A_634 = arith.constant 1 : i32
      %dma_start3A_635 = arith.constant 0 : i32
      %dma_start3A_636 = arith.constant 1 : i32
      %dma_start3A_637 = arith.constant 0 : i32
      %dma_start3A_638 = arith.constant 0 : i32
      %dma_start3A_639 = tpu.memref_slice %arg7[%dma_start3A_634, %dma_start3A_637, %dma_start3A_638] : memref<4x32x137xf32, #tpu.memory_space<vmem>> -> memref<1x8x128xf32, #tpu.memory_space<vmem>>
      %dma_start3A_640 = tpu.memref_squeeze %dma_start3A_639 : memref<1x8x128xf32, #tpu.memory_space<vmem>> -> memref<8x128xf32, #tpu.memory_space<vmem>>
      %dma_start3A_641 = arith.constant 0 : i32
      %dma_start3A_642 = arith.constant 0 : i32
      %dma_start3A_643 = tpu.memref_slice %arg4[%select_n3A_603, %dma_start3A_635, %rem3A_605, %dma_start3A_641, %dma_start3A_642] : memref<50x4x128x8x128xf32, #tpu.memory_space<hbm>> -> memref<1x1x1x8x128xf32, #tpu.memory_space<hbm>>
      %dma_start3A_644 = tpu.memref_squeeze %dma_start3A_643 : memref<1x1x1x8x128xf32, #tpu.memory_space<hbm>> -> memref<8x128xf32, #tpu.memory_space<hbm>>
      %dma_start3A_645 = tpu.memref_slice %arg9[%dma_start3A_636] : memref<4x!tpu.dma_semaphore, #tpu.memory_space<semaphore_mem>> -> memref<1x!tpu.dma_semaphore, #tpu.memory_space<semaphore_mem>>
      %dma_start3A_646 = tpu.memref_squeeze %dma_start3A_645 : memref<1x!tpu.dma_semaphore, #tpu.memory_space<semaphore_mem>> -> memref<!tpu.dma_semaphore, #tpu.memory_space<semaphore_mem>>
      %dma_start3A_647 = arith.constant 0 : i32
      %dma_start3A_648 = arith.constant 0 : i32
      %dma_start3A_649 = tpu.memref_slice %arg4[%select_n3A_603, %dma_start3A_635, %rem3A_605, %dma_start3A_647, %dma_start3A_648] : memref<50x4x128x8x128xf32, #tpu.memory_space<hbm>> -> memref<1x1x1x8x128xf32, #tpu.memory_space<hbm>>
      %dma_start3A_650 = tpu.memref_squeeze %dma_start3A_649 : memref<1x1x1x8x128xf32, #tpu.memory_space<hbm>> -> memref<8x128xf32, #tpu.memory_space<hbm>>
      %dma_start3A_651 = arith.constant 0 : i32
      %dma_start3A_652 = arith.constant 0 : i32
      %dma_start3A_653 = tpu.memref_slice %arg7[%dma_start3A_634, %dma_start3A_651, %dma_start3A_652] : memref<4x32x137xf32, #tpu.memory_space<vmem>> -> memref<1x8x128xf32, #tpu.memory_space<vmem>>
      %dma_start3A_654 = tpu.memref_squeeze %dma_start3A_653 : memref<1x8x128xf32, #tpu.memory_space<vmem>> -> memref<8x128xf32, #tpu.memory_space<vmem>>
      tpu.enqueue_dma source(%dma_start3A_654 : memref<8x128xf32, #tpu.memory_space<vmem>>) target(%dma_start3A_650 : memref<8x128xf32, #tpu.memory_space<hbm>>) target_semaphore(%dma_start3A_646 : memref<!tpu.dma_semaphore, #tpu.memory_space<semaphore_mem>>)
      %dma_start3A_655 = arith.constant 1 : i32
      %dma_start3A_656 = arith.constant 1 : i32
      %dma_start3A_657 = arith.constant 1 : i32
      %dma_start3A_658 = arith.constant 8 : i32
      %dma_start3A_659 = arith.constant 0 : i32
      %dma_start3A_660 = tpu.memref_slice %arg7[%dma_start3A_655, %dma_start3A_658, %dma_start3A_659] : memref<4x32x137xf32, #tpu.memory_space<vmem>> -> memref<1x8x128xf32, #tpu.memory_space<vmem>>
      %dma_start3A_661 = tpu.memref_squeeze %dma_start3A_660 : memref<1x8x128xf32, #tpu.memory_space<vmem>> -> memref<8x128xf32, #tpu.memory_space<vmem>>
      %dma_start3A_662 = arith.constant 0 : i32
      %dma_start3A_663 = arith.constant 0 : i32
      %dma_start3A_664 = tpu.memref_slice %arg4[%select_n3A_603, %dma_start3A_656, %rem3A_605, %dma_start3A_662, %dma_start3A_663] : memref<50x4x128x8x128xf32, #tpu.memory_space<hbm>> -> memref<1x1x1x8x128xf32, #tpu.memory_space<hbm>>
      %dma_start3A_665 = tpu.memref_squeeze %dma_start3A_664 : memref<1x1x1x8x128xf32, #tpu.memory_space<hbm>> -> memref<8x128xf32, #tpu.memory_space<hbm>>
      %dma_start3A_666 = tpu.memref_slice %arg9[%dma_start3A_657] : memref<4x!tpu.dma_semaphore, #tpu.memory_space<semaphore_mem>> -> memref<1x!tpu.dma_semaphore, #tpu.memory_space<semaphore_mem>>
      %dma_start3A_667 = tpu.memref_squeeze %dma_start3A_666 : memref<1x!tpu.dma_semaphore, #tpu.memory_space<semaphore_mem>> -> memref<!tpu.dma_semaphore, #tpu.memory_space<semaphore_mem>>
      %dma_start3A_668 = arith.constant 0 : i32
      %dma_start3A_669 = arith.constant 0 : i32
      %dma_start3A_670 = tpu.memref_slice %arg4[%select_n3A_603, %dma_start3A_656, %rem3A_605, %dma_start3A_668, %dma_start3A_669] : memref<50x4x128x8x128xf32, #tpu.memory_space<hbm>> -> memref<1x1x1x8x128xf32, #tpu.memory_space<hbm>>
      %dma_start3A_671 = tpu.memref_squeeze %dma_start3A_670 : memref<1x1x1x8x128xf32, #tpu.memory_space<hbm>> -> memref<8x128xf32, #tpu.memory_space<hbm>>
      %dma_start3A_672 = arith.constant 8 : i32
      %dma_start3A_673 = arith.constant 0 : i32
      %dma_start3A_674 = tpu.memref_slice %arg7[%dma_start3A_655, %dma_start3A_672, %dma_start3A_673] : memref<4x32x137xf32, #tpu.memory_space<vmem>> -> memref<1x8x128xf32, #tpu.memory_space<vmem>>
      %dma_start3A_675 = tpu.memref_squeeze %dma_start3A_674 : memref<1x8x128xf32, #tpu.memory_space<vmem>> -> memref<8x128xf32, #tpu.memory_space<vmem>>
      tpu.enqueue_dma source(%dma_start3A_675 : memref<8x128xf32, #tpu.memory_space<vmem>>) target(%dma_start3A_671 : memref<8x128xf32, #tpu.memory_space<hbm>>) target_semaphore(%dma_start3A_667 : memref<!tpu.dma_semaphore, #tpu.memory_space<semaphore_mem>>)
      %dma_start3A_676 = arith.constant 1 : i32
      %dma_start3A_677 = arith.constant 2 : i32
      %dma_start3A_678 = arith.constant 1 : i32
      %dma_start3A_679 = arith.constant 16 : i32
      %dma_start3A_680 = arith.constant 0 : i32
      %dma_start3A_681 = tpu.memref_slice %arg7[%dma_start3A_676, %dma_start3A_679, %dma_start3A_680] : memref<4x32x137xf32, #tpu.memory_space<vmem>> -> memref<1x8x128xf32, #tpu.memory_space<vmem>>
      %dma_start3A_682 = tpu.memref_squeeze %dma_start3A_681 : memref<1x8x128xf32, #tpu.memory_space<vmem>> -> memref<8x128xf32, #tpu.memory_space<vmem>>
      %dma_start3A_683 = arith.constant 0 : i32
      %dma_start3A_684 = arith.constant 0 : i32
      %dma_start3A_685 = tpu.memref_slice %arg4[%select_n3A_603, %dma_start3A_677, %rem3A_605, %dma_start3A_683, %dma_start3A_684] : memref<50x4x128x8x128xf32, #tpu.memory_space<hbm>> -> memref<1x1x1x8x128xf32, #tpu.memory_space<hbm>>
      %dma_start3A_686 = tpu.memref_squeeze %dma_start3A_685 : memref<1x1x1x8x128xf32, #tpu.memory_space<hbm>> -> memref<8x128xf32, #tpu.memory_space<hbm>>
      %dma_start3A_687 = tpu.memref_slice %arg9[%dma_start3A_678] : memref<4x!tpu.dma_semaphore, #tpu.memory_space<semaphore_mem>> -> memref<1x!tpu.dma_semaphore, #tpu.memory_space<semaphore_mem>>
      %dma_start3A_688 = tpu.memref_squeeze %dma_start3A_687 : memref<1x!tpu.dma_semaphore, #tpu.memory_space<semaphore_mem>> -> memref<!tpu.dma_semaphore, #tpu.memory_space<semaphore_mem>>
      %dma_start3A_689 = arith.constant 0 : i32
      %dma_start3A_690 = arith.constant 0 : i32
      %dma_start3A_691 = tpu.memref_slice %arg4[%select_n3A_603, %dma_start3A_677, %rem3A_605, %dma_start3A_689, %dma_start3A_690] : memref<50x4x128x8x128xf32, #tpu.memory_space<hbm>> -> memref<1x1x1x8x128xf32, #tpu.memory_space<hbm>>
      %dma_start3A_692 = tpu.memref_squeeze %dma_start3A_691 : memref<1x1x1x8x128xf32, #tpu.memory_space<hbm>> -> memref<8x128xf32, #tpu.memory_space<hbm>>
      %dma_start3A_693 = arith.constant 16 : i32
      %dma_start3A_694 = arith.constant 0 : i32
      %dma_start3A_695 = tpu.memref_slice %arg7[%dma_start3A_676, %dma_start3A_693, %dma_start3A_694] : memref<4x32x137xf32, #tpu.memory_space<vmem>> -> memref<1x8x128xf32, #tpu.memory_space<vmem>>
      %dma_start3A_696 = tpu.memref_squeeze %dma_start3A_695 : memref<1x8x128xf32, #tpu.memory_space<vmem>> -> memref<8x128xf32, #tpu.memory_space<vmem>>
      tpu.enqueue_dma source(%dma_start3A_696 : memref<8x128xf32, #tpu.memory_space<vmem>>) target(%dma_start3A_692 : memref<8x128xf32, #tpu.memory_space<hbm>>) target_semaphore(%dma_start3A_688 : memref<!tpu.dma_semaphore, #tpu.memory_space<semaphore_mem>>)
      %dma_start3A_697 = arith.constant 1 : i32
      %dma_start3A_698 = arith.constant 3 : i32
      %dma_start3A_699 = arith.constant 1 : i32
      %dma_start3A_700 = arith.constant 24 : i32
      %dma_start3A_701 = arith.constant 0 : i32
      %dma_start3A_702 = tpu.memref_slice %arg7[%dma_start3A_697, %dma_start3A_700, %dma_start3A_701] : memref<4x32x137xf32, #tpu.memory_space<vmem>> -> memref<1x8x128xf32, #tpu.memory_space<vmem>>
      %dma_start3A_703 = tpu.memref_squeeze %dma_start3A_702 : memref<1x8x128xf32, #tpu.memory_space<vmem>> -> memref<8x128xf32, #tpu.memory_space<vmem>>
      %dma_start3A_704 = arith.constant 0 : i32
      %dma_start3A_705 = arith.constant 0 : i32
      %dma_start3A_706 = tpu.memref_slice %arg4[%select_n3A_603, %dma_start3A_698, %rem3A_605, %dma_start3A_704, %dma_start3A_705] : memref<50x4x128x8x128xf32, #tpu.memory_space<hbm>> -> memref<1x1x1x8x128xf32, #tpu.memory_space<hbm>>
      %dma_start3A_707 = tpu.memref_squeeze %dma_start3A_706 : memref<1x1x1x8x128xf32, #tpu.memory_space<hbm>> -> memref<8x128xf32, #tpu.memory_space<hbm>>
      %dma_start3A_708 = tpu.memref_slice %arg9[%dma_start3A_699] : memref<4x!tpu.dma_semaphore, #tpu.memory_space<semaphore_mem>> -> memref<1x!tpu.dma_semaphore, #tpu.memory_space<semaphore_mem>>
      %dma_start3A_709 = tpu.memref_squeeze %dma_start3A_708 : memref<1x!tpu.dma_semaphore, #tpu.memory_space<semaphore_mem>> -> memref<!tpu.dma_semaphore, #tpu.memory_space<semaphore_mem>>
      %dma_start3A_710 = arith.constant 0 : i32
      %dma_start3A_711 = arith.constant 0 : i32
      %dma_start3A_712 = tpu.memref_slice %arg4[%select_n3A_603, %dma_start3A_698, %rem3A_605, %dma_start3A_710, %dma_start3A_711] : memref<50x4x128x8x128xf32, #tpu.memory_space<hbm>> -> memref<1x1x1x8x128xf32, #tpu.memory_space<hbm>>
      %dma_start3A_713 = tpu.memref_squeeze %dma_start3A_712 : memref<1x1x1x8x128xf32, #tpu.memory_space<hbm>> -> memref<8x128xf32, #tpu.memory_space<hbm>>
      %dma_start3A_714 = arith.constant 24 : i32
      %dma_start3A_715 = arith.constant 0 : i32
      %dma_start3A_716 = tpu.memref_slice %arg7[%dma_start3A_697, %dma_start3A_714, %dma_start3A_715] : memref<4x32x137xf32, #tpu.memory_space<vmem>> -> memref<1x8x128xf32, #tpu.memory_space<vmem>>
      %dma_start3A_717 = tpu.memref_squeeze %dma_start3A_716 : memref<1x8x128xf32, #tpu.memory_space<vmem>> -> memref<8x128xf32, #tpu.memory_space<vmem>>
      tpu.enqueue_dma source(%dma_start3A_717 : memref<8x128xf32, #tpu.memory_space<vmem>>) target(%dma_start3A_713 : memref<8x128xf32, #tpu.memory_space<hbm>>) target_semaphore(%dma_start3A_709 : memref<!tpu.dma_semaphore, #tpu.memory_space<semaphore_mem>>)
      %add3A_718 = arith.constant 4 : i32
      %add3A_719 = arith.addi %add3A_578, %add3A_718 : i32
      %lt3A_720 = arith.constant 200 : i32
      %lt3A_721 = arith.cmpi slt, %add3A_719, %lt3A_720 : i32
      %convert_element_type3A_722 = arith.extui %lt3A_721 : i1 to i32
      %cond3A_723 = arith.constant 0 : i32
      %cond3A_724 = arith.cmpi ne, %convert_element_type3A_722, %cond3A_723 : i32
      scf.if %cond3A_724 {
        %add3A_1021 = arith.constant 4 : i32
        %add3A_1022 = arith.addi %add3A_578, %add3A_1021 : i32
        %dma_start3A_1023 = arith.constant 1 : i32
        %dma_start3A_1024 = arith.constant 1 : i32
        %dma_start3A_1025 = arith.constant 0 : i32
        %dma_start3A_1026 = arith.constant 0 : i32
        %dma_start3A_1027 = tpu.memref_slice %arg6[%dma_start3A_1023, %dma_start3A_1025, %dma_start3A_1026] : memref<4x128x32xf32, #tpu.memory_space<vmem>> -> memref<1x128x32xf32, #tpu.memory_space<vmem>>
        %dma_start3A_1028 = tpu.memref_squeeze %dma_start3A_1027 : memref<1x128x32xf32, #tpu.memory_space<vmem>> -> memref<128x32xf32, #tpu.memory_space<vmem>>
        %dma_start3A_1029 = arith.constant 0 : i32
        %dma_start3A_1030 = tpu.memref_slice %arg5[%add3A_1022, %dma_start3A_1029] : memref<200x128xi32, #tpu.memory_space<vmem>> -> memref<1x128xi32, #tpu.memory_space<vmem>>
        %dma_start3A_1031 = tpu.memref_squeeze %dma_start3A_1030 : memref<1x128xi32, #tpu.memory_space<vmem>> -> memref<128xi32, #tpu.memory_space<vmem>>
        %dma_start3A_1032 = arith.constant 0 : i32
        %dma_start3A_1033 = arith.constant 0 : i32
        %dma_start3A_1034 = tpu.memref_slice %arg2[%dma_start3A_1032, %dma_start3A_1033] : memref<1000001x32xf32, #tpu.memory_space<hbm>> -> memref<1000001x32xf32, #tpu.memory_space<hbm>>
        %dma_start3A_1035 = tpu.memref_slice %arg8[%dma_start3A_1024] : memref<4x!tpu.dma_semaphore, #tpu.memory_space<semaphore_mem>> -> memref<1x!tpu.dma_semaphore, #tpu.memory_space<semaphore_mem>>
        %dma_start3A_1036 = tpu.memref_squeeze %dma_start3A_1035 : memref<1x!tpu.dma_semaphore, #tpu.memory_space<semaphore_mem>> -> memref<!tpu.dma_semaphore, #tpu.memory_space<semaphore_mem>>
        tpu.enqueue_indirect_dma source(%dma_start3A_1034 : memref<1000001x32xf32, #tpu.memory_space<hbm>>) target(%dma_start3A_1028 : memref<128x32xf32, #tpu.memory_space<vmem>>) offsets(%dma_start3A_1031 : memref<128xi32, #tpu.memory_space<vmem>>) semaphore(%dma_start3A_1036 : memref<!tpu.dma_semaphore, #tpu.memory_space<semaphore_mem>>)
      } else {
      }
      %add3A_725 = arith.constant 2 : i32
      %add3A_726 = arith.addi %add3A_440, %add3A_725 : i32
      %add3A_727 = arith.addi %mul3A_2, %add3A_726 : i32
      %jit3A_728 = arith.constant 128 : i32
      %div3A_729 = arith.divsi %add3A_727, %jit3A_728 : i32
      %sign3A_730 = arith.constant 0 : i32
      %sign3A_731 = arith.cmpi sgt, %add3A_727, %sign3A_730 : i32
      %sign3A_732 = arith.extui %sign3A_731 : i1 to i32
      %sign3A_733 = arith.constant 0 : i32
      %sign3A_734 = arith.cmpi slt, %add3A_727, %sign3A_733 : i32
      %sign3A_735 = arith.extui %sign3A_734 : i1 to i32
      %sign3A_736 = arith.subi %sign3A_732, %sign3A_735 : i32
      %sign3A_737 = arith.constant 0 : i32
      %sign3A_738 = arith.cmpi sgt, %jit3A_728, %sign3A_737 : i32
      %sign3A_739 = arith.extui %sign3A_738 : i1 to i32
      %sign3A_740 = arith.constant 0 : i32
      %sign3A_741 = arith.cmpi slt, %jit3A_728, %sign3A_740 : i32
      %sign3A_742 = arith.extui %sign3A_741 : i1 to i32
      %sign3A_743 = arith.subi %sign3A_739, %sign3A_742 : i32
      %ne3A_744 = arith.cmpi ne, %sign3A_736, %sign3A_743 : i32
      %rem3A_745 = arith.remsi %add3A_727, %jit3A_728 : i32
      %ne3A_746 = arith.constant 0 : i32
      %ne3A_747 = arith.cmpi ne, %rem3A_745, %ne3A_746 : i32
      %and3A_748 = arith.andi %ne3A_744, %ne3A_747 : i1
      %sub3A_749 = arith.constant 1 : i32
      %sub3A_750 = arith.subi %div3A_729, %sub3A_749 : i32
      %select_n3A_751 = arith.select %and3A_748, %sub3A_750, %div3A_729 : i32
      %rem3A_752 = arith.constant 128 : i32
      %rem3A_753 = arith.remsi %add3A_727, %rem3A_752 : i32
      %dma_wait3A_754 = arith.constant 2 : i32
      %dma_wait3A_755 = arith.constant 2 : i32
      %dma_wait3A_756 = arith.constant 0 : i32
      %dma_wait3A_757 = arith.constant 0 : i32
      %dma_wait3A_758 = tpu.memref_slice %arg6[%dma_wait3A_754, %dma_wait3A_756, %dma_wait3A_757] : memref<4x128x32xf32, #tpu.memory_space<vmem>> -> memref<1x128x32xf32, #tpu.memory_space<vmem>>
      %dma_wait3A_759 = tpu.memref_squeeze %dma_wait3A_758 : memref<1x128x32xf32, #tpu.memory_space<vmem>> -> memref<128x32xf32, #tpu.memory_space<vmem>>
      %dma_wait3A_760 = arith.constant 0 : i32
      %dma_wait3A_761 = arith.constant 0 : i32
      %dma_wait3A_762 = tpu.memref_slice %arg2[%dma_wait3A_760, %dma_wait3A_761] : memref<1000001x32xf32, #tpu.memory_space<hbm>> -> memref<128x32xf32, #tpu.memory_space<hbm>>
      %dma_wait3A_763 = tpu.memref_slice %arg8[%dma_wait3A_755] : memref<4x!tpu.dma_semaphore, #tpu.memory_space<semaphore_mem>> -> memref<1x!tpu.dma_semaphore, #tpu.memory_space<semaphore_mem>>
      %dma_wait3A_764 = tpu.memref_squeeze %dma_wait3A_763 : memref<1x!tpu.dma_semaphore, #tpu.memory_space<semaphore_mem>> -> memref<!tpu.dma_semaphore, #tpu.memory_space<semaphore_mem>>
      %dma_wait3A_765 = arith.constant 0 : i32
      %dma_wait3A_766 = arith.constant 0 : i32
      %dma_wait3A_767 = tpu.memref_slice %arg6[%dma_wait3A_754, %dma_wait3A_765, %dma_wait3A_766] : memref<4x128x32xf32, #tpu.memory_space<vmem>> -> memref<1x128x32xf32, #tpu.memory_space<vmem>>
      %dma_wait3A_768 = tpu.memref_squeeze %dma_wait3A_767 : memref<1x128x32xf32, #tpu.memory_space<vmem>> -> memref<128x32xf32, #tpu.memory_space<vmem>>
      %dma_wait3A_769 = arith.constant 0 : i32
      %dma_wait3A_770 = arith.constant 0 : i32
      %dma_wait3A_771 = tpu.memref_slice %arg2[%dma_wait3A_769, %dma_wait3A_770] : memref<1000001x32xf32, #tpu.memory_space<hbm>> -> memref<128x32xf32, #tpu.memory_space<hbm>>
      tpu.wait_dma2 semaphore(%dma_wait3A_764 : memref<!tpu.dma_semaphore, #tpu.memory_space<semaphore_mem>>) src(%dma_wait3A_771 : memref<128x32xf32, #tpu.memory_space<hbm>>) dst(%dma_wait3A_768 : memref<128x32xf32, #tpu.memory_space<vmem>>)
      %ge3A_772 = arith.constant 4 : i32
      %ge3A_773 = arith.cmpi sge, %add3A_726, %ge3A_772 : i32
      %convert_element_type3A_774 = arith.extui %ge3A_773 : i1 to i32
      %cond3A_775 = arith.constant 0 : i32
      %cond3A_776 = arith.cmpi ne, %convert_element_type3A_774, %cond3A_775 : i32
      scf.if %cond3A_776 {
        %dma_wait3A_1021 = arith.constant 2 : i32
        %dma_wait3A_1022 = arith.constant 0 : i32
        %dma_wait3A_1023 = arith.constant 0 : i32
        %dma_wait3A_1024 = arith.constant 0 : i32
        %dma_wait3A_1025 = arith.constant 2 : i32
        %dma_wait3A_1026 = arith.constant 0 : i32
        %dma_wait3A_1027 = arith.constant 0 : i32
        %dma_wait3A_1028 = tpu.memref_slice %arg7[%dma_wait3A_1021, %dma_wait3A_1026, %dma_wait3A_1027] : memref<4x32x137xf32, #tpu.memory_space<vmem>> -> memref<1x8x128xf32, #tpu.memory_space<vmem>>
        %dma_wait3A_1029 = tpu.memref_squeeze %dma_wait3A_1028 : memref<1x8x128xf32, #tpu.memory_space<vmem>> -> memref<8x128xf32, #tpu.memory_space<vmem>>
        %dma_wait3A_1030 = arith.constant 0 : i32
        %dma_wait3A_1031 = arith.constant 0 : i32
        %dma_wait3A_1032 = tpu.memref_slice %arg4[%dma_wait3A_1022, %dma_wait3A_1023, %dma_wait3A_1024, %dma_wait3A_1030, %dma_wait3A_1031] : memref<50x4x128x8x128xf32, #tpu.memory_space<hbm>> -> memref<1x1x1x8x128xf32, #tpu.memory_space<hbm>>
        %dma_wait3A_1033 = tpu.memref_squeeze %dma_wait3A_1032 : memref<1x1x1x8x128xf32, #tpu.memory_space<hbm>> -> memref<8x128xf32, #tpu.memory_space<hbm>>
        %dma_wait3A_1034 = tpu.memref_slice %arg9[%dma_wait3A_1025] : memref<4x!tpu.dma_semaphore, #tpu.memory_space<semaphore_mem>> -> memref<1x!tpu.dma_semaphore, #tpu.memory_space<semaphore_mem>>
        %dma_wait3A_1035 = tpu.memref_squeeze %dma_wait3A_1034 : memref<1x!tpu.dma_semaphore, #tpu.memory_space<semaphore_mem>> -> memref<!tpu.dma_semaphore, #tpu.memory_space<semaphore_mem>>
        %dma_wait3A_1036 = arith.constant 0 : i32
        %dma_wait3A_1037 = arith.constant 0 : i32
        %dma_wait3A_1038 = tpu.memref_slice %arg4[%dma_wait3A_1022, %dma_wait3A_1023, %dma_wait3A_1024, %dma_wait3A_1036, %dma_wait3A_1037] : memref<50x4x128x8x128xf32, #tpu.memory_space<hbm>> -> memref<1x1x1x8x128xf32, #tpu.memory_space<hbm>>
        %dma_wait3A_1039 = tpu.memref_squeeze %dma_wait3A_1038 : memref<1x1x1x8x128xf32, #tpu.memory_space<hbm>> -> memref<8x128xf32, #tpu.memory_space<hbm>>
        %dma_wait3A_1040 = arith.constant 0 : i32
        %dma_wait3A_1041 = arith.constant 0 : i32
        %dma_wait3A_1042 = tpu.memref_slice %arg7[%dma_wait3A_1021, %dma_wait3A_1040, %dma_wait3A_1041] : memref<4x32x137xf32, #tpu.memory_space<vmem>> -> memref<1x8x128xf32, #tpu.memory_space<vmem>>
        %dma_wait3A_1043 = tpu.memref_squeeze %dma_wait3A_1042 : memref<1x8x128xf32, #tpu.memory_space<vmem>> -> memref<8x128xf32, #tpu.memory_space<vmem>>
        tpu.wait_dma2 semaphore(%dma_wait3A_1035 : memref<!tpu.dma_semaphore, #tpu.memory_space<semaphore_mem>>) src(%dma_wait3A_1043 : memref<8x128xf32, #tpu.memory_space<vmem>>) dst(%dma_wait3A_1039 : memref<8x128xf32, #tpu.memory_space<hbm>>)
        %dma_wait3A_1044 = arith.constant 2 : i32
        %dma_wait3A_1045 = arith.constant 0 : i32
        %dma_wait3A_1046 = arith.constant 1 : i32
        %dma_wait3A_1047 = arith.constant 0 : i32
        %dma_wait3A_1048 = arith.constant 2 : i32
        %dma_wait3A_1049 = arith.constant 8 : i32
        %dma_wait3A_1050 = arith.constant 0 : i32
        %dma_wait3A_1051 = tpu.memref_slice %arg7[%dma_wait3A_1044, %dma_wait3A_1049, %dma_wait3A_1050] : memref<4x32x137xf32, #tpu.memory_space<vmem>> -> memref<1x8x128xf32, #tpu.memory_space<vmem>>
        %dma_wait3A_1052 = tpu.memref_squeeze %dma_wait3A_1051 : memref<1x8x128xf32, #tpu.memory_space<vmem>> -> memref<8x128xf32, #tpu.memory_space<vmem>>
        %dma_wait3A_1053 = arith.constant 0 : i32
        %dma_wait3A_1054 = arith.constant 0 : i32
        %dma_wait3A_1055 = tpu.memref_slice %arg4[%dma_wait3A_1045, %dma_wait3A_1046, %dma_wait3A_1047, %dma_wait3A_1053, %dma_wait3A_1054] : memref<50x4x128x8x128xf32, #tpu.memory_space<hbm>> -> memref<1x1x1x8x128xf32, #tpu.memory_space<hbm>>
        %dma_wait3A_1056 = tpu.memref_squeeze %dma_wait3A_1055 : memref<1x1x1x8x128xf32, #tpu.memory_space<hbm>> -> memref<8x128xf32, #tpu.memory_space<hbm>>
        %dma_wait3A_1057 = tpu.memref_slice %arg9[%dma_wait3A_1048] : memref<4x!tpu.dma_semaphore, #tpu.memory_space<semaphore_mem>> -> memref<1x!tpu.dma_semaphore, #tpu.memory_space<semaphore_mem>>
        %dma_wait3A_1058 = tpu.memref_squeeze %dma_wait3A_1057 : memref<1x!tpu.dma_semaphore, #tpu.memory_space<semaphore_mem>> -> memref<!tpu.dma_semaphore, #tpu.memory_space<semaphore_mem>>
        %dma_wait3A_1059 = arith.constant 0 : i32
        %dma_wait3A_1060 = arith.constant 0 : i32
        %dma_wait3A_1061 = tpu.memref_slice %arg4[%dma_wait3A_1045, %dma_wait3A_1046, %dma_wait3A_1047, %dma_wait3A_1059, %dma_wait3A_1060] : memref<50x4x128x8x128xf32, #tpu.memory_space<hbm>> -> memref<1x1x1x8x128xf32, #tpu.memory_space<hbm>>
        %dma_wait3A_1062 = tpu.memref_squeeze %dma_wait3A_1061 : memref<1x1x1x8x128xf32, #tpu.memory_space<hbm>> -> memref<8x128xf32, #tpu.memory_space<hbm>>
        %dma_wait3A_1063 = arith.constant 8 : i32
        %dma_wait3A_1064 = arith.constant 0 : i32
        %dma_wait3A_1065 = tpu.memref_slice %arg7[%dma_wait3A_1044, %dma_wait3A_1063, %dma_wait3A_1064] : memref<4x32x137xf32, #tpu.memory_space<vmem>> -> memref<1x8x128xf32, #tpu.memory_space<vmem>>
        %dma_wait3A_1066 = tpu.memref_squeeze %dma_wait3A_1065 : memref<1x8x128xf32, #tpu.memory_space<vmem>> -> memref<8x128xf32, #tpu.memory_space<vmem>>
        tpu.wait_dma2 semaphore(%dma_wait3A_1058 : memref<!tpu.dma_semaphore, #tpu.memory_space<semaphore_mem>>) src(%dma_wait3A_1066 : memref<8x128xf32, #tpu.memory_space<vmem>>) dst(%dma_wait3A_1062 : memref<8x128xf32, #tpu.memory_space<hbm>>)
        %dma_wait3A_1067 = arith.constant 2 : i32
        %dma_wait3A_1068 = arith.constant 0 : i32
        %dma_wait3A_1069 = arith.constant 2 : i32
        %dma_wait3A_1070 = arith.constant 0 : i32
        %dma_wait3A_1071 = arith.constant 2 : i32
        %dma_wait3A_1072 = arith.constant 16 : i32
        %dma_wait3A_1073 = arith.constant 0 : i32
        %dma_wait3A_1074 = tpu.memref_slice %arg7[%dma_wait3A_1067, %dma_wait3A_1072, %dma_wait3A_1073] : memref<4x32x137xf32, #tpu.memory_space<vmem>> -> memref<1x8x128xf32, #tpu.memory_space<vmem>>
        %dma_wait3A_1075 = tpu.memref_squeeze %dma_wait3A_1074 : memref<1x8x128xf32, #tpu.memory_space<vmem>> -> memref<8x128xf32, #tpu.memory_space<vmem>>
        %dma_wait3A_1076 = arith.constant 0 : i32
        %dma_wait3A_1077 = arith.constant 0 : i32
        %dma_wait3A_1078 = tpu.memref_slice %arg4[%dma_wait3A_1068, %dma_wait3A_1069, %dma_wait3A_1070, %dma_wait3A_1076, %dma_wait3A_1077] : memref<50x4x128x8x128xf32, #tpu.memory_space<hbm>> -> memref<1x1x1x8x128xf32, #tpu.memory_space<hbm>>
        %dma_wait3A_1079 = tpu.memref_squeeze %dma_wait3A_1078 : memref<1x1x1x8x128xf32, #tpu.memory_space<hbm>> -> memref<8x128xf32, #tpu.memory_space<hbm>>
        %dma_wait3A_1080 = tpu.memref_slice %arg9[%dma_wait3A_1071] : memref<4x!tpu.dma_semaphore, #tpu.memory_space<semaphore_mem>> -> memref<1x!tpu.dma_semaphore, #tpu.memory_space<semaphore_mem>>
        %dma_wait3A_1081 = tpu.memref_squeeze %dma_wait3A_1080 : memref<1x!tpu.dma_semaphore, #tpu.memory_space<semaphore_mem>> -> memref<!tpu.dma_semaphore, #tpu.memory_space<semaphore_mem>>
        %dma_wait3A_1082 = arith.constant 0 : i32
        %dma_wait3A_1083 = arith.constant 0 : i32
        %dma_wait3A_1084 = tpu.memref_slice %arg4[%dma_wait3A_1068, %dma_wait3A_1069, %dma_wait3A_1070, %dma_wait3A_1082, %dma_wait3A_1083] : memref<50x4x128x8x128xf32, #tpu.memory_space<hbm>> -> memref<1x1x1x8x128xf32, #tpu.memory_space<hbm>>
        %dma_wait3A_1085 = tpu.memref_squeeze %dma_wait3A_1084 : memref<1x1x1x8x128xf32, #tpu.memory_space<hbm>> -> memref<8x128xf32, #tpu.memory_space<hbm>>
        %dma_wait3A_1086 = arith.constant 16 : i32
        %dma_wait3A_1087 = arith.constant 0 : i32
        %dma_wait3A_1088 = tpu.memref_slice %arg7[%dma_wait3A_1067, %dma_wait3A_1086, %dma_wait3A_1087] : memref<4x32x137xf32, #tpu.memory_space<vmem>> -> memref<1x8x128xf32, #tpu.memory_space<vmem>>
        %dma_wait3A_1089 = tpu.memref_squeeze %dma_wait3A_1088 : memref<1x8x128xf32, #tpu.memory_space<vmem>> -> memref<8x128xf32, #tpu.memory_space<vmem>>
        tpu.wait_dma2 semaphore(%dma_wait3A_1081 : memref<!tpu.dma_semaphore, #tpu.memory_space<semaphore_mem>>) src(%dma_wait3A_1089 : memref<8x128xf32, #tpu.memory_space<vmem>>) dst(%dma_wait3A_1085 : memref<8x128xf32, #tpu.memory_space<hbm>>)
        %dma_wait3A_1090 = arith.constant 2 : i32
        %dma_wait3A_1091 = arith.constant 0 : i32
        %dma_wait3A_1092 = arith.constant 3 : i32
        %dma_wait3A_1093 = arith.constant 0 : i32
        %dma_wait3A_1094 = arith.constant 2 : i32
        %dma_wait3A_1095 = arith.constant 24 : i32
        %dma_wait3A_1096 = arith.constant 0 : i32
        %dma_wait3A_1097 = tpu.memref_slice %arg7[%dma_wait3A_1090, %dma_wait3A_1095, %dma_wait3A_1096] : memref<4x32x137xf32, #tpu.memory_space<vmem>> -> memref<1x8x128xf32, #tpu.memory_space<vmem>>
        %dma_wait3A_1098 = tpu.memref_squeeze %dma_wait3A_1097 : memref<1x8x128xf32, #tpu.memory_space<vmem>> -> memref<8x128xf32, #tpu.memory_space<vmem>>
        %dma_wait3A_1099 = arith.constant 0 : i32
        %dma_wait3A_1100 = arith.constant 0 : i32
        %dma_wait3A_1101 = tpu.memref_slice %arg4[%dma_wait3A_1091, %dma_wait3A_1092, %dma_wait3A_1093, %dma_wait3A_1099, %dma_wait3A_1100] : memref<50x4x128x8x128xf32, #tpu.memory_space<hbm>> -> memref<1x1x1x8x128xf32, #tpu.memory_space<hbm>>
        %dma_wait3A_1102 = tpu.memref_squeeze %dma_wait3A_1101 : memref<1x1x1x8x128xf32, #tpu.memory_space<hbm>> -> memref<8x128xf32, #tpu.memory_space<hbm>>
        %dma_wait3A_1103 = tpu.memref_slice %arg9[%dma_wait3A_1094] : memref<4x!tpu.dma_semaphore, #tpu.memory_space<semaphore_mem>> -> memref<1x!tpu.dma_semaphore, #tpu.memory_space<semaphore_mem>>
        %dma_wait3A_1104 = tpu.memref_squeeze %dma_wait3A_1103 : memref<1x!tpu.dma_semaphore, #tpu.memory_space<semaphore_mem>> -> memref<!tpu.dma_semaphore, #tpu.memory_space<semaphore_mem>>
        %dma_wait3A_1105 = arith.constant 0 : i32
        %dma_wait3A_1106 = arith.constant 0 : i32
        %dma_wait3A_1107 = tpu.memref_slice %arg4[%dma_wait3A_1091, %dma_wait3A_1092, %dma_wait3A_1093, %dma_wait3A_1105, %dma_wait3A_1106] : memref<50x4x128x8x128xf32, #tpu.memory_space<hbm>> -> memref<1x1x1x8x128xf32, #tpu.memory_space<hbm>>
        %dma_wait3A_1108 = tpu.memref_squeeze %dma_wait3A_1107 : memref<1x1x1x8x128xf32, #tpu.memory_space<hbm>> -> memref<8x128xf32, #tpu.memory_space<hbm>>
        %dma_wait3A_1109 = arith.constant 24 : i32
        %dma_wait3A_1110 = arith.constant 0 : i32
        %dma_wait3A_1111 = tpu.memref_slice %arg7[%dma_wait3A_1090, %dma_wait3A_1109, %dma_wait3A_1110] : memref<4x32x137xf32, #tpu.memory_space<vmem>> -> memref<1x8x128xf32, #tpu.memory_space<vmem>>
        %dma_wait3A_1112 = tpu.memref_squeeze %dma_wait3A_1111 : memref<1x8x128xf32, #tpu.memory_space<vmem>> -> memref<8x128xf32, #tpu.memory_space<vmem>>
        tpu.wait_dma2 semaphore(%dma_wait3A_1104 : memref<!tpu.dma_semaphore, #tpu.memory_space<semaphore_mem>>) src(%dma_wait3A_1112 : memref<8x128xf32, #tpu.memory_space<vmem>>) dst(%dma_wait3A_1108 : memref<8x128xf32, #tpu.memory_space<hbm>>)
      } else {
      }
      %scan3A_777 = arith.constant 0 : i32
      %scan3A_778 = arith.constant 128 : i32
      %scan3A_779 = arith.addi %scan3A_777, %scan3A_778 : i32
      %scan3A_780 = arith.constant 8 : i32
      scf.for %scan3A_1021 = %scan3A_777 to %scan3A_779 step %scan3A_780  : i32 {
        %mul3A_1022 = arith.constant 1 : i32
        %mul3A_1023 = arith.muli %scan3A_1021, %mul3A_1022 : i32
        %add3A_1024 = arith.constant 0 : i32
        %add3A_1025 = arith.addi %add3A_1024, %mul3A_1023 : i32
        %broadcast_in_dim3A = vector.broadcast %add3A_1025 : i32 to vector<16xi32>
        %get3A = arith.constant 2 : i32
        %get3A_1026 = arith.index_cast %get3A : i32 to index
        %get3A_1027 = arith.index_cast %add3A_1025 : i32 to index
        %get3A_1028 = arith.constant 0 : index
        %get3A_1029 = tpu.vector_load %arg6[%get3A_1026, %get3A_1027, %get3A_1028] {strides = array<i32>} : memref<4x128x32xf32, #tpu.memory_space<vmem>>, vector<16xf32>,
        %get3A_1030 = arith.constant 2 : i32
        %get3A_1031 = arith.index_cast %get3A_1030 : i32 to index
        %get3A_1032 = arith.index_cast %add3A_1025 : i32 to index
        %get3A_1033 = arith.constant 16 : index
        %get3A_1034 = tpu.vector_load %arg6[%get3A_1031, %get3A_1032, %get3A_1033] {strides = array<i32>} : memref<4x128x32xf32, #tpu.memory_space<vmem>>, vector<16xf32>,
        %scatter3A = arith.constant 2 : i32
        %scatter3A_1035 = arith.constant 0 : i32
        %scatter3A_1036 = arith.constant 0 : i32
        %scatter3A_1037 = tpu.memref_slice %arg7[%scatter3A, %scatter3A_1035, %scatter3A_1036] : memref<4x32x137xf32, #tpu.memory_space<vmem>> -> memref<1x32x137xf32, #tpu.memory_space<vmem>>
        %scatter3A_1038 = tpu.memref_squeeze %scatter3A_1037 : memref<1x32x137xf32, #tpu.memory_space<vmem>> -> memref<32x137xf32, #tpu.memory_space<vmem>>
        tpu.vector_store_idx %scatter3A_1038[%iota3A, %broadcast_in_dim3A], %get3A_1029 : memref<32x137xf32, #tpu.memory_space<vmem>>[vector<16xi32>, vector<16xi32>], vector<16xf32>,
        %scatter3A_1039 = arith.constant 2 : i32
        %scatter3A_1040 = arith.constant 0 : i32
        %scatter3A_1041 = arith.constant 0 : i32
        %scatter3A_1042 = tpu.memref_slice %arg7[%scatter3A_1039, %scatter3A_1040, %scatter3A_1041] : memref<4x32x137xf32, #tpu.memory_space<vmem>> -> memref<1x32x137xf32, #tpu.memory_space<vmem>>
        %scatter3A_1043 = tpu.memref_squeeze %scatter3A_1042 : memref<1x32x137xf32, #tpu.memory_space<vmem>> -> memref<32x137xf32, #tpu.memory_space<vmem>>
        tpu.vector_store_idx %scatter3A_1043[%add3A_5, %broadcast_in_dim3A], %get3A_1034 : memref<32x137xf32, #tpu.memory_space<vmem>>[vector<16xi32>, vector<16xi32>], vector<16xf32>,
        %scan3A_1044 = arith.constant 1 : i32
        %scan3A_1045 = arith.addi %scan3A_1021, %scan3A_1044 : i32
        %mul3A_1046 = arith.constant 1 : i32
        %mul3A_1047 = arith.muli %scan3A_1045, %mul3A_1046 : i32
        %add3A_1048 = arith.constant 0 : i32
        %add3A_1049 = arith.addi %add3A_1048, %mul3A_1047 : i32
        %broadcast_in_dim3A_1050 = vector.broadcast %add3A_1049 : i32 to vector<16xi32>
        %get3A_1051 = arith.constant 2 : i32
        %get3A_1052 = arith.index_cast %get3A_1051 : i32 to index
        %get3A_1053 = arith.index_cast %add3A_1049 : i32 to index
        %get3A_1054 = arith.constant 0 : index
        %get3A_1055 = tpu.vector_load %arg6[%get3A_1052, %get3A_1053, %get3A_1054] {strides = array<i32>} : memref<4x128x32xf32, #tpu.memory_space<vmem>>, vector<16xf32>,
        %get3A_1056 = arith.constant 2 : i32
        %get3A_1057 = arith.index_cast %get3A_1056 : i32 to index
        %get3A_1058 = arith.index_cast %add3A_1049 : i32 to index
        %get3A_1059 = arith.constant 16 : index
        %get3A_1060 = tpu.vector_load %arg6[%get3A_1057, %get3A_1058, %get3A_1059] {strides = array<i32>} : memref<4x128x32xf32, #tpu.memory_space<vmem>>, vector<16xf32>,
        %scatter3A_1061 = arith.constant 2 : i32
        %scatter3A_1062 = arith.constant 0 : i32
        %scatter3A_1063 = arith.constant 0 : i32
        %scatter3A_1064 = tpu.memref_slice %arg7[%scatter3A_1061, %scatter3A_1062, %scatter3A_1063] : memref<4x32x137xf32, #tpu.memory_space<vmem>> -> memref<1x32x137xf32, #tpu.memory_space<vmem>>
        %scatter3A_1065 = tpu.memref_squeeze %scatter3A_1064 : memref<1x32x137xf32, #tpu.memory_space<vmem>> -> memref<32x137xf32, #tpu.memory_space<vmem>>
        tpu.vector_store_idx %scatter3A_1065[%iota3A, %broadcast_in_dim3A_1050], %get3A_1055 : memref<32x137xf32, #tpu.memory_space<vmem>>[vector<16xi32>, vector<16xi32>], vector<16xf32>,
        %scatter3A_1066 = arith.constant 2 : i32
        %scatter3A_1067 = arith.constant 0 : i32
        %scatter3A_1068 = arith.constant 0 : i32
        %scatter3A_1069 = tpu.memref_slice %arg7[%scatter3A_1066, %scatter3A_1067, %scatter3A_1068] : memref<4x32x137xf32, #tpu.memory_space<vmem>> -> memref<1x32x137xf32, #tpu.memory_space<vmem>>
        %scatter3A_1070 = tpu.memref_squeeze %scatter3A_1069 : memref<1x32x137xf32, #tpu.memory_space<vmem>> -> memref<32x137xf32, #tpu.memory_space<vmem>>
        tpu.vector_store_idx %scatter3A_1070[%add3A_5, %broadcast_in_dim3A_1050], %get3A_1060 : memref<32x137xf32, #tpu.memory_space<vmem>>[vector<16xi32>, vector<16xi32>], vector<16xf32>,
        %scan3A_1071 = arith.constant 2 : i32
        %scan3A_1072 = arith.addi %scan3A_1021, %scan3A_1071 : i32
        %mul3A_1073 = arith.constant 1 : i32
        %mul3A_1074 = arith.muli %scan3A_1072, %mul3A_1073 : i32
        %add3A_1075 = arith.constant 0 : i32
        %add3A_1076 = arith.addi %add3A_1075, %mul3A_1074 : i32
        %broadcast_in_dim3A_1077 = vector.broadcast %add3A_1076 : i32 to vector<16xi32>
        %get3A_1078 = arith.constant 2 : i32
        %get3A_1079 = arith.index_cast %get3A_1078 : i32 to index
        %get3A_1080 = arith.index_cast %add3A_1076 : i32 to index
        %get3A_1081 = arith.constant 0 : index
        %get3A_1082 = tpu.vector_load %arg6[%get3A_1079, %get3A_1080, %get3A_1081] {strides = array<i32>} : memref<4x128x32xf32, #tpu.memory_space<vmem>>, vector<16xf32>,
        %get3A_1083 = arith.constant 2 : i32
        %get3A_1084 = arith.index_cast %get3A_1083 : i32 to index
        %get3A_1085 = arith.index_cast %add3A_1076 : i32 to index
        %get3A_1086 = arith.constant 16 : index
        %get3A_1087 = tpu.vector_load %arg6[%get3A_1084, %get3A_1085, %get3A_1086] {strides = array<i32>} : memref<4x128x32xf32, #tpu.memory_space<vmem>>, vector<16xf32>,
        %scatter3A_1088 = arith.constant 2 : i32
        %scatter3A_1089 = arith.constant 0 : i32
        %scatter3A_1090 = arith.constant 0 : i32
        %scatter3A_1091 = tpu.memref_slice %arg7[%scatter3A_1088, %scatter3A_1089, %scatter3A_1090] : memref<4x32x137xf32, #tpu.memory_space<vmem>> -> memref<1x32x137xf32, #tpu.memory_space<vmem>>
        %scatter3A_1092 = tpu.memref_squeeze %scatter3A_1091 : memref<1x32x137xf32, #tpu.memory_space<vmem>> -> memref<32x137xf32, #tpu.memory_space<vmem>>
        tpu.vector_store_idx %scatter3A_1092[%iota3A, %broadcast_in_dim3A_1077], %get3A_1082 : memref<32x137xf32, #tpu.memory_space<vmem>>[vector<16xi32>, vector<16xi32>], vector<16xf32>,
        %scatter3A_1093 = arith.constant 2 : i32
        %scatter3A_1094 = arith.constant 0 : i32
        %scatter3A_1095 = arith.constant 0 : i32
        %scatter3A_1096 = tpu.memref_slice %arg7[%scatter3A_1093, %scatter3A_1094, %scatter3A_1095] : memref<4x32x137xf32, #tpu.memory_space<vmem>> -> memref<1x32x137xf32, #tpu.memory_space<vmem>>
        %scatter3A_1097 = tpu.memref_squeeze %scatter3A_1096 : memref<1x32x137xf32, #tpu.memory_space<vmem>> -> memref<32x137xf32, #tpu.memory_space<vmem>>
        tpu.vector_store_idx %scatter3A_1097[%add3A_5, %broadcast_in_dim3A_1077], %get3A_1087 : memref<32x137xf32, #tpu.memory_space<vmem>>[vector<16xi32>, vector<16xi32>], vector<16xf32>,
        %scan3A_1098 = arith.constant 3 : i32
        %scan3A_1099 = arith.addi %scan3A_1021, %scan3A_1098 : i32
        %mul3A_1100 = arith.constant 1 : i32
        %mul3A_1101 = arith.muli %scan3A_1099, %mul3A_1100 : i32
        %add3A_1102 = arith.constant 0 : i32
        %add3A_1103 = arith.addi %add3A_1102, %mul3A_1101 : i32
        %broadcast_in_dim3A_1104 = vector.broadcast %add3A_1103 : i32 to vector<16xi32>
        %get3A_1105 = arith.constant 2 : i32
        %get3A_1106 = arith.index_cast %get3A_1105 : i32 to index
        %get3A_1107 = arith.index_cast %add3A_1103 : i32 to index
        %get3A_1108 = arith.constant 0 : index
        %get3A_1109 = tpu.vector_load %arg6[%get3A_1106, %get3A_1107, %get3A_1108] {strides = array<i32>} : memref<4x128x32xf32, #tpu.memory_space<vmem>>, vector<16xf32>,
        %get3A_1110 = arith.constant 2 : i32
        %get3A_1111 = arith.index_cast %get3A_1110 : i32 to index
        %get3A_1112 = arith.index_cast %add3A_1103 : i32 to index
        %get3A_1113 = arith.constant 16 : index
        %get3A_1114 = tpu.vector_load %arg6[%get3A_1111, %get3A_1112, %get3A_1113] {strides = array<i32>} : memref<4x128x32xf32, #tpu.memory_space<vmem>>, vector<16xf32>,
        %scatter3A_1115 = arith.constant 2 : i32
        %scatter3A_1116 = arith.constant 0 : i32
        %scatter3A_1117 = arith.constant 0 : i32
        %scatter3A_1118 = tpu.memref_slice %arg7[%scatter3A_1115, %scatter3A_1116, %scatter3A_1117] : memref<4x32x137xf32, #tpu.memory_space<vmem>> -> memref<1x32x137xf32, #tpu.memory_space<vmem>>
        %scatter3A_1119 = tpu.memref_squeeze %scatter3A_1118 : memref<1x32x137xf32, #tpu.memory_space<vmem>> -> memref<32x137xf32, #tpu.memory_space<vmem>>
        tpu.vector_store_idx %scatter3A_1119[%iota3A, %broadcast_in_dim3A_1104], %get3A_1109 : memref<32x137xf32, #tpu.memory_space<vmem>>[vector<16xi32>, vector<16xi32>], vector<16xf32>,
        %scatter3A_1120 = arith.constant 2 : i32
        %scatter3A_1121 = arith.constant 0 : i32
        %scatter3A_1122 = arith.constant 0 : i32
        %scatter3A_1123 = tpu.memref_slice %arg7[%scatter3A_1120, %scatter3A_1121, %scatter3A_1122] : memref<4x32x137xf32, #tpu.memory_space<vmem>> -> memref<1x32x137xf32, #tpu.memory_space<vmem>>
        %scatter3A_1124 = tpu.memref_squeeze %scatter3A_1123 : memref<1x32x137xf32, #tpu.memory_space<vmem>> -> memref<32x137xf32, #tpu.memory_space<vmem>>
        tpu.vector_store_idx %scatter3A_1124[%add3A_5, %broadcast_in_dim3A_1104], %get3A_1114 : memref<32x137xf32, #tpu.memory_space<vmem>>[vector<16xi32>, vector<16xi32>], vector<16xf32>,
        %scan3A_1125 = arith.constant 4 : i32
        %scan3A_1126 = arith.addi %scan3A_1021, %scan3A_1125 : i32
        %mul3A_1127 = arith.constant 1 : i32
        %mul3A_1128 = arith.muli %scan3A_1126, %mul3A_1127 : i32
        %add3A_1129 = arith.constant 0 : i32
        %add3A_1130 = arith.addi %add3A_1129, %mul3A_1128 : i32
        %broadcast_in_dim3A_1131 = vector.broadcast %add3A_1130 : i32 to vector<16xi32>
        %get3A_1132 = arith.constant 2 : i32
        %get3A_1133 = arith.index_cast %get3A_1132 : i32 to index
        %get3A_1134 = arith.index_cast %add3A_1130 : i32 to index
        %get3A_1135 = arith.constant 0 : index
        %get3A_1136 = tpu.vector_load %arg6[%get3A_1133, %get3A_1134, %get3A_1135] {strides = array<i32>} : memref<4x128x32xf32, #tpu.memory_space<vmem>>, vector<16xf32>,
        %get3A_1137 = arith.constant 2 : i32
        %get3A_1138 = arith.index_cast %get3A_1137 : i32 to index
        %get3A_1139 = arith.index_cast %add3A_1130 : i32 to index
        %get3A_1140 = arith.constant 16 : index
        %get3A_1141 = tpu.vector_load %arg6[%get3A_1138, %get3A_1139, %get3A_1140] {strides = array<i32>} : memref<4x128x32xf32, #tpu.memory_space<vmem>>, vector<16xf32>,
        %scatter3A_1142 = arith.constant 2 : i32
        %scatter3A_1143 = arith.constant 0 : i32
        %scatter3A_1144 = arith.constant 0 : i32
        %scatter3A_1145 = tpu.memref_slice %arg7[%scatter3A_1142, %scatter3A_1143, %scatter3A_1144] : memref<4x32x137xf32, #tpu.memory_space<vmem>> -> memref<1x32x137xf32, #tpu.memory_space<vmem>>
        %scatter3A_1146 = tpu.memref_squeeze %scatter3A_1145 : memref<1x32x137xf32, #tpu.memory_space<vmem>> -> memref<32x137xf32, #tpu.memory_space<vmem>>
        tpu.vector_store_idx %scatter3A_1146[%iota3A, %broadcast_in_dim3A_1131], %get3A_1136 : memref<32x137xf32, #tpu.memory_space<vmem>>[vector<16xi32>, vector<16xi32>], vector<16xf32>,
        %scatter3A_1147 = arith.constant 2 : i32
        %scatter3A_1148 = arith.constant 0 : i32
        %scatter3A_1149 = arith.constant 0 : i32
        %scatter3A_1150 = tpu.memref_slice %arg7[%scatter3A_1147, %scatter3A_1148, %scatter3A_1149] : memref<4x32x137xf32, #tpu.memory_space<vmem>> -> memref<1x32x137xf32, #tpu.memory_space<vmem>>
        %scatter3A_1151 = tpu.memref_squeeze %scatter3A_1150 : memref<1x32x137xf32, #tpu.memory_space<vmem>> -> memref<32x137xf32, #tpu.memory_space<vmem>>
        tpu.vector_store_idx %scatter3A_1151[%add3A_5, %broadcast_in_dim3A_1131], %get3A_1141 : memref<32x137xf32, #tpu.memory_space<vmem>>[vector<16xi32>, vector<16xi32>], vector<16xf32>,
        %scan3A_1152 = arith.constant 5 : i32
        %scan3A_1153 = arith.addi %scan3A_1021, %scan3A_1152 : i32
        %mul3A_1154 = arith.constant 1 : i32
        %mul3A_1155 = arith.muli %scan3A_1153, %mul3A_1154 : i32
        %add3A_1156 = arith.constant 0 : i32
        %add3A_1157 = arith.addi %add3A_1156, %mul3A_1155 : i32
        %broadcast_in_dim3A_1158 = vector.broadcast %add3A_1157 : i32 to vector<16xi32>
        %get3A_1159 = arith.constant 2 : i32
        %get3A_1160 = arith.index_cast %get3A_1159 : i32 to index
        %get3A_1161 = arith.index_cast %add3A_1157 : i32 to index
        %get3A_1162 = arith.constant 0 : index
        %get3A_1163 = tpu.vector_load %arg6[%get3A_1160, %get3A_1161, %get3A_1162] {strides = array<i32>} : memref<4x128x32xf32, #tpu.memory_space<vmem>>, vector<16xf32>,
        %get3A_1164 = arith.constant 2 : i32
        %get3A_1165 = arith.index_cast %get3A_1164 : i32 to index
        %get3A_1166 = arith.index_cast %add3A_1157 : i32 to index
        %get3A_1167 = arith.constant 16 : index
        %get3A_1168 = tpu.vector_load %arg6[%get3A_1165, %get3A_1166, %get3A_1167] {strides = array<i32>} : memref<4x128x32xf32, #tpu.memory_space<vmem>>, vector<16xf32>,
        %scatter3A_1169 = arith.constant 2 : i32
        %scatter3A_1170 = arith.constant 0 : i32
        %scatter3A_1171 = arith.constant 0 : i32
        %scatter3A_1172 = tpu.memref_slice %arg7[%scatter3A_1169, %scatter3A_1170, %scatter3A_1171] : memref<4x32x137xf32, #tpu.memory_space<vmem>> -> memref<1x32x137xf32, #tpu.memory_space<vmem>>
        %scatter3A_1173 = tpu.memref_squeeze %scatter3A_1172 : memref<1x32x137xf32, #tpu.memory_space<vmem>> -> memref<32x137xf32, #tpu.memory_space<vmem>>
        tpu.vector_store_idx %scatter3A_1173[%iota3A, %broadcast_in_dim3A_1158], %get3A_1163 : memref<32x137xf32, #tpu.memory_space<vmem>>[vector<16xi32>, vector<16xi32>], vector<16xf32>,
        %scatter3A_1174 = arith.constant 2 : i32
        %scatter3A_1175 = arith.constant 0 : i32
        %scatter3A_1176 = arith.constant 0 : i32
        %scatter3A_1177 = tpu.memref_slice %arg7[%scatter3A_1174, %scatter3A_1175, %scatter3A_1176] : memref<4x32x137xf32, #tpu.memory_space<vmem>> -> memref<1x32x137xf32, #tpu.memory_space<vmem>>
        %scatter3A_1178 = tpu.memref_squeeze %scatter3A_1177 : memref<1x32x137xf32, #tpu.memory_space<vmem>> -> memref<32x137xf32, #tpu.memory_space<vmem>>
        tpu.vector_store_idx %scatter3A_1178[%add3A_5, %broadcast_in_dim3A_1158], %get3A_1168 : memref<32x137xf32, #tpu.memory_space<vmem>>[vector<16xi32>, vector<16xi32>], vector<16xf32>,
        %scan3A_1179 = arith.constant 6 : i32
        %scan3A_1180 = arith.addi %scan3A_1021, %scan3A_1179 : i32
        %mul3A_1181 = arith.constant 1 : i32
        %mul3A_1182 = arith.muli %scan3A_1180, %mul3A_1181 : i32
        %add3A_1183 = arith.constant 0 : i32
        %add3A_1184 = arith.addi %add3A_1183, %mul3A_1182 : i32
        %broadcast_in_dim3A_1185 = vector.broadcast %add3A_1184 : i32 to vector<16xi32>
        %get3A_1186 = arith.constant 2 : i32
        %get3A_1187 = arith.index_cast %get3A_1186 : i32 to index
        %get3A_1188 = arith.index_cast %add3A_1184 : i32 to index
        %get3A_1189 = arith.constant 0 : index
        %get3A_1190 = tpu.vector_load %arg6[%get3A_1187, %get3A_1188, %get3A_1189] {strides = array<i32>} : memref<4x128x32xf32, #tpu.memory_space<vmem>>, vector<16xf32>,
        %get3A_1191 = arith.constant 2 : i32
        %get3A_1192 = arith.index_cast %get3A_1191 : i32 to index
        %get3A_1193 = arith.index_cast %add3A_1184 : i32 to index
        %get3A_1194 = arith.constant 16 : index
        %get3A_1195 = tpu.vector_load %arg6[%get3A_1192, %get3A_1193, %get3A_1194] {strides = array<i32>} : memref<4x128x32xf32, #tpu.memory_space<vmem>>, vector<16xf32>,
        %scatter3A_1196 = arith.constant 2 : i32
        %scatter3A_1197 = arith.constant 0 : i32
        %scatter3A_1198 = arith.constant 0 : i32
        %scatter3A_1199 = tpu.memref_slice %arg7[%scatter3A_1196, %scatter3A_1197, %scatter3A_1198] : memref<4x32x137xf32, #tpu.memory_space<vmem>> -> memref<1x32x137xf32, #tpu.memory_space<vmem>>
        %scatter3A_1200 = tpu.memref_squeeze %scatter3A_1199 : memref<1x32x137xf32, #tpu.memory_space<vmem>> -> memref<32x137xf32, #tpu.memory_space<vmem>>
        tpu.vector_store_idx %scatter3A_1200[%iota3A, %broadcast_in_dim3A_1185], %get3A_1190 : memref<32x137xf32, #tpu.memory_space<vmem>>[vector<16xi32>, vector<16xi32>], vector<16xf32>,
        %scatter3A_1201 = arith.constant 2 : i32
        %scatter3A_1202 = arith.constant 0 : i32
        %scatter3A_1203 = arith.constant 0 : i32
        %scatter3A_1204 = tpu.memref_slice %arg7[%scatter3A_1201, %scatter3A_1202, %scatter3A_1203] : memref<4x32x137xf32, #tpu.memory_space<vmem>> -> memref<1x32x137xf32, #tpu.memory_space<vmem>>
        %scatter3A_1205 = tpu.memref_squeeze %scatter3A_1204 : memref<1x32x137xf32, #tpu.memory_space<vmem>> -> memref<32x137xf32, #tpu.memory_space<vmem>>
        tpu.vector_store_idx %scatter3A_1205[%add3A_5, %broadcast_in_dim3A_1185], %get3A_1195 : memref<32x137xf32, #tpu.memory_space<vmem>>[vector<16xi32>, vector<16xi32>], vector<16xf32>,
        %scan3A_1206 = arith.constant 7 : i32
        %scan3A_1207 = arith.addi %scan3A_1021, %scan3A_1206 : i32
        %mul3A_1208 = arith.constant 1 : i32
        %mul3A_1209 = arith.muli %scan3A_1207, %mul3A_1208 : i32
        %add3A_1210 = arith.constant 0 : i32
        %add3A_1211 = arith.addi %add3A_1210, %mul3A_1209 : i32
        %broadcast_in_dim3A_1212 = vector.broadcast %add3A_1211 : i32 to vector<16xi32>
        %get3A_1213 = arith.constant 2 : i32
        %get3A_1214 = arith.index_cast %get3A_1213 : i32 to index
        %get3A_1215 = arith.index_cast %add3A_1211 : i32 to index
        %get3A_1216 = arith.constant 0 : index
        %get3A_1217 = tpu.vector_load %arg6[%get3A_1214, %get3A_1215, %get3A_1216] {strides = array<i32>} : memref<4x128x32xf32, #tpu.memory_space<vmem>>, vector<16xf32>,
        %get3A_1218 = arith.constant 2 : i32
        %get3A_1219 = arith.index_cast %get3A_1218 : i32 to index
        %get3A_1220 = arith.index_cast %add3A_1211 : i32 to index
        %get3A_1221 = arith.constant 16 : index
        %get3A_1222 = tpu.vector_load %arg6[%get3A_1219, %get3A_1220, %get3A_1221] {strides = array<i32>} : memref<4x128x32xf32, #tpu.memory_space<vmem>>, vector<16xf32>,
        %scatter3A_1223 = arith.constant 2 : i32
        %scatter3A_1224 = arith.constant 0 : i32
        %scatter3A_1225 = arith.constant 0 : i32
        %scatter3A_1226 = tpu.memref_slice %arg7[%scatter3A_1223, %scatter3A_1224, %scatter3A_1225] : memref<4x32x137xf32, #tpu.memory_space<vmem>> -> memref<1x32x137xf32, #tpu.memory_space<vmem>>
        %scatter3A_1227 = tpu.memref_squeeze %scatter3A_1226 : memref<1x32x137xf32, #tpu.memory_space<vmem>> -> memref<32x137xf32, #tpu.memory_space<vmem>>
        tpu.vector_store_idx %scatter3A_1227[%iota3A, %broadcast_in_dim3A_1212], %get3A_1217 : memref<32x137xf32, #tpu.memory_space<vmem>>[vector<16xi32>, vector<16xi32>], vector<16xf32>,
        %scatter3A_1228 = arith.constant 2 : i32
        %scatter3A_1229 = arith.constant 0 : i32
        %scatter3A_1230 = arith.constant 0 : i32
        %scatter3A_1231 = tpu.memref_slice %arg7[%scatter3A_1228, %scatter3A_1229, %scatter3A_1230] : memref<4x32x137xf32, #tpu.memory_space<vmem>> -> memref<1x32x137xf32, #tpu.memory_space<vmem>>
        %scatter3A_1232 = tpu.memref_squeeze %scatter3A_1231 : memref<1x32x137xf32, #tpu.memory_space<vmem>> -> memref<32x137xf32, #tpu.memory_space<vmem>>
        tpu.vector_store_idx %scatter3A_1232[%add3A_5, %broadcast_in_dim3A_1212], %get3A_1222 : memref<32x137xf32, #tpu.memory_space<vmem>>[vector<16xi32>, vector<16xi32>], vector<16xf32>,
      }
      %scan3A_781 = arith.constant 128 : i32
      %dma_start3A_782 = arith.constant 2 : i32
      %dma_start3A_783 = arith.constant 0 : i32
      %dma_start3A_784 = arith.constant 2 : i32
      %dma_start3A_785 = arith.constant 0 : i32
      %dma_start3A_786 = arith.constant 0 : i32
      %dma_start3A_787 = tpu.memref_slice %arg7[%dma_start3A_782, %dma_start3A_785, %dma_start3A_786] : memref<4x32x137xf32, #tpu.memory_space<vmem>> -> memref<1x8x128xf32, #tpu.memory_space<vmem>>
      %dma_start3A_788 = tpu.memref_squeeze %dma_start3A_787 : memref<1x8x128xf32, #tpu.memory_space<vmem>> -> memref<8x128xf32, #tpu.memory_space<vmem>>
      %dma_start3A_789 = arith.constant 0 : i32
      %dma_start3A_790 = arith.constant 0 : i32
      %dma_start3A_791 = tpu.memref_slice %arg4[%select_n3A_751, %dma_start3A_783, %rem3A_753, %dma_start3A_789, %dma_start3A_790] : memref<50x4x128x8x128xf32, #tpu.memory_space<hbm>> -> memref<1x1x1x8x128xf32, #tpu.memory_space<hbm>>
      %dma_start3A_792 = tpu.memref_squeeze %dma_start3A_791 : memref<1x1x1x8x128xf32, #tpu.memory_space<hbm>> -> memref<8x128xf32, #tpu.memory_space<hbm>>
      %dma_start3A_793 = tpu.memref_slice %arg9[%dma_start3A_784] : memref<4x!tpu.dma_semaphore, #tpu.memory_space<semaphore_mem>> -> memref<1x!tpu.dma_semaphore, #tpu.memory_space<semaphore_mem>>
      %dma_start3A_794 = tpu.memref_squeeze %dma_start3A_793 : memref<1x!tpu.dma_semaphore, #tpu.memory_space<semaphore_mem>> -> memref<!tpu.dma_semaphore, #tpu.memory_space<semaphore_mem>>
      %dma_start3A_795 = arith.constant 0 : i32
      %dma_start3A_796 = arith.constant 0 : i32
      %dma_start3A_797 = tpu.memref_slice %arg4[%select_n3A_751, %dma_start3A_783, %rem3A_753, %dma_start3A_795, %dma_start3A_796] : memref<50x4x128x8x128xf32, #tpu.memory_space<hbm>> -> memref<1x1x1x8x128xf32, #tpu.memory_space<hbm>>
      %dma_start3A_798 = tpu.memref_squeeze %dma_start3A_797 : memref<1x1x1x8x128xf32, #tpu.memory_space<hbm>> -> memref<8x128xf32, #tpu.memory_space<hbm>>
      %dma_start3A_799 = arith.constant 0 : i32
      %dma_start3A_800 = arith.constant 0 : i32
      %dma_start3A_801 = tpu.memref_slice %arg7[%dma_start3A_782, %dma_start3A_799, %dma_start3A_800] : memref<4x32x137xf32, #tpu.memory_space<vmem>> -> memref<1x8x128xf32, #tpu.memory_space<vmem>>
      %dma_start3A_802 = tpu.memref_squeeze %dma_start3A_801 : memref<1x8x128xf32, #tpu.memory_space<vmem>> -> memref<8x128xf32, #tpu.memory_space<vmem>>
      tpu.enqueue_dma source(%dma_start3A_802 : memref<8x128xf32, #tpu.memory_space<vmem>>) target(%dma_start3A_798 : memref<8x128xf32, #tpu.memory_space<hbm>>) target_semaphore(%dma_start3A_794 : memref<!tpu.dma_semaphore, #tpu.memory_space<semaphore_mem>>)
      %dma_start3A_803 = arith.constant 2 : i32
      %dma_start3A_804 = arith.constant 1 : i32
      %dma_start3A_805 = arith.constant 2 : i32
      %dma_start3A_806 = arith.constant 8 : i32
      %dma_start3A_807 = arith.constant 0 : i32
      %dma_start3A_808 = tpu.memref_slice %arg7[%dma_start3A_803, %dma_start3A_806, %dma_start3A_807] : memref<4x32x137xf32, #tpu.memory_space<vmem>> -> memref<1x8x128xf32, #tpu.memory_space<vmem>>
      %dma_start3A_809 = tpu.memref_squeeze %dma_start3A_808 : memref<1x8x128xf32, #tpu.memory_space<vmem>> -> memref<8x128xf32, #tpu.memory_space<vmem>>
      %dma_start3A_810 = arith.constant 0 : i32
      %dma_start3A_811 = arith.constant 0 : i32
      %dma_start3A_812 = tpu.memref_slice %arg4[%select_n3A_751, %dma_start3A_804, %rem3A_753, %dma_start3A_810, %dma_start3A_811] : memref<50x4x128x8x128xf32, #tpu.memory_space<hbm>> -> memref<1x1x1x8x128xf32, #tpu.memory_space<hbm>>
      %dma_start3A_813 = tpu.memref_squeeze %dma_start3A_812 : memref<1x1x1x8x128xf32, #tpu.memory_space<hbm>> -> memref<8x128xf32, #tpu.memory_space<hbm>>
      %dma_start3A_814 = tpu.memref_slice %arg9[%dma_start3A_805] : memref<4x!tpu.dma_semaphore, #tpu.memory_space<semaphore_mem>> -> memref<1x!tpu.dma_semaphore, #tpu.memory_space<semaphore_mem>>
      %dma_start3A_815 = tpu.memref_squeeze %dma_start3A_814 : memref<1x!tpu.dma_semaphore, #tpu.memory_space<semaphore_mem>> -> memref<!tpu.dma_semaphore, #tpu.memory_space<semaphore_mem>>
      %dma_start3A_816 = arith.constant 0 : i32
      %dma_start3A_817 = arith.constant 0 : i32
      %dma_start3A_818 = tpu.memref_slice %arg4[%select_n3A_751, %dma_start3A_804, %rem3A_753, %dma_start3A_816, %dma_start3A_817] : memref<50x4x128x8x128xf32, #tpu.memory_space<hbm>> -> memref<1x1x1x8x128xf32, #tpu.memory_space<hbm>>
      %dma_start3A_819 = tpu.memref_squeeze %dma_start3A_818 : memref<1x1x1x8x128xf32, #tpu.memory_space<hbm>> -> memref<8x128xf32, #tpu.memory_space<hbm>>
      %dma_start3A_820 = arith.constant 8 : i32
      %dma_start3A_821 = arith.constant 0 : i32
      %dma_start3A_822 = tpu.memref_slice %arg7[%dma_start3A_803, %dma_start3A_820, %dma_start3A_821] : memref<4x32x137xf32, #tpu.memory_space<vmem>> -> memref<1x8x128xf32, #tpu.memory_space<vmem>>
      %dma_start3A_823 = tpu.memref_squeeze %dma_start3A_822 : memref<1x8x128xf32, #tpu.memory_space<vmem>> -> memref<8x128xf32, #tpu.memory_space<vmem>>
      tpu.enqueue_dma source(%dma_start3A_823 : memref<8x128xf32, #tpu.memory_space<vmem>>) target(%dma_start3A_819 : memref<8x128xf32, #tpu.memory_space<hbm>>) target_semaphore(%dma_start3A_815 : memref<!tpu.dma_semaphore, #tpu.memory_space<semaphore_mem>>)
      %dma_start3A_824 = arith.constant 2 : i32
      %dma_start3A_825 = arith.constant 2 : i32
      %dma_start3A_826 = arith.constant 2 : i32
      %dma_start3A_827 = arith.constant 16 : i32
      %dma_start3A_828 = arith.constant 0 : i32
      %dma_start3A_829 = tpu.memref_slice %arg7[%dma_start3A_824, %dma_start3A_827, %dma_start3A_828] : memref<4x32x137xf32, #tpu.memory_space<vmem>> -> memref<1x8x128xf32, #tpu.memory_space<vmem>>
      %dma_start3A_830 = tpu.memref_squeeze %dma_start3A_829 : memref<1x8x128xf32, #tpu.memory_space<vmem>> -> memref<8x128xf32, #tpu.memory_space<vmem>>
      %dma_start3A_831 = arith.constant 0 : i32
      %dma_start3A_832 = arith.constant 0 : i32
      %dma_start3A_833 = tpu.memref_slice %arg4[%select_n3A_751, %dma_start3A_825, %rem3A_753, %dma_start3A_831, %dma_start3A_832] : memref<50x4x128x8x128xf32, #tpu.memory_space<hbm>> -> memref<1x1x1x8x128xf32, #tpu.memory_space<hbm>>
      %dma_start3A_834 = tpu.memref_squeeze %dma_start3A_833 : memref<1x1x1x8x128xf32, #tpu.memory_space<hbm>> -> memref<8x128xf32, #tpu.memory_space<hbm>>
      %dma_start3A_835 = tpu.memref_slice %arg9[%dma_start3A_826] : memref<4x!tpu.dma_semaphore, #tpu.memory_space<semaphore_mem>> -> memref<1x!tpu.dma_semaphore, #tpu.memory_space<semaphore_mem>>
      %dma_start3A_836 = tpu.memref_squeeze %dma_start3A_835 : memref<1x!tpu.dma_semaphore, #tpu.memory_space<semaphore_mem>> -> memref<!tpu.dma_semaphore, #tpu.memory_space<semaphore_mem>>
      %dma_start3A_837 = arith.constant 0 : i32
      %dma_start3A_838 = arith.constant 0 : i32
      %dma_start3A_839 = tpu.memref_slice %arg4[%select_n3A_751, %dma_start3A_825, %rem3A_753, %dma_start3A_837, %dma_start3A_838] : memref<50x4x128x8x128xf32, #tpu.memory_space<hbm>> -> memref<1x1x1x8x128xf32, #tpu.memory_space<hbm>>
      %dma_start3A_840 = tpu.memref_squeeze %dma_start3A_839 : memref<1x1x1x8x128xf32, #tpu.memory_space<hbm>> -> memref<8x128xf32, #tpu.memory_space<hbm>>
      %dma_start3A_841 = arith.constant 16 : i32
      %dma_start3A_842 = arith.constant 0 : i32
      %dma_start3A_843 = tpu.memref_slice %arg7[%dma_start3A_824, %dma_start3A_841, %dma_start3A_842] : memref<4x32x137xf32, #tpu.memory_space<vmem>> -> memref<1x8x128xf32, #tpu.memory_space<vmem>>
      %dma_start3A_844 = tpu.memref_squeeze %dma_start3A_843 : memref<1x8x128xf32, #tpu.memory_space<vmem>> -> memref<8x128xf32, #tpu.memory_space<vmem>>
      tpu.enqueue_dma source(%dma_start3A_844 : memref<8x128xf32, #tpu.memory_space<vmem>>) target(%dma_start3A_840 : memref<8x128xf32, #tpu.memory_space<hbm>>) target_semaphore(%dma_start3A_836 : memref<!tpu.dma_semaphore, #tpu.memory_space<semaphore_mem>>)
      %dma_start3A_845 = arith.constant 2 : i32
      %dma_start3A_846 = arith.constant 3 : i32
      %dma_start3A_847 = arith.constant 2 : i32
      %dma_start3A_848 = arith.constant 24 : i32
      %dma_start3A_849 = arith.constant 0 : i32
      %dma_start3A_850 = tpu.memref_slice %arg7[%dma_start3A_845, %dma_start3A_848, %dma_start3A_849] : memref<4x32x137xf32, #tpu.memory_space<vmem>> -> memref<1x8x128xf32, #tpu.memory_space<vmem>>
      %dma_start3A_851 = tpu.memref_squeeze %dma_start3A_850 : memref<1x8x128xf32, #tpu.memory_space<vmem>> -> memref<8x128xf32, #tpu.memory_space<vmem>>
      %dma_start3A_852 = arith.constant 0 : i32
      %dma_start3A_853 = arith.constant 0 : i32
      %dma_start3A_854 = tpu.memref_slice %arg4[%select_n3A_751, %dma_start3A_846, %rem3A_753, %dma_start3A_852, %dma_start3A_853] : memref<50x4x128x8x128xf32, #tpu.memory_space<hbm>> -> memref<1x1x1x8x128xf32, #tpu.memory_space<hbm>>
      %dma_start3A_855 = tpu.memref_squeeze %dma_start3A_854 : memref<1x1x1x8x128xf32, #tpu.memory_space<hbm>> -> memref<8x128xf32, #tpu.memory_space<hbm>>
      %dma_start3A_856 = tpu.memref_slice %arg9[%dma_start3A_847] : memref<4x!tpu.dma_semaphore, #tpu.memory_space<semaphore_mem>> -> memref<1x!tpu.dma_semaphore, #tpu.memory_space<semaphore_mem>>
      %dma_start3A_857 = tpu.memref_squeeze %dma_start3A_856 : memref<1x!tpu.dma_semaphore, #tpu.memory_space<semaphore_mem>> -> memref<!tpu.dma_semaphore, #tpu.memory_space<semaphore_mem>>
      %dma_start3A_858 = arith.constant 0 : i32
      %dma_start3A_859 = arith.constant 0 : i32
      %dma_start3A_860 = tpu.memref_slice %arg4[%select_n3A_751, %dma_start3A_846, %rem3A_753, %dma_start3A_858, %dma_start3A_859] : memref<50x4x128x8x128xf32, #tpu.memory_space<hbm>> -> memref<1x1x1x8x128xf32, #tpu.memory_space<hbm>>
      %dma_start3A_861 = tpu.memref_squeeze %dma_start3A_860 : memref<1x1x1x8x128xf32, #tpu.memory_space<hbm>> -> memref<8x128xf32, #tpu.memory_space<hbm>>
      %dma_start3A_862 = arith.constant 24 : i32
      %dma_start3A_863 = arith.constant 0 : i32
      %dma_start3A_864 = tpu.memref_slice %arg7[%dma_start3A_845, %dma_start3A_862, %dma_start3A_863] : memref<4x32x137xf32, #tpu.memory_space<vmem>> -> memref<1x8x128xf32, #tpu.memory_space<vmem>>
      %dma_start3A_865 = tpu.memref_squeeze %dma_start3A_864 : memref<1x8x128xf32, #tpu.memory_space<vmem>> -> memref<8x128xf32, #tpu.memory_space<vmem>>
      tpu.enqueue_dma source(%dma_start3A_865 : memref<8x128xf32, #tpu.memory_space<vmem>>) target(%dma_start3A_861 : memref<8x128xf32, #tpu.memory_space<hbm>>) target_semaphore(%dma_start3A_857 : memref<!tpu.dma_semaphore, #tpu.memory_space<semaphore_mem>>)
      %add3A_866 = arith.constant 4 : i32
      %add3A_867 = arith.addi %add3A_726, %add3A_866 : i32
      %lt3A_868 = arith.constant 200 : i32
      %lt3A_869 = arith.cmpi slt, %add3A_867, %lt3A_868 : i32
      %convert_element_type3A_870 = arith.extui %lt3A_869 : i1 to i32
      %cond3A_871 = arith.constant 0 : i32
      %cond3A_872 = arith.cmpi ne, %convert_element_type3A_870, %cond3A_871 : i32
      scf.if %cond3A_872 {
        %add3A_1021 = arith.constant 4 : i32
        %add3A_1022 = arith.addi %add3A_726, %add3A_1021 : i32
        %dma_start3A_1023 = arith.constant 2 : i32
        %dma_start3A_1024 = arith.constant 2 : i32
        %dma_start3A_1025 = arith.constant 0 : i32
        %dma_start3A_1026 = arith.constant 0 : i32
        %dma_start3A_1027 = tpu.memref_slice %arg6[%dma_start3A_1023, %dma_start3A_1025, %dma_start3A_1026] : memref<4x128x32xf32, #tpu.memory_space<vmem>> -> memref<1x128x32xf32, #tpu.memory_space<vmem>>
        %dma_start3A_1028 = tpu.memref_squeeze %dma_start3A_1027 : memref<1x128x32xf32, #tpu.memory_space<vmem>> -> memref<128x32xf32, #tpu.memory_space<vmem>>
        %dma_start3A_1029 = arith.constant 0 : i32
        %dma_start3A_1030 = tpu.memref_slice %arg5[%add3A_1022, %dma_start3A_1029] : memref<200x128xi32, #tpu.memory_space<vmem>> -> memref<1x128xi32, #tpu.memory_space<vmem>>
        %dma_start3A_1031 = tpu.memref_squeeze %dma_start3A_1030 : memref<1x128xi32, #tpu.memory_space<vmem>> -> memref<128xi32, #tpu.memory_space<vmem>>
        %dma_start3A_1032 = arith.constant 0 : i32
        %dma_start3A_1033 = arith.constant 0 : i32
        %dma_start3A_1034 = tpu.memref_slice %arg2[%dma_start3A_1032, %dma_start3A_1033] : memref<1000001x32xf32, #tpu.memory_space<hbm>> -> memref<1000001x32xf32, #tpu.memory_space<hbm>>
        %dma_start3A_1035 = tpu.memref_slice %arg8[%dma_start3A_1024] : memref<4x!tpu.dma_semaphore, #tpu.memory_space<semaphore_mem>> -> memref<1x!tpu.dma_semaphore, #tpu.memory_space<semaphore_mem>>
        %dma_start3A_1036 = tpu.memref_squeeze %dma_start3A_1035 : memref<1x!tpu.dma_semaphore, #tpu.memory_space<semaphore_mem>> -> memref<!tpu.dma_semaphore, #tpu.memory_space<semaphore_mem>>
        tpu.enqueue_indirect_dma source(%dma_start3A_1034 : memref<1000001x32xf32, #tpu.memory_space<hbm>>) target(%dma_start3A_1028 : memref<128x32xf32, #tpu.memory_space<vmem>>) offsets(%dma_start3A_1031 : memref<128xi32, #tpu.memory_space<vmem>>) semaphore(%dma_start3A_1036 : memref<!tpu.dma_semaphore, #tpu.memory_space<semaphore_mem>>)
      } else {
      }
      %add3A_873 = arith.constant 3 : i32
      %add3A_874 = arith.addi %add3A_440, %add3A_873 : i32
      %add3A_875 = arith.addi %mul3A_2, %add3A_874 : i32
      %jit3A_876 = arith.constant 128 : i32
      %div3A_877 = arith.divsi %add3A_875, %jit3A_876 : i32
      %sign3A_878 = arith.constant 0 : i32
      %sign3A_879 = arith.cmpi sgt, %add3A_875, %sign3A_878 : i32
      %sign3A_880 = arith.extui %sign3A_879 : i1 to i32
      %sign3A_881 = arith.constant 0 : i32
      %sign3A_882 = arith.cmpi slt, %add3A_875, %sign3A_881 : i32
      %sign3A_883 = arith.extui %sign3A_882 : i1 to i32
      %sign3A_884 = arith.subi %sign3A_880, %sign3A_883 : i32
      %sign3A_885 = arith.constant 0 : i32
      %sign3A_886 = arith.cmpi sgt, %jit3A_876, %sign3A_885 : i32
      %sign3A_887 = arith.extui %sign3A_886 : i1 to i32
      %sign3A_888 = arith.constant 0 : i32
      %sign3A_889 = arith.cmpi slt, %jit3A_876, %sign3A_888 : i32
      %sign3A_890 = arith.extui %sign3A_889 : i1 to i32
      %sign3A_891 = arith.subi %sign3A_887, %sign3A_890 : i32
      %ne3A_892 = arith.cmpi ne, %sign3A_884, %sign3A_891 : i32
      %rem3A_893 = arith.remsi %add3A_875, %jit3A_876 : i32
      %ne3A_894 = arith.constant 0 : i32
      %ne3A_895 = arith.cmpi ne, %rem3A_893, %ne3A_894 : i32
      %and3A_896 = arith.andi %ne3A_892, %ne3A_895 : i1
      %sub3A_897 = arith.constant 1 : i32
      %sub3A_898 = arith.subi %div3A_877, %sub3A_897 : i32
      %select_n3A_899 = arith.select %and3A_896, %sub3A_898, %div3A_877 : i32
      %rem3A_900 = arith.constant 128 : i32
      %rem3A_901 = arith.remsi %add3A_875, %rem3A_900 : i32
      %dma_wait3A_902 = arith.constant 3 : i32
      %dma_wait3A_903 = arith.constant 3 : i32
      %dma_wait3A_904 = arith.constant 0 : i32
      %dma_wait3A_905 = arith.constant 0 : i32
      %dma_wait3A_906 = tpu.memref_slice %arg6[%dma_wait3A_902, %dma_wait3A_904, %dma_wait3A_905] : memref<4x128x32xf32, #tpu.memory_space<vmem>> -> memref<1x128x32xf32, #tpu.memory_space<vmem>>
      %dma_wait3A_907 = tpu.memref_squeeze %dma_wait3A_906 : memref<1x128x32xf32, #tpu.memory_space<vmem>> -> memref<128x32xf32, #tpu.memory_space<vmem>>
      %dma_wait3A_908 = arith.constant 0 : i32
      %dma_wait3A_909 = arith.constant 0 : i32
      %dma_wait3A_910 = tpu.memref_slice %arg2[%dma_wait3A_908, %dma_wait3A_909] : memref<1000001x32xf32, #tpu.memory_space<hbm>> -> memref<128x32xf32, #tpu.memory_space<hbm>>
      %dma_wait3A_911 = tpu.memref_slice %arg8[%dma_wait3A_903] : memref<4x!tpu.dma_semaphore, #tpu.memory_space<semaphore_mem>> -> memref<1x!tpu.dma_semaphore, #tpu.memory_space<semaphore_mem>>
      %dma_wait3A_912 = tpu.memref_squeeze %dma_wait3A_911 : memref<1x!tpu.dma_semaphore, #tpu.memory_space<semaphore_mem>> -> memref<!tpu.dma_semaphore, #tpu.memory_space<semaphore_mem>>
      %dma_wait3A_913 = arith.constant 0 : i32
      %dma_wait3A_914 = arith.constant 0 : i32
      %dma_wait3A_915 = tpu.memref_slice %arg6[%dma_wait3A_902, %dma_wait3A_913, %dma_wait3A_914] : memref<4x128x32xf32, #tpu.memory_space<vmem>> -> memref<1x128x32xf32, #tpu.memory_space<vmem>>
      %dma_wait3A_916 = tpu.memref_squeeze %dma_wait3A_915 : memref<1x128x32xf32, #tpu.memory_space<vmem>> -> memref<128x32xf32, #tpu.memory_space<vmem>>
      %dma_wait3A_917 = arith.constant 0 : i32
      %dma_wait3A_918 = arith.constant 0 : i32
      %dma_wait3A_919 = tpu.memref_slice %arg2[%dma_wait3A_917, %dma_wait3A_918] : memref<1000001x32xf32, #tpu.memory_space<hbm>> -> memref<128x32xf32, #tpu.memory_space<hbm>>
      tpu.wait_dma2 semaphore(%dma_wait3A_912 : memref<!tpu.dma_semaphore, #tpu.memory_space<semaphore_mem>>) src(%dma_wait3A_919 : memref<128x32xf32, #tpu.memory_space<hbm>>) dst(%dma_wait3A_916 : memref<128x32xf32, #tpu.memory_space<vmem>>)
      %ge3A_920 = arith.constant 4 : i32
      %ge3A_921 = arith.cmpi sge, %add3A_874, %ge3A_920 : i32
      %convert_element_type3A_922 = arith.extui %ge3A_921 : i1 to i32
      %cond3A_923 = arith.constant 0 : i32
      %cond3A_924 = arith.cmpi ne, %convert_element_type3A_922, %cond3A_923 : i32
      scf.if %cond3A_924 {
        %dma_wait3A_1021 = arith.constant 3 : i32
        %dma_wait3A_1022 = arith.constant 0 : i32
        %dma_wait3A_1023 = arith.constant 0 : i32
        %dma_wait3A_1024 = arith.constant 0 : i32
        %dma_wait3A_1025 = arith.constant 3 : i32
        %dma_wait3A_1026 = arith.constant 0 : i32
        %dma_wait3A_1027 = arith.constant 0 : i32
        %dma_wait3A_1028 = tpu.memref_slice %arg7[%dma_wait3A_1021, %dma_wait3A_1026, %dma_wait3A_1027] : memref<4x32x137xf32, #tpu.memory_space<vmem>> -> memref<1x8x128xf32, #tpu.memory_space<vmem>>
        %dma_wait3A_1029 = tpu.memref_squeeze %dma_wait3A_1028 : memref<1x8x128xf32, #tpu.memory_space<vmem>> -> memref<8x128xf32, #tpu.memory_space<vmem>>
        %dma_wait3A_1030 = arith.constant 0 : i32
        %dma_wait3A_1031 = arith.constant 0 : i32
        %dma_wait3A_1032 = tpu.memref_slice %arg4[%dma_wait3A_1022, %dma_wait3A_1023, %dma_wait3A_1024, %dma_wait3A_1030, %dma_wait3A_1031] : memref<50x4x128x8x128xf32, #tpu.memory_space<hbm>> -> memref<1x1x1x8x128xf32, #tpu.memory_space<hbm>>
        %dma_wait3A_1033 = tpu.memref_squeeze %dma_wait3A_1032 : memref<1x1x1x8x128xf32, #tpu.memory_space<hbm>> -> memref<8x128xf32, #tpu.memory_space<hbm>>
        %dma_wait3A_1034 = tpu.memref_slice %arg9[%dma_wait3A_1025] : memref<4x!tpu.dma_semaphore, #tpu.memory_space<semaphore_mem>> -> memref<1x!tpu.dma_semaphore, #tpu.memory_space<semaphore_mem>>
        %dma_wait3A_1035 = tpu.memref_squeeze %dma_wait3A_1034 : memref<1x!tpu.dma_semaphore, #tpu.memory_space<semaphore_mem>> -> memref<!tpu.dma_semaphore, #tpu.memory_space<semaphore_mem>>
        %dma_wait3A_1036 = arith.constant 0 : i32
        %dma_wait3A_1037 = arith.constant 0 : i32
        %dma_wait3A_1038 = tpu.memref_slice %arg4[%dma_wait3A_1022, %dma_wait3A_1023, %dma_wait3A_1024, %dma_wait3A_1036, %dma_wait3A_1037] : memref<50x4x128x8x128xf32, #tpu.memory_space<hbm>> -> memref<1x1x1x8x128xf32, #tpu.memory_space<hbm>>
        %dma_wait3A_1039 = tpu.memref_squeeze %dma_wait3A_1038 : memref<1x1x1x8x128xf32, #tpu.memory_space<hbm>> -> memref<8x128xf32, #tpu.memory_space<hbm>>
        %dma_wait3A_1040 = arith.constant 0 : i32
        %dma_wait3A_1041 = arith.constant 0 : i32
        %dma_wait3A_1042 = tpu.memref_slice %arg7[%dma_wait3A_1021, %dma_wait3A_1040, %dma_wait3A_1041] : memref<4x32x137xf32, #tpu.memory_space<vmem>> -> memref<1x8x128xf32, #tpu.memory_space<vmem>>
        %dma_wait3A_1043 = tpu.memref_squeeze %dma_wait3A_1042 : memref<1x8x128xf32, #tpu.memory_space<vmem>> -> memref<8x128xf32, #tpu.memory_space<vmem>>
        tpu.wait_dma2 semaphore(%dma_wait3A_1035 : memref<!tpu.dma_semaphore, #tpu.memory_space<semaphore_mem>>) src(%dma_wait3A_1043 : memref<8x128xf32, #tpu.memory_space<vmem>>) dst(%dma_wait3A_1039 : memref<8x128xf32, #tpu.memory_space<hbm>>)
        %dma_wait3A_1044 = arith.constant 3 : i32
        %dma_wait3A_1045 = arith.constant 0 : i32
        %dma_wait3A_1046 = arith.constant 1 : i32
        %dma_wait3A_1047 = arith.constant 0 : i32
        %dma_wait3A_1048 = arith.constant 3 : i32
        %dma_wait3A_1049 = arith.constant 8 : i32
        %dma_wait3A_1050 = arith.constant 0 : i32
        %dma_wait3A_1051 = tpu.memref_slice %arg7[%dma_wait3A_1044, %dma_wait3A_1049, %dma_wait3A_1050] : memref<4x32x137xf32, #tpu.memory_space<vmem>> -> memref<1x8x128xf32, #tpu.memory_space<vmem>>
        %dma_wait3A_1052 = tpu.memref_squeeze %dma_wait3A_1051 : memref<1x8x128xf32, #tpu.memory_space<vmem>> -> memref<8x128xf32, #tpu.memory_space<vmem>>
        %dma_wait3A_1053 = arith.constant 0 : i32
        %dma_wait3A_1054 = arith.constant 0 : i32
        %dma_wait3A_1055 = tpu.memref_slice %arg4[%dma_wait3A_1045, %dma_wait3A_1046, %dma_wait3A_1047, %dma_wait3A_1053, %dma_wait3A_1054] : memref<50x4x128x8x128xf32, #tpu.memory_space<hbm>> -> memref<1x1x1x8x128xf32, #tpu.memory_space<hbm>>
        %dma_wait3A_1056 = tpu.memref_squeeze %dma_wait3A_1055 : memref<1x1x1x8x128xf32, #tpu.memory_space<hbm>> -> memref<8x128xf32, #tpu.memory_space<hbm>>
        %dma_wait3A_1057 = tpu.memref_slice %arg9[%dma_wait3A_1048] : memref<4x!tpu.dma_semaphore, #tpu.memory_space<semaphore_mem>> -> memref<1x!tpu.dma_semaphore, #tpu.memory_space<semaphore_mem>>
        %dma_wait3A_1058 = tpu.memref_squeeze %dma_wait3A_1057 : memref<1x!tpu.dma_semaphore, #tpu.memory_space<semaphore_mem>> -> memref<!tpu.dma_semaphore, #tpu.memory_space<semaphore_mem>>
        %dma_wait3A_1059 = arith.constant 0 : i32
        %dma_wait3A_1060 = arith.constant 0 : i32
        %dma_wait3A_1061 = tpu.memref_slice %arg4[%dma_wait3A_1045, %dma_wait3A_1046, %dma_wait3A_1047, %dma_wait3A_1059, %dma_wait3A_1060] : memref<50x4x128x8x128xf32, #tpu.memory_space<hbm>> -> memref<1x1x1x8x128xf32, #tpu.memory_space<hbm>>
        %dma_wait3A_1062 = tpu.memref_squeeze %dma_wait3A_1061 : memref<1x1x1x8x128xf32, #tpu.memory_space<hbm>> -> memref<8x128xf32, #tpu.memory_space<hbm>>
        %dma_wait3A_1063 = arith.constant 8 : i32
        %dma_wait3A_1064 = arith.constant 0 : i32
        %dma_wait3A_1065 = tpu.memref_slice %arg7[%dma_wait3A_1044, %dma_wait3A_1063, %dma_wait3A_1064] : memref<4x32x137xf32, #tpu.memory_space<vmem>> -> memref<1x8x128xf32, #tpu.memory_space<vmem>>
        %dma_wait3A_1066 = tpu.memref_squeeze %dma_wait3A_1065 : memref<1x8x128xf32, #tpu.memory_space<vmem>> -> memref<8x128xf32, #tpu.memory_space<vmem>>
        tpu.wait_dma2 semaphore(%dma_wait3A_1058 : memref<!tpu.dma_semaphore, #tpu.memory_space<semaphore_mem>>) src(%dma_wait3A_1066 : memref<8x128xf32, #tpu.memory_space<vmem>>) dst(%dma_wait3A_1062 : memref<8x128xf32, #tpu.memory_space<hbm>>)
        %dma_wait3A_1067 = arith.constant 3 : i32
        %dma_wait3A_1068 = arith.constant 0 : i32
        %dma_wait3A_1069 = arith.constant 2 : i32
        %dma_wait3A_1070 = arith.constant 0 : i32
        %dma_wait3A_1071 = arith.constant 3 : i32
        %dma_wait3A_1072 = arith.constant 16 : i32
        %dma_wait3A_1073 = arith.constant 0 : i32
        %dma_wait3A_1074 = tpu.memref_slice %arg7[%dma_wait3A_1067, %dma_wait3A_1072, %dma_wait3A_1073] : memref<4x32x137xf32, #tpu.memory_space<vmem>> -> memref<1x8x128xf32, #tpu.memory_space<vmem>>
        %dma_wait3A_1075 = tpu.memref_squeeze %dma_wait3A_1074 : memref<1x8x128xf32, #tpu.memory_space<vmem>> -> memref<8x128xf32, #tpu.memory_space<vmem>>
        %dma_wait3A_1076 = arith.constant 0 : i32
        %dma_wait3A_1077 = arith.constant 0 : i32
        %dma_wait3A_1078 = tpu.memref_slice %arg4[%dma_wait3A_1068, %dma_wait3A_1069, %dma_wait3A_1070, %dma_wait3A_1076, %dma_wait3A_1077] : memref<50x4x128x8x128xf32, #tpu.memory_space<hbm>> -> memref<1x1x1x8x128xf32, #tpu.memory_space<hbm>>
        %dma_wait3A_1079 = tpu.memref_squeeze %dma_wait3A_1078 : memref<1x1x1x8x128xf32, #tpu.memory_space<hbm>> -> memref<8x128xf32, #tpu.memory_space<hbm>>
        %dma_wait3A_1080 = tpu.memref_slice %arg9[%dma_wait3A_1071] : memref<4x!tpu.dma_semaphore, #tpu.memory_space<semaphore_mem>> -> memref<1x!tpu.dma_semaphore, #tpu.memory_space<semaphore_mem>>
        %dma_wait3A_1081 = tpu.memref_squeeze %dma_wait3A_1080 : memref<1x!tpu.dma_semaphore, #tpu.memory_space<semaphore_mem>> -> memref<!tpu.dma_semaphore, #tpu.memory_space<semaphore_mem>>
        %dma_wait3A_1082 = arith.constant 0 : i32
        %dma_wait3A_1083 = arith.constant 0 : i32
        %dma_wait3A_1084 = tpu.memref_slice %arg4[%dma_wait3A_1068, %dma_wait3A_1069, %dma_wait3A_1070, %dma_wait3A_1082, %dma_wait3A_1083] : memref<50x4x128x8x128xf32, #tpu.memory_space<hbm>> -> memref<1x1x1x8x128xf32, #tpu.memory_space<hbm>>
        %dma_wait3A_1085 = tpu.memref_squeeze %dma_wait3A_1084 : memref<1x1x1x8x128xf32, #tpu.memory_space<hbm>> -> memref<8x128xf32, #tpu.memory_space<hbm>>
        %dma_wait3A_1086 = arith.constant 16 : i32
        %dma_wait3A_1087 = arith.constant 0 : i32
        %dma_wait3A_1088 = tpu.memref_slice %arg7[%dma_wait3A_1067, %dma_wait3A_1086, %dma_wait3A_1087] : memref<4x32x137xf32, #tpu.memory_space<vmem>> -> memref<1x8x128xf32, #tpu.memory_space<vmem>>
        %dma_wait3A_1089 = tpu.memref_squeeze %dma_wait3A_1088 : memref<1x8x128xf32, #tpu.memory_space<vmem>> -> memref<8x128xf32, #tpu.memory_space<vmem>>
        tpu.wait_dma2 semaphore(%dma_wait3A_1081 : memref<!tpu.dma_semaphore, #tpu.memory_space<semaphore_mem>>) src(%dma_wait3A_1089 : memref<8x128xf32, #tpu.memory_space<vmem>>) dst(%dma_wait3A_1085 : memref<8x128xf32, #tpu.memory_space<hbm>>)
        %dma_wait3A_1090 = arith.constant 3 : i32
        %dma_wait3A_1091 = arith.constant 0 : i32
        %dma_wait3A_1092 = arith.constant 3 : i32
        %dma_wait3A_1093 = arith.constant 0 : i32
        %dma_wait3A_1094 = arith.constant 3 : i32
        %dma_wait3A_1095 = arith.constant 24 : i32
        %dma_wait3A_1096 = arith.constant 0 : i32
        %dma_wait3A_1097 = tpu.memref_slice %arg7[%dma_wait3A_1090, %dma_wait3A_1095, %dma_wait3A_1096] : memref<4x32x137xf32, #tpu.memory_space<vmem>> -> memref<1x8x128xf32, #tpu.memory_space<vmem>>
        %dma_wait3A_1098 = tpu.memref_squeeze %dma_wait3A_1097 : memref<1x8x128xf32, #tpu.memory_space<vmem>> -> memref<8x128xf32, #tpu.memory_space<vmem>>
        %dma_wait3A_1099 = arith.constant 0 : i32
        %dma_wait3A_1100 = arith.constant 0 : i32
        %dma_wait3A_1101 = tpu.memref_slice %arg4[%dma_wait3A_1091, %dma_wait3A_1092, %dma_wait3A_1093, %dma_wait3A_1099, %dma_wait3A_1100] : memref<50x4x128x8x128xf32, #tpu.memory_space<hbm>> -> memref<1x1x1x8x128xf32, #tpu.memory_space<hbm>>
        %dma_wait3A_1102 = tpu.memref_squeeze %dma_wait3A_1101 : memref<1x1x1x8x128xf32, #tpu.memory_space<hbm>> -> memref<8x128xf32, #tpu.memory_space<hbm>>
        %dma_wait3A_1103 = tpu.memref_slice %arg9[%dma_wait3A_1094] : memref<4x!tpu.dma_semaphore, #tpu.memory_space<semaphore_mem>> -> memref<1x!tpu.dma_semaphore, #tpu.memory_space<semaphore_mem>>
        %dma_wait3A_1104 = tpu.memref_squeeze %dma_wait3A_1103 : memref<1x!tpu.dma_semaphore, #tpu.memory_space<semaphore_mem>> -> memref<!tpu.dma_semaphore, #tpu.memory_space<semaphore_mem>>
        %dma_wait3A_1105 = arith.constant 0 : i32
        %dma_wait3A_1106 = arith.constant 0 : i32
        %dma_wait3A_1107 = tpu.memref_slice %arg4[%dma_wait3A_1091, %dma_wait3A_1092, %dma_wait3A_1093, %dma_wait3A_1105, %dma_wait3A_1106] : memref<50x4x128x8x128xf32, #tpu.memory_space<hbm>> -> memref<1x1x1x8x128xf32, #tpu.memory_space<hbm>>
        %dma_wait3A_1108 = tpu.memref_squeeze %dma_wait3A_1107 : memref<1x1x1x8x128xf32, #tpu.memory_space<hbm>> -> memref<8x128xf32, #tpu.memory_space<hbm>>
        %dma_wait3A_1109 = arith.constant 24 : i32
        %dma_wait3A_1110 = arith.constant 0 : i32
        %dma_wait3A_1111 = tpu.memref_slice %arg7[%dma_wait3A_1090, %dma_wait3A_1109, %dma_wait3A_1110] : memref<4x32x137xf32, #tpu.memory_space<vmem>> -> memref<1x8x128xf32, #tpu.memory_space<vmem>>
        %dma_wait3A_1112 = tpu.memref_squeeze %dma_wait3A_1111 : memref<1x8x128xf32, #tpu.memory_space<vmem>> -> memref<8x128xf32, #tpu.memory_space<vmem>>
        tpu.wait_dma2 semaphore(%dma_wait3A_1104 : memref<!tpu.dma_semaphore, #tpu.memory_space<semaphore_mem>>) src(%dma_wait3A_1112 : memref<8x128xf32, #tpu.memory_space<vmem>>) dst(%dma_wait3A_1108 : memref<8x128xf32, #tpu.memory_space<hbm>>)
      } else {
      }
      %scan3A_925 = arith.constant 0 : i32
      %scan3A_926 = arith.constant 128 : i32
      %scan3A_927 = arith.addi %scan3A_925, %scan3A_926 : i32
      %scan3A_928 = arith.constant 8 : i32
      scf.for %scan3A_1021 = %scan3A_925 to %scan3A_927 step %scan3A_928  : i32 {
        %mul3A_1022 = arith.constant 1 : i32
        %mul3A_1023 = arith.muli %scan3A_1021, %mul3A_1022 : i32
        %add3A_1024 = arith.constant 0 : i32
        %add3A_1025 = arith.addi %add3A_1024, %mul3A_1023 : i32
        %broadcast_in_dim3A = vector.broadcast %add3A_1025 : i32 to vector<16xi32>
        %get3A = arith.constant 3 : i32
        %get3A_1026 = arith.index_cast %get3A : i32 to index
        %get3A_1027 = arith.index_cast %add3A_1025 : i32 to index
        %get3A_1028 = arith.constant 0 : index
        %get3A_1029 = tpu.vector_load %arg6[%get3A_1026, %get3A_1027, %get3A_1028] {strides = array<i32>} : memref<4x128x32xf32, #tpu.memory_space<vmem>>, vector<16xf32>,
        %get3A_1030 = arith.constant 3 : i32
        %get3A_1031 = arith.index_cast %get3A_1030 : i32 to index
        %get3A_1032 = arith.index_cast %add3A_1025 : i32 to index
        %get3A_1033 = arith.constant 16 : index
        %get3A_1034 = tpu.vector_load %arg6[%get3A_1031, %get3A_1032, %get3A_1033] {strides = array<i32>} : memref<4x128x32xf32, #tpu.memory_space<vmem>>, vector<16xf32>,
        %scatter3A = arith.constant 3 : i32
        %scatter3A_1035 = arith.constant 0 : i32
        %scatter3A_1036 = arith.constant 0 : i32
        %scatter3A_1037 = tpu.memref_slice %arg7[%scatter3A, %scatter3A_1035, %scatter3A_1036] : memref<4x32x137xf32, #tpu.memory_space<vmem>> -> memref<1x32x137xf32, #tpu.memory_space<vmem>>
        %scatter3A_1038 = tpu.memref_squeeze %scatter3A_1037 : memref<1x32x137xf32, #tpu.memory_space<vmem>> -> memref<32x137xf32, #tpu.memory_space<vmem>>
        tpu.vector_store_idx %scatter3A_1038[%iota3A, %broadcast_in_dim3A], %get3A_1029 : memref<32x137xf32, #tpu.memory_space<vmem>>[vector<16xi32>, vector<16xi32>], vector<16xf32>,
        %scatter3A_1039 = arith.constant 3 : i32
        %scatter3A_1040 = arith.constant 0 : i32
        %scatter3A_1041 = arith.constant 0 : i32
        %scatter3A_1042 = tpu.memref_slice %arg7[%scatter3A_1039, %scatter3A_1040, %scatter3A_1041] : memref<4x32x137xf32, #tpu.memory_space<vmem>> -> memref<1x32x137xf32, #tpu.memory_space<vmem>>
        %scatter3A_1043 = tpu.memref_squeeze %scatter3A_1042 : memref<1x32x137xf32, #tpu.memory_space<vmem>> -> memref<32x137xf32, #tpu.memory_space<vmem>>
        tpu.vector_store_idx %scatter3A_1043[%add3A_5, %broadcast_in_dim3A], %get3A_1034 : memref<32x137xf32, #tpu.memory_space<vmem>>[vector<16xi32>, vector<16xi32>], vector<16xf32>,
        %scan3A_1044 = arith.constant 1 : i32
        %scan3A_1045 = arith.addi %scan3A_1021, %scan3A_1044 : i32
        %mul3A_1046 = arith.constant 1 : i32
        %mul3A_1047 = arith.muli %scan3A_1045, %mul3A_1046 : i32
        %add3A_1048 = arith.constant 0 : i32
        %add3A_1049 = arith.addi %add3A_1048, %mul3A_1047 : i32
        %broadcast_in_dim3A_1050 = vector.broadcast %add3A_1049 : i32 to vector<16xi32>
        %get3A_1051 = arith.constant 3 : i32
        %get3A_1052 = arith.index_cast %get3A_1051 : i32 to index
        %get3A_1053 = arith.index_cast %add3A_1049 : i32 to index
        %get3A_1054 = arith.constant 0 : index
        %get3A_1055 = tpu.vector_load %arg6[%get3A_1052, %get3A_1053, %get3A_1054] {strides = array<i32>} : memref<4x128x32xf32, #tpu.memory_space<vmem>>, vector<16xf32>,
        %get3A_1056 = arith.constant 3 : i32
        %get3A_1057 = arith.index_cast %get3A_1056 : i32 to index
        %get3A_1058 = arith.index_cast %add3A_1049 : i32 to index
        %get3A_1059 = arith.constant 16 : index
        %get3A_1060 = tpu.vector_load %arg6[%get3A_1057, %get3A_1058, %get3A_1059] {strides = array<i32>} : memref<4x128x32xf32, #tpu.memory_space<vmem>>, vector<16xf32>,
        %scatter3A_1061 = arith.constant 3 : i32
        %scatter3A_1062 = arith.constant 0 : i32
        %scatter3A_1063 = arith.constant 0 : i32
        %scatter3A_1064 = tpu.memref_slice %arg7[%scatter3A_1061, %scatter3A_1062, %scatter3A_1063] : memref<4x32x137xf32, #tpu.memory_space<vmem>> -> memref<1x32x137xf32, #tpu.memory_space<vmem>>
        %scatter3A_1065 = tpu.memref_squeeze %scatter3A_1064 : memref<1x32x137xf32, #tpu.memory_space<vmem>> -> memref<32x137xf32, #tpu.memory_space<vmem>>
        tpu.vector_store_idx %scatter3A_1065[%iota3A, %broadcast_in_dim3A_1050], %get3A_1055 : memref<32x137xf32, #tpu.memory_space<vmem>>[vector<16xi32>, vector<16xi32>], vector<16xf32>,
        %scatter3A_1066 = arith.constant 3 : i32
        %scatter3A_1067 = arith.constant 0 : i32
        %scatter3A_1068 = arith.constant 0 : i32
        %scatter3A_1069 = tpu.memref_slice %arg7[%scatter3A_1066, %scatter3A_1067, %scatter3A_1068] : memref<4x32x137xf32, #tpu.memory_space<vmem>> -> memref<1x32x137xf32, #tpu.memory_space<vmem>>
        %scatter3A_1070 = tpu.memref_squeeze %scatter3A_1069 : memref<1x32x137xf32, #tpu.memory_space<vmem>> -> memref<32x137xf32, #tpu.memory_space<vmem>>
        tpu.vector_store_idx %scatter3A_1070[%add3A_5, %broadcast_in_dim3A_1050], %get3A_1060 : memref<32x137xf32, #tpu.memory_space<vmem>>[vector<16xi32>, vector<16xi32>], vector<16xf32>,
        %scan3A_1071 = arith.constant 2 : i32
        %scan3A_1072 = arith.addi %scan3A_1021, %scan3A_1071 : i32
        %mul3A_1073 = arith.constant 1 : i32
        %mul3A_1074 = arith.muli %scan3A_1072, %mul3A_1073 : i32
        %add3A_1075 = arith.constant 0 : i32
        %add3A_1076 = arith.addi %add3A_1075, %mul3A_1074 : i32
        %broadcast_in_dim3A_1077 = vector.broadcast %add3A_1076 : i32 to vector<16xi32>
        %get3A_1078 = arith.constant 3 : i32
        %get3A_1079 = arith.index_cast %get3A_1078 : i32 to index
        %get3A_1080 = arith.index_cast %add3A_1076 : i32 to index
        %get3A_1081 = arith.constant 0 : index
        %get3A_1082 = tpu.vector_load %arg6[%get3A_1079, %get3A_1080, %get3A_1081] {strides = array<i32>} : memref<4x128x32xf32, #tpu.memory_space<vmem>>, vector<16xf32>,
        %get3A_1083 = arith.constant 3 : i32
        %get3A_1084 = arith.index_cast %get3A_1083 : i32 to index
        %get3A_1085 = arith.index_cast %add3A_1076 : i32 to index
        %get3A_1086 = arith.constant 16 : index
        %get3A_1087 = tpu.vector_load %arg6[%get3A_1084, %get3A_1085, %get3A_1086] {strides = array<i32>} : memref<4x128x32xf32, #tpu.memory_space<vmem>>, vector<16xf32>,
        %scatter3A_1088 = arith.constant 3 : i32
        %scatter3A_1089 = arith.constant 0 : i32
        %scatter3A_1090 = arith.constant 0 : i32
        %scatter3A_1091 = tpu.memref_slice %arg7[%scatter3A_1088, %scatter3A_1089, %scatter3A_1090] : memref<4x32x137xf32, #tpu.memory_space<vmem>> -> memref<1x32x137xf32, #tpu.memory_space<vmem>>
        %scatter3A_1092 = tpu.memref_squeeze %scatter3A_1091 : memref<1x32x137xf32, #tpu.memory_space<vmem>> -> memref<32x137xf32, #tpu.memory_space<vmem>>
        tpu.vector_store_idx %scatter3A_1092[%iota3A, %broadcast_in_dim3A_1077], %get3A_1082 : memref<32x137xf32, #tpu.memory_space<vmem>>[vector<16xi32>, vector<16xi32>], vector<16xf32>,
        %scatter3A_1093 = arith.constant 3 : i32
        %scatter3A_1094 = arith.constant 0 : i32
        %scatter3A_1095 = arith.constant 0 : i32
        %scatter3A_1096 = tpu.memref_slice %arg7[%scatter3A_1093, %scatter3A_1094, %scatter3A_1095] : memref<4x32x137xf32, #tpu.memory_space<vmem>> -> memref<1x32x137xf32, #tpu.memory_space<vmem>>
        %scatter3A_1097 = tpu.memref_squeeze %scatter3A_1096 : memref<1x32x137xf32, #tpu.memory_space<vmem>> -> memref<32x137xf32, #tpu.memory_space<vmem>>
        tpu.vector_store_idx %scatter3A_1097[%add3A_5, %broadcast_in_dim3A_1077], %get3A_1087 : memref<32x137xf32, #tpu.memory_space<vmem>>[vector<16xi32>, vector<16xi32>], vector<16xf32>,
        %scan3A_1098 = arith.constant 3 : i32
        %scan3A_1099 = arith.addi %scan3A_1021, %scan3A_1098 : i32
        %mul3A_1100 = arith.constant 1 : i32
        %mul3A_1101 = arith.muli %scan3A_1099, %mul3A_1100 : i32
        %add3A_1102 = arith.constant 0 : i32
        %add3A_1103 = arith.addi %add3A_1102, %mul3A_1101 : i32
        %broadcast_in_dim3A_1104 = vector.broadcast %add3A_1103 : i32 to vector<16xi32>
        %get3A_1105 = arith.constant 3 : i32
        %get3A_1106 = arith.index_cast %get3A_1105 : i32 to index
        %get3A_1107 = arith.index_cast %add3A_1103 : i32 to index
        %get3A_1108 = arith.constant 0 : index
        %get3A_1109 = tpu.vector_load %arg6[%get3A_1106, %get3A_1107, %get3A_1108] {strides = array<i32>} : memref<4x128x32xf32, #tpu.memory_space<vmem>>, vector<16xf32>,
        %get3A_1110 = arith.constant 3 : i32
        %get3A_1111 = arith.index_cast %get3A_1110 : i32 to index
        %get3A_1112 = arith.index_cast %add3A_1103 : i32 to index
        %get3A_1113 = arith.constant 16 : index
        %get3A_1114 = tpu.vector_load %arg6[%get3A_1111, %get3A_1112, %get3A_1113] {strides = array<i32>} : memref<4x128x32xf32, #tpu.memory_space<vmem>>, vector<16xf32>,
        %scatter3A_1115 = arith.constant 3 : i32
        %scatter3A_1116 = arith.constant 0 : i32
        %scatter3A_1117 = arith.constant 0 : i32
        %scatter3A_1118 = tpu.memref_slice %arg7[%scatter3A_1115, %scatter3A_1116, %scatter3A_1117] : memref<4x32x137xf32, #tpu.memory_space<vmem>> -> memref<1x32x137xf32, #tpu.memory_space<vmem>>
        %scatter3A_1119 = tpu.memref_squeeze %scatter3A_1118 : memref<1x32x137xf32, #tpu.memory_space<vmem>> -> memref<32x137xf32, #tpu.memory_space<vmem>>
        tpu.vector_store_idx %scatter3A_1119[%iota3A, %broadcast_in_dim3A_1104], %get3A_1109 : memref<32x137xf32, #tpu.memory_space<vmem>>[vector<16xi32>, vector<16xi32>], vector<16xf32>,
        %scatter3A_1120 = arith.constant 3 : i32
        %scatter3A_1121 = arith.constant 0 : i32
        %scatter3A_1122 = arith.constant 0 : i32
        %scatter3A_1123 = tpu.memref_slice %arg7[%scatter3A_1120, %scatter3A_1121, %scatter3A_1122] : memref<4x32x137xf32, #tpu.memory_space<vmem>> -> memref<1x32x137xf32, #tpu.memory_space<vmem>>
        %scatter3A_1124 = tpu.memref_squeeze %scatter3A_1123 : memref<1x32x137xf32, #tpu.memory_space<vmem>> -> memref<32x137xf32, #tpu.memory_space<vmem>>
        tpu.vector_store_idx %scatter3A_1124[%add3A_5, %broadcast_in_dim3A_1104], %get3A_1114 : memref<32x137xf32, #tpu.memory_space<vmem>>[vector<16xi32>, vector<16xi32>], vector<16xf32>,
        %scan3A_1125 = arith.constant 4 : i32
        %scan3A_1126 = arith.addi %scan3A_1021, %scan3A_1125 : i32
        %mul3A_1127 = arith.constant 1 : i32
        %mul3A_1128 = arith.muli %scan3A_1126, %mul3A_1127 : i32
        %add3A_1129 = arith.constant 0 : i32
        %add3A_1130 = arith.addi %add3A_1129, %mul3A_1128 : i32
        %broadcast_in_dim3A_1131 = vector.broadcast %add3A_1130 : i32 to vector<16xi32>
        %get3A_1132 = arith.constant 3 : i32
        %get3A_1133 = arith.index_cast %get3A_1132 : i32 to index
        %get3A_1134 = arith.index_cast %add3A_1130 : i32 to index
        %get3A_1135 = arith.constant 0 : index
        %get3A_1136 = tpu.vector_load %arg6[%get3A_1133, %get3A_1134, %get3A_1135] {strides = array<i32>} : memref<4x128x32xf32, #tpu.memory_space<vmem>>, vector<16xf32>,
        %get3A_1137 = arith.constant 3 : i32
        %get3A_1138 = arith.index_cast %get3A_1137 : i32 to index
        %get3A_1139 = arith.index_cast %add3A_1130 : i32 to index
        %get3A_1140 = arith.constant 16 : index
        %get3A_1141 = tpu.vector_load %arg6[%get3A_1138, %get3A_1139, %get3A_1140] {strides = array<i32>} : memref<4x128x32xf32, #tpu.memory_space<vmem>>, vector<16xf32>,
        %scatter3A_1142 = arith.constant 3 : i32
        %scatter3A_1143 = arith.constant 0 : i32
        %scatter3A_1144 = arith.constant 0 : i32
        %scatter3A_1145 = tpu.memref_slice %arg7[%scatter3A_1142, %scatter3A_1143, %scatter3A_1144] : memref<4x32x137xf32, #tpu.memory_space<vmem>> -> memref<1x32x137xf32, #tpu.memory_space<vmem>>
        %scatter3A_1146 = tpu.memref_squeeze %scatter3A_1145 : memref<1x32x137xf32, #tpu.memory_space<vmem>> -> memref<32x137xf32, #tpu.memory_space<vmem>>
        tpu.vector_store_idx %scatter3A_1146[%iota3A, %broadcast_in_dim3A_1131], %get3A_1136 : memref<32x137xf32, #tpu.memory_space<vmem>>[vector<16xi32>, vector<16xi32>], vector<16xf32>,
        %scatter3A_1147 = arith.constant 3 : i32
        %scatter3A_1148 = arith.constant 0 : i32
        %scatter3A_1149 = arith.constant 0 : i32
        %scatter3A_1150 = tpu.memref_slice %arg7[%scatter3A_1147, %scatter3A_1148, %scatter3A_1149] : memref<4x32x137xf32, #tpu.memory_space<vmem>> -> memref<1x32x137xf32, #tpu.memory_space<vmem>>
        %scatter3A_1151 = tpu.memref_squeeze %scatter3A_1150 : memref<1x32x137xf32, #tpu.memory_space<vmem>> -> memref<32x137xf32, #tpu.memory_space<vmem>>
        tpu.vector_store_idx %scatter3A_1151[%add3A_5, %broadcast_in_dim3A_1131], %get3A_1141 : memref<32x137xf32, #tpu.memory_space<vmem>>[vector<16xi32>, vector<16xi32>], vector<16xf32>,
        %scan3A_1152 = arith.constant 5 : i32
        %scan3A_1153 = arith.addi %scan3A_1021, %scan3A_1152 : i32
        %mul3A_1154 = arith.constant 1 : i32
        %mul3A_1155 = arith.muli %scan3A_1153, %mul3A_1154 : i32
        %add3A_1156 = arith.constant 0 : i32
        %add3A_1157 = arith.addi %add3A_1156, %mul3A_1155 : i32
        %broadcast_in_dim3A_1158 = vector.broadcast %add3A_1157 : i32 to vector<16xi32>
        %get3A_1159 = arith.constant 3 : i32
        %get3A_1160 = arith.index_cast %get3A_1159 : i32 to index
        %get3A_1161 = arith.index_cast %add3A_1157 : i32 to index
        %get3A_1162 = arith.constant 0 : index
        %get3A_1163 = tpu.vector_load %arg6[%get3A_1160, %get3A_1161, %get3A_1162] {strides = array<i32>} : memref<4x128x32xf32, #tpu.memory_space<vmem>>, vector<16xf32>,
        %get3A_1164 = arith.constant 3 : i32
        %get3A_1165 = arith.index_cast %get3A_1164 : i32 to index
        %get3A_1166 = arith.index_cast %add3A_1157 : i32 to index
        %get3A_1167 = arith.constant 16 : index
        %get3A_1168 = tpu.vector_load %arg6[%get3A_1165, %get3A_1166, %get3A_1167] {strides = array<i32>} : memref<4x128x32xf32, #tpu.memory_space<vmem>>, vector<16xf32>,
        %scatter3A_1169 = arith.constant 3 : i32
        %scatter3A_1170 = arith.constant 0 : i32
        %scatter3A_1171 = arith.constant 0 : i32
        %scatter3A_1172 = tpu.memref_slice %arg7[%scatter3A_1169, %scatter3A_1170, %scatter3A_1171] : memref<4x32x137xf32, #tpu.memory_space<vmem>> -> memref<1x32x137xf32, #tpu.memory_space<vmem>>
        %scatter3A_1173 = tpu.memref_squeeze %scatter3A_1172 : memref<1x32x137xf32, #tpu.memory_space<vmem>> -> memref<32x137xf32, #tpu.memory_space<vmem>>
        tpu.vector_store_idx %scatter3A_1173[%iota3A, %broadcast_in_dim3A_1158], %get3A_1163 : memref<32x137xf32, #tpu.memory_space<vmem>>[vector<16xi32>, vector<16xi32>], vector<16xf32>,
        %scatter3A_1174 = arith.constant 3 : i32
        %scatter3A_1175 = arith.constant 0 : i32
        %scatter3A_1176 = arith.constant 0 : i32
        %scatter3A_1177 = tpu.memref_slice %arg7[%scatter3A_1174, %scatter3A_1175, %scatter3A_1176] : memref<4x32x137xf32, #tpu.memory_space<vmem>> -> memref<1x32x137xf32, #tpu.memory_space<vmem>>
        %scatter3A_1178 = tpu.memref_squeeze %scatter3A_1177 : memref<1x32x137xf32, #tpu.memory_space<vmem>> -> memref<32x137xf32, #tpu.memory_space<vmem>>
        tpu.vector_store_idx %scatter3A_1178[%add3A_5, %broadcast_in_dim3A_1158], %get3A_1168 : memref<32x137xf32, #tpu.memory_space<vmem>>[vector<16xi32>, vector<16xi32>], vector<16xf32>,
        %scan3A_1179 = arith.constant 6 : i32
        %scan3A_1180 = arith.addi %scan3A_1021, %scan3A_1179 : i32
        %mul3A_1181 = arith.constant 1 : i32
        %mul3A_1182 = arith.muli %scan3A_1180, %mul3A_1181 : i32
        %add3A_1183 = arith.constant 0 : i32
        %add3A_1184 = arith.addi %add3A_1183, %mul3A_1182 : i32
        %broadcast_in_dim3A_1185 = vector.broadcast %add3A_1184 : i32 to vector<16xi32>
        %get3A_1186 = arith.constant 3 : i32
        %get3A_1187 = arith.index_cast %get3A_1186 : i32 to index
        %get3A_1188 = arith.index_cast %add3A_1184 : i32 to index
        %get3A_1189 = arith.constant 0 : index
        %get3A_1190 = tpu.vector_load %arg6[%get3A_1187, %get3A_1188, %get3A_1189] {strides = array<i32>} : memref<4x128x32xf32, #tpu.memory_space<vmem>>, vector<16xf32>,
        %get3A_1191 = arith.constant 3 : i32
        %get3A_1192 = arith.index_cast %get3A_1191 : i32 to index
        %get3A_1193 = arith.index_cast %add3A_1184 : i32 to index
        %get3A_1194 = arith.constant 16 : index
        %get3A_1195 = tpu.vector_load %arg6[%get3A_1192, %get3A_1193, %get3A_1194] {strides = array<i32>} : memref<4x128x32xf32, #tpu.memory_space<vmem>>, vector<16xf32>,
        %scatter3A_1196 = arith.constant 3 : i32
        %scatter3A_1197 = arith.constant 0 : i32
        %scatter3A_1198 = arith.constant 0 : i32
        %scatter3A_1199 = tpu.memref_slice %arg7[%scatter3A_1196, %scatter3A_1197, %scatter3A_1198] : memref<4x32x137xf32, #tpu.memory_space<vmem>> -> memref<1x32x137xf32, #tpu.memory_space<vmem>>
        %scatter3A_1200 = tpu.memref_squeeze %scatter3A_1199 : memref<1x32x137xf32, #tpu.memory_space<vmem>> -> memref<32x137xf32, #tpu.memory_space<vmem>>
        tpu.vector_store_idx %scatter3A_1200[%iota3A, %broadcast_in_dim3A_1185], %get3A_1190 : memref<32x137xf32, #tpu.memory_space<vmem>>[vector<16xi32>, vector<16xi32>], vector<16xf32>,
        %scatter3A_1201 = arith.constant 3 : i32
        %scatter3A_1202 = arith.constant 0 : i32
        %scatter3A_1203 = arith.constant 0 : i32
        %scatter3A_1204 = tpu.memref_slice %arg7[%scatter3A_1201, %scatter3A_1202, %scatter3A_1203] : memref<4x32x137xf32, #tpu.memory_space<vmem>> -> memref<1x32x137xf32, #tpu.memory_space<vmem>>
        %scatter3A_1205 = tpu.memref_squeeze %scatter3A_1204 : memref<1x32x137xf32, #tpu.memory_space<vmem>> -> memref<32x137xf32, #tpu.memory_space<vmem>>
        tpu.vector_store_idx %scatter3A_1205[%add3A_5, %broadcast_in_dim3A_1185], %get3A_1195 : memref<32x137xf32, #tpu.memory_space<vmem>>[vector<16xi32>, vector<16xi32>], vector<16xf32>,
        %scan3A_1206 = arith.constant 7 : i32
        %scan3A_1207 = arith.addi %scan3A_1021, %scan3A_1206 : i32
        %mul3A_1208 = arith.constant 1 : i32
        %mul3A_1209 = arith.muli %scan3A_1207, %mul3A_1208 : i32
        %add3A_1210 = arith.constant 0 : i32
        %add3A_1211 = arith.addi %add3A_1210, %mul3A_1209 : i32
        %broadcast_in_dim3A_1212 = vector.broadcast %add3A_1211 : i32 to vector<16xi32>
        %get3A_1213 = arith.constant 3 : i32
        %get3A_1214 = arith.index_cast %get3A_1213 : i32 to index
        %get3A_1215 = arith.index_cast %add3A_1211 : i32 to index
        %get3A_1216 = arith.constant 0 : index
        %get3A_1217 = tpu.vector_load %arg6[%get3A_1214, %get3A_1215, %get3A_1216] {strides = array<i32>} : memref<4x128x32xf32, #tpu.memory_space<vmem>>, vector<16xf32>,
        %get3A_1218 = arith.constant 3 : i32
        %get3A_1219 = arith.index_cast %get3A_1218 : i32 to index
        %get3A_1220 = arith.index_cast %add3A_1211 : i32 to index
        %get3A_1221 = arith.constant 16 : index
        %get3A_1222 = tpu.vector_load %arg6[%get3A_1219, %get3A_1220, %get3A_1221] {strides = array<i32>} : memref<4x128x32xf32, #tpu.memory_space<vmem>>, vector<16xf32>,
        %scatter3A_1223 = arith.constant 3 : i32
        %scatter3A_1224 = arith.constant 0 : i32
        %scatter3A_1225 = arith.constant 0 : i32
        %scatter3A_1226 = tpu.memref_slice %arg7[%scatter3A_1223, %scatter3A_1224, %scatter3A_1225] : memref<4x32x137xf32, #tpu.memory_space<vmem>> -> memref<1x32x137xf32, #tpu.memory_space<vmem>>
        %scatter3A_1227 = tpu.memref_squeeze %scatter3A_1226 : memref<1x32x137xf32, #tpu.memory_space<vmem>> -> memref<32x137xf32, #tpu.memory_space<vmem>>
        tpu.vector_store_idx %scatter3A_1227[%iota3A, %broadcast_in_dim3A_1212], %get3A_1217 : memref<32x137xf32, #tpu.memory_space<vmem>>[vector<16xi32>, vector<16xi32>], vector<16xf32>,
        %scatter3A_1228 = arith.constant 3 : i32
        %scatter3A_1229 = arith.constant 0 : i32
        %scatter3A_1230 = arith.constant 0 : i32
        %scatter3A_1231 = tpu.memref_slice %arg7[%scatter3A_1228, %scatter3A_1229, %scatter3A_1230] : memref<4x32x137xf32, #tpu.memory_space<vmem>> -> memref<1x32x137xf32, #tpu.memory_space<vmem>>
        %scatter3A_1232 = tpu.memref_squeeze %scatter3A_1231 : memref<1x32x137xf32, #tpu.memory_space<vmem>> -> memref<32x137xf32, #tpu.memory_space<vmem>>
        tpu.vector_store_idx %scatter3A_1232[%add3A_5, %broadcast_in_dim3A_1212], %get3A_1222 : memref<32x137xf32, #tpu.memory_space<vmem>>[vector<16xi32>, vector<16xi32>], vector<16xf32>,
      }
      %scan3A_929 = arith.constant 128 : i32
      %dma_start3A_930 = arith.constant 3 : i32
      %dma_start3A_931 = arith.constant 0 : i32
      %dma_start3A_932 = arith.constant 3 : i32
      %dma_start3A_933 = arith.constant 0 : i32
      %dma_start3A_934 = arith.constant 0 : i32
      %dma_start3A_935 = tpu.memref_slice %arg7[%dma_start3A_930, %dma_start3A_933, %dma_start3A_934] : memref<4x32x137xf32, #tpu.memory_space<vmem>> -> memref<1x8x128xf32, #tpu.memory_space<vmem>>
      %dma_start3A_936 = tpu.memref_squeeze %dma_start3A_935 : memref<1x8x128xf32, #tpu.memory_space<vmem>> -> memref<8x128xf32, #tpu.memory_space<vmem>>
      %dma_start3A_937 = arith.constant 0 : i32
      %dma_start3A_938 = arith.constant 0 : i32
      %dma_start3A_939 = tpu.memref_slice %arg4[%select_n3A_899, %dma_start3A_931, %rem3A_901, %dma_start3A_937, %dma_start3A_938] : memref<50x4x128x8x128xf32, #tpu.memory_space<hbm>> -> memref<1x1x1x8x128xf32, #tpu.memory_space<hbm>>
      %dma_start3A_940 = tpu.memref_squeeze %dma_start3A_939 : memref<1x1x1x8x128xf32, #tpu.memory_space<hbm>> -> memref<8x128xf32, #tpu.memory_space<hbm>>
      %dma_start3A_941 = tpu.memref_slice %arg9[%dma_start3A_932] : memref<4x!tpu.dma_semaphore, #tpu.memory_space<semaphore_mem>> -> memref<1x!tpu.dma_semaphore, #tpu.memory_space<semaphore_mem>>
      %dma_start3A_942 = tpu.memref_squeeze %dma_start3A_941 : memref<1x!tpu.dma_semaphore, #tpu.memory_space<semaphore_mem>> -> memref<!tpu.dma_semaphore, #tpu.memory_space<semaphore_mem>>
      %dma_start3A_943 = arith.constant 0 : i32
      %dma_start3A_944 = arith.constant 0 : i32
      %dma_start3A_945 = tpu.memref_slice %arg4[%select_n3A_899, %dma_start3A_931, %rem3A_901, %dma_start3A_943, %dma_start3A_944] : memref<50x4x128x8x128xf32, #tpu.memory_space<hbm>> -> memref<1x1x1x8x128xf32, #tpu.memory_space<hbm>>
      %dma_start3A_946 = tpu.memref_squeeze %dma_start3A_945 : memref<1x1x1x8x128xf32, #tpu.memory_space<hbm>> -> memref<8x128xf32, #tpu.memory_space<hbm>>
      %dma_start3A_947 = arith.constant 0 : i32
      %dma_start3A_948 = arith.constant 0 : i32
      %dma_start3A_949 = tpu.memref_slice %arg7[%dma_start3A_930, %dma_start3A_947, %dma_start3A_948] : memref<4x32x137xf32, #tpu.memory_space<vmem>> -> memref<1x8x128xf32, #tpu.memory_space<vmem>>
      %dma_start3A_950 = tpu.memref_squeeze %dma_start3A_949 : memref<1x8x128xf32, #tpu.memory_space<vmem>> -> memref<8x128xf32, #tpu.memory_space<vmem>>
      tpu.enqueue_dma source(%dma_start3A_950 : memref<8x128xf32, #tpu.memory_space<vmem>>) target(%dma_start3A_946 : memref<8x128xf32, #tpu.memory_space<hbm>>) target_semaphore(%dma_start3A_942 : memref<!tpu.dma_semaphore, #tpu.memory_space<semaphore_mem>>)
      %dma_start3A_951 = arith.constant 3 : i32
      %dma_start3A_952 = arith.constant 1 : i32
      %dma_start3A_953 = arith.constant 3 : i32
      %dma_start3A_954 = arith.constant 8 : i32
      %dma_start3A_955 = arith.constant 0 : i32
      %dma_start3A_956 = tpu.memref_slice %arg7[%dma_start3A_951, %dma_start3A_954, %dma_start3A_955] : memref<4x32x137xf32, #tpu.memory_space<vmem>> -> memref<1x8x128xf32, #tpu.memory_space<vmem>>
      %dma_start3A_957 = tpu.memref_squeeze %dma_start3A_956 : memref<1x8x128xf32, #tpu.memory_space<vmem>> -> memref<8x128xf32, #tpu.memory_space<vmem>>
      %dma_start3A_958 = arith.constant 0 : i32
      %dma_start3A_959 = arith.constant 0 : i32
      %dma_start3A_960 = tpu.memref_slice %arg4[%select_n3A_899, %dma_start3A_952, %rem3A_901, %dma_start3A_958, %dma_start3A_959] : memref<50x4x128x8x128xf32, #tpu.memory_space<hbm>> -> memref<1x1x1x8x128xf32, #tpu.memory_space<hbm>>
      %dma_start3A_961 = tpu.memref_squeeze %dma_start3A_960 : memref<1x1x1x8x128xf32, #tpu.memory_space<hbm>> -> memref<8x128xf32, #tpu.memory_space<hbm>>
      %dma_start3A_962 = tpu.memref_slice %arg9[%dma_start3A_953] : memref<4x!tpu.dma_semaphore, #tpu.memory_space<semaphore_mem>> -> memref<1x!tpu.dma_semaphore, #tpu.memory_space<semaphore_mem>>
      %dma_start3A_963 = tpu.memref_squeeze %dma_start3A_962 : memref<1x!tpu.dma_semaphore, #tpu.memory_space<semaphore_mem>> -> memref<!tpu.dma_semaphore, #tpu.memory_space<semaphore_mem>>
      %dma_start3A_964 = arith.constant 0 : i32
      %dma_start3A_965 = arith.constant 0 : i32
      %dma_start3A_966 = tpu.memref_slice %arg4[%select_n3A_899, %dma_start3A_952, %rem3A_901, %dma_start3A_964, %dma_start3A_965] : memref<50x4x128x8x128xf32, #tpu.memory_space<hbm>> -> memref<1x1x1x8x128xf32, #tpu.memory_space<hbm>>
      %dma_start3A_967 = tpu.memref_squeeze %dma_start3A_966 : memref<1x1x1x8x128xf32, #tpu.memory_space<hbm>> -> memref<8x128xf32, #tpu.memory_space<hbm>>
      %dma_start3A_968 = arith.constant 8 : i32
      %dma_start3A_969 = arith.constant 0 : i32
      %dma_start3A_970 = tpu.memref_slice %arg7[%dma_start3A_951, %dma_start3A_968, %dma_start3A_969] : memref<4x32x137xf32, #tpu.memory_space<vmem>> -> memref<1x8x128xf32, #tpu.memory_space<vmem>>
      %dma_start3A_971 = tpu.memref_squeeze %dma_start3A_970 : memref<1x8x128xf32, #tpu.memory_space<vmem>> -> memref<8x128xf32, #tpu.memory_space<vmem>>
      tpu.enqueue_dma source(%dma_start3A_971 : memref<8x128xf32, #tpu.memory_space<vmem>>) target(%dma_start3A_967 : memref<8x128xf32, #tpu.memory_space<hbm>>) target_semaphore(%dma_start3A_963 : memref<!tpu.dma_semaphore, #tpu.memory_space<semaphore_mem>>)
      %dma_start3A_972 = arith.constant 3 : i32
      %dma_start3A_973 = arith.constant 2 : i32
      %dma_start3A_974 = arith.constant 3 : i32
      %dma_start3A_975 = arith.constant 16 : i32
      %dma_start3A_976 = arith.constant 0 : i32
      %dma_start3A_977 = tpu.memref_slice %arg7[%dma_start3A_972, %dma_start3A_975, %dma_start3A_976] : memref<4x32x137xf32, #tpu.memory_space<vmem>> -> memref<1x8x128xf32, #tpu.memory_space<vmem>>
      %dma_start3A_978 = tpu.memref_squeeze %dma_start3A_977 : memref<1x8x128xf32, #tpu.memory_space<vmem>> -> memref<8x128xf32, #tpu.memory_space<vmem>>
      %dma_start3A_979 = arith.constant 0 : i32
      %dma_start3A_980 = arith.constant 0 : i32
      %dma_start3A_981 = tpu.memref_slice %arg4[%select_n3A_899, %dma_start3A_973, %rem3A_901, %dma_start3A_979, %dma_start3A_980] : memref<50x4x128x8x128xf32, #tpu.memory_space<hbm>> -> memref<1x1x1x8x128xf32, #tpu.memory_space<hbm>>
      %dma_start3A_982 = tpu.memref_squeeze %dma_start3A_981 : memref<1x1x1x8x128xf32, #tpu.memory_space<hbm>> -> memref<8x128xf32, #tpu.memory_space<hbm>>
      %dma_start3A_983 = tpu.memref_slice %arg9[%dma_start3A_974] : memref<4x!tpu.dma_semaphore, #tpu.memory_space<semaphore_mem>> -> memref<1x!tpu.dma_semaphore, #tpu.memory_space<semaphore_mem>>
      %dma_start3A_984 = tpu.memref_squeeze %dma_start3A_983 : memref<1x!tpu.dma_semaphore, #tpu.memory_space<semaphore_mem>> -> memref<!tpu.dma_semaphore, #tpu.memory_space<semaphore_mem>>
      %dma_start3A_985 = arith.constant 0 : i32
      %dma_start3A_986 = arith.constant 0 : i32
      %dma_start3A_987 = tpu.memref_slice %arg4[%select_n3A_899, %dma_start3A_973, %rem3A_901, %dma_start3A_985, %dma_start3A_986] : memref<50x4x128x8x128xf32, #tpu.memory_space<hbm>> -> memref<1x1x1x8x128xf32, #tpu.memory_space<hbm>>
      %dma_start3A_988 = tpu.memref_squeeze %dma_start3A_987 : memref<1x1x1x8x128xf32, #tpu.memory_space<hbm>> -> memref<8x128xf32, #tpu.memory_space<hbm>>
      %dma_start3A_989 = arith.constant 16 : i32
      %dma_start3A_990 = arith.constant 0 : i32
      %dma_start3A_991 = tpu.memref_slice %arg7[%dma_start3A_972, %dma_start3A_989, %dma_start3A_990] : memref<4x32x137xf32, #tpu.memory_space<vmem>> -> memref<1x8x128xf32, #tpu.memory_space<vmem>>
      %dma_start3A_992 = tpu.memref_squeeze %dma_start3A_991 : memref<1x8x128xf32, #tpu.memory_space<vmem>> -> memref<8x128xf32, #tpu.memory_space<vmem>>
      tpu.enqueue_dma source(%dma_start3A_992 : memref<8x128xf32, #tpu.memory_space<vmem>>) target(%dma_start3A_988 : memref<8x128xf32, #tpu.memory_space<hbm>>) target_semaphore(%dma_start3A_984 : memref<!tpu.dma_semaphore, #tpu.memory_space<semaphore_mem>>)
      %dma_start3A_993 = arith.constant 3 : i32
      %dma_start3A_994 = arith.constant 3 : i32
      %dma_start3A_995 = arith.constant 3 : i32
      %dma_start3A_996 = arith.constant 24 : i32
      %dma_start3A_997 = arith.constant 0 : i32
      %dma_start3A_998 = tpu.memref_slice %arg7[%dma_start3A_993, %dma_start3A_996, %dma_start3A_997] : memref<4x32x137xf32, #tpu.memory_space<vmem>> -> memref<1x8x128xf32, #tpu.memory_space<vmem>>
      %dma_start3A_999 = tpu.memref_squeeze %dma_start3A_998 : memref<1x8x128xf32, #tpu.memory_space<vmem>> -> memref<8x128xf32, #tpu.memory_space<vmem>>
      %dma_start3A_1000 = arith.constant 0 : i32
      %dma_start3A_1001 = arith.constant 0 : i32
      %dma_start3A_1002 = tpu.memref_slice %arg4[%select_n3A_899, %dma_start3A_994, %rem3A_901, %dma_start3A_1000, %dma_start3A_1001] : memref<50x4x128x8x128xf32, #tpu.memory_space<hbm>> -> memref<1x1x1x8x128xf32, #tpu.memory_space<hbm>>
      %dma_start3A_1003 = tpu.memref_squeeze %dma_start3A_1002 : memref<1x1x1x8x128xf32, #tpu.memory_space<hbm>> -> memref<8x128xf32, #tpu.memory_space<hbm>>
      %dma_start3A_1004 = tpu.memref_slice %arg9[%dma_start3A_995] : memref<4x!tpu.dma_semaphore, #tpu.memory_space<semaphore_mem>> -> memref<1x!tpu.dma_semaphore, #tpu.memory_space<semaphore_mem>>
      %dma_start3A_1005 = tpu.memref_squeeze %dma_start3A_1004 : memref<1x!tpu.dma_semaphore, #tpu.memory_space<semaphore_mem>> -> memref<!tpu.dma_semaphore, #tpu.memory_space<semaphore_mem>>
      %dma_start3A_1006 = arith.constant 0 : i32
      %dma_start3A_1007 = arith.constant 0 : i32
      %dma_start3A_1008 = tpu.memref_slice %arg4[%select_n3A_899, %dma_start3A_994, %rem3A_901, %dma_start3A_1006, %dma_start3A_1007] : memref<50x4x128x8x128xf32, #tpu.memory_space<hbm>> -> memref<1x1x1x8x128xf32, #tpu.memory_space<hbm>>
      %dma_start3A_1009 = tpu.memref_squeeze %dma_start3A_1008 : memref<1x1x1x8x128xf32, #tpu.memory_space<hbm>> -> memref<8x128xf32, #tpu.memory_space<hbm>>
      %dma_start3A_1010 = arith.constant 24 : i32
      %dma_start3A_1011 = arith.constant 0 : i32
      %dma_start3A_1012 = tpu.memref_slice %arg7[%dma_start3A_993, %dma_start3A_1010, %dma_start3A_1011] : memref<4x32x137xf32, #tpu.memory_space<vmem>> -> memref<1x8x128xf32, #tpu.memory_space<vmem>>
      %dma_start3A_1013 = tpu.memref_squeeze %dma_start3A_1012 : memref<1x8x128xf32, #tpu.memory_space<vmem>> -> memref<8x128xf32, #tpu.memory_space<vmem>>
      tpu.enqueue_dma source(%dma_start3A_1013 : memref<8x128xf32, #tpu.memory_space<vmem>>) target(%dma_start3A_1009 : memref<8x128xf32, #tpu.memory_space<hbm>>) target_semaphore(%dma_start3A_1005 : memref<!tpu.dma_semaphore, #tpu.memory_space<semaphore_mem>>)
      %add3A_1014 = arith.constant 4 : i32
      %add3A_1015 = arith.addi %add3A_874, %add3A_1014 : i32
      %lt3A_1016 = arith.constant 200 : i32
      %lt3A_1017 = arith.cmpi slt, %add3A_1015, %lt3A_1016 : i32
      %convert_element_type3A_1018 = arith.extui %lt3A_1017 : i1 to i32
      %cond3A_1019 = arith.constant 0 : i32
      %cond3A_1020 = arith.cmpi ne, %convert_element_type3A_1018, %cond3A_1019 : i32
      scf.if %cond3A_1020 {
        %add3A_1021 = arith.constant 4 : i32
        %add3A_1022 = arith.addi %add3A_874, %add3A_1021 : i32
        %dma_start3A_1023 = arith.constant 3 : i32
        %dma_start3A_1024 = arith.constant 3 : i32
        %dma_start3A_1025 = arith.constant 0 : i32
        %dma_start3A_1026 = arith.constant 0 : i32
        %dma_start3A_1027 = tpu.memref_slice %arg6[%dma_start3A_1023, %dma_start3A_1025, %dma_start3A_1026] : memref<4x128x32xf32, #tpu.memory_space<vmem>> -> memref<1x128x32xf32, #tpu.memory_space<vmem>>
        %dma_start3A_1028 = tpu.memref_squeeze %dma_start3A_1027 : memref<1x128x32xf32, #tpu.memory_space<vmem>> -> memref<128x32xf32, #tpu.memory_space<vmem>>
        %dma_start3A_1029 = arith.constant 0 : i32
        %dma_start3A_1030 = tpu.memref_slice %arg5[%add3A_1022, %dma_start3A_1029] : memref<200x128xi32, #tpu.memory_space<vmem>> -> memref<1x128xi32, #tpu.memory_space<vmem>>
        %dma_start3A_1031 = tpu.memref_squeeze %dma_start3A_1030 : memref<1x128xi32, #tpu.memory_space<vmem>> -> memref<128xi32, #tpu.memory_space<vmem>>
        %dma_start3A_1032 = arith.constant 0 : i32
        %dma_start3A_1033 = arith.constant 0 : i32
        %dma_start3A_1034 = tpu.memref_slice %arg2[%dma_start3A_1032, %dma_start3A_1033] : memref<1000001x32xf32, #tpu.memory_space<hbm>> -> memref<1000001x32xf32, #tpu.memory_space<hbm>>
        %dma_start3A_1035 = tpu.memref_slice %arg8[%dma_start3A_1024] : memref<4x!tpu.dma_semaphore, #tpu.memory_space<semaphore_mem>> -> memref<1x!tpu.dma_semaphore, #tpu.memory_space<semaphore_mem>>
        %dma_start3A_1036 = tpu.memref_squeeze %dma_start3A_1035 : memref<1x!tpu.dma_semaphore, #tpu.memory_space<semaphore_mem>> -> memref<!tpu.dma_semaphore, #tpu.memory_space<semaphore_mem>>
        tpu.enqueue_indirect_dma source(%dma_start3A_1034 : memref<1000001x32xf32, #tpu.memory_space<hbm>>) target(%dma_start3A_1028 : memref<128x32xf32, #tpu.memory_space<vmem>>) offsets(%dma_start3A_1031 : memref<128xi32, #tpu.memory_space<vmem>>) semaphore(%dma_start3A_1036 : memref<!tpu.dma_semaphore, #tpu.memory_space<semaphore_mem>>)
      } else {
      }
    }
    %scan3A_68 = arith.constant 50 : i32
    %dma_wait3A = arith.constant 0 : i32
    %dma_wait3A_69 = arith.constant 0 : i32
    %dma_wait3A_70 = arith.constant 0 : i32
    %dma_wait3A_71 = arith.constant 0 : i32
    %dma_wait3A_72 = arith.constant 0 : i32
    %dma_wait3A_73 = arith.constant 0 : i32
    %dma_wait3A_74 = arith.constant 0 : i32
    %dma_wait3A_75 = tpu.memref_slice %arg7[%dma_wait3A, %dma_wait3A_73, %dma_wait3A_74] : memref<4x32x137xf32, #tpu.memory_space<vmem>> -> memref<1x8x128xf32, #tpu.memory_space<vmem>>
    %dma_wait3A_76 = tpu.memref_squeeze %dma_wait3A_75 : memref<1x8x128xf32, #tpu.memory_space<vmem>> -> memref<8x128xf32, #tpu.memory_space<vmem>>
    %dma_wait3A_77 = arith.constant 0 : i32
    %dma_wait3A_78 = arith.constant 0 : i32
    %dma_wait3A_79 = tpu.memref_slice %arg4[%dma_wait3A_69, %dma_wait3A_70, %dma_wait3A_71, %dma_wait3A_77, %dma_wait3A_78] : memref<50x4x128x8x128xf32, #tpu.memory_space<hbm>> -> memref<1x1x1x8x128xf32, #tpu.memory_space<hbm>>
    %dma_wait3A_80 = tpu.memref_squeeze %dma_wait3A_79 : memref<1x1x1x8x128xf32, #tpu.memory_space<hbm>> -> memref<8x128xf32, #tpu.memory_space<hbm>>
    %dma_wait3A_81 = tpu.memref_slice %arg9[%dma_wait3A_72] : memref<4x!tpu.dma_semaphore, #tpu.memory_space<semaphore_mem>> -> memref<1x!tpu.dma_semaphore, #tpu.memory_space<semaphore_mem>>
    %dma_wait3A_82 = tpu.memref_squeeze %dma_wait3A_81 : memref<1x!tpu.dma_semaphore, #tpu.memory_space<semaphore_mem>> -> memref<!tpu.dma_semaphore, #tpu.memory_space<semaphore_mem>>
    %dma_wait3A_83 = arith.constant 0 : i32
    %dma_wait3A_84 = arith.constant 0 : i32
    %dma_wait3A_85 = tpu.memref_slice %arg4[%dma_wait3A_69, %dma_wait3A_70, %dma_wait3A_71, %dma_wait3A_83, %dma_wait3A_84] : memref<50x4x128x8x128xf32, #tpu.memory_space<hbm>> -> memref<1x1x1x8x128xf32, #tpu.memory_space<hbm>>
    %dma_wait3A_86 = tpu.memref_squeeze %dma_wait3A_85 : memref<1x1x1x8x128xf32, #tpu.memory_space<hbm>> -> memref<8x128xf32, #tpu.memory_space<hbm>>
    %dma_wait3A_87 = arith.constant 0 : i32
    %dma_wait3A_88 = arith.constant 0 : i32
    %dma_wait3A_89 = tpu.memref_slice %arg7[%dma_wait3A, %dma_wait3A_87, %dma_wait3A_88] : memref<4x32x137xf32, #tpu.memory_space<vmem>> -> memref<1x8x128xf32, #tpu.memory_space<vmem>>
    %dma_wait3A_90 = tpu.memref_squeeze %dma_wait3A_89 : memref<1x8x128xf32, #tpu.memory_space<vmem>> -> memref<8x128xf32, #tpu.memory_space<vmem>>
    tpu.wait_dma2 semaphore(%dma_wait3A_82 : memref<!tpu.dma_semaphore, #tpu.memory_space<semaphore_mem>>) src(%dma_wait3A_90 : memref<8x128xf32, #tpu.memory_space<vmem>>) dst(%dma_wait3A_86 : memref<8x128xf32, #tpu.memory_space<hbm>>)
    %dma_wait3A_91 = arith.constant 0 : i32
    %dma_wait3A_92 = arith.constant 0 : i32
    %dma_wait3A_93 = arith.constant 1 : i32
    %dma_wait3A_94 = arith.constant 0 : i32
    %dma_wait3A_95 = arith.constant 0 : i32
    %dma_wait3A_96 = arith.constant 8 : i32
    %dma_wait3A_97 = arith.constant 0 : i32
    %dma_wait3A_98 = tpu.memref_slice %arg7[%dma_wait3A_91, %dma_wait3A_96, %dma_wait3A_97] : memref<4x32x137xf32, #tpu.memory_space<vmem>> -> memref<1x8x128xf32, #tpu.memory_space<vmem>>
    %dma_wait3A_99 = tpu.memref_squeeze %dma_wait3A_98 : memref<1x8x128xf32, #tpu.memory_space<vmem>> -> memref<8x128xf32, #tpu.memory_space<vmem>>
    %dma_wait3A_100 = arith.constant 0 : i32
    %dma_wait3A_101 = arith.constant 0 : i32
    %dma_wait3A_102 = tpu.memref_slice %arg4[%dma_wait3A_92, %dma_wait3A_93, %dma_wait3A_94, %dma_wait3A_100, %dma_wait3A_101] : memref<50x4x128x8x128xf32, #tpu.memory_space<hbm>> -> memref<1x1x1x8x128xf32, #tpu.memory_space<hbm>>
    %dma_wait3A_103 = tpu.memref_squeeze %dma_wait3A_102 : memref<1x1x1x8x128xf32, #tpu.memory_space<hbm>> -> memref<8x128xf32, #tpu.memory_space<hbm>>
    %dma_wait3A_104 = tpu.memref_slice %arg9[%dma_wait3A_95] : memref<4x!tpu.dma_semaphore, #tpu.memory_space<semaphore_mem>> -> memref<1x!tpu.dma_semaphore, #tpu.memory_space<semaphore_mem>>
    %dma_wait3A_105 = tpu.memref_squeeze %dma_wait3A_104 : memref<1x!tpu.dma_semaphore, #tpu.memory_space<semaphore_mem>> -> memref<!tpu.dma_semaphore, #tpu.memory_space<semaphore_mem>>
    %dma_wait3A_106 = arith.constant 0 : i32
    %dma_wait3A_107 = arith.constant 0 : i32
    %dma_wait3A_108 = tpu.memref_slice %arg4[%dma_wait3A_92, %dma_wait3A_93, %dma_wait3A_94, %dma_wait3A_106, %dma_wait3A_107] : memref<50x4x128x8x128xf32, #tpu.memory_space<hbm>> -> memref<1x1x1x8x128xf32, #tpu.memory_space<hbm>>
    %dma_wait3A_109 = tpu.memref_squeeze %dma_wait3A_108 : memref<1x1x1x8x128xf32, #tpu.memory_space<hbm>> -> memref<8x128xf32, #tpu.memory_space<hbm>>
    %dma_wait3A_110 = arith.constant 8 : i32
    %dma_wait3A_111 = arith.constant 0 : i32
    %dma_wait3A_112 = tpu.memref_slice %arg7[%dma_wait3A_91, %dma_wait3A_110, %dma_wait3A_111] : memref<4x32x137xf32, #tpu.memory_space<vmem>> -> memref<1x8x128xf32, #tpu.memory_space<vmem>>
    %dma_wait3A_113 = tpu.memref_squeeze %dma_wait3A_112 : memref<1x8x128xf32, #tpu.memory_space<vmem>> -> memref<8x128xf32, #tpu.memory_space<vmem>>
    tpu.wait_dma2 semaphore(%dma_wait3A_105 : memref<!tpu.dma_semaphore, #tpu.memory_space<semaphore_mem>>) src(%dma_wait3A_113 : memref<8x128xf32, #tpu.memory_space<vmem>>) dst(%dma_wait3A_109 : memref<8x128xf32, #tpu.memory_space<hbm>>)
    %dma_wait3A_114 = arith.constant 0 : i32
    %dma_wait3A_115 = arith.constant 0 : i32
    %dma_wait3A_116 = arith.constant 2 : i32
    %dma_wait3A_117 = arith.constant 0 : i32
    %dma_wait3A_118 = arith.constant 0 : i32
    %dma_wait3A_119 = arith.constant 16 : i32
    %dma_wait3A_120 = arith.constant 0 : i32
    %dma_wait3A_121 = tpu.memref_slice %arg7[%dma_wait3A_114, %dma_wait3A_119, %dma_wait3A_120] : memref<4x32x137xf32, #tpu.memory_space<vmem>> -> memref<1x8x128xf32, #tpu.memory_space<vmem>>
    %dma_wait3A_122 = tpu.memref_squeeze %dma_wait3A_121 : memref<1x8x128xf32, #tpu.memory_space<vmem>> -> memref<8x128xf32, #tpu.memory_space<vmem>>
    %dma_wait3A_123 = arith.constant 0 : i32
    %dma_wait3A_124 = arith.constant 0 : i32
    %dma_wait3A_125 = tpu.memref_slice %arg4[%dma_wait3A_115, %dma_wait3A_116, %dma_wait3A_117, %dma_wait3A_123, %dma_wait3A_124] : memref<50x4x128x8x128xf32, #tpu.memory_space<hbm>> -> memref<1x1x1x8x128xf32, #tpu.memory_space<hbm>>
    %dma_wait3A_126 = tpu.memref_squeeze %dma_wait3A_125 : memref<1x1x1x8x128xf32, #tpu.memory_space<hbm>> -> memref<8x128xf32, #tpu.memory_space<hbm>>
    %dma_wait3A_127 = tpu.memref_slice %arg9[%dma_wait3A_118] : memref<4x!tpu.dma_semaphore, #tpu.memory_space<semaphore_mem>> -> memref<1x!tpu.dma_semaphore, #tpu.memory_space<semaphore_mem>>
    %dma_wait3A_128 = tpu.memref_squeeze %dma_wait3A_127 : memref<1x!tpu.dma_semaphore, #tpu.memory_space<semaphore_mem>> -> memref<!tpu.dma_semaphore, #tpu.memory_space<semaphore_mem>>
    %dma_wait3A_129 = arith.constant 0 : i32
    %dma_wait3A_130 = arith.constant 0 : i32
    %dma_wait3A_131 = tpu.memref_slice %arg4[%dma_wait3A_115, %dma_wait3A_116, %dma_wait3A_117, %dma_wait3A_129, %dma_wait3A_130] : memref<50x4x128x8x128xf32, #tpu.memory_space<hbm>> -> memref<1x1x1x8x128xf32, #tpu.memory_space<hbm>>
    %dma_wait3A_132 = tpu.memref_squeeze %dma_wait3A_131 : memref<1x1x1x8x128xf32, #tpu.memory_space<hbm>> -> memref<8x128xf32, #tpu.memory_space<hbm>>
    %dma_wait3A_133 = arith.constant 16 : i32
    %dma_wait3A_134 = arith.constant 0 : i32
    %dma_wait3A_135 = tpu.memref_slice %arg7[%dma_wait3A_114, %dma_wait3A_133, %dma_wait3A_134] : memref<4x32x137xf32, #tpu.memory_space<vmem>> -> memref<1x8x128xf32, #tpu.memory_space<vmem>>
    %dma_wait3A_136 = tpu.memref_squeeze %dma_wait3A_135 : memref<1x8x128xf32, #tpu.memory_space<vmem>> -> memref<8x128xf32, #tpu.memory_space<vmem>>
    tpu.wait_dma2 semaphore(%dma_wait3A_128 : memref<!tpu.dma_semaphore, #tpu.memory_space<semaphore_mem>>) src(%dma_wait3A_136 : memref<8x128xf32, #tpu.memory_space<vmem>>) dst(%dma_wait3A_132 : memref<8x128xf32, #tpu.memory_space<hbm>>)
    %dma_wait3A_137 = arith.constant 0 : i32
    %dma_wait3A_138 = arith.constant 0 : i32
    %dma_wait3A_139 = arith.constant 3 : i32
    %dma_wait3A_140 = arith.constant 0 : i32
    %dma_wait3A_141 = arith.constant 0 : i32
    %dma_wait3A_142 = arith.constant 24 : i32
    %dma_wait3A_143 = arith.constant 0 : i32
    %dma_wait3A_144 = tpu.memref_slice %arg7[%dma_wait3A_137, %dma_wait3A_142, %dma_wait3A_143] : memref<4x32x137xf32, #tpu.memory_space<vmem>> -> memref<1x8x128xf32, #tpu.memory_space<vmem>>
    %dma_wait3A_145 = tpu.memref_squeeze %dma_wait3A_144 : memref<1x8x128xf32, #tpu.memory_space<vmem>> -> memref<8x128xf32, #tpu.memory_space<vmem>>
    %dma_wait3A_146 = arith.constant 0 : i32
    %dma_wait3A_147 = arith.constant 0 : i32
    %dma_wait3A_148 = tpu.memref_slice %arg4[%dma_wait3A_138, %dma_wait3A_139, %dma_wait3A_140, %dma_wait3A_146, %dma_wait3A_147] : memref<50x4x128x8x128xf32, #tpu.memory_space<hbm>> -> memref<1x1x1x8x128xf32, #tpu.memory_space<hbm>>
    %dma_wait3A_149 = tpu.memref_squeeze %dma_wait3A_148 : memref<1x1x1x8x128xf32, #tpu.memory_space<hbm>> -> memref<8x128xf32, #tpu.memory_space<hbm>>
    %dma_wait3A_150 = tpu.memref_slice %arg9[%dma_wait3A_141] : memref<4x!tpu.dma_semaphore, #tpu.memory_space<semaphore_mem>> -> memref<1x!tpu.dma_semaphore, #tpu.memory_space<semaphore_mem>>
    %dma_wait3A_151 = tpu.memref_squeeze %dma_wait3A_150 : memref<1x!tpu.dma_semaphore, #tpu.memory_space<semaphore_mem>> -> memref<!tpu.dma_semaphore, #tpu.memory_space<semaphore_mem>>
    %dma_wait3A_152 = arith.constant 0 : i32
    %dma_wait3A_153 = arith.constant 0 : i32
    %dma_wait3A_154 = tpu.memref_slice %arg4[%dma_wait3A_138, %dma_wait3A_139, %dma_wait3A_140, %dma_wait3A_152, %dma_wait3A_153] : memref<50x4x128x8x128xf32, #tpu.memory_space<hbm>> -> memref<1x1x1x8x128xf32, #tpu.memory_space<hbm>>
    %dma_wait3A_155 = tpu.memref_squeeze %dma_wait3A_154 : memref<1x1x1x8x128xf32, #tpu.memory_space<hbm>> -> memref<8x128xf32, #tpu.memory_space<hbm>>
    %dma_wait3A_156 = arith.constant 24 : i32
    %dma_wait3A_157 = arith.constant 0 : i32
    %dma_wait3A_158 = tpu.memref_slice %arg7[%dma_wait3A_137, %dma_wait3A_156, %dma_wait3A_157] : memref<4x32x137xf32, #tpu.memory_space<vmem>> -> memref<1x8x128xf32, #tpu.memory_space<vmem>>
    %dma_wait3A_159 = tpu.memref_squeeze %dma_wait3A_158 : memref<1x8x128xf32, #tpu.memory_space<vmem>> -> memref<8x128xf32, #tpu.memory_space<vmem>>
    tpu.wait_dma2 semaphore(%dma_wait3A_151 : memref<!tpu.dma_semaphore, #tpu.memory_space<semaphore_mem>>) src(%dma_wait3A_159 : memref<8x128xf32, #tpu.memory_space<vmem>>) dst(%dma_wait3A_155 : memref<8x128xf32, #tpu.memory_space<hbm>>)
    %dma_wait3A_160 = arith.constant 1 : i32
    %dma_wait3A_161 = arith.constant 0 : i32
    %dma_wait3A_162 = arith.constant 0 : i32
    %dma_wait3A_163 = arith.constant 0 : i32
    %dma_wait3A_164 = arith.constant 1 : i32
    %dma_wait3A_165 = arith.constant 0 : i32
    %dma_wait3A_166 = arith.constant 0 : i32
    %dma_wait3A_167 = tpu.memref_slice %arg7[%dma_wait3A_160, %dma_wait3A_165, %dma_wait3A_166] : memref<4x32x137xf32, #tpu.memory_space<vmem>> -> memref<1x8x128xf32, #tpu.memory_space<vmem>>
    %dma_wait3A_168 = tpu.memref_squeeze %dma_wait3A_167 : memref<1x8x128xf32, #tpu.memory_space<vmem>> -> memref<8x128xf32, #tpu.memory_space<vmem>>
    %dma_wait3A_169 = arith.constant 0 : i32
    %dma_wait3A_170 = arith.constant 0 : i32
    %dma_wait3A_171 = tpu.memref_slice %arg4[%dma_wait3A_161, %dma_wait3A_162, %dma_wait3A_163, %dma_wait3A_169, %dma_wait3A_170] : memref<50x4x128x8x128xf32, #tpu.memory_space<hbm>> -> memref<1x1x1x8x128xf32, #tpu.memory_space<hbm>>
    %dma_wait3A_172 = tpu.memref_squeeze %dma_wait3A_171 : memref<1x1x1x8x128xf32, #tpu.memory_space<hbm>> -> memref<8x128xf32, #tpu.memory_space<hbm>>
    %dma_wait3A_173 = tpu.memref_slice %arg9[%dma_wait3A_164] : memref<4x!tpu.dma_semaphore, #tpu.memory_space<semaphore_mem>> -> memref<1x!tpu.dma_semaphore, #tpu.memory_space<semaphore_mem>>
    %dma_wait3A_174 = tpu.memref_squeeze %dma_wait3A_173 : memref<1x!tpu.dma_semaphore, #tpu.memory_space<semaphore_mem>> -> memref<!tpu.dma_semaphore, #tpu.memory_space<semaphore_mem>>
    %dma_wait3A_175 = arith.constant 0 : i32
    %dma_wait3A_176 = arith.constant 0 : i32
    %dma_wait3A_177 = tpu.memref_slice %arg4[%dma_wait3A_161, %dma_wait3A_162, %dma_wait3A_163, %dma_wait3A_175, %dma_wait3A_176] : memref<50x4x128x8x128xf32, #tpu.memory_space<hbm>> -> memref<1x1x1x8x128xf32, #tpu.memory_space<hbm>>
    %dma_wait3A_178 = tpu.memref_squeeze %dma_wait3A_177 : memref<1x1x1x8x128xf32, #tpu.memory_space<hbm>> -> memref<8x128xf32, #tpu.memory_space<hbm>>
    %dma_wait3A_179 = arith.constant 0 : i32
    %dma_wait3A_180 = arith.constant 0 : i32
    %dma_wait3A_181 = tpu.memref_slice %arg7[%dma_wait3A_160, %dma_wait3A_179, %dma_wait3A_180] : memref<4x32x137xf32, #tpu.memory_space<vmem>> -> memref<1x8x128xf32, #tpu.memory_space<vmem>>
    %dma_wait3A_182 = tpu.memref_squeeze %dma_wait3A_181 : memref<1x8x128xf32, #tpu.memory_space<vmem>> -> memref<8x128xf32, #tpu.memory_space<vmem>>
    tpu.wait_dma2 semaphore(%dma_wait3A_174 : memref<!tpu.dma_semaphore, #tpu.memory_space<semaphore_mem>>) src(%dma_wait3A_182 : memref<8x128xf32, #tpu.memory_space<vmem>>) dst(%dma_wait3A_178 : memref<8x128xf32, #tpu.memory_space<hbm>>)
    %dma_wait3A_183 = arith.constant 1 : i32
    %dma_wait3A_184 = arith.constant 0 : i32
    %dma_wait3A_185 = arith.constant 1 : i32
    %dma_wait3A_186 = arith.constant 0 : i32
    %dma_wait3A_187 = arith.constant 1 : i32
    %dma_wait3A_188 = arith.constant 8 : i32
    %dma_wait3A_189 = arith.constant 0 : i32
    %dma_wait3A_190 = tpu.memref_slice %arg7[%dma_wait3A_183, %dma_wait3A_188, %dma_wait3A_189] : memref<4x32x137xf32, #tpu.memory_space<vmem>> -> memref<1x8x128xf32, #tpu.memory_space<vmem>>
    %dma_wait3A_191 = tpu.memref_squeeze %dma_wait3A_190 : memref<1x8x128xf32, #tpu.memory_space<vmem>> -> memref<8x128xf32, #tpu.memory_space<vmem>>
    %dma_wait3A_192 = arith.constant 0 : i32
    %dma_wait3A_193 = arith.constant 0 : i32
    %dma_wait3A_194 = tpu.memref_slice %arg4[%dma_wait3A_184, %dma_wait3A_185, %dma_wait3A_186, %dma_wait3A_192, %dma_wait3A_193] : memref<50x4x128x8x128xf32, #tpu.memory_space<hbm>> -> memref<1x1x1x8x128xf32, #tpu.memory_space<hbm>>
    %dma_wait3A_195 = tpu.memref_squeeze %dma_wait3A_194 : memref<1x1x1x8x128xf32, #tpu.memory_space<hbm>> -> memref<8x128xf32, #tpu.memory_space<hbm>>
    %dma_wait3A_196 = tpu.memref_slice %arg9[%dma_wait3A_187] : memref<4x!tpu.dma_semaphore, #tpu.memory_space<semaphore_mem>> -> memref<1x!tpu.dma_semaphore, #tpu.memory_space<semaphore_mem>>
    %dma_wait3A_197 = tpu.memref_squeeze %dma_wait3A_196 : memref<1x!tpu.dma_semaphore, #tpu.memory_space<semaphore_mem>> -> memref<!tpu.dma_semaphore, #tpu.memory_space<semaphore_mem>>
    %dma_wait3A_198 = arith.constant 0 : i32
    %dma_wait3A_199 = arith.constant 0 : i32
    %dma_wait3A_200 = tpu.memref_slice %arg4[%dma_wait3A_184, %dma_wait3A_185, %dma_wait3A_186, %dma_wait3A_198, %dma_wait3A_199] : memref<50x4x128x8x128xf32, #tpu.memory_space<hbm>> -> memref<1x1x1x8x128xf32, #tpu.memory_space<hbm>>
    %dma_wait3A_201 = tpu.memref_squeeze %dma_wait3A_200 : memref<1x1x1x8x128xf32, #tpu.memory_space<hbm>> -> memref<8x128xf32, #tpu.memory_space<hbm>>
    %dma_wait3A_202 = arith.constant 8 : i32
    %dma_wait3A_203 = arith.constant 0 : i32
    %dma_wait3A_204 = tpu.memref_slice %arg7[%dma_wait3A_183, %dma_wait3A_202, %dma_wait3A_203] : memref<4x32x137xf32, #tpu.memory_space<vmem>> -> memref<1x8x128xf32, #tpu.memory_space<vmem>>
    %dma_wait3A_205 = tpu.memref_squeeze %dma_wait3A_204 : memref<1x8x128xf32, #tpu.memory_space<vmem>> -> memref<8x128xf32, #tpu.memory_space<vmem>>
    tpu.wait_dma2 semaphore(%dma_wait3A_197 : memref<!tpu.dma_semaphore, #tpu.memory_space<semaphore_mem>>) src(%dma_wait3A_205 : memref<8x128xf32, #tpu.memory_space<vmem>>) dst(%dma_wait3A_201 : memref<8x128xf32, #tpu.memory_space<hbm>>)
    %dma_wait3A_206 = arith.constant 1 : i32
    %dma_wait3A_207 = arith.constant 0 : i32
    %dma_wait3A_208 = arith.constant 2 : i32
    %dma_wait3A_209 = arith.constant 0 : i32
    %dma_wait3A_210 = arith.constant 1 : i32
    %dma_wait3A_211 = arith.constant 16 : i32
    %dma_wait3A_212 = arith.constant 0 : i32
    %dma_wait3A_213 = tpu.memref_slice %arg7[%dma_wait3A_206, %dma_wait3A_211, %dma_wait3A_212] : memref<4x32x137xf32, #tpu.memory_space<vmem>> -> memref<1x8x128xf32, #tpu.memory_space<vmem>>
    %dma_wait3A_214 = tpu.memref_squeeze %dma_wait3A_213 : memref<1x8x128xf32, #tpu.memory_space<vmem>> -> memref<8x128xf32, #tpu.memory_space<vmem>>
    %dma_wait3A_215 = arith.constant 0 : i32
    %dma_wait3A_216 = arith.constant 0 : i32
    %dma_wait3A_217 = tpu.memref_slice %arg4[%dma_wait3A_207, %dma_wait3A_208, %dma_wait3A_209, %dma_wait3A_215, %dma_wait3A_216] : memref<50x4x128x8x128xf32, #tpu.memory_space<hbm>> -> memref<1x1x1x8x128xf32, #tpu.memory_space<hbm>>
    %dma_wait3A_218 = tpu.memref_squeeze %dma_wait3A_217 : memref<1x1x1x8x128xf32, #tpu.memory_space<hbm>> -> memref<8x128xf32, #tpu.memory_space<hbm>>
    %dma_wait3A_219 = tpu.memref_slice %arg9[%dma_wait3A_210] : memref<4x!tpu.dma_semaphore, #tpu.memory_space<semaphore_mem>> -> memref<1x!tpu.dma_semaphore, #tpu.memory_space<semaphore_mem>>
    %dma_wait3A_220 = tpu.memref_squeeze %dma_wait3A_219 : memref<1x!tpu.dma_semaphore, #tpu.memory_space<semaphore_mem>> -> memref<!tpu.dma_semaphore, #tpu.memory_space<semaphore_mem>>
    %dma_wait3A_221 = arith.constant 0 : i32
    %dma_wait3A_222 = arith.constant 0 : i32
    %dma_wait3A_223 = tpu.memref_slice %arg4[%dma_wait3A_207, %dma_wait3A_208, %dma_wait3A_209, %dma_wait3A_221, %dma_wait3A_222] : memref<50x4x128x8x128xf32, #tpu.memory_space<hbm>> -> memref<1x1x1x8x128xf32, #tpu.memory_space<hbm>>
    %dma_wait3A_224 = tpu.memref_squeeze %dma_wait3A_223 : memref<1x1x1x8x128xf32, #tpu.memory_space<hbm>> -> memref<8x128xf32, #tpu.memory_space<hbm>>
    %dma_wait3A_225 = arith.constant 16 : i32
    %dma_wait3A_226 = arith.constant 0 : i32
    %dma_wait3A_227 = tpu.memref_slice %arg7[%dma_wait3A_206, %dma_wait3A_225, %dma_wait3A_226] : memref<4x32x137xf32, #tpu.memory_space<vmem>> -> memref<1x8x128xf32, #tpu.memory_space<vmem>>
    %dma_wait3A_228 = tpu.memref_squeeze %dma_wait3A_227 : memref<1x8x128xf32, #tpu.memory_space<vmem>> -> memref<8x128xf32, #tpu.memory_space<vmem>>
    tpu.wait_dma2 semaphore(%dma_wait3A_220 : memref<!tpu.dma_semaphore, #tpu.memory_space<semaphore_mem>>) src(%dma_wait3A_228 : memref<8x128xf32, #tpu.memory_space<vmem>>) dst(%dma_wait3A_224 : memref<8x128xf32, #tpu.memory_space<hbm>>)
    %dma_wait3A_229 = arith.constant 1 : i32
    %dma_wait3A_230 = arith.constant 0 : i32
    %dma_wait3A_231 = arith.constant 3 : i32
    %dma_wait3A_232 = arith.constant 0 : i32
    %dma_wait3A_233 = arith.constant 1 : i32
    %dma_wait3A_234 = arith.constant 24 : i32
    %dma_wait3A_235 = arith.constant 0 : i32
    %dma_wait3A_236 = tpu.memref_slice %arg7[%dma_wait3A_229, %dma_wait3A_234, %dma_wait3A_235] : memref<4x32x137xf32, #tpu.memory_space<vmem>> -> memref<1x8x128xf32, #tpu.memory_space<vmem>>
    %dma_wait3A_237 = tpu.memref_squeeze %dma_wait3A_236 : memref<1x8x128xf32, #tpu.memory_space<vmem>> -> memref<8x128xf32, #tpu.memory_space<vmem>>
    %dma_wait3A_238 = arith.constant 0 : i32
    %dma_wait3A_239 = arith.constant 0 : i32
    %dma_wait3A_240 = tpu.memref_slice %arg4[%dma_wait3A_230, %dma_wait3A_231, %dma_wait3A_232, %dma_wait3A_238, %dma_wait3A_239] : memref<50x4x128x8x128xf32, #tpu.memory_space<hbm>> -> memref<1x1x1x8x128xf32, #tpu.memory_space<hbm>>
    %dma_wait3A_241 = tpu.memref_squeeze %dma_wait3A_240 : memref<1x1x1x8x128xf32, #tpu.memory_space<hbm>> -> memref<8x128xf32, #tpu.memory_space<hbm>>
    %dma_wait3A_242 = tpu.memref_slice %arg9[%dma_wait3A_233] : memref<4x!tpu.dma_semaphore, #tpu.memory_space<semaphore_mem>> -> memref<1x!tpu.dma_semaphore, #tpu.memory_space<semaphore_mem>>
    %dma_wait3A_243 = tpu.memref_squeeze %dma_wait3A_242 : memref<1x!tpu.dma_semaphore, #tpu.memory_space<semaphore_mem>> -> memref<!tpu.dma_semaphore, #tpu.memory_space<semaphore_mem>>
    %dma_wait3A_244 = arith.constant 0 : i32
    %dma_wait3A_245 = arith.constant 0 : i32
    %dma_wait3A_246 = tpu.memref_slice %arg4[%dma_wait3A_230, %dma_wait3A_231, %dma_wait3A_232, %dma_wait3A_244, %dma_wait3A_245] : memref<50x4x128x8x128xf32, #tpu.memory_space<hbm>> -> memref<1x1x1x8x128xf32, #tpu.memory_space<hbm>>
    %dma_wait3A_247 = tpu.memref_squeeze %dma_wait3A_246 : memref<1x1x1x8x128xf32, #tpu.memory_space<hbm>> -> memref<8x128xf32, #tpu.memory_space<hbm>>
    %dma_wait3A_248 = arith.constant 24 : i32
    %dma_wait3A_249 = arith.constant 0 : i32
    %dma_wait3A_250 = tpu.memref_slice %arg7[%dma_wait3A_229, %dma_wait3A_248, %dma_wait3A_249] : memref<4x32x137xf32, #tpu.memory_space<vmem>> -> memref<1x8x128xf32, #tpu.memory_space<vmem>>
    %dma_wait3A_251 = tpu.memref_squeeze %dma_wait3A_250 : memref<1x8x128xf32, #tpu.memory_space<vmem>> -> memref<8x128xf32, #tpu.memory_space<vmem>>
    tpu.wait_dma2 semaphore(%dma_wait3A_243 : memref<!tpu.dma_semaphore, #tpu.memory_space<semaphore_mem>>) src(%dma_wait3A_251 : memref<8x128xf32, #tpu.memory_space<vmem>>) dst(%dma_wait3A_247 : memref<8x128xf32, #tpu.memory_space<hbm>>)
    %dma_wait3A_252 = arith.constant 2 : i32
    %dma_wait3A_253 = arith.constant 0 : i32
    %dma_wait3A_254 = arith.constant 0 : i32
    %dma_wait3A_255 = arith.constant 0 : i32
    %dma_wait3A_256 = arith.constant 2 : i32
    %dma_wait3A_257 = arith.constant 0 : i32
    %dma_wait3A_258 = arith.constant 0 : i32
    %dma_wait3A_259 = tpu.memref_slice %arg7[%dma_wait3A_252, %dma_wait3A_257, %dma_wait3A_258] : memref<4x32x137xf32, #tpu.memory_space<vmem>> -> memref<1x8x128xf32, #tpu.memory_space<vmem>>
    %dma_wait3A_260 = tpu.memref_squeeze %dma_wait3A_259 : memref<1x8x128xf32, #tpu.memory_space<vmem>> -> memref<8x128xf32, #tpu.memory_space<vmem>>
    %dma_wait3A_261 = arith.constant 0 : i32
    %dma_wait3A_262 = arith.constant 0 : i32
    %dma_wait3A_263 = tpu.memref_slice %arg4[%dma_wait3A_253, %dma_wait3A_254, %dma_wait3A_255, %dma_wait3A_261, %dma_wait3A_262] : memref<50x4x128x8x128xf32, #tpu.memory_space<hbm>> -> memref<1x1x1x8x128xf32, #tpu.memory_space<hbm>>
    %dma_wait3A_264 = tpu.memref_squeeze %dma_wait3A_263 : memref<1x1x1x8x128xf32, #tpu.memory_space<hbm>> -> memref<8x128xf32, #tpu.memory_space<hbm>>
    %dma_wait3A_265 = tpu.memref_slice %arg9[%dma_wait3A_256] : memref<4x!tpu.dma_semaphore, #tpu.memory_space<semaphore_mem>> -> memref<1x!tpu.dma_semaphore, #tpu.memory_space<semaphore_mem>>
    %dma_wait3A_266 = tpu.memref_squeeze %dma_wait3A_265 : memref<1x!tpu.dma_semaphore, #tpu.memory_space<semaphore_mem>> -> memref<!tpu.dma_semaphore, #tpu.memory_space<semaphore_mem>>
    %dma_wait3A_267 = arith.constant 0 : i32
    %dma_wait3A_268 = arith.constant 0 : i32
    %dma_wait3A_269 = tpu.memref_slice %arg4[%dma_wait3A_253, %dma_wait3A_254, %dma_wait3A_255, %dma_wait3A_267, %dma_wait3A_268] : memref<50x4x128x8x128xf32, #tpu.memory_space<hbm>> -> memref<1x1x1x8x128xf32, #tpu.memory_space<hbm>>
    %dma_wait3A_270 = tpu.memref_squeeze %dma_wait3A_269 : memref<1x1x1x8x128xf32, #tpu.memory_space<hbm>> -> memref<8x128xf32, #tpu.memory_space<hbm>>
    %dma_wait3A_271 = arith.constant 0 : i32
    %dma_wait3A_272 = arith.constant 0 : i32
    %dma_wait3A_273 = tpu.memref_slice %arg7[%dma_wait3A_252, %dma_wait3A_271, %dma_wait3A_272] : memref<4x32x137xf32, #tpu.memory_space<vmem>> -> memref<1x8x128xf32, #tpu.memory_space<vmem>>
    %dma_wait3A_274 = tpu.memref_squeeze %dma_wait3A_273 : memref<1x8x128xf32, #tpu.memory_space<vmem>> -> memref<8x128xf32, #tpu.memory_space<vmem>>
    tpu.wait_dma2 semaphore(%dma_wait3A_266 : memref<!tpu.dma_semaphore, #tpu.memory_space<semaphore_mem>>) src(%dma_wait3A_274 : memref<8x128xf32, #tpu.memory_space<vmem>>) dst(%dma_wait3A_270 : memref<8x128xf32, #tpu.memory_space<hbm>>)
    %dma_wait3A_275 = arith.constant 2 : i32
    %dma_wait3A_276 = arith.constant 0 : i32
    %dma_wait3A_277 = arith.constant 1 : i32
    %dma_wait3A_278 = arith.constant 0 : i32
    %dma_wait3A_279 = arith.constant 2 : i32
    %dma_wait3A_280 = arith.constant 8 : i32
    %dma_wait3A_281 = arith.constant 0 : i32
    %dma_wait3A_282 = tpu.memref_slice %arg7[%dma_wait3A_275, %dma_wait3A_280, %dma_wait3A_281] : memref<4x32x137xf32, #tpu.memory_space<vmem>> -> memref<1x8x128xf32, #tpu.memory_space<vmem>>
    %dma_wait3A_283 = tpu.memref_squeeze %dma_wait3A_282 : memref<1x8x128xf32, #tpu.memory_space<vmem>> -> memref<8x128xf32, #tpu.memory_space<vmem>>
    %dma_wait3A_284 = arith.constant 0 : i32
    %dma_wait3A_285 = arith.constant 0 : i32
    %dma_wait3A_286 = tpu.memref_slice %arg4[%dma_wait3A_276, %dma_wait3A_277, %dma_wait3A_278, %dma_wait3A_284, %dma_wait3A_285] : memref<50x4x128x8x128xf32, #tpu.memory_space<hbm>> -> memref<1x1x1x8x128xf32, #tpu.memory_space<hbm>>
    %dma_wait3A_287 = tpu.memref_squeeze %dma_wait3A_286 : memref<1x1x1x8x128xf32, #tpu.memory_space<hbm>> -> memref<8x128xf32, #tpu.memory_space<hbm>>
    %dma_wait3A_288 = tpu.memref_slice %arg9[%dma_wait3A_279] : memref<4x!tpu.dma_semaphore, #tpu.memory_space<semaphore_mem>> -> memref<1x!tpu.dma_semaphore, #tpu.memory_space<semaphore_mem>>
    %dma_wait3A_289 = tpu.memref_squeeze %dma_wait3A_288 : memref<1x!tpu.dma_semaphore, #tpu.memory_space<semaphore_mem>> -> memref<!tpu.dma_semaphore, #tpu.memory_space<semaphore_mem>>
    %dma_wait3A_290 = arith.constant 0 : i32
    %dma_wait3A_291 = arith.constant 0 : i32
    %dma_wait3A_292 = tpu.memref_slice %arg4[%dma_wait3A_276, %dma_wait3A_277, %dma_wait3A_278, %dma_wait3A_290, %dma_wait3A_291] : memref<50x4x128x8x128xf32, #tpu.memory_space<hbm>> -> memref<1x1x1x8x128xf32, #tpu.memory_space<hbm>>
    %dma_wait3A_293 = tpu.memref_squeeze %dma_wait3A_292 : memref<1x1x1x8x128xf32, #tpu.memory_space<hbm>> -> memref<8x128xf32, #tpu.memory_space<hbm>>
    %dma_wait3A_294 = arith.constant 8 : i32
    %dma_wait3A_295 = arith.constant 0 : i32
    %dma_wait3A_296 = tpu.memref_slice %arg7[%dma_wait3A_275, %dma_wait3A_294, %dma_wait3A_295] : memref<4x32x137xf32, #tpu.memory_space<vmem>> -> memref<1x8x128xf32, #tpu.memory_space<vmem>>
    %dma_wait3A_297 = tpu.memref_squeeze %dma_wait3A_296 : memref<1x8x128xf32, #tpu.memory_space<vmem>> -> memref<8x128xf32, #tpu.memory_space<vmem>>
    tpu.wait_dma2 semaphore(%dma_wait3A_289 : memref<!tpu.dma_semaphore, #tpu.memory_space<semaphore_mem>>) src(%dma_wait3A_297 : memref<8x128xf32, #tpu.memory_space<vmem>>) dst(%dma_wait3A_293 : memref<8x128xf32, #tpu.memory_space<hbm>>)
    %dma_wait3A_298 = arith.constant 2 : i32
    %dma_wait3A_299 = arith.constant 0 : i32
    %dma_wait3A_300 = arith.constant 2 : i32
    %dma_wait3A_301 = arith.constant 0 : i32
    %dma_wait3A_302 = arith.constant 2 : i32
    %dma_wait3A_303 = arith.constant 16 : i32
    %dma_wait3A_304 = arith.constant 0 : i32
    %dma_wait3A_305 = tpu.memref_slice %arg7[%dma_wait3A_298, %dma_wait3A_303, %dma_wait3A_304] : memref<4x32x137xf32, #tpu.memory_space<vmem>> -> memref<1x8x128xf32, #tpu.memory_space<vmem>>
    %dma_wait3A_306 = tpu.memref_squeeze %dma_wait3A_305 : memref<1x8x128xf32, #tpu.memory_space<vmem>> -> memref<8x128xf32, #tpu.memory_space<vmem>>
    %dma_wait3A_307 = arith.constant 0 : i32
    %dma_wait3A_308 = arith.constant 0 : i32
    %dma_wait3A_309 = tpu.memref_slice %arg4[%dma_wait3A_299, %dma_wait3A_300, %dma_wait3A_301, %dma_wait3A_307, %dma_wait3A_308] : memref<50x4x128x8x128xf32, #tpu.memory_space<hbm>> -> memref<1x1x1x8x128xf32, #tpu.memory_space<hbm>>
    %dma_wait3A_310 = tpu.memref_squeeze %dma_wait3A_309 : memref<1x1x1x8x128xf32, #tpu.memory_space<hbm>> -> memref<8x128xf32, #tpu.memory_space<hbm>>
    %dma_wait3A_311 = tpu.memref_slice %arg9[%dma_wait3A_302] : memref<4x!tpu.dma_semaphore, #tpu.memory_space<semaphore_mem>> -> memref<1x!tpu.dma_semaphore, #tpu.memory_space<semaphore_mem>>
    %dma_wait3A_312 = tpu.memref_squeeze %dma_wait3A_311 : memref<1x!tpu.dma_semaphore, #tpu.memory_space<semaphore_mem>> -> memref<!tpu.dma_semaphore, #tpu.memory_space<semaphore_mem>>
    %dma_wait3A_313 = arith.constant 0 : i32
    %dma_wait3A_314 = arith.constant 0 : i32
    %dma_wait3A_315 = tpu.memref_slice %arg4[%dma_wait3A_299, %dma_wait3A_300, %dma_wait3A_301, %dma_wait3A_313, %dma_wait3A_314] : memref<50x4x128x8x128xf32, #tpu.memory_space<hbm>> -> memref<1x1x1x8x128xf32, #tpu.memory_space<hbm>>
    %dma_wait3A_316 = tpu.memref_squeeze %dma_wait3A_315 : memref<1x1x1x8x128xf32, #tpu.memory_space<hbm>> -> memref<8x128xf32, #tpu.memory_space<hbm>>
    %dma_wait3A_317 = arith.constant 16 : i32
    %dma_wait3A_318 = arith.constant 0 : i32
    %dma_wait3A_319 = tpu.memref_slice %arg7[%dma_wait3A_298, %dma_wait3A_317, %dma_wait3A_318] : memref<4x32x137xf32, #tpu.memory_space<vmem>> -> memref<1x8x128xf32, #tpu.memory_space<vmem>>
    %dma_wait3A_320 = tpu.memref_squeeze %dma_wait3A_319 : memref<1x8x128xf32, #tpu.memory_space<vmem>> -> memref<8x128xf32, #tpu.memory_space<vmem>>
    tpu.wait_dma2 semaphore(%dma_wait3A_312 : memref<!tpu.dma_semaphore, #tpu.memory_space<semaphore_mem>>) src(%dma_wait3A_320 : memref<8x128xf32, #tpu.memory_space<vmem>>) dst(%dma_wait3A_316 : memref<8x128xf32, #tpu.memory_space<hbm>>)
    %dma_wait3A_321 = arith.constant 2 : i32
    %dma_wait3A_322 = arith.constant 0 : i32
    %dma_wait3A_323 = arith.constant 3 : i32
    %dma_wait3A_324 = arith.constant 0 : i32
    %dma_wait3A_325 = arith.constant 2 : i32
    %dma_wait3A_326 = arith.constant 24 : i32
    %dma_wait3A_327 = arith.constant 0 : i32
    %dma_wait3A_328 = tpu.memref_slice %arg7[%dma_wait3A_321, %dma_wait3A_326, %dma_wait3A_327] : memref<4x32x137xf32, #tpu.memory_space<vmem>> -> memref<1x8x128xf32, #tpu.memory_space<vmem>>
    %dma_wait3A_329 = tpu.memref_squeeze %dma_wait3A_328 : memref<1x8x128xf32, #tpu.memory_space<vmem>> -> memref<8x128xf32, #tpu.memory_space<vmem>>
    %dma_wait3A_330 = arith.constant 0 : i32
    %dma_wait3A_331 = arith.constant 0 : i32
    %dma_wait3A_332 = tpu.memref_slice %arg4[%dma_wait3A_322, %dma_wait3A_323, %dma_wait3A_324, %dma_wait3A_330, %dma_wait3A_331] : memref<50x4x128x8x128xf32, #tpu.memory_space<hbm>> -> memref<1x1x1x8x128xf32, #tpu.memory_space<hbm>>
    %dma_wait3A_333 = tpu.memref_squeeze %dma_wait3A_332 : memref<1x1x1x8x128xf32, #tpu.memory_space<hbm>> -> memref<8x128xf32, #tpu.memory_space<hbm>>
    %dma_wait3A_334 = tpu.memref_slice %arg9[%dma_wait3A_325] : memref<4x!tpu.dma_semaphore, #tpu.memory_space<semaphore_mem>> -> memref<1x!tpu.dma_semaphore, #tpu.memory_space<semaphore_mem>>
    %dma_wait3A_335 = tpu.memref_squeeze %dma_wait3A_334 : memref<1x!tpu.dma_semaphore, #tpu.memory_space<semaphore_mem>> -> memref<!tpu.dma_semaphore, #tpu.memory_space<semaphore_mem>>
    %dma_wait3A_336 = arith.constant 0 : i32
    %dma_wait3A_337 = arith.constant 0 : i32
    %dma_wait3A_338 = tpu.memref_slice %arg4[%dma_wait3A_322, %dma_wait3A_323, %dma_wait3A_324, %dma_wait3A_336, %dma_wait3A_337] : memref<50x4x128x8x128xf32, #tpu.memory_space<hbm>> -> memref<1x1x1x8x128xf32, #tpu.memory_space<hbm>>
    %dma_wait3A_339 = tpu.memref_squeeze %dma_wait3A_338 : memref<1x1x1x8x128xf32, #tpu.memory_space<hbm>> -> memref<8x128xf32, #tpu.memory_space<hbm>>
    %dma_wait3A_340 = arith.constant 24 : i32
    %dma_wait3A_341 = arith.constant 0 : i32
    %dma_wait3A_342 = tpu.memref_slice %arg7[%dma_wait3A_321, %dma_wait3A_340, %dma_wait3A_341] : memref<4x32x137xf32, #tpu.memory_space<vmem>> -> memref<1x8x128xf32, #tpu.memory_space<vmem>>
    %dma_wait3A_343 = tpu.memref_squeeze %dma_wait3A_342 : memref<1x8x128xf32, #tpu.memory_space<vmem>> -> memref<8x128xf32, #tpu.memory_space<vmem>>
    tpu.wait_dma2 semaphore(%dma_wait3A_335 : memref<!tpu.dma_semaphore, #tpu.memory_space<semaphore_mem>>) src(%dma_wait3A_343 : memref<8x128xf32, #tpu.memory_space<vmem>>) dst(%dma_wait3A_339 : memref<8x128xf32, #tpu.memory_space<hbm>>)
    %dma_wait3A_344 = arith.constant 3 : i32
    %dma_wait3A_345 = arith.constant 0 : i32
    %dma_wait3A_346 = arith.constant 0 : i32
    %dma_wait3A_347 = arith.constant 0 : i32
    %dma_wait3A_348 = arith.constant 3 : i32
    %dma_wait3A_349 = arith.constant 0 : i32
    %dma_wait3A_350 = arith.constant 0 : i32
    %dma_wait3A_351 = tpu.memref_slice %arg7[%dma_wait3A_344, %dma_wait3A_349, %dma_wait3A_350] : memref<4x32x137xf32, #tpu.memory_space<vmem>> -> memref<1x8x128xf32, #tpu.memory_space<vmem>>
    %dma_wait3A_352 = tpu.memref_squeeze %dma_wait3A_351 : memref<1x8x128xf32, #tpu.memory_space<vmem>> -> memref<8x128xf32, #tpu.memory_space<vmem>>
    %dma_wait3A_353 = arith.constant 0 : i32
    %dma_wait3A_354 = arith.constant 0 : i32
    %dma_wait3A_355 = tpu.memref_slice %arg4[%dma_wait3A_345, %dma_wait3A_346, %dma_wait3A_347, %dma_wait3A_353, %dma_wait3A_354] : memref<50x4x128x8x128xf32, #tpu.memory_space<hbm>> -> memref<1x1x1x8x128xf32, #tpu.memory_space<hbm>>
    %dma_wait3A_356 = tpu.memref_squeeze %dma_wait3A_355 : memref<1x1x1x8x128xf32, #tpu.memory_space<hbm>> -> memref<8x128xf32, #tpu.memory_space<hbm>>
    %dma_wait3A_357 = tpu.memref_slice %arg9[%dma_wait3A_348] : memref<4x!tpu.dma_semaphore, #tpu.memory_space<semaphore_mem>> -> memref<1x!tpu.dma_semaphore, #tpu.memory_space<semaphore_mem>>
    %dma_wait3A_358 = tpu.memref_squeeze %dma_wait3A_357 : memref<1x!tpu.dma_semaphore, #tpu.memory_space<semaphore_mem>> -> memref<!tpu.dma_semaphore, #tpu.memory_space<semaphore_mem>>
    %dma_wait3A_359 = arith.constant 0 : i32
    %dma_wait3A_360 = arith.constant 0 : i32
    %dma_wait3A_361 = tpu.memref_slice %arg4[%dma_wait3A_345, %dma_wait3A_346, %dma_wait3A_347, %dma_wait3A_359, %dma_wait3A_360] : memref<50x4x128x8x128xf32, #tpu.memory_space<hbm>> -> memref<1x1x1x8x128xf32, #tpu.memory_space<hbm>>
    %dma_wait3A_362 = tpu.memref_squeeze %dma_wait3A_361 : memref<1x1x1x8x128xf32, #tpu.memory_space<hbm>> -> memref<8x128xf32, #tpu.memory_space<hbm>>
    %dma_wait3A_363 = arith.constant 0 : i32
    %dma_wait3A_364 = arith.constant 0 : i32
    %dma_wait3A_365 = tpu.memref_slice %arg7[%dma_wait3A_344, %dma_wait3A_363, %dma_wait3A_364] : memref<4x32x137xf32, #tpu.memory_space<vmem>> -> memref<1x8x128xf32, #tpu.memory_space<vmem>>
    %dma_wait3A_366 = tpu.memref_squeeze %dma_wait3A_365 : memref<1x8x128xf32, #tpu.memory_space<vmem>> -> memref<8x128xf32, #tpu.memory_space<vmem>>
    tpu.wait_dma2 semaphore(%dma_wait3A_358 : memref<!tpu.dma_semaphore, #tpu.memory_space<semaphore_mem>>) src(%dma_wait3A_366 : memref<8x128xf32, #tpu.memory_space<vmem>>) dst(%dma_wait3A_362 : memref<8x128xf32, #tpu.memory_space<hbm>>)
    %dma_wait3A_367 = arith.constant 3 : i32
    %dma_wait3A_368 = arith.constant 0 : i32
    %dma_wait3A_369 = arith.constant 1 : i32
    %dma_wait3A_370 = arith.constant 0 : i32
    %dma_wait3A_371 = arith.constant 3 : i32
    %dma_wait3A_372 = arith.constant 8 : i32
    %dma_wait3A_373 = arith.constant 0 : i32
    %dma_wait3A_374 = tpu.memref_slice %arg7[%dma_wait3A_367, %dma_wait3A_372, %dma_wait3A_373] : memref<4x32x137xf32, #tpu.memory_space<vmem>> -> memref<1x8x128xf32, #tpu.memory_space<vmem>>
    %dma_wait3A_375 = tpu.memref_squeeze %dma_wait3A_374 : memref<1x8x128xf32, #tpu.memory_space<vmem>> -> memref<8x128xf32, #tpu.memory_space<vmem>>
    %dma_wait3A_376 = arith.constant 0 : i32
    %dma_wait3A_377 = arith.constant 0 : i32
    %dma_wait3A_378 = tpu.memref_slice %arg4[%dma_wait3A_368, %dma_wait3A_369, %dma_wait3A_370, %dma_wait3A_376, %dma_wait3A_377] : memref<50x4x128x8x128xf32, #tpu.memory_space<hbm>> -> memref<1x1x1x8x128xf32, #tpu.memory_space<hbm>>
    %dma_wait3A_379 = tpu.memref_squeeze %dma_wait3A_378 : memref<1x1x1x8x128xf32, #tpu.memory_space<hbm>> -> memref<8x128xf32, #tpu.memory_space<hbm>>
    %dma_wait3A_380 = tpu.memref_slice %arg9[%dma_wait3A_371] : memref<4x!tpu.dma_semaphore, #tpu.memory_space<semaphore_mem>> -> memref<1x!tpu.dma_semaphore, #tpu.memory_space<semaphore_mem>>
    %dma_wait3A_381 = tpu.memref_squeeze %dma_wait3A_380 : memref<1x!tpu.dma_semaphore, #tpu.memory_space<semaphore_mem>> -> memref<!tpu.dma_semaphore, #tpu.memory_space<semaphore_mem>>
    %dma_wait3A_382 = arith.constant 0 : i32
    %dma_wait3A_383 = arith.constant 0 : i32
    %dma_wait3A_384 = tpu.memref_slice %arg4[%dma_wait3A_368, %dma_wait3A_369, %dma_wait3A_370, %dma_wait3A_382, %dma_wait3A_383] : memref<50x4x128x8x128xf32, #tpu.memory_space<hbm>> -> memref<1x1x1x8x128xf32, #tpu.memory_space<hbm>>
    %dma_wait3A_385 = tpu.memref_squeeze %dma_wait3A_384 : memref<1x1x1x8x128xf32, #tpu.memory_space<hbm>> -> memref<8x128xf32, #tpu.memory_space<hbm>>
    %dma_wait3A_386 = arith.constant 8 : i32
    %dma_wait3A_387 = arith.constant 0 : i32
    %dma_wait3A_388 = tpu.memref_slice %arg7[%dma_wait3A_367, %dma_wait3A_386, %dma_wait3A_387] : memref<4x32x137xf32, #tpu.memory_space<vmem>> -> memref<1x8x128xf32, #tpu.memory_space<vmem>>
    %dma_wait3A_389 = tpu.memref_squeeze %dma_wait3A_388 : memref<1x8x128xf32, #tpu.memory_space<vmem>> -> memref<8x128xf32, #tpu.memory_space<vmem>>
    tpu.wait_dma2 semaphore(%dma_wait3A_381 : memref<!tpu.dma_semaphore, #tpu.memory_space<semaphore_mem>>) src(%dma_wait3A_389 : memref<8x128xf32, #tpu.memory_space<vmem>>) dst(%dma_wait3A_385 : memref<8x128xf32, #tpu.memory_space<hbm>>)
    %dma_wait3A_390 = arith.constant 3 : i32
    %dma_wait3A_391 = arith.constant 0 : i32
    %dma_wait3A_392 = arith.constant 2 : i32
    %dma_wait3A_393 = arith.constant 0 : i32
    %dma_wait3A_394 = arith.constant 3 : i32
    %dma_wait3A_395 = arith.constant 16 : i32
    %dma_wait3A_396 = arith.constant 0 : i32
    %dma_wait3A_397 = tpu.memref_slice %arg7[%dma_wait3A_390, %dma_wait3A_395, %dma_wait3A_396] : memref<4x32x137xf32, #tpu.memory_space<vmem>> -> memref<1x8x128xf32, #tpu.memory_space<vmem>>
    %dma_wait3A_398 = tpu.memref_squeeze %dma_wait3A_397 : memref<1x8x128xf32, #tpu.memory_space<vmem>> -> memref<8x128xf32, #tpu.memory_space<vmem>>
    %dma_wait3A_399 = arith.constant 0 : i32
    %dma_wait3A_400 = arith.constant 0 : i32
    %dma_wait3A_401 = tpu.memref_slice %arg4[%dma_wait3A_391, %dma_wait3A_392, %dma_wait3A_393, %dma_wait3A_399, %dma_wait3A_400] : memref<50x4x128x8x128xf32, #tpu.memory_space<hbm>> -> memref<1x1x1x8x128xf32, #tpu.memory_space<hbm>>
    %dma_wait3A_402 = tpu.memref_squeeze %dma_wait3A_401 : memref<1x1x1x8x128xf32, #tpu.memory_space<hbm>> -> memref<8x128xf32, #tpu.memory_space<hbm>>
    %dma_wait3A_403 = tpu.memref_slice %arg9[%dma_wait3A_394] : memref<4x!tpu.dma_semaphore, #tpu.memory_space<semaphore_mem>> -> memref<1x!tpu.dma_semaphore, #tpu.memory_space<semaphore_mem>>
    %dma_wait3A_404 = tpu.memref_squeeze %dma_wait3A_403 : memref<1x!tpu.dma_semaphore, #tpu.memory_space<semaphore_mem>> -> memref<!tpu.dma_semaphore, #tpu.memory_space<semaphore_mem>>
    %dma_wait3A_405 = arith.constant 0 : i32
    %dma_wait3A_406 = arith.constant 0 : i32
    %dma_wait3A_407 = tpu.memref_slice %arg4[%dma_wait3A_391, %dma_wait3A_392, %dma_wait3A_393, %dma_wait3A_405, %dma_wait3A_406] : memref<50x4x128x8x128xf32, #tpu.memory_space<hbm>> -> memref<1x1x1x8x128xf32, #tpu.memory_space<hbm>>
    %dma_wait3A_408 = tpu.memref_squeeze %dma_wait3A_407 : memref<1x1x1x8x128xf32, #tpu.memory_space<hbm>> -> memref<8x128xf32, #tpu.memory_space<hbm>>
    %dma_wait3A_409 = arith.constant 16 : i32
    %dma_wait3A_410 = arith.constant 0 : i32
    %dma_wait3A_411 = tpu.memref_slice %arg7[%dma_wait3A_390, %dma_wait3A_409, %dma_wait3A_410] : memref<4x32x137xf32, #tpu.memory_space<vmem>> -> memref<1x8x128xf32, #tpu.memory_space<vmem>>
    %dma_wait3A_412 = tpu.memref_squeeze %dma_wait3A_411 : memref<1x8x128xf32, #tpu.memory_space<vmem>> -> memref<8x128xf32, #tpu.memory_space<vmem>>
    tpu.wait_dma2 semaphore(%dma_wait3A_404 : memref<!tpu.dma_semaphore, #tpu.memory_space<semaphore_mem>>) src(%dma_wait3A_412 : memref<8x128xf32, #tpu.memory_space<vmem>>) dst(%dma_wait3A_408 : memref<8x128xf32, #tpu.memory_space<hbm>>)
    %dma_wait3A_413 = arith.constant 3 : i32
    %dma_wait3A_414 = arith.constant 0 : i32
    %dma_wait3A_415 = arith.constant 3 : i32
    %dma_wait3A_416 = arith.constant 0 : i32
    %dma_wait3A_417 = arith.constant 3 : i32
    %dma_wait3A_418 = arith.constant 24 : i32
    %dma_wait3A_419 = arith.constant 0 : i32
    %dma_wait3A_420 = tpu.memref_slice %arg7[%dma_wait3A_413, %dma_wait3A_418, %dma_wait3A_419] : memref<4x32x137xf32, #tpu.memory_space<vmem>> -> memref<1x8x128xf32, #tpu.memory_space<vmem>>
    %dma_wait3A_421 = tpu.memref_squeeze %dma_wait3A_420 : memref<1x8x128xf32, #tpu.memory_space<vmem>> -> memref<8x128xf32, #tpu.memory_space<vmem>>
    %dma_wait3A_422 = arith.constant 0 : i32
    %dma_wait3A_423 = arith.constant 0 : i32
    %dma_wait3A_424 = tpu.memref_slice %arg4[%dma_wait3A_414, %dma_wait3A_415, %dma_wait3A_416, %dma_wait3A_422, %dma_wait3A_423] : memref<50x4x128x8x128xf32, #tpu.memory_space<hbm>> -> memref<1x1x1x8x128xf32, #tpu.memory_space<hbm>>
    %dma_wait3A_425 = tpu.memref_squeeze %dma_wait3A_424 : memref<1x1x1x8x128xf32, #tpu.memory_space<hbm>> -> memref<8x128xf32, #tpu.memory_space<hbm>>
    %dma_wait3A_426 = tpu.memref_slice %arg9[%dma_wait3A_417] : memref<4x!tpu.dma_semaphore, #tpu.memory_space<semaphore_mem>> -> memref<1x!tpu.dma_semaphore, #tpu.memory_space<semaphore_mem>>
    %dma_wait3A_427 = tpu.memref_squeeze %dma_wait3A_426 : memref<1x!tpu.dma_semaphore, #tpu.memory_space<semaphore_mem>> -> memref<!tpu.dma_semaphore, #tpu.memory_space<semaphore_mem>>
    %dma_wait3A_428 = arith.constant 0 : i32
    %dma_wait3A_429 = arith.constant 0 : i32
    %dma_wait3A_430 = tpu.memref_slice %arg4[%dma_wait3A_414, %dma_wait3A_415, %dma_wait3A_416, %dma_wait3A_428, %dma_wait3A_429] : memref<50x4x128x8x128xf32, #tpu.memory_space<hbm>> -> memref<1x1x1x8x128xf32, #tpu.memory_space<hbm>>
    %dma_wait3A_431 = tpu.memref_squeeze %dma_wait3A_430 : memref<1x1x1x8x128xf32, #tpu.memory_space<hbm>> -> memref<8x128xf32, #tpu.memory_space<hbm>>
    %dma_wait3A_432 = arith.constant 24 : i32
    %dma_wait3A_433 = arith.constant 0 : i32
    %dma_wait3A_434 = tpu.memref_slice %arg7[%dma_wait3A_413, %dma_wait3A_432, %dma_wait3A_433] : memref<4x32x137xf32, #tpu.memory_space<vmem>> -> memref<1x8x128xf32, #tpu.memory_space<vmem>>
    %dma_wait3A_435 = tpu.memref_squeeze %dma_wait3A_434 : memref<1x8x128xf32, #tpu.memory_space<vmem>> -> memref<8x128xf32, #tpu.memory_space<vmem>>
    tpu.wait_dma2 semaphore(%dma_wait3A_427 : memref<!tpu.dma_semaphore, #tpu.memory_space<semaphore_mem>>) src(%dma_wait3A_435 : memref<8x128xf32, #tpu.memory_space<vmem>>) dst(%dma_wait3A_431 : memref<8x128xf32, #tpu.memory_space<hbm>>)
    return
  }
}

</mosaic_0001>

<sc_bundles>
// kernel: kernel.3.cloned.1.call-start
scs
__scs_entry_jumppad:
0x0: {  	(pc) =	sbr.rel $0x88, $3  }
0x1: {  	(tag) =	ssettag $0x0;
	lr =	simm.s32 $0x1  }
0x2: {  	[smem:$0x3F9F] =	sst lr;
	_ =	strace $0xD0000000  }
0x3: {  	_ = 	snop  }
0x4: {  	_ = 	snop  }
0x5: {  	_ = 	snop  }
0x6: {  	_ = 	snop  }
0x7: {  	_ = 	snop  }
__scs_overlays_trampoline_lowered:
0x8: {  	[smem:$0x3FAE] =	sst s0  }
0x9: {  	[smem:$0x3FAF] =	sst s1  }
0xa: {  	[smem:$0x3FB0] =	sst s2  }
0xb: {  	[smem:$0x3FB1] =	sst s3  }
0xc: {  	[smem:$0x3FB2] =	sst s4  }
0xd: {  	[smem:$0x3FB3] =	sst s5  }
0xe: {  	[smem:$0x3FB4] =	sst s6  }
0xf: {  	[smem:$0x3FB5] =	sst s7  }
0x10: {  	[smem:$0x3FB6] =	sst s8  }
0x11: {  	[smem:$0x3FB7] =	sst s9;
	s0 =	simm.s32 @!p0 $0x0  }
0x12: {  	s1 =	sld [smem:$0x3F9D];
	s0 =	simm.s32 @p0 $0x1  }
0x13: {  	[smem:$0x3FB8] =	sst s0;
	s0 =	simm.s32 @!p1 $0x0  }
0x14: {  	s2 =	sld [smem:$0x3F9C];
	s0 =	simm.s32 @p1 $0x1  }
0x15: {  	[smem:$0x3FB9] =	sst s0;
	s0 =	simm.s32 @!p2 $0x0  }
0x16: {  	s3 =	sld [smem:$0x3FDB];
	s0 =	simm.s32 @p2 $0x1  }
0x17: {  	s4 =	simm.s32 $0x1BF5;
	[smem:$0x3FBB] =	sst s0  }
0x18: {  	s0 =	sld [smem:$0x3F9E];
	_ =	swait.ge [sflag:s4], $0x0  }
0x19: {  	s7 =	sld [smem:$0x3F9F]  }
0x1a: {  	s8 =	sadd.s32 $0xFFFFE003, lr  }
0x1b: {  	s9 =	sadd.s32 $0xFFFFFEF7, lr;
	s5 =	simm.s32 $0xFFFFFFFF;
	p2 =	slt.u32 s8, $0xFFFFF086  }
0x1c: {  	p1 =	slt.u32 s9, $0xF7A;
	s5 =	simm.s32 @!p2 $0x0  }
0x1d: {  	s5 =	simm.s32 @p1 $0x1;
	p0 =	seq.s32 s7, s2  }
0x1e: {  	s7 =	smul.u32 @!p0 $0xF7A, s2;
	p2 =	seq.s32 @!p0 s5, $0x0  }
0x1f: {  	s9 =	smul.u32 $0xF7A, s1;
	s8 =	simm.s32 @!p0 $0x1BF5;
	p2 =	por !p2, p0  }
0x20: {  	[sflag:s8] =	ssyncset.s32 @!p0 $0xFFFFF086;
	s6 =	sadd.s32 @!p0 s3, s7;
	s7 =	simm.s32 @!p0 $0x108  }
0x21: {  	s3 =	sadd.s32 s3, s9;
	s6 =	sadd.s32 @!p0 $0x88, s6;
	s7 =	simm.s32 @p2 $0x1082  }
0x22: {  	[simem:s7], [sflag:s8] =	dma.local @!p0 [hbm:s6], $0xF7A  }
0x23: {  	s9 =	sor.u32 $0xD0000000, s2;
	s6 =	simm.s32 $0x108;
	_ =	swait.ge @!p0 [sflag:s8], $0x0  }
0x24: {  	s3 =	sadd.s32 $0x88, s3;
	s6 =	simm.s32 @!p1 $0x1082;
	[sflag:s4] =	ssyncset.s32 $0xFFFFF086  }
0x25: {  	[simem:s6], [sflag:s4] =	dma.local [hbm:s3], $0xF7A  }
0x26: {  	[smem:$0x3F9F] =	sst s1;
	(tag) =	ssettag s2;
	_ =	strace s9  }
0x27: {  	s1 =	sld [smem:$0x3FAF]  }
0x28: {  	s2 =	sld [smem:$0x3FB0]  }
0x29: {  	s4 =	sld [smem:$0x3FB2]  }
0x2a: {  	p0 =	seq.s32 s5, $0x0;
	s5 =	sld [smem:$0x3FB3]  }
0x2b: {  	s6 =	sld [smem:$0x3FB4]  }
0x2c: {  	s7 =	sld [smem:$0x3FB5]  }
0x2d: {  	s3 =	simm.s32 $0x108;
	s8 =	sld [smem:$0x3FB6]  }
0x2e: {  	s3 =	simm.s32 @!p0 $0x1082;
	s9 =	sld [smem:$0x3FB7]  }
0x2f: {  	lr =	sadd.s32 s0, s3;
	s0 =	sld [smem:$0x3FAE]  }
0x30: {  	s3 =	sld [smem:$0x3FB1]  }
0x31: {  	[smem:$0x3FBA] =	sst s10  }
0x32: {  	s10 =	sld [smem:$0x3FB8];
	_ =	sdelay $0x3  }
0x33: {  	p0 =	seq.s32 s10, $0x1;
	s10 =	sld [smem:$0x3FBA];
	_ =	sdelay $0x3  }
0x34: {  	[smem:$0x3FBA] =	sst s10  }
0x35: {  	s10 =	sld [smem:$0x3FB9];
	_ =	sdelay $0x3  }
0x36: {  	p1 =	seq.s32 s10, $0x1;
	s10 =	sld [smem:$0x3FBA];
	_ =	sdelay $0x3  }
0x37: {  	[smem:$0x3FBA] =	sst s10  }
0x38: {  	s10 =	sld [smem:$0x3FBB]  }
0x39: {  	_ = 	snop;
	(pc) =	sbr.ind lr, $3  }
0x3a: {  	_ = 	snop  }
0x3b: {  	_ = 	snop  }
0x3c: {  	p2 =	seq.s32 s10, $0x1;
	s10 =	sld [smem:$0x3FBA]  }
0x3d: {  	_ =	shalt  }
0x3e: {  	_ =	shalt  }
0x3f: {  	_ =	shalt  }
0x40: {  	_ =	shalt  }
0x41: {  	_ =	shalt  }
0x42: {  	_ =	shalt  }
0x43: {  	_ =	shalt  }
0x44: {  	_ =	shalt  }
0x45: {  	_ =	shalt  }
0x46: {  	_ =	shalt  }
0x47: {  	_ =	shalt  }
0x48: {  	_ =	shalt  }
0x49: {  	_ =	shalt  }
0x4a: {  	_ =	shalt  }
0x4b: {  	_ =	shalt  }
0x4c: {  	_ =	shalt  }
0x4d: {  	_ =	shalt  }
0x4e: {  	_ =	shalt  }
0x4f: {  	_ =	shalt  }
0x50: {  	_ =	shalt  }
0x51: {  	_ =	shalt  }
0x52: {  	_ =	shalt  }
0x53: {  	_ =	shalt  }
0x54: {  	_ =	shalt  }
0x55: {  	_ =	shalt  }
0x56: {  	_ =	shalt  }
0x57: {  	_ =	shalt  }
0x58: {  	_ =	shalt  }
0x59: {  	_ =	shalt  }
0x5a: {  	_ =	shalt  }
0x5b: {  	_ =	shalt  }
0x5c: {  	_ =	shalt  }
0x5d: {  	_ =	shalt  }
0x5e: {  	_ =	shalt  }
0x5f: {  	_ =	shalt  }
0x60: {  	_ =	shalt  }
0x61: {  	_ =	shalt  }
0x62: {  	_ =	shalt  }
0x63: {  	_ =	shalt  }
0x64: {  	_ =	shalt  }
0x65: {  	_ =	shalt  }
0x66: {  	_ =	shalt  }
0x67: {  	_ =	shalt  }
0x68: {  	_ =	shalt  }
0x69: {  	_ =	shalt  }
0x6a: {  	_ =	shalt  }
0x6b: {  	_ =	shalt  }
0x6c: {  	_ =	shalt  }
0x6d: {  	_ =	shalt  }
0x6e: {  	_ =	shalt  }
0x6f: {  	_ =	shalt  }
0x70: {  	_ =	shalt  }
0x71: {  	_ =	shalt  }
0x72: {  	_ =	shalt  }
0x73: {  	_ =	shalt  }
0x74: {  	_ =	shalt  }
0x75: {  	_ =	shalt  }
0x76: {  	_ =	shalt  }
0x77: {  	_ =	shalt  }
0x78: {  	_ =	shalt  }
0x79: {  	_ =	shalt  }
0x7a: {  	_ =	shalt  }
0x7b: {  	_ =	shalt  }
0x7c: {  	_ =	shalt  }
0x7d: {  	_ =	shalt  }
0x7e: {  	_ =	shalt  }
0x7f: {  	_ =	shalt  }
0x80: {  	_ =	shalt  }
0x81: {  	_ =	shalt  }
0x82: {  	_ =	shalt  }
0x83: {  	_ =	shalt  }
0x84: {  	_ =	shalt  }
0x85: {  	_ =	shalt  }
0x86: {  	_ =	shalt  }
0x87: {  	_ =	shalt  }
.Lfunc_end0:
.L_simem_size_0:
called_computation_lowered:
.L_overlay_start_0:
0x88: {  	s2 =	sld [smem:$0x3FD9]  }
0x89: {  	s3 =	sld [smem:$0x3FFE];
	_ =	sdelay $0x1  }
0x8a: {  	s1 =	srdreg.scid  }
0x8b: {  	s0 =	sand.u32 $0x1, s1  }
0x8c: {  	s17 =	sshll.u32 s0, $0xA;
	s2 =	sadd.s32 s3, s2  }
0x8d: {  	s2 =	sadd.s32 s2, s17  }
0x8e: {  	[smem:$0x3FC6] =	sst s2  }
0x8f: {  	_ = 	snop  }
0x90: {  	s2 =	sld [smem:$0x3FD0];
	(tm) =	ssettm $0x1  }
0x91: {  	s18 =	sld [smem:$0x3FFB];
	_ =	sdelay $0x3  }
0x92: {  	_ =	strace s18  }
0x93: {  	s3 =	sld [smem:$0x3FFC];
	_ =	sdelay $0x3  }
0x94: {  	_ =	strace s3  }
0x95: {  	s3 =	sld [smem:$0x3FFD];
	_ =	sdelay $0x3  }
0x96: {  	_ =	strace s3  }
0x97: {  	_ =	strace $0x8FFFFFFF  }
0x98: {  	s19 =	sld [smem:$0x3FDB];
	_ =	sdelay $0x1  }
0x99: {  	s4 =	simm.s32 $_scs_section_size  }
0x9a: {  	s5 =	simm.s32 $_size__tile_overlayer_lowered;
	s6 =	simm.s32 $_tile_overlayer_lowered  }
0x9b: {  	s22 =	simm.s32 $0x1BFF;
	s21 =	sshll.u32 s6, $0x1;
	s3 =	sadd.s32 s4, s19  }
0x9c: {  	s7 =	simm.s32 $0x0;
	s20 =	sshll.u32 s5, $0x1;
	s5 =	sadd.s32 s21, s3  }
0x9d: {  	[timem:s7], [sflag:s22] =	dma.local [hbm:s5], s20  }
0x9e: {  	_ =	swait.ge [sflag:s22], s20  }
0x9f: {  	s4 =	ssub.s32 $0x0, s20;
	[sflag:s22] =	ssyncset.done $0x0  }
0xa0: {  	[sflag:s22] =	ssyncadd.s32 s4;
	_ =	sdelay $0x1  }
0xa1: {  	s23 =	simm.s32 $0x1B8B  }
0xa2: {  	_ =	swait.ge [sflag:s23], $0x1  }
0xa3: {  	[sflag:s23] =	ssyncset.done $0x0  }
0xa4: {  	s25 =	simm.s32 $0x1B8E;
	s24 =	sld [smem:$0x3FFE];
	[sflag:s23] =	ssyncadd.s32 $0xFFFFFFFF  }
0xa5: {  	s26 =	simm.s32 $execute0_lowered;
	[smem:$0x3FD2] =	sst s25  }
0xa6: {  	s5 =	sshll.u32 s26, $0x1;
	_ =	strace $0x80000046;
	[dreg:$0x1] =	wrdreg $0xFFFFFFFF  }
0xa7: {  	s28 =	simm.s32 $_size_execute0_lowered;
	s3 =	sadd.s32 s3, s5;
	[dreg:$0x0] =	wrdreg $0x0  }
0xa8: {  	s5 =	sshll.u32 s28, $0x1;
	[dreg:$0x2] =	wrdreg s3  }
0xa9: {  	[dreg:$0x3] =	wrdreg s5  }
0xaa: {  	[dreg:$0x4] =	wrdreg $0xC0  }
0xab: {  	_ =	task [dreg:s7], $0x5FFFF  }
0xac: {  	[dreg:$0x1] =	wrdreg $0xFFFFFFFF  }
0xad: {  	[dreg:$0x0] =	wrdreg $0x60  }
0xae: {  	[dreg:$0x2] =	wrdreg s24  }
0xaf: {  	[dreg:$0x3] =	wrdreg s2  }
0xb0: {  	[dreg:$0x4] =	wrdreg $0x9  }
0xb1: {  	_ =	task.clear_ibuf [dreg:s7], $0x5FFFF;
	_ =	strace $0x90000046  }
0xb2: {  	s29 =	simm.s32 $0x9;
	_ =	strace $0x80000048  }
0xb3: {  	_ =	swait.ge [sflag:s29], $0x1  }
0xb4: {  	[sflag:s29] =	ssyncadd.s32 $0xFFFFFFFF  }
0xb5: {  	_ =	strace $0x90000048  }
0xb6: {  	_ =	sfence  }
0xb7: {  	s30 =	sld [smem:$0x0];
	_ =	sdelay $0x2  }
0xb8: {  	s31 =	sshll.u32 s1, $0xD;
	s1 =	sshrl.u32 s1, $0x2  }
0xb9: {  	s3 =	sand.u32 $0x4000, s31;
	s1 =	sadd.s32 s1, s30  }
0xba: {  	s0 =	sor.u32 s3, s0;
	s1 =	sshll.u32 s1, $0x11  }
0xbb: {  	s0 =	sor.u32 s1, s0  }
0xbc: {  	s0 =	sadd.s32 $0x8F2B, s0  }
0xbd: {  	[sflag:s0] =	ssyncadd.remote.s32 $0x1  }
0xbe: {  	_ =	sfence.sel $0xFFFF  }
0xbf: {  	[dreg:$0x0] =	wrdreg $0xFFFFFFFF;
	(pc) =	sbr.abs _section_cstart, $3  }
0xc0: {  	[dreg:$0x1] =	wrdreg $0xFFFFFFFF  }
0xc1: {  	_ =	task.clear_ibuf [dreg:s7], $0x2FFFF;
	_ =	strace $0x9FFFFFFF  }
0xc2: {  	(tm) =	ssettm $0x7FFFFFFF  }
0xc3: {  	_ =	shalt  }
tec
execute0_lowered:
.L_overlay_start_1:
0x0: {  	(tag) =	ssettag $0x1  }
0x1: {  	s0 =	rddreg [dreg:$0x0];
	s1 =	srdreg.scid  }
0x2: {  	s3 =	stileid.u32;
	s2 =	rddreg [dreg:$0x1];
	s12 =	simm.s32 $0x80  }
0x3: {  	s19 =	simm.s32 $0x1;
	s20 =	simm.s32 $0xA400;
	s24 =	simm.s32 $0x3  }
0x4: {  	s25 =	simm.s32 $0xC800;
	s21 =	simm.s32 $0x4;
	s22 =	simm.s32 $0xDA00  }
0x5: {  	s17 =	simm.s32 $0xE8A0;
	s10 =	simm.s32 $0xE9C0;
	s11 =	simm.s32 $0xEA50  }
0x6: {  	s18 =	simm.s32 $0xEAE0;
	s23 =	simm.s32 $0xEB70;
	s15 =	simm.s32 $0x0  }
0x7: {  	v0 =	vlaneseq.u32;
	s1 =	sand.u32 $0x1, s1;
	s4 =	sshll.u32 s3, $0x1;
	s3 =	simm.s32 $0x0  }
0x8: {  	v1 =	vimm.s32 $0x0;
	vm0 =	vcmask $0x300;
	s8 =	sadd.s32 $0x8000, s2;
	s9 =	sadd.s32 $0xC000, s2;
	v0 =	vmul.u32 $0x90, v0;
	s5 =	sor.u32 s1, s4  }
0x9: {  	v1 =	vsel vm0, $0x3, v1;
	[smem:$0x7FF] =	sst s3;
	s1 =	ssub.s32 $0x2, s1;
	s6 =	smul.u32 $0xC80, s5  }
.Ltmp0:
0xa: {  	s4 =	sadd.s32 $0xF42C00, s0;
	s7 =	sshrl.u32 s1, $0x1;
	v2 =	vadd.s32 $0x900, v0;
	v3 =	vor.u32 $0x1, v0;
	v4 =	vadd.s32 $0x901, v0;
	(pc) =	sbr.rel .LBB2_1-.Ltmp0, $4  }
0xb: {  	_ =	strace $0x80000047;
	s5 =	smul.u32 $0xC8, s5;
	v5 =	vor.u32 $0x2, v0;
	v6 =	vadd.s32 $0x902, v0;
	v7 =	vor.u32 $0x3, v0;
	s1 =	ssub.s32 s1, s7  }
0xc: {  	v8 =	vadd.s32 $0x903, v0;
	v9 =	vor.u32 $0x4, v0;
	v10 =	vadd.s32 $0x904, v0;
	s7 =	sadd.s32 $0x4000, s2;
	s0 =	sadd.s32 s6, s0;
	s31 =	smax.u32 s1, $0x1  }
0xd: {  	v11 =	vor.u32 $0x5, v0;
	v12 =	vadd.s32 $0x905, v0;
	v13 =	vor.u32 $0x6, v0;
	s1 =	simm.s32 $0x2;
	s0 =	sadd.s32 $0x600, s0;
	[dreg:$0x4] =	wrdreg s31  }
0xe: {  	v14 =	vadd.s32 $0x906, v0;
	v15 =	vor.u32 $0x7, v0;
	v16 =	vadd.s32 $0x907, v0;
	s6 =	simm.s32 $0xE930;
	[dreg:$0x3] =	wrdreg s0;
	s0 =	simm.s32 $0xB600  }
.LBB2_12:
0xf: {  	s13 =	simm.s32 $0x5  }
0x10: {  	_ =	swait.ge [sflag:s13], $0x400  }
0x11: {  	[sflag:s13] =	ssyncset.done $0x0  }
0x12: {  	[sflag:s13] =	ssyncadd.s32 $0xFFFFFC00  }
0x13: {  	_ =	swait.ge [sflag:s13], $0x400  }
0x14: {  	[sflag:s13] =	ssyncset.done $0x0  }
0x15: {  	[sflag:s13] =	ssyncadd.s32 $0xFFFFFC00  }
0x16: {  	_ =	swait.ge [sflag:s13], $0x400  }
0x17: {  	[sflag:s13] =	ssyncset.done $0x0  }
0x18: {  	[sflag:s13] =	ssyncadd.s32 $0xFFFFFC00  }
0x19: {  	_ =	swait.ge [sflag:s13], $0x400  }
0x1a: {  	[sflag:s13] =	ssyncset.done $0x0  }
0x1b: {  	s29 =	simm.s32 $0x6;
	[sflag:s13] =	ssyncadd.s32 $0xFFFFFC00  }
0x1c: {  	_ =	swait.ge [sflag:s29], $0x400  }
0x1d: {  	[sflag:s29] =	ssyncset.done $0x0  }
0x1e: {  	[sflag:s29] =	ssyncadd.s32 $0xFFFFFC00  }
0x1f: {  	_ =	swait.ge [sflag:s29], $0x400  }
0x20: {  	[sflag:s29] =	ssyncset.done $0x0  }
0x21: {  	[sflag:s29] =	ssyncadd.s32 $0xFFFFFC00  }
0x22: {  	_ =	swait.ge [sflag:s29], $0x400  }
0x23: {  	[sflag:s29] =	ssyncset.done $0x0  }
0x24: {  	[sflag:s29] =	ssyncadd.s32 $0xFFFFFC00  }
0x25: {  	_ =	swait.ge [sflag:s29], $0x400  }
0x26: {  	[sflag:s29] =	ssyncset.done $0x0  }
0x27: {  	s30 =	simm.s32 $0x7;
	[sflag:s29] =	ssyncadd.s32 $0xFFFFFC00  }
0x28: {  	_ =	swait.ge [sflag:s30], $0x400  }
0x29: {  	[sflag:s30] =	ssyncset.done $0x0  }
0x2a: {  	[sflag:s30] =	ssyncadd.s32 $0xFFFFFC00  }
0x2b: {  	_ =	swait.ge [sflag:s30], $0x400  }
0x2c: {  	[sflag:s30] =	ssyncset.done $0x0  }
0x2d: {  	[sflag:s30] =	ssyncadd.s32 $0xFFFFFC00  }
0x2e: {  	_ =	swait.ge [sflag:s30], $0x400  }
0x2f: {  	[sflag:s30] =	ssyncset.done $0x0  }
0x30: {  	[sflag:s30] =	ssyncadd.s32 $0xFFFFFC00  }
0x31: {  	_ =	swait.ge [sflag:s30], $0x400  }
0x32: {  	[sflag:s30] =	ssyncset.done $0x0  }
0x33: {  	s14 =	simm.s32 $0x8;
	[sflag:s30] =	ssyncadd.s32 $0xFFFFFC00  }
0x34: {  	_ =	swait.ge [sflag:s14], $0x400  }
0x35: {  	[sflag:s14] =	ssyncset.done $0x0  }
0x36: {  	[sflag:s14] =	ssyncadd.s32 $0xFFFFFC00  }
0x37: {  	_ =	swait.ge [sflag:s14], $0x400  }
0x38: {  	[sflag:s14] =	ssyncset.done $0x0  }
0x39: {  	[sflag:s14] =	ssyncadd.s32 $0xFFFFFC00  }
0x3a: {  	_ =	swait.ge [sflag:s14], $0x400  }
0x3b: {  	[sflag:s14] =	ssyncset.done $0x0  }
0x3c: {  	[sflag:s14] =	ssyncadd.s32 $0xFFFFFC00  }
0x3d: {  	_ =	swait.ge [sflag:s14], $0x400  }
0x3e: {  	s15 =	rddreg [dreg:$0x5]  }
0x3f: {  	s31 =	rddreg [dreg:$0x4];
	s15 =	sadd.s32 $0x1, s15  }
0x40: {  	p0 =	sne.s32 s15, s31  }
.Ltmp1:
0x41: {  	_ = 	snop;
	(pc) =	sbr.rel @!p0 .LBB2_13-.Ltmp1, $3  }
0x42: {  	_ =	sdelay $0x1  }
0x43: {  	[sflag:s14] =	ssyncset.done $0x0  }
0x44: {  	[sflag:s14] =	ssyncadd.s32 $0xFFFFFC00  }
.LBB2_1:
0x45: {  	[dreg:$0x5] =	wrdreg s15  }
0x46: {  	s13 =	rddreg [dreg:$0x3];
	s16 =	simm.s32 $0x9  }
0x47: {  	[tilespmem:s3], [sflag:$0x9] =	stream.linear.gather [hbm4b:s13+s3], $0x6400, $0x38;
	[tilespmem:$0xEC00] =	vst v63  }
0x48: {  	_ =	swait.ge [sflag:s16], $0x6400  }
0x49: {  	[sflag:s16] =	ssyncset.done $0x0  }
0x4a: {  	s26 =	simm.s32 $0x6400;
	[sflag:s16] =	ssyncadd.s32 $0xFFFF9C00  }
0x4b: {  	[tilespmem:s26], [sflag:$0x1] =	stream.indirect.gather [hbm4b:s4+s12], $0x20, s3, s12, $0xb8;
	[tilespmem:$0xEC00] =	vst v63  }
0x4c: {  	s28 =	simm.s32 $0x7400  }
0x4d: {  	[tilespmem:s28], [sflag:$0x2] =	stream.indirect.gather [hbm4b:s4+s12], $0x20, s12, s12, $0xb8;
	[tilespmem:$0xEC00] =	vst v63  }
0x4e: {  	s29 =	simm.s32 $0x100;
	s14 =	simm.s32 $0x8400  }
0x4f: {  	[tilespmem:s14], [sflag:$0x3] =	stream.indirect.gather [hbm4b:s4+s12], $0x20, s29, s12, $0xb8;
	[tilespmem:$0xEC00] =	vst v63  }
0x50: {  	s30 =	simm.s32 $0x180;
	s31 =	simm.s32 $0x9400;
	s26 =	simm.s32 $0x0  }
0x51: {  	[tilespmem:s31], [sflag:$0x4] =	stream.indirect.gather [hbm4b:s4+s12], $0x20, s30, s12, $0xb8;
	[tilespmem:$0xEC00] =	vst v63  }
.LBB2_2:
0x52: {  	_ =	swait.ge [sflag:s19], $0x1000  }
0x53: {  	p0 =	seq.s32 s26, $0x0;
	[sflag:s19] =	ssyncset.done $0x0  }
0x54: {  	s13 =	simm.s32 @!p0 $0x5;
	[sflag:s19] =	ssyncadd.s32 $0xFFFFF000  }
0x55: {  	_ =	swait.ge @!p0 [sflag:s13], $0x400  }
0x56: {  	[sflag:s13] =	ssyncset.done @!p0 $0x0  }
0x57: {  	[sflag:s13] =	ssyncadd.s32 @!p0 $0xFFFFFC00  }
0x58: {  	_ =	swait.ge @!p0 [sflag:s13], $0x400  }
0x59: {  	[sflag:s13] =	ssyncset.done @!p0 $0x0  }
0x5a: {  	[sflag:s13] =	ssyncadd.s32 @!p0 $0xFFFFFC00  }
0x5b: {  	s14 =	simm.s32 $0x0;
	_ =	swait.ge @!p0 [sflag:s13], $0x400  }
0x5c: {  	v17 =	vmov s14;
	[sflag:s13] =	ssyncset.done @!p0 $0x0  }
0x5d: {  	v17 =	vshrl.u32 v17, $0x3;
	[sflag:s13] =	ssyncadd.s32 @!p0 $0xFFFFFC00  }
0x5e: {  	v17 =	vshll.u32 v17, v1;
	_ =	swait.ge @!p0 [sflag:s13], $0x400  }
0x5f: {  	v17 =	vbroadcast v17, $0x0;
	[sflag:s13] =	ssyncset.done @!p0 $0x0  }
0x60: {  	s29 =	simm.s32 $0x6480;
	[sflag:s13] =	ssyncadd.s32 @!p0 $0xFFFFFC00  }
0x61: {  	v19 =	vadd.s32 v0, v17;
	v18 =	vld [tilespmem:s29+$0xFFFFFF80]  }
0x62: {  	s16 =	simm.s32 $0x1;
	v17 =	vadd.s32 v2, v17;
	v20 =	vld [tilespmem:s29+$0xFFFFFF90]  }
0x63: {  	v21 =	vmov s16  }
0x64: {  	v21 =	vshrl.u32 v21, $0x3  }
0x65: {  	v21 =	vshll.u32 v21, v1  }
0x66: {  	[tilespmem:v19+s20+$0x0] =	vst.idx.msk $0xffff, v18;
	v18 =	vbroadcast v21, $0x0  }
0x67: {  	[tilespmem:v17+s20+$0x0] =	vst.idx.msk $0xffff, v20  }
0x68: {  	v17 =	vld [tilespmem:s29+$0xFFFFFFA0];
	v19 =	vadd.s32 v3, v18  }
0x69: {  	s14 =	simm.s32 $0x2;
	v20 =	vld [tilespmem:s29+$0xFFFFFFB0];
	v18 =	vadd.s32 v4, v18  }
0x6a: {  	v58 =	vmov s14  }
0x6b: {  	v21 =	vshrl.u32 v58, $0x3  }
0x6c: {  	v21 =	vshll.u32 v21, v1  }
0x6d: {  	[tilespmem:v19+s20+$0x0] =	vst.idx.msk $0xffff, v17;
	v17 =	vbroadcast v21, $0x0  }
0x6e: {  	[tilespmem:v18+s20+$0x0] =	vst.idx.msk $0xffff, v20  }
0x6f: {  	v18 =	vld [tilespmem:s29+$0xFFFFFFC0];
	v19 =	vadd.s32 v5, v17  }
0x70: {  	s15 =	simm.s32 $0x3;
	v20 =	vld [tilespmem:s29+$0xFFFFFFD0];
	v17 =	vadd.s32 v6, v17  }
0x71: {  	v59 =	vmov s15  }
0x72: {  	v21 =	vshrl.u32 v59, $0x3  }
0x73: {  	v21 =	vshll.u32 v21, v1  }
0x74: {  	[tilespmem:v19+s20+$0x0] =	vst.idx.msk $0xffff, v18;
	v18 =	vbroadcast v21, $0x0  }
0x75: {  	[tilespmem:v17+s20+$0x0] =	vst.idx.msk $0xffff, v20  }
0x76: {  	v17 =	vld [tilespmem:s29+$0xFFFFFFE0];
	v19 =	vadd.s32 v7, v18  }
0x77: {  	s16 =	simm.s32 $0x4;
	v20 =	vld [tilespmem:s29+$0xFFFFFFF0];
	v18 =	vadd.s32 v8, v18  }
0x78: {  	v60 =	vmov s16  }
0x79: {  	v21 =	vshrl.u32 v60, $0x3  }
0x7a: {  	v21 =	vshll.u32 v21, v1  }
0x7b: {  	[tilespmem:v19+s20+$0x0] =	vst.idx.msk $0xffff, v17;
	v17 =	vbroadcast v21, $0x0  }
0x7c: {  	[tilespmem:v18+s20+$0x0] =	vst.idx.msk $0xffff, v20  }
0x7d: {  	v18 =	vld [tilespmem:s29+$0x0];
	v19 =	vadd.s32 v9, v17  }
0x7e: {  	s14 =	simm.s32 $0x5;
	v20 =	vld [tilespmem:s29+$0x10];
	v17 =	vadd.s32 v10, v17  }
0x7f: {  	v61 =	vmov s14  }
0x80: {  	v21 =	vshrl.u32 v61, $0x3  }
0x81: {  	v21 =	vshll.u32 v21, v1  }
0x82: {  	[tilespmem:v19+s20+$0x0] =	vst.idx.msk $0xffff, v18;
	v18 =	vbroadcast v21, $0x0  }
0x83: {  	[tilespmem:v17+s20+$0x0] =	vst.idx.msk $0xffff, v20  }
0x84: {  	v17 =	vld [tilespmem:s29+$0x20];
	v19 =	vadd.s32 v11, v18  }
0x85: {  	s15 =	simm.s32 $0x6;
	v20 =	vld [tilespmem:s29+$0x30];
	v18 =	vadd.s32 v12, v18  }
0x86: {  	v62 =	vmov s15  }
0x87: {  	v21 =	vshrl.u32 v62, $0x3  }
0x88: {  	v21 =	vshll.u32 v21, v1  }
0x89: {  	[tilespmem:v19+s20+$0x0] =	vst.idx.msk $0xffff, v17;
	v17 =	vbroadcast v21, $0x0  }
0x8a: {  	[tilespmem:v18+s20+$0x0] =	vst.idx.msk $0xffff, v20  }
0x8b: {  	v18 =	vld [tilespmem:s29+$0x40];
	v19 =	vadd.s32 v13, v17  }
0x8c: {  	s16 =	simm.s32 $0x7;
	v20 =	vld [tilespmem:s29+$0x50];
	v17 =	vadd.s32 v14, v17  }
0x8d: {  	v63 =	vmov s16  }
0x8e: {  	v21 =	vshrl.u32 v63, $0x3  }
0x8f: {  	v21 =	vshll.u32 v21, v1  }
0x90: {  	[tilespmem:v19+s20+$0x0] =	vst.idx.msk $0xffff, v18;
	v18 =	vbroadcast v21, $0x0  }
0x91: {  	s31 =	simm.s32 $0x8;
	[tilespmem:v17+s20+$0x0] =	vst.idx.msk $0xffff, v20  }
0x92: {  	v17 =	vmov s31;
	v20 =	vld [tilespmem:s29+$0x60];
	v21 =	vadd.s32 v15, v18  }
0x93: {  	v19 =	vshrl.u32 v17, $0x3  }
0x94: {  	v17 =	vld [tilespmem:s29+$0x70];
	v22 =	vshll.u32 v19, v1;
	v19 =	vadd.s32 v16, v18;
	_ =	sdelay $0x1  }
0x95: {  	s28 =	sshll.u32 s26, $0x2  }
0x96: {  	s30 =	sadd.s32 s5, s28;
	s13 =	simm.s32 $0x10;
	v18 =	vbroadcast v22, $0x0;
	[tilespmem:v21+s20+$0x0] =	vst.idx.msk $0xffff, v20  }
.LBB2_3:
0x97: {  	p1 =	slt.u32 s13, $0x78  }
0x98: {  	[tilespmem:v19+s20+$0x0] =	vst.idx.msk $0xffff, v17;
	s29 =	sadd.s32 $0x100, s29;
	s14 =	smov.u32 s13;
	s13 =	sadd.s32 $0x8, s13  }
0x99: {  	v17 =	vld [tilespmem:s29+$0xFFFFFF80];
	v19 =	vadd.s32 v0, v18  }
0x9a: {  	s15 =	sadd.s32 $0x1, s31;
	v18 =	vadd.s32 v2, v18;
	v20 =	vld [tilespmem:s29+$0xFFFFFF90]  }
0x9b: {  	v21 =	vmov s15  }
0x9c: {  	v21 =	vshrl.u32 v21, $0x3  }
0x9d: {  	v21 =	vshll.u32 v21, v1  }
0x9e: {  	[tilespmem:v19+s20+$0x0] =	vst.idx.msk $0xffff, v17;
	v17 =	vbroadcast v21, $0x0  }
0x9f: {  	[tilespmem:v18+s20+$0x0] =	vst.idx.msk $0xffff, v20  }
0xa0: {  	v18 =	vld [tilespmem:s29+$0xFFFFFFA0];
	v19 =	vadd.s32 v3, v17  }
0xa1: {  	s15 =	sadd.s32 $0x2, s31;
	v17 =	vadd.s32 v4, v17;
	v20 =	vld [tilespmem:s29+$0xFFFFFFB0]  }
0xa2: {  	v21 =	vmov s15  }
0xa3: {  	v21 =	vshrl.u32 v21, $0x3  }
0xa4: {  	v21 =	vshll.u32 v21, v1  }
0xa5: {  	[tilespmem:v19+s20+$0x0] =	vst.idx.msk $0xffff, v18;
	v18 =	vbroadcast v21, $0x0  }
0xa6: {  	[tilespmem:v17+s20+$0x0] =	vst.idx.msk $0xffff, v20  }
0xa7: {  	v17 =	vld [tilespmem:s29+$0xFFFFFFC0];
	v19 =	vadd.s32 v5, v18  }
0xa8: {  	s15 =	sadd.s32 $0x3, s31;
	v18 =	vadd.s32 v6, v18;
	v20 =	vld [tilespmem:s29+$0xFFFFFFD0]  }
0xa9: {  	v21 =	vmov s15  }
0xaa: {  	v21 =	vshrl.u32 v21, $0x3  }
0xab: {  	v21 =	vshll.u32 v21, v1  }
0xac: {  	[tilespmem:v19+s20+$0x0] =	vst.idx.msk $0xffff, v17;
	v17 =	vbroadcast v21, $0x0  }
0xad: {  	[tilespmem:v18+s20+$0x0] =	vst.idx.msk $0xffff, v20  }
0xae: {  	v18 =	vld [tilespmem:s29+$0xFFFFFFE0];
	v19 =	vadd.s32 v7, v17  }
0xaf: {  	s15 =	sadd.s32 $0x4, s31;
	v17 =	vadd.s32 v8, v17;
	v20 =	vld [tilespmem:s29+$0xFFFFFFF0]  }
0xb0: {  	v21 =	vmov s15  }
0xb1: {  	v21 =	vshrl.u32 v21, $0x3  }
0xb2: {  	v21 =	vshll.u32 v21, v1  }
0xb3: {  	[tilespmem:v19+s20+$0x0] =	vst.idx.msk $0xffff, v18;
	v18 =	vbroadcast v21, $0x0  }
0xb4: {  	[tilespmem:v17+s20+$0x0] =	vst.idx.msk $0xffff, v20  }
0xb5: {  	v17 =	vld [tilespmem:s29+$0x0];
	v19 =	vadd.s32 v9, v18  }
0xb6: {  	s15 =	sadd.s32 $0x5, s31;
	v18 =	vadd.s32 v10, v18;
	v20 =	vld [tilespmem:s29+$0x10]  }
0xb7: {  	v21 =	vmov s15  }
0xb8: {  	v21 =	vshrl.u32 v21, $0x3  }
0xb9: {  	v21 =	vshll.u32 v21, v1  }
0xba: {  	[tilespmem:v19+s20+$0x0] =	vst.idx.msk $0xffff, v17;
	v17 =	vbroadcast v21, $0x0  }
0xbb: {  	[tilespmem:v18+s20+$0x0] =	vst.idx.msk $0xffff, v20  }
0xbc: {  	v18 =	vld [tilespmem:s29+$0x20];
	v19 =	vadd.s32 v11, v17  }
0xbd: {  	s15 =	sadd.s32 $0x6, s31;
	v17 =	vadd.s32 v12, v17;
	v20 =	vld [tilespmem:s29+$0x30]  }
0xbe: {  	v21 =	vmov s15  }
0xbf: {  	v21 =	vshrl.u32 v21, $0x3  }
0xc0: {  	v21 =	vshll.u32 v21, v1  }
0xc1: {  	[tilespmem:v19+s20+$0x0] =	vst.idx.msk $0xffff, v18;
	v18 =	vbroadcast v21, $0x0  }
0xc2: {  	[tilespmem:v17+s20+$0x0] =	vst.idx.msk $0xffff, v20  }
0xc3: {  	v17 =	vld [tilespmem:s29+$0x40];
	v19 =	vadd.s32 v13, v18  }
0xc4: {  	s15 =	sadd.s32 $0x7, s31;
	s31 =	smov.u32 s14;
	v18 =	vadd.s32 v14, v18;
	v20 =	vld [tilespmem:s29+$0x50]  }
0xc5: {  	v21 =	vmov s15  }
0xc6: {  	v21 =	vshrl.u32 v21, $0x3  }
0xc7: {  	v21 =	vshll.u32 v21, v1  }
0xc8: {  	[tilespmem:v19+s20+$0x0] =	vst.idx.msk $0xffff, v17;
	v19 =	vbroadcast v21, $0x0  }
0xc9: {  	[tilespmem:v18+s20+$0x0] =	vst.idx.msk $0xffff, v20  }
0xca: {  	v20 =	vld [tilespmem:s29+$0x60];
	v21 =	vadd.s32 v15, v19  }
.Ltmp2:
0xcb: {  	v19 =	vadd.s32 v16, v19;
	v17 =	vld [tilespmem:s29+$0x70];
	(pc) =	sbr.rel @p1 .LBB2_3-.Ltmp2, $4  }
0xcc: {  	v18 =	vmov s31  }
0xcd: {  	v18 =	vshrl.u32 v18, $0x3  }
0xce: {  	v18 =	vshll.u32 v18, v1  }
0xcf: {  	v18 =	vbroadcast v18, $0x0;
	[tilespmem:v21+s20+$0x0] =	vst.idx.msk $0xffff, v20  }
0xd0: {  	_ =	sdelay $0x3  }
0xd1: {  	[tilespmem:v19+s20+$0x0] =	vst.idx.msk $0xffff, v17;
	s13 =	sadd.s32 $0x100, s29  }
0xd2: {  	v17 =	vld [tilespmem:s13+$0xFFFFFF80];
	v19 =	vadd.s32 v0, v18  }
0xd3: {  	s14 =	sadd.s32 $0x1, s31;
	v20 =	vld [tilespmem:s13+$0xFFFFFF90];
	v18 =	vadd.s32 v2, v18  }
0xd4: {  	v21 =	vmov s14  }
0xd5: {  	v21 =	vshrl.u32 v21, $0x3  }
0xd6: {  	v21 =	vshll.u32 v21, v1  }
0xd7: {  	[tilespmem:v19+s20+$0x0] =	vst.idx.msk $0xffff, v17;
	v17 =	vbroadcast v21, $0x0  }
0xd8: {  	[tilespmem:v18+s20+$0x0] =	vst.idx.msk $0xffff, v20  }
0xd9: {  	v18 =	vld [tilespmem:s13+$0xFFFFFFA0];
	v19 =	vadd.s32 v3, v17  }
0xda: {  	s15 =	sadd.s32 $0x2, s31;
	v20 =	vld [tilespmem:s13+$0xFFFFFFB0];
	v17 =	vadd.s32 v4, v17  }
0xdb: {  	v51 =	vmov s15  }
0xdc: {  	v21 =	vshrl.u32 v51, $0x3  }
0xdd: {  	v21 =	vshll.u32 v21, v1  }
0xde: {  	[tilespmem:v19+s20+$0x0] =	vst.idx.msk $0xffff, v18;
	v18 =	vbroadcast v21, $0x0  }
0xdf: {  	[tilespmem:v17+s20+$0x0] =	vst.idx.msk $0xffff, v20  }
0xe0: {  	v17 =	vld [tilespmem:s13+$0xFFFFFFC0];
	v19 =	vadd.s32 v5, v18  }
0xe1: {  	s16 =	sadd.s32 $0x3, s31;
	v20 =	vld [tilespmem:s13+$0xFFFFFFD0];
	v18 =	vadd.s32 v6, v18  }
0xe2: {  	v52 =	vmov s16  }
0xe3: {  	v21 =	vshrl.u32 v52, $0x3  }
0xe4: {  	v21 =	vshll.u32 v21, v1  }
0xe5: {  	[tilespmem:v19+s20+$0x0] =	vst.idx.msk $0xffff, v17;
	v17 =	vbroadcast v21, $0x0  }
0xe6: {  	[tilespmem:v18+s20+$0x0] =	vst.idx.msk $0xffff, v20  }
0xe7: {  	v18 =	vld [tilespmem:s13+$0xFFFFFFE0];
	v19 =	vadd.s32 v7, v17  }
0xe8: {  	s15 =	sadd.s32 $0x4, s31;
	v20 =	vld [tilespmem:s13+$0xFFFFFFF0];
	v17 =	vadd.s32 v8, v17  }
0xe9: {  	v53 =	vmov s15  }
0xea: {  	v21 =	vshrl.u32 v53, $0x3  }
0xeb: {  	v21 =	vshll.u32 v21, v1  }
0xec: {  	[tilespmem:v19+s20+$0x0] =	vst.idx.msk $0xffff, v18;
	v18 =	vbroadcast v21, $0x0  }
0xed: {  	[tilespmem:v17+s20+$0x0] =	vst.idx.msk $0xffff, v20  }
0xee: {  	v17 =	vld [tilespmem:s13+$0x0];
	v19 =	vadd.s32 v9, v18  }
0xef: {  	s16 =	sadd.s32 $0x5, s31;
	v20 =	vld [tilespmem:s13+$0x10];
	v18 =	vadd.s32 v10, v18  }
0xf0: {  	v54 =	vmov s16  }
0xf1: {  	v21 =	vshrl.u32 v54, $0x3  }
0xf2: {  	v21 =	vshll.u32 v21, v1  }
0xf3: {  	[tilespmem:v19+s20+$0x0] =	vst.idx.msk $0xffff, v17;
	v17 =	vbroadcast v21, $0x0  }
0xf4: {  	[tilespmem:v18+s20+$0x0] =	vst.idx.msk $0xffff, v20  }
0xf5: {  	v18 =	vld [tilespmem:s13+$0x20];
	v19 =	vadd.s32 v11, v17  }
0xf6: {  	s15 =	sadd.s32 $0x6, s31;
	v20 =	vld [tilespmem:s13+$0x30];
	v17 =	vadd.s32 v12, v17  }
0xf7: {  	v55 =	vmov s15  }
0xf8: {  	v21 =	vshrl.u32 v55, $0x3  }
0xf9: {  	v21 =	vshll.u32 v21, v1  }
0xfa: {  	[tilespmem:v19+s20+$0x0] =	vst.idx.msk $0xffff, v18;
	v18 =	vbroadcast v21, $0x0  }
0xfb: {  	[tilespmem:v17+s20+$0x0] =	vst.idx.msk $0xffff, v20  }
0xfc: {  	v17 =	vld [tilespmem:s13+$0x40];
	v19 =	vadd.s32 v13, v18  }
0xfd: {  	s16 =	sadd.s32 $0x7, s31;
	v20 =	vld [tilespmem:s13+$0x50];
	v18 =	vadd.s32 v14, v18  }
0xfe: {  	v56 =	vmov s16  }
0xff: {  	v21 =	vshrl.u32 v56, $0x3  }
0x100: {  	v21 =	vshll.u32 v21, v1  }
0x101: {  	[tilespmem:v19+s20+$0x0] =	vst.idx.msk $0xffff, v17;
	v17 =	vbroadcast v21, $0x0  }
0x102: {  	[tilespmem:v18+s20+$0x0] =	vst.idx.msk $0xffff, v20  }
0x103: {  	v18 =	vld [tilespmem:s13+$0x60];
	v19 =	vadd.s32 v15, v17  }
0x104: {  	v20 =	vld [tilespmem:s13+$0x70];
	v17 =	vadd.s32 v16, v17;
	_ =	sdelay $0x1  }
0x105: {  	s14 =	sshll.u32 s30, $0x9;
	s15 =	sshll.u32 s30, $0x7  }
0x106: {  	s13 =	sand.u32 $0xFFF0000, s14;
	s14 =	sand.u32 $0x3E00, s15  }
0x107: {  	s13 =	sor.u32 s14, s13;
	[tilespmem:v19+s20+$0x0] =	vst.idx.msk $0xffff, v18  }
0x108: {  	s14 =	sadd.s32 s2, s13;
	[tilespmem:v17+s20+$0x0] =	vst.idx.msk $0xffff, v20  }
0x109: {  	[hbm4b:s14+s3] =	stream.linear.scatter [tilespmem:s20], [sflag:$0x5], $0x80, $0x38;
	[tilespmem:$0xEC00] =	vst v63  }
0x10a: {  	s16 =	simm.s32 $0xA490;
	s15 =	sadd.s32 $0x10, s14  }
0x10b: {  	[hbm4b:s15+s3] =	stream.linear.scatter [tilespmem:s16], [sflag:$0x5], $0x80, $0x38;
	[tilespmem:$0xEC00] =	vst v63  }
0x10c: {  	s15 =	sadd.s32 $0x20, s14;
	s16 =	simm.s32 $0xA520  }
0x10d: {  	[hbm4b:s15+s3] =	stream.linear.scatter [tilespmem:s16], [sflag:$0x5], $0x80, $0x38;
	[tilespmem:$0xEC00] =	vst v63  }
0x10e: {  	s15 =	sadd.s32 $0x30, s14;
	s16 =	simm.s32 $0xA5B0  }
0x10f: {  	[hbm4b:s15+s3] =	stream.linear.scatter [tilespmem:s16], [sflag:$0x5], $0x80, $0x38;
	[tilespmem:$0xEC00] =	vst v63  }
0x110: {  	s15 =	sadd.s32 $0x40, s14;
	s16 =	simm.s32 $0xA640  }
0x111: {  	[hbm4b:s15+s3] =	stream.linear.scatter [tilespmem:s16], [sflag:$0x5], $0x80, $0x38;
	[tilespmem:$0xEC00] =	vst v63  }
0x112: {  	s15 =	sadd.s32 $0x50, s14;
	s16 =	simm.s32 $0xA6D0  }
0x113: {  	[hbm4b:s15+s3] =	stream.linear.scatter [tilespmem:s16], [sflag:$0x5], $0x80, $0x38;
	[tilespmem:$0xEC00] =	vst v63  }
0x114: {  	s15 =	sadd.s32 $0x60, s14;
	s16 =	simm.s32 $0xA760  }
0x115: {  	[hbm4b:s15+s3] =	stream.linear.scatter [tilespmem:s16], [sflag:$0x5], $0x80, $0x38;
	[tilespmem:$0xEC00] =	vst v63  }
0x116: {  	s14 =	sadd.s32 $0x70, s14;
	s16 =	simm.s32 $0xA7F0  }
0x117: {  	[hbm4b:s14+s3] =	stream.linear.scatter [tilespmem:s16], [sflag:$0x5], $0x80, $0x38;
	[tilespmem:$0xEC00] =	vst v63  }
0x118: {  	s14 =	sadd.s32 s13, s7;
	s16 =	simm.s32 $0xA880  }
0x119: {  	[hbm4b:s14+s3] =	stream.linear.scatter [tilespmem:s16], [sflag:$0x5], $0x80, $0x38;
	[tilespmem:$0xEC00] =	vst v63  }
0x11a: {  	s15 =	sadd.s32 $0x10, s14;
	s16 =	simm.s32 $0xA910  }
0x11b: {  	[hbm4b:s15+s3] =	stream.linear.scatter [tilespmem:s16], [sflag:$0x5], $0x80, $0x38;
	[tilespmem:$0xEC00] =	vst v63  }
0x11c: {  	s15 =	sadd.s32 $0x20, s14;
	s16 =	simm.s32 $0xA9A0  }
0x11d: {  	[hbm4b:s15+s3] =	stream.linear.scatter [tilespmem:s16], [sflag:$0x5], $0x80, $0x38;
	[tilespmem:$0xEC00] =	vst v63  }
0x11e: {  	s15 =	sadd.s32 $0x30, s14;
	s16 =	simm.s32 $0xAA30  }
0x11f: {  	[hbm4b:s15+s3] =	stream.linear.scatter [tilespmem:s16], [sflag:$0x5], $0x80, $0x38;
	[tilespmem:$0xEC00] =	vst v63  }
0x120: {  	s15 =	sadd.s32 $0x40, s14;
	s16 =	simm.s32 $0xAAC0  }
0x121: {  	[hbm4b:s15+s3] =	stream.linear.scatter [tilespmem:s16], [sflag:$0x5], $0x80, $0x38;
	[tilespmem:$0xEC00] =	vst v63  }
0x122: {  	s15 =	sadd.s32 $0x50, s14;
	s16 =	simm.s32 $0xAB50  }
0x123: {  	[hbm4b:s15+s3] =	stream.linear.scatter [tilespmem:s16], [sflag:$0x5], $0x80, $0x38;
	[tilespmem:$0xEC00] =	vst v63  }
0x124: {  	s15 =	sadd.s32 $0x60, s14;
	s16 =	simm.s32 $0xABE0  }
0x125: {  	[hbm4b:s15+s3] =	stream.linear.scatter [tilespmem:s16], [sflag:$0x5], $0x80, $0x38;
	[tilespmem:$0xEC00] =	vst v63  }
0x126: {  	s14 =	sadd.s32 $0x70, s14;
	s16 =	simm.s32 $0xAC70  }
0x127: {  	[hbm4b:s14+s3] =	stream.linear.scatter [tilespmem:s16], [sflag:$0x5], $0x80, $0x38;
	[tilespmem:$0xEC00] =	vst v63  }
0x128: {  	s14 =	sadd.s32 s13, s8;
	s16 =	simm.s32 $0xAD00  }
0x129: {  	[hbm4b:s14+s3] =	stream.linear.scatter [tilespmem:s16], [sflag:$0x5], $0x80, $0x38;
	[tilespmem:$0xEC00] =	vst v63  }
0x12a: {  	s15 =	sadd.s32 $0x10, s14;
	s16 =	simm.s32 $0xAD90  }
0x12b: {  	[hbm4b:s15+s3] =	stream.linear.scatter [tilespmem:s16], [sflag:$0x5], $0x80, $0x38;
	[tilespmem:$0xEC00] =	vst v63  }
0x12c: {  	s15 =	sadd.s32 $0x20, s14;
	s16 =	simm.s32 $0xAE20  }
0x12d: {  	[hbm4b:s15+s3] =	stream.linear.scatter [tilespmem:s16], [sflag:$0x5], $0x80, $0x38;
	[tilespmem:$0xEC00] =	vst v63  }
0x12e: {  	s15 =	sadd.s32 $0x30, s14;
	s16 =	simm.s32 $0xAEB0  }
0x12f: {  	[hbm4b:s15+s3] =	stream.linear.scatter [tilespmem:s16], [sflag:$0x5], $0x80, $0x38;
	[tilespmem:$0xEC00] =	vst v63  }
0x130: {  	s15 =	sadd.s32 $0x40, s14;
	s16 =	simm.s32 $0xAF40  }
0x131: {  	[hbm4b:s15+s3] =	stream.linear.scatter [tilespmem:s16], [sflag:$0x5], $0x80, $0x38;
	[tilespmem:$0xEC00] =	vst v63  }
0x132: {  	s15 =	sadd.s32 $0x50, s14;
	s16 =	simm.s32 $0xAFD0  }
0x133: {  	[hbm4b:s15+s3] =	stream.linear.scatter [tilespmem:s16], [sflag:$0x5], $0x80, $0x38;
	[tilespmem:$0xEC00] =	vst v63  }
0x134: {  	s15 =	sadd.s32 $0x60, s14;
	s16 =	simm.s32 $0xB060  }
0x135: {  	[hbm4b:s15+s3] =	stream.linear.scatter [tilespmem:s16], [sflag:$0x5], $0x80, $0x38;
	[tilespmem:$0xEC00] =	vst v63  }
0x136: {  	s14 =	sadd.s32 $0x70, s14;
	s16 =	simm.s32 $0xB0F0  }
0x137: {  	[hbm4b:s14+s3] =	stream.linear.scatter [tilespmem:s16], [sflag:$0x5], $0x80, $0x38;
	[tilespmem:$0xEC00] =	vst v63  }
0x138: {  	s13 =	sadd.s32 s13, s9;
	s16 =	simm.s32 $0xB180  }
0x139: {  	[hbm4b:s13+s3] =	stream.linear.scatter [tilespmem:s16], [sflag:$0x5], $0x80, $0x38;
	[tilespmem:$0xEC00] =	vst v63  }
0x13a: {  	s15 =	sadd.s32 $0x10, s13;
	s16 =	simm.s32 $0xB210  }
0x13b: {  	[hbm4b:s15+s3] =	stream.linear.scatter [tilespmem:s16], [sflag:$0x5], $0x80, $0x38;
	[tilespmem:$0xEC00] =	vst v63  }
0x13c: {  	s15 =	sadd.s32 $0x20, s13;
	s16 =	simm.s32 $0xB2A0  }
0x13d: {  	[hbm4b:s15+s3] =	stream.linear.scatter [tilespmem:s16], [sflag:$0x5], $0x80, $0x38;
	[tilespmem:$0xEC00] =	vst v63  }
0x13e: {  	s15 =	sadd.s32 $0x30, s13;
	s16 =	simm.s32 $0xB330  }
0x13f: {  	[hbm4b:s15+s3] =	stream.linear.scatter [tilespmem:s16], [sflag:$0x5], $0x80, $0x38;
	[tilespmem:$0xEC00] =	vst v63  }
0x140: {  	s15 =	sadd.s32 $0x40, s13;
	s16 =	simm.s32 $0xB3C0  }
0x141: {  	[hbm4b:s15+s3] =	stream.linear.scatter [tilespmem:s16], [sflag:$0x5], $0x80, $0x38;
	[tilespmem:$0xEC00] =	vst v63  }
0x142: {  	s15 =	sadd.s32 $0x50, s13;
	s16 =	simm.s32 $0xB450  }
0x143: {  	[hbm4b:s15+s3] =	stream.linear.scatter [tilespmem:s16], [sflag:$0x5], $0x80, $0x38;
	[tilespmem:$0xEC00] =	vst v63  }
0x144: {  	s15 =	sadd.s32 $0x60, s13;
	s16 =	simm.s32 $0xB4E0  }
0x145: {  	[hbm4b:s15+s3] =	stream.linear.scatter [tilespmem:s16], [sflag:$0x5], $0x80, $0x38;
	[tilespmem:$0xEC00] =	vst v63  }
0x146: {  	p1 =	seq.s32 s26, $0x31;
	s13 =	sadd.s32 $0x70, s13;
	s16 =	simm.s32 $0xB570  }
0x147: {  	[hbm4b:s13+s3] =	stream.linear.scatter [tilespmem:s16], [sflag:$0x5], $0x80, $0x38;
	[tilespmem:$0xEC00] =	vst v63  }
0x148: {  	s13 =	sshll.u32 @!p1 s26, $0x9  }
0x149: {  	s29 =	sand.u32 @!p1 $0x3FFFFE00, s13  }
0x14a: {  	s14 =	simm.s32 @!p1 $0x80;
	s15 =	simm.s32 @!p1 $0x6400;
	s13 =	sadd.s32 @!p1 $0x200, s29  }
0x14b: {  	[tilespmem:s15], [sflag:$0x1] =	stream.indirect.gather @!p1 [hbm4b:s4+s14], $0x20, s13, s14, $0xb8;
	[tilespmem:$0xEC00] =	vst v63  }
0x14c: {  	_ =	swait.ge [sflag:s1], $0x1000  }
0x14d: {  	[sflag:s1] =	ssyncset.done $0x0  }
0x14e: {  	s13 =	simm.s32 @!p0 $0x6;
	[sflag:s1] =	ssyncadd.s32 $0xFFFFF000  }
0x14f: {  	_ =	swait.ge @!p0 [sflag:s13], $0x400  }
0x150: {  	[sflag:s13] =	ssyncset.done @!p0 $0x0  }
0x151: {  	[sflag:s13] =	ssyncadd.s32 @!p0 $0xFFFFFC00  }
0x152: {  	_ =	swait.ge @!p0 [sflag:s13], $0x400  }
0x153: {  	[sflag:s13] =	ssyncset.done @!p0 $0x0  }
0x154: {  	[sflag:s13] =	ssyncadd.s32 @!p0 $0xFFFFFC00  }
0x155: {  	s15 =	simm.s32 $0x0;
	_ =	swait.ge @!p0 [sflag:s13], $0x400  }
0x156: {  	v17 =	vmov s15;
	[sflag:s13] =	ssyncset.done @!p0 $0x0  }
0x157: {  	v17 =	vshrl.u32 v17, $0x3;
	[sflag:s13] =	ssyncadd.s32 @!p0 $0xFFFFFC00  }
0x158: {  	v17 =	vshll.u32 v17, v1;
	_ =	swait.ge @!p0 [sflag:s13], $0x400  }
0x159: {  	v17 =	vbroadcast v17, $0x0;
	[sflag:s13] =	ssyncset.done @!p0 $0x0  }
0x15a: {  	s30 =	simm.s32 $0x74F0;
	[sflag:s13] =	ssyncadd.s32 @!p0 $0xFFFFFC00  }
0x15b: {  	v19 =	vadd.s32 v0, v17;
	v18 =	vld [tilespmem:s30+$0xFFFFFF10]  }
0x15c: {  	s16 =	simm.s32 $0x1;
	v17 =	vadd.s32 v2, v17;
	v20 =	vld [tilespmem:s30+$0xFFFFFF20]  }
0x15d: {  	v57 =	vmov s16  }
0x15e: {  	v21 =	vshrl.u32 v57, $0x3  }
0x15f: {  	v21 =	vshll.u32 v21, v1  }
0x160: {  	[tilespmem:v19+s0+$0x0] =	vst.idx.msk $0xffff, v18;
	v18 =	vbroadcast v21, $0x0  }
0x161: {  	[tilespmem:v17+s0+$0x0] =	vst.idx.msk $0xffff, v20  }
0x162: {  	v17 =	vld [tilespmem:s30+$0xFFFFFF30];
	v19 =	vadd.s32 v3, v18  }
0x163: {  	s14 =	simm.s32 $0x2;
	v20 =	vld [tilespmem:s30+$0xFFFFFF40];
	v18 =	vadd.s32 v4, v18  }
0x164: {  	v58 =	vmov s14  }
0x165: {  	v21 =	vshrl.u32 v58, $0x3  }
0x166: {  	v21 =	vshll.u32 v21, v1  }
0x167: {  	[tilespmem:v19+s0+$0x0] =	vst.idx.msk $0xffff, v17;
	v17 =	vbroadcast v21, $0x0  }
0x168: {  	[tilespmem:v18+s0+$0x0] =	vst.idx.msk $0xffff, v20  }
0x169: {  	v18 =	vld [tilespmem:s30+$0xFFFFFF50];
	v19 =	vadd.s32 v5, v17  }
0x16a: {  	s15 =	simm.s32 $0x3;
	v20 =	vld [tilespmem:s30+$0xFFFFFF60];
	v17 =	vadd.s32 v6, v17  }
0x16b: {  	v59 =	vmov s15  }
0x16c: {  	v21 =	vshrl.u32 v59, $0x3  }
0x16d: {  	v21 =	vshll.u32 v21, v1  }
0x16e: {  	[tilespmem:v19+s0+$0x0] =	vst.idx.msk $0xffff, v18;
	v18 =	vbroadcast v21, $0x0  }
0x16f: {  	[tilespmem:v17+s0+$0x0] =	vst.idx.msk $0xffff, v20  }
0x170: {  	v17 =	vld [tilespmem:s30+$0xFFFFFF70];
	v19 =	vadd.s32 v7, v18  }
0x171: {  	s16 =	simm.s32 $0x4;
	v20 =	vld [tilespmem:s30+$0xFFFFFF80];
	v18 =	vadd.s32 v8, v18  }
0x172: {  	v60 =	vmov s16  }
0x173: {  	v21 =	vshrl.u32 v60, $0x3  }
0x174: {  	v21 =	vshll.u32 v21, v1  }
0x175: {  	[tilespmem:v19+s0+$0x0] =	vst.idx.msk $0xffff, v17;
	v17 =	vbroadcast v21, $0x0  }
0x176: {  	[tilespmem:v18+s0+$0x0] =	vst.idx.msk $0xffff, v20  }
0x177: {  	v18 =	vld [tilespmem:s30+$0xFFFFFF90];
	v19 =	vadd.s32 v9, v17  }
0x178: {  	s14 =	simm.s32 $0x5;
	v20 =	vld [tilespmem:s30+$0xFFFFFFA0];
	v17 =	vadd.s32 v10, v17  }
0x179: {  	v61 =	vmov s14  }
0x17a: {  	v21 =	vshrl.u32 v61, $0x3  }
0x17b: {  	v21 =	vshll.u32 v21, v1  }
0x17c: {  	[tilespmem:v19+s0+$0x0] =	vst.idx.msk $0xffff, v18;
	v18 =	vbroadcast v21, $0x0  }
0x17d: {  	[tilespmem:v17+s0+$0x0] =	vst.idx.msk $0xffff, v20  }
0x17e: {  	v17 =	vld [tilespmem:s30+$0xFFFFFFB0];
	v19 =	vadd.s32 v11, v18  }
0x17f: {  	s15 =	simm.s32 $0x6;
	v20 =	vld [tilespmem:s30+$0xFFFFFFC0];
	v18 =	vadd.s32 v12, v18  }
0x180: {  	v62 =	vmov s15  }
0x181: {  	v21 =	vshrl.u32 v62, $0x3  }
0x182: {  	v21 =	vshll.u32 v21, v1  }
0x183: {  	[tilespmem:v19+s0+$0x0] =	vst.idx.msk $0xffff, v17;
	v17 =	vbroadcast v21, $0x0  }
0x184: {  	[tilespmem:v18+s0+$0x0] =	vst.idx.msk $0xffff, v20  }
0x185: {  	v18 =	vld [tilespmem:s30+$0xFFFFFFD0];
	v19 =	vadd.s32 v13, v17  }
0x186: {  	s16 =	simm.s32 $0x7;
	v20 =	vld [tilespmem:s30+$0xFFFFFFE0];
	v17 =	vadd.s32 v14, v17  }
0x187: {  	v63 =	vmov s16  }
0x188: {  	v21 =	vshrl.u32 v63, $0x3  }
0x189: {  	v21 =	vshll.u32 v21, v1  }
0x18a: {  	[tilespmem:v19+s0+$0x0] =	vst.idx.msk $0xffff, v18;
	v18 =	vbroadcast v21, $0x0  }
0x18b: {  	s13 =	simm.s32 $0x8;
	[tilespmem:v17+s0+$0x0] =	vst.idx.msk $0xffff, v20  }
0x18c: {  	v17 =	vmov s13;
	v20 =	vld [tilespmem:s30+$0xFFFFFFF0];
	v21 =	vadd.s32 v15, v18  }
0x18d: {  	v19 =	vshrl.u32 v17, $0x3  }
0x18e: {  	v17 =	vld [tilespmem:s30+$0x0];
	v22 =	vshll.u32 v19, v1;
	v19 =	vadd.s32 v16, v18;
	_ =	sdelay $0x1  }
0x18f: {  	s28 =	sadd.s32 s28, s5  }
0x190: {  	s31 =	sadd.s32 $0x1, s28;
	s14 =	simm.s32 $0x10;
	v18 =	vbroadcast v22, $0x0;
	[tilespmem:v21+s0+$0x0] =	vst.idx.msk $0xffff, v20  }
.LBB2_5:
0x191: {  	p2 =	slt.u32 s14, $0x78  }
0x192: {  	[tilespmem:v19+s0+$0x0] =	vst.idx.msk $0xffff, v17;
	s30 =	sadd.s32 $0x100, s30;
	s15 =	smov.u32 s14;
	s14 =	sadd.s32 $0x8, s14  }
0x193: {  	v17 =	vld [tilespmem:s30+$0xFFFFFF10];
	v19 =	vadd.s32 v0, v18  }
0x194: {  	s16 =	sadd.s32 $0x1, s13;
	v18 =	vadd.s32 v2, v18;
	v20 =	vld [tilespmem:s30+$0xFFFFFF20]  }
0x195: {  	v21 =	vmov s16  }
0x196: {  	v21 =	vshrl.u32 v21, $0x3  }
0x197: {  	v21 =	vshll.u32 v21, v1  }
0x198: {  	[tilespmem:v19+s0+$0x0] =	vst.idx.msk $0xffff, v17;
	v17 =	vbroadcast v21, $0x0  }
0x199: {  	[tilespmem:v18+s0+$0x0] =	vst.idx.msk $0xffff, v20  }
0x19a: {  	v18 =	vld [tilespmem:s30+$0xFFFFFF30];
	v19 =	vadd.s32 v3, v17  }
0x19b: {  	s16 =	sadd.s32 $0x2, s13;
	v17 =	vadd.s32 v4, v17;
	v20 =	vld [tilespmem:s30+$0xFFFFFF40]  }
0x19c: {  	v21 =	vmov s16  }
0x19d: {  	v21 =	vshrl.u32 v21, $0x3  }
0x19e: {  	v21 =	vshll.u32 v21, v1  }
0x19f: {  	[tilespmem:v19+s0+$0x0] =	vst.idx.msk $0xffff, v18;
	v18 =	vbroadcast v21, $0x0  }
0x1a0: {  	[tilespmem:v17+s0+$0x0] =	vst.idx.msk $0xffff, v20  }
0x1a1: {  	v17 =	vld [tilespmem:s30+$0xFFFFFF50];
	v19 =	vadd.s32 v5, v18  }
0x1a2: {  	s16 =	sadd.s32 $0x3, s13;
	v18 =	vadd.s32 v6, v18;
	v20 =	vld [tilespmem:s30+$0xFFFFFF60]  }
0x1a3: {  	v21 =	vmov s16  }
0x1a4: {  	v21 =	vshrl.u32 v21, $0x3  }
0x1a5: {  	v21 =	vshll.u32 v21, v1  }
0x1a6: {  	[tilespmem:v19+s0+$0x0] =	vst.idx.msk $0xffff, v17;
	v17 =	vbroadcast v21, $0x0  }
0x1a7: {  	[tilespmem:v18+s0+$0x0] =	vst.idx.msk $0xffff, v20  }
0x1a8: {  	v18 =	vld [tilespmem:s30+$0xFFFFFF70];
	v19 =	vadd.s32 v7, v17  }
0x1a9: {  	s16 =	sadd.s32 $0x4, s13;
	v17 =	vadd.s32 v8, v17;
	v20 =	vld [tilespmem:s30+$0xFFFFFF80]  }
0x1aa: {  	v21 =	vmov s16  }
0x1ab: {  	v21 =	vshrl.u32 v21, $0x3  }
0x1ac: {  	v21 =	vshll.u32 v21, v1  }
0x1ad: {  	[tilespmem:v19+s0+$0x0] =	vst.idx.msk $0xffff, v18;
	v18 =	vbroadcast v21, $0x0  }
0x1ae: {  	[tilespmem:v17+s0+$0x0] =	vst.idx.msk $0xffff, v20  }
0x1af: {  	v17 =	vld [tilespmem:s30+$0xFFFFFF90];
	v19 =	vadd.s32 v9, v18  }
0x1b0: {  	s16 =	sadd.s32 $0x5, s13;
	v18 =	vadd.s32 v10, v18;
	v20 =	vld [tilespmem:s30+$0xFFFFFFA0]  }
0x1b1: {  	v21 =	vmov s16  }
0x1b2: {  	v21 =	vshrl.u32 v21, $0x3  }
0x1b3: {  	v21 =	vshll.u32 v21, v1  }
0x1b4: {  	[tilespmem:v19+s0+$0x0] =	vst.idx.msk $0xffff, v17;
	v17 =	vbroadcast v21, $0x0  }
0x1b5: {  	[tilespmem:v18+s0+$0x0] =	vst.idx.msk $0xffff, v20  }
0x1b6: {  	v18 =	vld [tilespmem:s30+$0xFFFFFFB0];
	v19 =	vadd.s32 v11, v17  }
0x1b7: {  	s16 =	sadd.s32 $0x6, s13;
	v17 =	vadd.s32 v12, v17;
	v20 =	vld [tilespmem:s30+$0xFFFFFFC0]  }
0x1b8: {  	v21 =	vmov s16  }
0x1b9: {  	v21 =	vshrl.u32 v21, $0x3  }
0x1ba: {  	v21 =	vshll.u32 v21, v1  }
0x1bb: {  	[tilespmem:v19+s0+$0x0] =	vst.idx.msk $0xffff, v18;
	v18 =	vbroadcast v21, $0x0  }
0x1bc: {  	[tilespmem:v17+s0+$0x0] =	vst.idx.msk $0xffff, v20  }
0x1bd: {  	v17 =	vld [tilespmem:s30+$0xFFFFFFD0];
	v19 =	vadd.s32 v13, v18  }
0x1be: {  	s16 =	sadd.s32 $0x7, s13;
	s13 =	smov.u32 s15;
	v18 =	vadd.s32 v14, v18;
	v20 =	vld [tilespmem:s30+$0xFFFFFFE0]  }
0x1bf: {  	v21 =	vmov s16  }
0x1c0: {  	v21 =	vshrl.u32 v21, $0x3  }
0x1c1: {  	v21 =	vshll.u32 v21, v1  }
0x1c2: {  	[tilespmem:v19+s0+$0x0] =	vst.idx.msk $0xffff, v17;
	v19 =	vbroadcast v21, $0x0  }
0x1c3: {  	[tilespmem:v18+s0+$0x0] =	vst.idx.msk $0xffff, v20  }
0x1c4: {  	v20 =	vld [tilespmem:s30+$0xFFFFFFF0];
	v21 =	vadd.s32 v15, v19  }
.Ltmp3:
0x1c5: {  	v19 =	vadd.s32 v16, v19;
	v17 =	vld [tilespmem:s30+$0x0];
	(pc) =	sbr.rel @p2 .LBB2_5-.Ltmp3, $4  }
0x1c6: {  	v18 =	vmov s13  }
0x1c7: {  	v18 =	vshrl.u32 v18, $0x3  }
0x1c8: {  	v18 =	vshll.u32 v18, v1  }
0x1c9: {  	v18 =	vbroadcast v18, $0x0;
	[tilespmem:v21+s0+$0x0] =	vst.idx.msk $0xffff, v20  }
0x1ca: {  	_ =	sdelay $0x3  }
0x1cb: {  	[tilespmem:v19+s0+$0x0] =	vst.idx.msk $0xffff, v17;
	s14 =	sadd.s32 $0x100, s30  }
0x1cc: {  	v17 =	vld [tilespmem:s14+$0xFFFFFF10];
	v19 =	vadd.s32 v0, v18  }
0x1cd: {  	s15 =	sadd.s32 $0x1, s13;
	v20 =	vld [tilespmem:s14+$0xFFFFFF20];
	v18 =	vadd.s32 v2, v18  }
0x1ce: {  	v21 =	vmov s15  }
0x1cf: {  	v21 =	vshrl.u32 v21, $0x3  }
0x1d0: {  	v21 =	vshll.u32 v21, v1  }
0x1d1: {  	[tilespmem:v19+s0+$0x0] =	vst.idx.msk $0xffff, v17;
	v17 =	vbroadcast v21, $0x0  }
0x1d2: {  	[tilespmem:v18+s0+$0x0] =	vst.idx.msk $0xffff, v20  }
0x1d3: {  	v18 =	vld [tilespmem:s14+$0xFFFFFF30];
	v19 =	vadd.s32 v3, v17  }
0x1d4: {  	s16 =	sadd.s32 $0x2, s13;
	v20 =	vld [tilespmem:s14+$0xFFFFFF40];
	v17 =	vadd.s32 v4, v17  }
0x1d5: {  	v51 =	vmov s16  }
0x1d6: {  	v21 =	vshrl.u32 v51, $0x3  }
0x1d7: {  	v21 =	vshll.u32 v21, v1  }
0x1d8: {  	[tilespmem:v19+s0+$0x0] =	vst.idx.msk $0xffff, v18;
	v18 =	vbroadcast v21, $0x0  }
0x1d9: {  	[tilespmem:v17+s0+$0x0] =	vst.idx.msk $0xffff, v20  }
0x1da: {  	v17 =	vld [tilespmem:s14+$0xFFFFFF50];
	v19 =	vadd.s32 v5, v18  }
0x1db: {  	s16 =	sadd.s32 $0x3, s13;
	v20 =	vld [tilespmem:s14+$0xFFFFFF60];
	v18 =	vadd.s32 v6, v18  }
0x1dc: {  	v52 =	vmov s16  }
0x1dd: {  	v21 =	vshrl.u32 v52, $0x3  }
0x1de: {  	v21 =	vshll.u32 v21, v1  }
0x1df: {  	[tilespmem:v19+s0+$0x0] =	vst.idx.msk $0xffff, v17;
	v17 =	vbroadcast v21, $0x0  }
0x1e0: {  	[tilespmem:v18+s0+$0x0] =	vst.idx.msk $0xffff, v20  }
0x1e1: {  	v18 =	vld [tilespmem:s14+$0xFFFFFF70];
	v19 =	vadd.s32 v7, v17  }
0x1e2: {  	s16 =	sadd.s32 $0x4, s13;
	v20 =	vld [tilespmem:s14+$0xFFFFFF80];
	v17 =	vadd.s32 v8, v17  }
0x1e3: {  	v53 =	vmov s16  }
0x1e4: {  	v21 =	vshrl.u32 v53, $0x3  }
0x1e5: {  	v21 =	vshll.u32 v21, v1  }
0x1e6: {  	[tilespmem:v19+s0+$0x0] =	vst.idx.msk $0xffff, v18;
	v18 =	vbroadcast v21, $0x0  }
0x1e7: {  	[tilespmem:v17+s0+$0x0] =	vst.idx.msk $0xffff, v20  }
0x1e8: {  	v17 =	vld [tilespmem:s14+$0xFFFFFF90];
	v19 =	vadd.s32 v9, v18  }
0x1e9: {  	s16 =	sadd.s32 $0x5, s13;
	v20 =	vld [tilespmem:s14+$0xFFFFFFA0];
	v18 =	vadd.s32 v10, v18  }
0x1ea: {  	v54 =	vmov s16  }
0x1eb: {  	v21 =	vshrl.u32 v54, $0x3  }
0x1ec: {  	v21 =	vshll.u32 v21, v1  }
0x1ed: {  	[tilespmem:v19+s0+$0x0] =	vst.idx.msk $0xffff, v17;
	v17 =	vbroadcast v21, $0x0  }
0x1ee: {  	[tilespmem:v18+s0+$0x0] =	vst.idx.msk $0xffff, v20  }
0x1ef: {  	v18 =	vld [tilespmem:s14+$0xFFFFFFB0];
	v19 =	vadd.s32 v11, v17  }
0x1f0: {  	s16 =	sadd.s32 $0x6, s13;
	v20 =	vld [tilespmem:s14+$0xFFFFFFC0];
	v17 =	vadd.s32 v12, v17  }
0x1f1: {  	v55 =	vmov s16  }
0x1f2: {  	v21 =	vshrl.u32 v55, $0x3  }
0x1f3: {  	v21 =	vshll.u32 v21, v1  }
0x1f4: {  	[tilespmem:v19+s0+$0x0] =	vst.idx.msk $0xffff, v18;
	v18 =	vbroadcast v21, $0x0  }
0x1f5: {  	[tilespmem:v17+s0+$0x0] =	vst.idx.msk $0xffff, v20  }
0x1f6: {  	v17 =	vld [tilespmem:s14+$0xFFFFFFD0];
	v19 =	vadd.s32 v13, v18  }
0x1f7: {  	s16 =	sadd.s32 $0x7, s13;
	v20 =	vld [tilespmem:s14+$0xFFFFFFE0];
	v18 =	vadd.s32 v14, v18  }
0x1f8: {  	v56 =	vmov s16  }
0x1f9: {  	v21 =	vshrl.u32 v56, $0x3  }
0x1fa: {  	v21 =	vshll.u32 v21, v1  }
0x1fb: {  	[tilespmem:v19+s0+$0x0] =	vst.idx.msk $0xffff, v17;
	v17 =	vbroadcast v21, $0x0  }
0x1fc: {  	[tilespmem:v18+s0+$0x0] =	vst.idx.msk $0xffff, v20  }
0x1fd: {  	v18 =	vld [tilespmem:s14+$0xFFFFFFF0];
	v19 =	vadd.s32 v15, v17  }
0x1fe: {  	v20 =	vld [tilespmem:s14+$0x0];
	v17 =	vadd.s32 v16, v17;
	_ =	sdelay $0x1  }
0x1ff: {  	s15 =	sshll.u32 s31, $0x7;
	s14 =	sshll.u32 s31, $0x9  }
0x200: {  	s13 =	sand.u32 $0xFFF0000, s14;
	s14 =	sand.u32 $0x3E80, s15  }
0x201: {  	s13 =	sor.u32 s14, s13;
	[tilespmem:v19+s0+$0x0] =	vst.idx.msk $0xffff, v18  }
0x202: {  	s14 =	sadd.s32 s2, s13;
	[tilespmem:v17+s0+$0x0] =	vst.idx.msk $0xffff, v20  }
0x203: {  	[hbm4b:s14+s3] =	stream.linear.scatter [tilespmem:s0], [sflag:$0x6], $0x80, $0x38;
	[tilespmem:$0xEC00] =	vst v63  }
0x204: {  	s16 =	simm.s32 $0xB690;
	s15 =	sadd.s32 $0x10, s14  }
0x205: {  	[hbm4b:s15+s3] =	stream.linear.scatter [tilespmem:s16], [sflag:$0x6], $0x80, $0x38;
	[tilespmem:$0xEC00] =	vst v63  }
0x206: {  	s15 =	sadd.s32 $0x20, s14;
	s16 =	simm.s32 $0xB720  }
0x207: {  	[hbm4b:s15+s3] =	stream.linear.scatter [tilespmem:s16], [sflag:$0x6], $0x80, $0x38;
	[tilespmem:$0xEC00] =	vst v63  }
0x208: {  	s15 =	sadd.s32 $0x30, s14;
	s16 =	simm.s32 $0xB7B0  }
0x209: {  	[hbm4b:s15+s3] =	stream.linear.scatter [tilespmem:s16], [sflag:$0x6], $0x80, $0x38;
	[tilespmem:$0xEC00] =	vst v63  }
0x20a: {  	s15 =	sadd.s32 $0x40, s14;
	s16 =	simm.s32 $0xB840  }
0x20b: {  	[hbm4b:s15+s3] =	stream.linear.scatter [tilespmem:s16], [sflag:$0x6], $0x80, $0x38;
	[tilespmem:$0xEC00] =	vst v63  }
0x20c: {  	s15 =	sadd.s32 $0x50, s14;
	s16 =	simm.s32 $0xB8D0  }
0x20d: {  	[hbm4b:s15+s3] =	stream.linear.scatter [tilespmem:s16], [sflag:$0x6], $0x80, $0x38;
	[tilespmem:$0xEC00] =	vst v63  }
0x20e: {  	s15 =	sadd.s32 $0x60, s14;
	s16 =	simm.s32 $0xB960  }
0x20f: {  	[hbm4b:s15+s3] =	stream.linear.scatter [tilespmem:s16], [sflag:$0x6], $0x80, $0x38;
	[tilespmem:$0xEC00] =	vst v63  }
0x210: {  	s14 =	sadd.s32 $0x70, s14;
	s16 =	simm.s32 $0xB9F0  }
0x211: {  	[hbm4b:s14+s3] =	stream.linear.scatter [tilespmem:s16], [sflag:$0x6], $0x80, $0x38;
	[tilespmem:$0xEC00] =	vst v63  }
0x212: {  	s14 =	sadd.s32 s13, s7;
	s16 =	simm.s32 $0xBA80  }
0x213: {  	[hbm4b:s14+s3] =	stream.linear.scatter [tilespmem:s16], [sflag:$0x6], $0x80, $0x38;
	[tilespmem:$0xEC00] =	vst v63  }
0x214: {  	s15 =	sadd.s32 $0x10, s14;
	s16 =	simm.s32 $0xBB10  }
0x215: {  	[hbm4b:s15+s3] =	stream.linear.scatter [tilespmem:s16], [sflag:$0x6], $0x80, $0x38;
	[tilespmem:$0xEC00] =	vst v63  }
0x216: {  	s15 =	sadd.s32 $0x20, s14;
	s16 =	simm.s32 $0xBBA0  }
0x217: {  	[hbm4b:s15+s3] =	stream.linear.scatter [tilespmem:s16], [sflag:$0x6], $0x80, $0x38;
	[tilespmem:$0xEC00] =	vst v63  }
0x218: {  	s15 =	sadd.s32 $0x30, s14;
	s16 =	simm.s32 $0xBC30  }
0x219: {  	[hbm4b:s15+s3] =	stream.linear.scatter [tilespmem:s16], [sflag:$0x6], $0x80, $0x38;
	[tilespmem:$0xEC00] =	vst v63  }
0x21a: {  	s15 =	sadd.s32 $0x40, s14;
	s16 =	simm.s32 $0xBCC0  }
0x21b: {  	[hbm4b:s15+s3] =	stream.linear.scatter [tilespmem:s16], [sflag:$0x6], $0x80, $0x38;
	[tilespmem:$0xEC00] =	vst v63  }
0x21c: {  	s15 =	sadd.s32 $0x50, s14;
	s16 =	simm.s32 $0xBD50  }
0x21d: {  	[hbm4b:s15+s3] =	stream.linear.scatter [tilespmem:s16], [sflag:$0x6], $0x80, $0x38;
	[tilespmem:$0xEC00] =	vst v63  }
0x21e: {  	s15 =	sadd.s32 $0x60, s14;
	s16 =	simm.s32 $0xBDE0  }
0x21f: {  	[hbm4b:s15+s3] =	stream.linear.scatter [tilespmem:s16], [sflag:$0x6], $0x80, $0x38;
	[tilespmem:$0xEC00] =	vst v63  }
0x220: {  	s14 =	sadd.s32 $0x70, s14;
	s16 =	simm.s32 $0xBE70  }
0x221: {  	[hbm4b:s14+s3] =	stream.linear.scatter [tilespmem:s16], [sflag:$0x6], $0x80, $0x38;
	[tilespmem:$0xEC00] =	vst v63  }
0x222: {  	s14 =	sadd.s32 s13, s8;
	s16 =	simm.s32 $0xBF00  }
0x223: {  	[hbm4b:s14+s3] =	stream.linear.scatter [tilespmem:s16], [sflag:$0x6], $0x80, $0x38;
	[tilespmem:$0xEC00] =	vst v63  }
0x224: {  	s15 =	sadd.s32 $0x10, s14;
	s16 =	simm.s32 $0xBF90  }
0x225: {  	[hbm4b:s15+s3] =	stream.linear.scatter [tilespmem:s16], [sflag:$0x6], $0x80, $0x38;
	[tilespmem:$0xEC00] =	vst v63  }
0x226: {  	s15 =	sadd.s32 $0x20, s14;
	s16 =	simm.s32 $0xC020  }
0x227: {  	[hbm4b:s15+s3] =	stream.linear.scatter [tilespmem:s16], [sflag:$0x6], $0x80, $0x38;
	[tilespmem:$0xEC00] =	vst v63  }
0x228: {  	s15 =	sadd.s32 $0x30, s14;
	s16 =	simm.s32 $0xC0B0  }
0x229: {  	[hbm4b:s15+s3] =	stream.linear.scatter [tilespmem:s16], [sflag:$0x6], $0x80, $0x38;
	[tilespmem:$0xEC00] =	vst v63  }
0x22a: {  	s15 =	sadd.s32 $0x40, s14;
	s16 =	simm.s32 $0xC140  }
0x22b: {  	[hbm4b:s15+s3] =	stream.linear.scatter [tilespmem:s16], [sflag:$0x6], $0x80, $0x38;
	[tilespmem:$0xEC00] =	vst v63  }
0x22c: {  	s15 =	sadd.s32 $0x50, s14;
	s16 =	simm.s32 $0xC1D0  }
0x22d: {  	[hbm4b:s15+s3] =	stream.linear.scatter [tilespmem:s16], [sflag:$0x6], $0x80, $0x38;
	[tilespmem:$0xEC00] =	vst v63  }
0x22e: {  	s15 =	sadd.s32 $0x60, s14;
	s16 =	simm.s32 $0xC260  }
0x22f: {  	[hbm4b:s15+s3] =	stream.linear.scatter [tilespmem:s16], [sflag:$0x6], $0x80, $0x38;
	[tilespmem:$0xEC00] =	vst v63  }
0x230: {  	s14 =	sadd.s32 $0x70, s14;
	s16 =	simm.s32 $0xC2F0  }
0x231: {  	[hbm4b:s14+s3] =	stream.linear.scatter [tilespmem:s16], [sflag:$0x6], $0x80, $0x38;
	[tilespmem:$0xEC00] =	vst v63  }
0x232: {  	s13 =	sadd.s32 s13, s9;
	s16 =	simm.s32 $0xC380  }
0x233: {  	[hbm4b:s13+s3] =	stream.linear.scatter [tilespmem:s16], [sflag:$0x6], $0x80, $0x38;
	[tilespmem:$0xEC00] =	vst v63  }
0x234: {  	s15 =	sadd.s32 $0x10, s13;
	s16 =	simm.s32 $0xC410  }
0x235: {  	[hbm4b:s15+s3] =	stream.linear.scatter [tilespmem:s16], [sflag:$0x6], $0x80, $0x38;
	[tilespmem:$0xEC00] =	vst v63  }
0x236: {  	s15 =	sadd.s32 $0x20, s13;
	s16 =	simm.s32 $0xC4A0  }
0x237: {  	[hbm4b:s15+s3] =	stream.linear.scatter [tilespmem:s16], [sflag:$0x6], $0x80, $0x38;
	[tilespmem:$0xEC00] =	vst v63  }
0x238: {  	s15 =	sadd.s32 $0x30, s13;
	s16 =	simm.s32 $0xC530  }
0x239: {  	[hbm4b:s15+s3] =	stream.linear.scatter [tilespmem:s16], [sflag:$0x6], $0x80, $0x38;
	[tilespmem:$0xEC00] =	vst v63  }
0x23a: {  	s15 =	sadd.s32 $0x40, s13;
	s16 =	simm.s32 $0xC5C0  }
0x23b: {  	[hbm4b:s15+s3] =	stream.linear.scatter [tilespmem:s16], [sflag:$0x6], $0x80, $0x38;
	[tilespmem:$0xEC00] =	vst v63  }
0x23c: {  	s15 =	sadd.s32 $0x50, s13;
	s16 =	simm.s32 $0xC650  }
0x23d: {  	[hbm4b:s15+s3] =	stream.linear.scatter [tilespmem:s16], [sflag:$0x6], $0x80, $0x38;
	[tilespmem:$0xEC00] =	vst v63  }
0x23e: {  	s15 =	sadd.s32 $0x60, s13;
	s16 =	simm.s32 $0xC6E0  }
0x23f: {  	[hbm4b:s15+s3] =	stream.linear.scatter [tilespmem:s16], [sflag:$0x6], $0x80, $0x38;
	[tilespmem:$0xEC00] =	vst v63  }
0x240: {  	s13 =	sadd.s32 $0x70, s13;
	s16 =	simm.s32 $0xC770  }
0x241: {  	[hbm4b:s13+s3] =	stream.linear.scatter [tilespmem:s16], [sflag:$0x6], $0x80, $0x38;
	[tilespmem:$0xEC00] =	vst v63  }
0x242: {  	s14 =	simm.s32 @!p1 $0x80;
	s15 =	simm.s32 @!p1 $0x7400;
	s13 =	sadd.s32 @!p1 $0x280, s29  }
0x243: {  	[tilespmem:s15], [sflag:$0x2] =	stream.indirect.gather @!p1 [hbm4b:s4+s14], $0x20, s13, s14, $0xb8;
	[tilespmem:$0xEC00] =	vst v63  }
0x244: {  	_ =	swait.ge [sflag:s24], $0x1000  }
0x245: {  	[sflag:s24] =	ssyncset.done $0x0  }
0x246: {  	s13 =	simm.s32 @!p0 $0x7;
	[sflag:s24] =	ssyncadd.s32 $0xFFFFF000  }
0x247: {  	_ =	swait.ge @!p0 [sflag:s13], $0x400  }
0x248: {  	[sflag:s13] =	ssyncset.done @!p0 $0x0  }
0x249: {  	[sflag:s13] =	ssyncadd.s32 @!p0 $0xFFFFFC00  }
0x24a: {  	_ =	swait.ge @!p0 [sflag:s13], $0x400  }
0x24b: {  	[sflag:s13] =	ssyncset.done @!p0 $0x0  }
0x24c: {  	[sflag:s13] =	ssyncadd.s32 @!p0 $0xFFFFFC00  }
0x24d: {  	s15 =	simm.s32 $0x0;
	_ =	swait.ge @!p0 [sflag:s13], $0x400  }
0x24e: {  	v17 =	vmov s15;
	[sflag:s13] =	ssyncset.done @!p0 $0x0  }
0x24f: {  	v17 =	vshrl.u32 v17, $0x3;
	[sflag:s13] =	ssyncadd.s32 @!p0 $0xFFFFFC00  }
0x250: {  	v17 =	vshll.u32 v17, v1;
	_ =	swait.ge @!p0 [sflag:s13], $0x400  }
0x251: {  	v17 =	vbroadcast v17, $0x0;
	[sflag:s13] =	ssyncset.done @!p0 $0x0  }
0x252: {  	s30 =	simm.s32 $0x84F0;
	[sflag:s13] =	ssyncadd.s32 @!p0 $0xFFFFFC00  }
0x253: {  	v19 =	vadd.s32 v0, v17;
	v18 =	vld [tilespmem:s30+$0xFFFFFF10]  }
0x254: {  	s16 =	simm.s32 $0x1;
	v17 =	vadd.s32 v2, v17;
	v20 =	vld [tilespmem:s30+$0xFFFFFF20]  }
0x255: {  	v57 =	vmov s16  }
0x256: {  	v21 =	vshrl.u32 v57, $0x3  }
0x257: {  	v21 =	vshll.u32 v21, v1  }
0x258: {  	[tilespmem:v19+s25+$0x0] =	vst.idx.msk $0xffff, v18;
	v18 =	vbroadcast v21, $0x0  }
0x259: {  	[tilespmem:v17+s25+$0x0] =	vst.idx.msk $0xffff, v20  }
0x25a: {  	v17 =	vld [tilespmem:s30+$0xFFFFFF30];
	v19 =	vadd.s32 v3, v18  }
0x25b: {  	s14 =	simm.s32 $0x2;
	v20 =	vld [tilespmem:s30+$0xFFFFFF40];
	v18 =	vadd.s32 v4, v18  }
0x25c: {  	v58 =	vmov s14  }
0x25d: {  	v21 =	vshrl.u32 v58, $0x3  }
0x25e: {  	v21 =	vshll.u32 v21, v1  }
0x25f: {  	[tilespmem:v19+s25+$0x0] =	vst.idx.msk $0xffff, v17;
	v17 =	vbroadcast v21, $0x0  }
0x260: {  	[tilespmem:v18+s25+$0x0] =	vst.idx.msk $0xffff, v20  }
0x261: {  	v18 =	vld [tilespmem:s30+$0xFFFFFF50];
	v19 =	vadd.s32 v5, v17  }
0x262: {  	s15 =	simm.s32 $0x3;
	v20 =	vld [tilespmem:s30+$0xFFFFFF60];
	v17 =	vadd.s32 v6, v17  }
0x263: {  	v59 =	vmov s15  }
0x264: {  	v21 =	vshrl.u32 v59, $0x3  }
0x265: {  	v21 =	vshll.u32 v21, v1  }
0x266: {  	[tilespmem:v19+s25+$0x0] =	vst.idx.msk $0xffff, v18;
	v18 =	vbroadcast v21, $0x0  }
0x267: {  	[tilespmem:v17+s25+$0x0] =	vst.idx.msk $0xffff, v20  }
0x268: {  	v17 =	vld [tilespmem:s30+$0xFFFFFF70];
	v19 =	vadd.s32 v7, v18  }
0x269: {  	s16 =	simm.s32 $0x4;
	v20 =	vld [tilespmem:s30+$0xFFFFFF80];
	v18 =	vadd.s32 v8, v18  }
0x26a: {  	v60 =	vmov s16  }
0x26b: {  	v21 =	vshrl.u32 v60, $0x3  }
0x26c: {  	v21 =	vshll.u32 v21, v1  }
0x26d: {  	[tilespmem:v19+s25+$0x0] =	vst.idx.msk $0xffff, v17;
	v17 =	vbroadcast v21, $0x0  }
0x26e: {  	[tilespmem:v18+s25+$0x0] =	vst.idx.msk $0xffff, v20  }
0x26f: {  	v18 =	vld [tilespmem:s30+$0xFFFFFF90];
	v19 =	vadd.s32 v9, v17  }
0x270: {  	s14 =	simm.s32 $0x5;
	v20 =	vld [tilespmem:s30+$0xFFFFFFA0];
	v17 =	vadd.s32 v10, v17  }
0x271: {  	v61 =	vmov s14  }
0x272: {  	v21 =	vshrl.u32 v61, $0x3  }
0x273: {  	v21 =	vshll.u32 v21, v1  }
0x274: {  	[tilespmem:v19+s25+$0x0] =	vst.idx.msk $0xffff, v18;
	v18 =	vbroadcast v21, $0x0  }
0x275: {  	[tilespmem:v17+s25+$0x0] =	vst.idx.msk $0xffff, v20  }
0x276: {  	v17 =	vld [tilespmem:s30+$0xFFFFFFB0];
	v19 =	vadd.s32 v11, v18  }
0x277: {  	s15 =	simm.s32 $0x6;
	v20 =	vld [tilespmem:s30+$0xFFFFFFC0];
	v18 =	vadd.s32 v12, v18  }
0x278: {  	v62 =	vmov s15  }
0x279: {  	v21 =	vshrl.u32 v62, $0x3  }
0x27a: {  	v21 =	vshll.u32 v21, v1  }
0x27b: {  	[tilespmem:v19+s25+$0x0] =	vst.idx.msk $0xffff, v17;
	v17 =	vbroadcast v21, $0x0  }
0x27c: {  	[tilespmem:v18+s25+$0x0] =	vst.idx.msk $0xffff, v20  }
0x27d: {  	v18 =	vld [tilespmem:s30+$0xFFFFFFD0];
	v19 =	vadd.s32 v13, v17  }
0x27e: {  	s16 =	simm.s32 $0x7;
	v20 =	vld [tilespmem:s30+$0xFFFFFFE0];
	v17 =	vadd.s32 v14, v17  }
0x27f: {  	v63 =	vmov s16  }
0x280: {  	v21 =	vshrl.u32 v63, $0x3  }
0x281: {  	v21 =	vshll.u32 v21, v1  }
0x282: {  	[tilespmem:v19+s25+$0x0] =	vst.idx.msk $0xffff, v18;
	v18 =	vbroadcast v21, $0x0  }
0x283: {  	s13 =	simm.s32 $0x8;
	[tilespmem:v17+s25+$0x0] =	vst.idx.msk $0xffff, v20  }
0x284: {  	v17 =	vmov s13;
	v20 =	vld [tilespmem:s30+$0xFFFFFFF0];
	v21 =	vadd.s32 v15, v18  }
0x285: {  	v19 =	vshrl.u32 v17, $0x3  }
0x286: {  	v17 =	vld [tilespmem:s30+$0x0];
	v22 =	vshll.u32 v19, v1;
	v19 =	vadd.s32 v16, v18;
	_ =	sdelay $0x2  }
0x287: {  	s31 =	sadd.s32 $0x2, s28;
	s14 =	simm.s32 $0x10;
	v18 =	vbroadcast v22, $0x0;
	[tilespmem:v21+s25+$0x0] =	vst.idx.msk $0xffff, v20  }
.LBB2_7:
0x288: {  	p2 =	slt.u32 s14, $0x78  }
0x289: {  	[tilespmem:v19+s25+$0x0] =	vst.idx.msk $0xffff, v17;
	s30 =	sadd.s32 $0x100, s30;
	s15 =	smov.u32 s14;
	s14 =	sadd.s32 $0x8, s14  }
0x28a: {  	v17 =	vld [tilespmem:s30+$0xFFFFFF10];
	v19 =	vadd.s32 v0, v18  }
0x28b: {  	s16 =	sadd.s32 $0x1, s13;
	v18 =	vadd.s32 v2, v18;
	v20 =	vld [tilespmem:s30+$0xFFFFFF20]  }
0x28c: {  	v21 =	vmov s16  }
0x28d: {  	v21 =	vshrl.u32 v21, $0x3  }
0x28e: {  	v21 =	vshll.u32 v21, v1  }
0x28f: {  	[tilespmem:v19+s25+$0x0] =	vst.idx.msk $0xffff, v17;
	v17 =	vbroadcast v21, $0x0  }
0x290: {  	[tilespmem:v18+s25+$0x0] =	vst.idx.msk $0xffff, v20  }
0x291: {  	v18 =	vld [tilespmem:s30+$0xFFFFFF30];
	v19 =	vadd.s32 v3, v17  }
0x292: {  	s16 =	sadd.s32 $0x2, s13;
	v17 =	vadd.s32 v4, v17;
	v20 =	vld [tilespmem:s30+$0xFFFFFF40]  }
0x293: {  	v21 =	vmov s16  }
0x294: {  	v21 =	vshrl.u32 v21, $0x3  }
0x295: {  	v21 =	vshll.u32 v21, v1  }
0x296: {  	[tilespmem:v19+s25+$0x0] =	vst.idx.msk $0xffff, v18;
	v18 =	vbroadcast v21, $0x0  }
0x297: {  	[tilespmem:v17+s25+$0x0] =	vst.idx.msk $0xffff, v20  }
0x298: {  	v17 =	vld [tilespmem:s30+$0xFFFFFF50];
	v19 =	vadd.s32 v5, v18  }
0x299: {  	s16 =	sadd.s32 $0x3, s13;
	v18 =	vadd.s32 v6, v18;
	v20 =	vld [tilespmem:s30+$0xFFFFFF60]  }
0x29a: {  	v21 =	vmov s16  }
0x29b: {  	v21 =	vshrl.u32 v21, $0x3  }
0x29c: {  	v21 =	vshll.u32 v21, v1  }
0x29d: {  	[tilespmem:v19+s25+$0x0] =	vst.idx.msk $0xffff, v17;
	v17 =	vbroadcast v21, $0x0  }
0x29e: {  	[tilespmem:v18+s25+$0x0] =	vst.idx.msk $0xffff, v20  }
0x29f: {  	v18 =	vld [tilespmem:s30+$0xFFFFFF70];
	v19 =	vadd.s32 v7, v17  }
0x2a0: {  	s16 =	sadd.s32 $0x4, s13;
	v17 =	vadd.s32 v8, v17;
	v20 =	vld [tilespmem:s30+$0xFFFFFF80]  }
0x2a1: {  	v21 =	vmov s16  }
0x2a2: {  	v21 =	vshrl.u32 v21, $0x3  }
0x2a3: {  	v21 =	vshll.u32 v21, v1  }
0x2a4: {  	[tilespmem:v19+s25+$0x0] =	vst.idx.msk $0xffff, v18;
	v18 =	vbroadcast v21, $0x0  }
0x2a5: {  	[tilespmem:v17+s25+$0x0] =	vst.idx.msk $0xffff, v20  }
0x2a6: {  	v17 =	vld [tilespmem:s30+$0xFFFFFF90];
	v19 =	vadd.s32 v9, v18  }
0x2a7: {  	s16 =	sadd.s32 $0x5, s13;
	v18 =	vadd.s32 v10, v18;
	v20 =	vld [tilespmem:s30+$0xFFFFFFA0]  }
0x2a8: {  	v21 =	vmov s16  }
0x2a9: {  	v21 =	vshrl.u32 v21, $0x3  }
0x2aa: {  	v21 =	vshll.u32 v21, v1  }
0x2ab: {  	[tilespmem:v19+s25+$0x0] =	vst.idx.msk $0xffff, v17;
	v17 =	vbroadcast v21, $0x0  }
0x2ac: {  	[tilespmem:v18+s25+$0x0] =	vst.idx.msk $0xffff, v20  }
0x2ad: {  	v18 =	vld [tilespmem:s30+$0xFFFFFFB0];
	v19 =	vadd.s32 v11, v17  }
0x2ae: {  	s16 =	sadd.s32 $0x6, s13;
	v17 =	vadd.s32 v12, v17;
	v20 =	vld [tilespmem:s30+$0xFFFFFFC0]  }
0x2af: {  	v21 =	vmov s16  }
0x2b0: {  	v21 =	vshrl.u32 v21, $0x3  }
0x2b1: {  	v21 =	vshll.u32 v21, v1  }
0x2b2: {  	[tilespmem:v19+s25+$0x0] =	vst.idx.msk $0xffff, v18;
	v18 =	vbroadcast v21, $0x0  }
0x2b3: {  	[tilespmem:v17+s25+$0x0] =	vst.idx.msk $0xffff, v20  }
0x2b4: {  	v17 =	vld [tilespmem:s30+$0xFFFFFFD0];
	v19 =	vadd.s32 v13, v18  }
0x2b5: {  	s16 =	sadd.s32 $0x7, s13;
	s13 =	smov.u32 s15;
	v18 =	vadd.s32 v14, v18;
	v20 =	vld [tilespmem:s30+$0xFFFFFFE0]  }
0x2b6: {  	v21 =	vmov s16  }
0x2b7: {  	v21 =	vshrl.u32 v21, $0x3  }
0x2b8: {  	v21 =	vshll.u32 v21, v1  }
0x2b9: {  	[tilespmem:v19+s25+$0x0] =	vst.idx.msk $0xffff, v17;
	v19 =	vbroadcast v21, $0x0  }
0x2ba: {  	[tilespmem:v18+s25+$0x0] =	vst.idx.msk $0xffff, v20  }
0x2bb: {  	v20 =	vld [tilespmem:s30+$0xFFFFFFF0];
	v21 =	vadd.s32 v15, v19  }
.Ltmp4:
0x2bc: {  	v19 =	vadd.s32 v16, v19;
	v17 =	vld [tilespmem:s30+$0x0];
	(pc) =	sbr.rel @p2 .LBB2_7-.Ltmp4, $4  }
0x2bd: {  	v18 =	vmov s13  }
0x2be: {  	v18 =	vshrl.u32 v18, $0x3  }
0x2bf: {  	v18 =	vshll.u32 v18, v1  }
0x2c0: {  	v18 =	vbroadcast v18, $0x0;
	[tilespmem:v21+s25+$0x0] =	vst.idx.msk $0xffff, v20  }
0x2c1: {  	_ =	sdelay $0x3  }
0x2c2: {  	[tilespmem:v19+s25+$0x0] =	vst.idx.msk $0xffff, v17;
	s14 =	sadd.s32 $0x100, s30  }
0x2c3: {  	v17 =	vld [tilespmem:s14+$0xFFFFFF10];
	v19 =	vadd.s32 v0, v18  }
0x2c4: {  	s15 =	sadd.s32 $0x1, s13;
	v20 =	vld [tilespmem:s14+$0xFFFFFF20];
	v18 =	vadd.s32 v2, v18  }
0x2c5: {  	v21 =	vmov s15  }
0x2c6: {  	v21 =	vshrl.u32 v21, $0x3  }
0x2c7: {  	v21 =	vshll.u32 v21, v1  }
0x2c8: {  	[tilespmem:v19+s25+$0x0] =	vst.idx.msk $0xffff, v17;
	v17 =	vbroadcast v21, $0x0  }
0x2c9: {  	[tilespmem:v18+s25+$0x0] =	vst.idx.msk $0xffff, v20  }
0x2ca: {  	v18 =	vld [tilespmem:s14+$0xFFFFFF30];
	v19 =	vadd.s32 v3, v17  }
0x2cb: {  	s30 =	sadd.s32 $0x2, s13;
	v20 =	vld [tilespmem:s14+$0xFFFFFF40];
	v17 =	vadd.s32 v4, v17  }
0x2cc: {  	v51 =	vmov s30  }
0x2cd: {  	v21 =	vshrl.u32 v51, $0x3  }
0x2ce: {  	v21 =	vshll.u32 v21, v1  }
0x2cf: {  	[tilespmem:v19+s25+$0x0] =	vst.idx.msk $0xffff, v18;
	v18 =	vbroadcast v21, $0x0  }
0x2d0: {  	[tilespmem:v17+s25+$0x0] =	vst.idx.msk $0xffff, v20  }
0x2d1: {  	v17 =	vld [tilespmem:s14+$0xFFFFFF50];
	v19 =	vadd.s32 v5, v18  }
0x2d2: {  	s16 =	sadd.s32 $0x3, s13;
	v20 =	vld [tilespmem:s14+$0xFFFFFF60];
	v18 =	vadd.s32 v6, v18  }
0x2d3: {  	v52 =	vmov s16  }
0x2d4: {  	v21 =	vshrl.u32 v52, $0x3  }
0x2d5: {  	v21 =	vshll.u32 v21, v1  }
0x2d6: {  	[tilespmem:v19+s25+$0x0] =	vst.idx.msk $0xffff, v17;
	v17 =	vbroadcast v21, $0x0  }
0x2d7: {  	[tilespmem:v18+s25+$0x0] =	vst.idx.msk $0xffff, v20  }
0x2d8: {  	v18 =	vld [tilespmem:s14+$0xFFFFFF70];
	v19 =	vadd.s32 v7, v17  }
0x2d9: {  	s30 =	sadd.s32 $0x4, s13;
	v20 =	vld [tilespmem:s14+$0xFFFFFF80];
	v17 =	vadd.s32 v8, v17  }
0x2da: {  	v53 =	vmov s30  }
0x2db: {  	v21 =	vshrl.u32 v53, $0x3  }
0x2dc: {  	v21 =	vshll.u32 v21, v1  }
0x2dd: {  	[tilespmem:v19+s25+$0x0] =	vst.idx.msk $0xffff, v18;
	v18 =	vbroadcast v21, $0x0  }
0x2de: {  	[tilespmem:v17+s25+$0x0] =	vst.idx.msk $0xffff, v20  }
0x2df: {  	v17 =	vld [tilespmem:s14+$0xFFFFFF90];
	v19 =	vadd.s32 v9, v18  }
0x2e0: {  	s16 =	sadd.s32 $0x5, s13;
	v20 =	vld [tilespmem:s14+$0xFFFFFFA0];
	v18 =	vadd.s32 v10, v18  }
0x2e1: {  	v54 =	vmov s16  }
0x2e2: {  	v21 =	vshrl.u32 v54, $0x3  }
0x2e3: {  	v21 =	vshll.u32 v21, v1  }
0x2e4: {  	[tilespmem:v19+s25+$0x0] =	vst.idx.msk $0xffff, v17;
	v17 =	vbroadcast v21, $0x0  }
0x2e5: {  	[tilespmem:v18+s25+$0x0] =	vst.idx.msk $0xffff, v20  }
0x2e6: {  	v18 =	vld [tilespmem:s14+$0xFFFFFFB0];
	v19 =	vadd.s32 v11, v17  }
0x2e7: {  	s30 =	sadd.s32 $0x6, s13;
	v20 =	vld [tilespmem:s14+$0xFFFFFFC0];
	v17 =	vadd.s32 v12, v17  }
0x2e8: {  	v55 =	vmov s30  }
0x2e9: {  	v21 =	vshrl.u32 v55, $0x3  }
0x2ea: {  	v21 =	vshll.u32 v21, v1  }
0x2eb: {  	[tilespmem:v19+s25+$0x0] =	vst.idx.msk $0xffff, v18;
	v18 =	vbroadcast v21, $0x0  }
0x2ec: {  	[tilespmem:v17+s25+$0x0] =	vst.idx.msk $0xffff, v20  }
0x2ed: {  	v17 =	vld [tilespmem:s14+$0xFFFFFFD0];
	v19 =	vadd.s32 v13, v18  }
0x2ee: {  	s15 =	sadd.s32 $0x7, s13;
	v20 =	vld [tilespmem:s14+$0xFFFFFFE0];
	v18 =	vadd.s32 v14, v18  }
0x2ef: {  	v56 =	vmov s15  }
0x2f0: {  	v21 =	vshrl.u32 v56, $0x3  }
0x2f1: {  	v21 =	vshll.u32 v21, v1  }
0x2f2: {  	[tilespmem:v19+s25+$0x0] =	vst.idx.msk $0xffff, v17;
	v17 =	vbroadcast v21, $0x0  }
0x2f3: {  	[tilespmem:v18+s25+$0x0] =	vst.idx.msk $0xffff, v20  }
0x2f4: {  	v18 =	vld [tilespmem:s14+$0xFFFFFFF0];
	v19 =	vadd.s32 v15, v17  }
0x2f5: {  	v20 =	vld [tilespmem:s14+$0x0];
	v17 =	vadd.s32 v16, v17;
	_ =	sdelay $0x1  }
0x2f6: {  	s16 =	sshll.u32 s31, $0x9;
	s30 =	sshll.u32 s31, $0x7  }
0x2f7: {  	s13 =	sand.u32 $0xFFF0000, s16;
	s14 =	sand.u32 $0x3F00, s30  }
0x2f8: {  	s13 =	sor.u32 s14, s13;
	[tilespmem:v19+s25+$0x0] =	vst.idx.msk $0xffff, v18  }
0x2f9: {  	s14 =	sadd.s32 s2, s13;
	[tilespmem:v17+s25+$0x0] =	vst.idx.msk $0xffff, v20  }
0x2fa: {  	[hbm4b:s14+s3] =	stream.linear.scatter [tilespmem:s25], [sflag:$0x7], $0x80, $0x38;
	[tilespmem:$0xEC00] =	vst v63  }
0x2fb: {  	s16 =	simm.s32 $0xC890;
	s31 =	sadd.s32 $0x10, s14  }
0x2fc: {  	[hbm4b:s31+s3] =	stream.linear.scatter [tilespmem:s16], [sflag:$0x7], $0x80, $0x38;
	[tilespmem:$0xEC00] =	vst v63  }
0x2fd: {  	s30 =	sadd.s32 $0x20, s14;
	s31 =	simm.s32 $0xC920  }
0x2fe: {  	[hbm4b:s30+s3] =	stream.linear.scatter [tilespmem:s31], [sflag:$0x7], $0x80, $0x38;
	[tilespmem:$0xEC00] =	vst v63  }
0x2ff: {  	s30 =	sadd.s32 $0x30, s14;
	s31 =	simm.s32 $0xC9B0  }
0x300: {  	[hbm4b:s30+s3] =	stream.linear.scatter [tilespmem:s31], [sflag:$0x7], $0x80, $0x38;
	[tilespmem:$0xEC00] =	vst v63  }
0x301: {  	s30 =	sadd.s32 $0x40, s14;
	s31 =	simm.s32 $0xCA40  }
0x302: {  	[hbm4b:s30+s3] =	stream.linear.scatter [tilespmem:s31], [sflag:$0x7], $0x80, $0x38;
	[tilespmem:$0xEC00] =	vst v63  }
0x303: {  	s30 =	sadd.s32 $0x50, s14;
	s31 =	simm.s32 $0xCAD0  }
0x304: {  	[hbm4b:s30+s3] =	stream.linear.scatter [tilespmem:s31], [sflag:$0x7], $0x80, $0x38;
	[tilespmem:$0xEC00] =	vst v63  }
0x305: {  	s16 =	sadd.s32 $0x60, s14;
	s30 =	simm.s32 $0xCB60  }
0x306: {  	[hbm4b:s16+s3] =	stream.linear.scatter [tilespmem:s30], [sflag:$0x7], $0x80, $0x38;
	[tilespmem:$0xEC00] =	vst v63  }
0x307: {  	s14 =	sadd.s32 $0x70, s14;
	s31 =	simm.s32 $0xCBF0  }
0x308: {  	[hbm4b:s14+s3] =	stream.linear.scatter [tilespmem:s31], [sflag:$0x7], $0x80, $0x38;
	[tilespmem:$0xEC00] =	vst v63  }
0x309: {  	s16 =	simm.s32 $0xCC80;
	s14 =	sadd.s32 s13, s7  }
0x30a: {  	[hbm4b:s14+s3] =	stream.linear.scatter [tilespmem:s16], [sflag:$0x7], $0x80, $0x38;
	[tilespmem:$0xEC00] =	vst v63  }
0x30b: {  	s31 =	simm.s32 $0xCD10;
	s30 =	sadd.s32 $0x10, s14  }
0x30c: {  	[hbm4b:s30+s3] =	stream.linear.scatter [tilespmem:s31], [sflag:$0x7], $0x80, $0x38;
	[tilespmem:$0xEC00] =	vst v63  }
0x30d: {  	s30 =	sadd.s32 $0x20, s14;
	s31 =	simm.s32 $0xCDA0  }
0x30e: {  	[hbm4b:s30+s3] =	stream.linear.scatter [tilespmem:s31], [sflag:$0x7], $0x80, $0x38;
	[tilespmem:$0xEC00] =	vst v63  }
0x30f: {  	s30 =	sadd.s32 $0x30, s14;
	s31 =	simm.s32 $0xCE30  }
0x310: {  	[hbm4b:s30+s3] =	stream.linear.scatter [tilespmem:s31], [sflag:$0x7], $0x80, $0x38;
	[tilespmem:$0xEC00] =	vst v63  }
0x311: {  	s30 =	sadd.s32 $0x40, s14;
	s31 =	simm.s32 $0xCEC0  }
0x312: {  	[hbm4b:s30+s3] =	stream.linear.scatter [tilespmem:s31], [sflag:$0x7], $0x80, $0x38;
	[tilespmem:$0xEC00] =	vst v63  }
0x313: {  	s30 =	sadd.s32 $0x50, s14;
	s31 =	simm.s32 $0xCF50  }
0x314: {  	[hbm4b:s30+s3] =	stream.linear.scatter [tilespmem:s31], [sflag:$0x7], $0x80, $0x38;
	[tilespmem:$0xEC00] =	vst v63  }
0x315: {  	s16 =	sadd.s32 $0x60, s14;
	s30 =	simm.s32 $0xCFE0  }
0x316: {  	[hbm4b:s16+s3] =	stream.linear.scatter [tilespmem:s30], [sflag:$0x7], $0x80, $0x38;
	[tilespmem:$0xEC00] =	vst v63  }
0x317: {  	s14 =	sadd.s32 $0x70, s14;
	s31 =	simm.s32 $0xD070  }
0x318: {  	[hbm4b:s14+s3] =	stream.linear.scatter [tilespmem:s31], [sflag:$0x7], $0x80, $0x38;
	[tilespmem:$0xEC00] =	vst v63  }
0x319: {  	s16 =	simm.s32 $0xD100;
	s14 =	sadd.s32 s13, s8  }
0x31a: {  	[hbm4b:s14+s3] =	stream.linear.scatter [tilespmem:s16], [sflag:$0x7], $0x80, $0x38;
	[tilespmem:$0xEC00] =	vst v63  }
0x31b: {  	s31 =	simm.s32 $0xD190;
	s30 =	sadd.s32 $0x10, s14  }
0x31c: {  	[hbm4b:s30+s3] =	stream.linear.scatter [tilespmem:s31], [sflag:$0x7], $0x80, $0x38;
	[tilespmem:$0xEC00] =	vst v63  }
0x31d: {  	s30 =	sadd.s32 $0x20, s14;
	s31 =	simm.s32 $0xD220  }
0x31e: {  	[hbm4b:s30+s3] =	stream.linear.scatter [tilespmem:s31], [sflag:$0x7], $0x80, $0x38;
	[tilespmem:$0xEC00] =	vst v63  }
0x31f: {  	s30 =	sadd.s32 $0x30, s14;
	s31 =	simm.s32 $0xD2B0  }
0x320: {  	[hbm4b:s30+s3] =	stream.linear.scatter [tilespmem:s31], [sflag:$0x7], $0x80, $0x38;
	[tilespmem:$0xEC00] =	vst v63  }
0x321: {  	s30 =	sadd.s32 $0x40, s14;
	s31 =	simm.s32 $0xD340  }
0x322: {  	[hbm4b:s30+s3] =	stream.linear.scatter [tilespmem:s31], [sflag:$0x7], $0x80, $0x38;
	[tilespmem:$0xEC00] =	vst v63  }
0x323: {  	s30 =	sadd.s32 $0x50, s14;
	s31 =	simm.s32 $0xD3D0  }
0x324: {  	[hbm4b:s30+s3] =	stream.linear.scatter [tilespmem:s31], [sflag:$0x7], $0x80, $0x38;
	[tilespmem:$0xEC00] =	vst v63  }
0x325: {  	s30 =	sadd.s32 $0x60, s14;
	s31 =	simm.s32 $0xD460  }
0x326: {  	[hbm4b:s30+s3] =	stream.linear.scatter [tilespmem:s31], [sflag:$0x7], $0x80, $0x38;
	[tilespmem:$0xEC00] =	vst v63  }
0x327: {  	s14 =	sadd.s32 $0x70, s14;
	s30 =	simm.s32 $0xD4F0  }
0x328: {  	[hbm4b:s14+s3] =	stream.linear.scatter [tilespmem:s30], [sflag:$0x7], $0x80, $0x38;
	[tilespmem:$0xEC00] =	vst v63  }
0x329: {  	s13 =	sadd.s32 s13, s9;
	s31 =	simm.s32 $0xD580  }
0x32a: {  	[hbm4b:s13+s3] =	stream.linear.scatter [tilespmem:s31], [sflag:$0x7], $0x80, $0x38;
	[tilespmem:$0xEC00] =	vst v63  }
0x32b: {  	s15 =	sadd.s32 $0x10, s13;
	s16 =	simm.s32 $0xD610  }
0x32c: {  	[hbm4b:s15+s3] =	stream.linear.scatter [tilespmem:s16], [sflag:$0x7], $0x80, $0x38;
	[tilespmem:$0xEC00] =	vst v63  }
0x32d: {  	s30 =	sadd.s32 $0x20, s13;
	s31 =	simm.s32 $0xD6A0  }
0x32e: {  	[hbm4b:s30+s3] =	stream.linear.scatter [tilespmem:s31], [sflag:$0x7], $0x80, $0x38;
	[tilespmem:$0xEC00] =	vst v63  }
0x32f: {  	s15 =	sadd.s32 $0x30, s13;
	s16 =	simm.s32 $0xD730  }
0x330: {  	[hbm4b:s15+s3] =	stream.linear.scatter [tilespmem:s16], [sflag:$0x7], $0x80, $0x38;
	[tilespmem:$0xEC00] =	vst v63  }
0x331: {  	s30 =	sadd.s32 $0x40, s13;
	s31 =	simm.s32 $0xD7C0  }
0x332: {  	[hbm4b:s30+s3] =	stream.linear.scatter [tilespmem:s31], [sflag:$0x7], $0x80, $0x38;
	[tilespmem:$0xEC00] =	vst v63  }
0x333: {  	s15 =	sadd.s32 $0x50, s13;
	s16 =	simm.s32 $0xD850  }
0x334: {  	[hbm4b:s15+s3] =	stream.linear.scatter [tilespmem:s16], [sflag:$0x7], $0x80, $0x38;
	[tilespmem:$0xEC00] =	vst v63  }
0x335: {  	s30 =	sadd.s32 $0x60, s13;
	s31 =	simm.s32 $0xD8E0  }
0x336: {  	[hbm4b:s30+s3] =	stream.linear.scatter [tilespmem:s31], [sflag:$0x7], $0x80, $0x38;
	[tilespmem:$0xEC00] =	vst v63  }
0x337: {  	s13 =	sadd.s32 $0x70, s13;
	s15 =	simm.s32 $0xD970  }
0x338: {  	[hbm4b:s13+s3] =	stream.linear.scatter [tilespmem:s15], [sflag:$0x7], $0x80, $0x38;
	[tilespmem:$0xEC00] =	vst v63  }
0x339: {  	s14 =	simm.s32 @!p1 $0x80;
	s13 =	sadd.s32 @!p1 $0x300, s29;
	s15 =	simm.s32 @!p1 $0x8400  }
0x33a: {  	[tilespmem:s15], [sflag:$0x3] =	stream.indirect.gather @!p1 [hbm4b:s4+s14], $0x20, s13, s14, $0xb8;
	[tilespmem:$0xEC00] =	vst v63  }
0x33b: {  	_ =	swait.ge [sflag:s21], $0x1000  }
0x33c: {  	[sflag:s21] =	ssyncset.done $0x0  }
0x33d: {  	s13 =	simm.s32 @!p0 $0x8;
	[sflag:s21] =	ssyncadd.s32 $0xFFFFF000  }
0x33e: {  	_ =	swait.ge @!p0 [sflag:s13], $0x400  }
0x33f: {  	[sflag:s13] =	ssyncset.done @!p0 $0x0  }
0x340: {  	[sflag:s13] =	ssyncadd.s32 @!p0 $0xFFFFFC00  }
0x341: {  	_ =	swait.ge @!p0 [sflag:s13], $0x400  }
0x342: {  	[sflag:s13] =	ssyncset.done @!p0 $0x0  }
0x343: {  	[sflag:s13] =	ssyncadd.s32 @!p0 $0xFFFFFC00  }
0x344: {  	s16 =	simm.s32 $0x0;
	_ =	swait.ge @!p0 [sflag:s13], $0x400  }
0x345: {  	v17 =	vmov s16;
	[sflag:s13] =	ssyncset.done @!p0 $0x0  }
0x346: {  	v17 =	vshrl.u32 v17, $0x3;
	[sflag:s13] =	ssyncadd.s32 @!p0 $0xFFFFFC00  }
0x347: {  	v17 =	vshll.u32 v17, v1;
	_ =	swait.ge @!p0 [sflag:s13], $0x400  }
0x348: {  	v17 =	vbroadcast v17, $0x0;
	[sflag:s13] =	ssyncset.done @!p0 $0x0  }
0x349: {  	s29 =	simm.s32 $0x94F0;
	[sflag:s13] =	ssyncadd.s32 @!p0 $0xFFFFFC00  }
0x34a: {  	v19 =	vadd.s32 v0, v17;
	v18 =	vld [tilespmem:s29+$0xFFFFFF10]  }
0x34b: {  	s30 =	simm.s32 $0x1;
	v17 =	vadd.s32 v2, v17;
	v20 =	vld [tilespmem:s29+$0xFFFFFF20]  }
0x34c: {  	v57 =	vmov s30  }
0x34d: {  	v21 =	vshrl.u32 v57, $0x3  }
0x34e: {  	v21 =	vshll.u32 v21, v1  }
0x34f: {  	[tilespmem:v19+s22+$0x0] =	vst.idx.msk $0xffff, v18;
	v18 =	vbroadcast v21, $0x0  }
0x350: {  	[tilespmem:v17+s22+$0x0] =	vst.idx.msk $0xffff, v20  }
0x351: {  	v17 =	vld [tilespmem:s29+$0xFFFFFF30];
	v19 =	vadd.s32 v3, v18  }
0x352: {  	s31 =	simm.s32 $0x2;
	v20 =	vld [tilespmem:s29+$0xFFFFFF40];
	v18 =	vadd.s32 v4, v18  }
0x353: {  	v58 =	vmov s31  }
0x354: {  	v21 =	vshrl.u32 v58, $0x3  }
0x355: {  	v21 =	vshll.u32 v21, v1  }
0x356: {  	[tilespmem:v19+s22+$0x0] =	vst.idx.msk $0xffff, v17;
	v17 =	vbroadcast v21, $0x0  }
0x357: {  	[tilespmem:v18+s22+$0x0] =	vst.idx.msk $0xffff, v20  }
0x358: {  	v18 =	vld [tilespmem:s29+$0xFFFFFF50];
	v19 =	vadd.s32 v5, v17  }
0x359: {  	s14 =	simm.s32 $0x3;
	v20 =	vld [tilespmem:s29+$0xFFFFFF60];
	v17 =	vadd.s32 v6, v17  }
0x35a: {  	v59 =	vmov s14  }
0x35b: {  	v21 =	vshrl.u32 v59, $0x3  }
0x35c: {  	v21 =	vshll.u32 v21, v1  }
0x35d: {  	[tilespmem:v19+s22+$0x0] =	vst.idx.msk $0xffff, v18;
	v18 =	vbroadcast v21, $0x0  }
0x35e: {  	[tilespmem:v17+s22+$0x0] =	vst.idx.msk $0xffff, v20  }
0x35f: {  	v17 =	vld [tilespmem:s29+$0xFFFFFF70];
	v19 =	vadd.s32 v7, v18  }
0x360: {  	s15 =	simm.s32 $0x4;
	v20 =	vld [tilespmem:s29+$0xFFFFFF80];
	v18 =	vadd.s32 v8, v18  }
0x361: {  	v60 =	vmov s15  }
0x362: {  	v21 =	vshrl.u32 v60, $0x3  }
0x363: {  	v21 =	vshll.u32 v21, v1  }
0x364: {  	[tilespmem:v19+s22+$0x0] =	vst.idx.msk $0xffff, v17;
	v17 =	vbroadcast v21, $0x0  }
0x365: {  	[tilespmem:v18+s22+$0x0] =	vst.idx.msk $0xffff, v20  }
0x366: {  	v18 =	vld [tilespmem:s29+$0xFFFFFF90];
	v19 =	vadd.s32 v9, v17  }
0x367: {  	s16 =	simm.s32 $0x5;
	v20 =	vld [tilespmem:s29+$0xFFFFFFA0];
	v17 =	vadd.s32 v10, v17  }
0x368: {  	v61 =	vmov s16  }
0x369: {  	v21 =	vshrl.u32 v61, $0x3  }
0x36a: {  	v21 =	vshll.u32 v21, v1  }
0x36b: {  	[tilespmem:v19+s22+$0x0] =	vst.idx.msk $0xffff, v18;
	v18 =	vbroadcast v21, $0x0  }
0x36c: {  	[tilespmem:v17+s22+$0x0] =	vst.idx.msk $0xffff, v20  }
0x36d: {  	v17 =	vld [tilespmem:s29+$0xFFFFFFB0];
	v19 =	vadd.s32 v11, v18  }
0x36e: {  	s30 =	simm.s32 $0x6;
	v20 =	vld [tilespmem:s29+$0xFFFFFFC0];
	v18 =	vadd.s32 v12, v18  }
0x36f: {  	v62 =	vmov s30  }
0x370: {  	v21 =	vshrl.u32 v62, $0x3  }
0x371: {  	v21 =	vshll.u32 v21, v1  }
0x372: {  	[tilespmem:v19+s22+$0x0] =	vst.idx.msk $0xffff, v17;
	v17 =	vbroadcast v21, $0x0  }
0x373: {  	[tilespmem:v18+s22+$0x0] =	vst.idx.msk $0xffff, v20  }
0x374: {  	v18 =	vld [tilespmem:s29+$0xFFFFFFD0];
	v19 =	vadd.s32 v13, v17  }
0x375: {  	s31 =	simm.s32 $0x7;
	v20 =	vld [tilespmem:s29+$0xFFFFFFE0];
	v17 =	vadd.s32 v14, v17  }
0x376: {  	v63 =	vmov s31  }
0x377: {  	v21 =	vshrl.u32 v63, $0x3  }
0x378: {  	v21 =	vshll.u32 v21, v1  }
0x379: {  	[tilespmem:v19+s22+$0x0] =	vst.idx.msk $0xffff, v18;
	v18 =	vbroadcast v21, $0x0  }
0x37a: {  	s13 =	simm.s32 $0x8;
	[tilespmem:v17+s22+$0x0] =	vst.idx.msk $0xffff, v20  }
0x37b: {  	v17 =	vmov s13;
	v20 =	vld [tilespmem:s29+$0xFFFFFFF0];
	v21 =	vadd.s32 v15, v18  }
0x37c: {  	v19 =	vshrl.u32 v17, $0x3  }
0x37d: {  	v17 =	vld [tilespmem:s29+$0x0];
	v22 =	vshll.u32 v19, v1;
	v19 =	vadd.s32 v16, v18;
	_ =	sdelay $0x2  }
0x37e: {  	s28 =	sadd.s32 $0x3, s28;
	s14 =	simm.s32 $0x10;
	v18 =	vbroadcast v22, $0x0;
	[tilespmem:v21+s22+$0x0] =	vst.idx.msk $0xffff, v20  }
.LBB2_9:
0x37f: {  	p0 =	slt.u32 s14, $0x78  }
0x380: {  	[tilespmem:v19+s22+$0x0] =	vst.idx.msk $0xffff, v17;
	s29 =	sadd.s32 $0x100, s29;
	s15 =	smov.u32 s14;
	s14 =	sadd.s32 $0x8, s14  }
0x381: {  	v17 =	vld [tilespmem:s29+$0xFFFFFF10];
	v19 =	vadd.s32 v0, v18  }
0x382: {  	s16 =	sadd.s32 $0x1, s13;
	v18 =	vadd.s32 v2, v18;
	v20 =	vld [tilespmem:s29+$0xFFFFFF20]  }
0x383: {  	v21 =	vmov s16  }
0x384: {  	v21 =	vshrl.u32 v21, $0x3  }
0x385: {  	v21 =	vshll.u32 v21, v1  }
0x386: {  	[tilespmem:v19+s22+$0x0] =	vst.idx.msk $0xffff, v17;
	v17 =	vbroadcast v21, $0x0  }
0x387: {  	[tilespmem:v18+s22+$0x0] =	vst.idx.msk $0xffff, v20  }
0x388: {  	v18 =	vld [tilespmem:s29+$0xFFFFFF30];
	v19 =	vadd.s32 v3, v17  }
0x389: {  	s16 =	sadd.s32 $0x2, s13;
	v17 =	vadd.s32 v4, v17;
	v20 =	vld [tilespmem:s29+$0xFFFFFF40]  }
0x38a: {  	v21 =	vmov s16  }
0x38b: {  	v21 =	vshrl.u32 v21, $0x3  }
0x38c: {  	v21 =	vshll.u32 v21, v1  }
0x38d: {  	[tilespmem:v19+s22+$0x0] =	vst.idx.msk $0xffff, v18;
	v18 =	vbroadcast v21, $0x0  }
0x38e: {  	[tilespmem:v17+s22+$0x0] =	vst.idx.msk $0xffff, v20  }
0x38f: {  	v17 =	vld [tilespmem:s29+$0xFFFFFF50];
	v19 =	vadd.s32 v5, v18  }
0x390: {  	s16 =	sadd.s32 $0x3, s13;
	v18 =	vadd.s32 v6, v18;
	v20 =	vld [tilespmem:s29+$0xFFFFFF60]  }
0x391: {  	v21 =	vmov s16  }
0x392: {  	v21 =	vshrl.u32 v21, $0x3  }
0x393: {  	v21 =	vshll.u32 v21, v1  }
0x394: {  	[tilespmem:v19+s22+$0x0] =	vst.idx.msk $0xffff, v17;
	v17 =	vbroadcast v21, $0x0  }
0x395: {  	[tilespmem:v18+s22+$0x0] =	vst.idx.msk $0xffff, v20  }
0x396: {  	v18 =	vld [tilespmem:s29+$0xFFFFFF70];
	v19 =	vadd.s32 v7, v17  }
0x397: {  	s16 =	sadd.s32 $0x4, s13;
	v17 =	vadd.s32 v8, v17;
	v20 =	vld [tilespmem:s29+$0xFFFFFF80]  }
0x398: {  	v21 =	vmov s16  }
0x399: {  	v21 =	vshrl.u32 v21, $0x3  }
0x39a: {  	v21 =	vshll.u32 v21, v1  }
0x39b: {  	[tilespmem:v19+s22+$0x0] =	vst.idx.msk $0xffff, v18;
	v18 =	vbroadcast v21, $0x0  }
0x39c: {  	[tilespmem:v17+s22+$0x0] =	vst.idx.msk $0xffff, v20  }
0x39d: {  	v17 =	vld [tilespmem:s29+$0xFFFFFF90];
	v19 =	vadd.s32 v9, v18  }
0x39e: {  	s16 =	sadd.s32 $0x5, s13;
	v18 =	vadd.s32 v10, v18;
	v20 =	vld [tilespmem:s29+$0xFFFFFFA0]  }
0x39f: {  	v21 =	vmov s16  }
0x3a0: {  	v21 =	vshrl.u32 v21, $0x3  }
0x3a1: {  	v21 =	vshll.u32 v21, v1  }
0x3a2: {  	[tilespmem:v19+s22+$0x0] =	vst.idx.msk $0xffff, v17;
	v17 =	vbroadcast v21, $0x0  }
0x3a3: {  	[tilespmem:v18+s22+$0x0] =	vst.idx.msk $0xffff, v20  }
0x3a4: {  	v18 =	vld [tilespmem:s29+$0xFFFFFFB0];
	v19 =	vadd.s32 v11, v17  }
0x3a5: {  	s16 =	sadd.s32 $0x6, s13;
	v17 =	vadd.s32 v12, v17;
	v20 =	vld [tilespmem:s29+$0xFFFFFFC0]  }
0x3a6: {  	v21 =	vmov s16  }
0x3a7: {  	v21 =	vshrl.u32 v21, $0x3  }
0x3a8: {  	v21 =	vshll.u32 v21, v1  }
0x3a9: {  	[tilespmem:v19+s22+$0x0] =	vst.idx.msk $0xffff, v18;
	v18 =	vbroadcast v21, $0x0  }
0x3aa: {  	[tilespmem:v17+s22+$0x0] =	vst.idx.msk $0xffff, v20  }
0x3ab: {  	v17 =	vld [tilespmem:s29+$0xFFFFFFD0];
	v19 =	vadd.s32 v13, v18  }
0x3ac: {  	s16 =	sadd.s32 $0x7, s13;
	s13 =	smov.u32 s15;
	v18 =	vadd.s32 v14, v18;
	v20 =	vld [tilespmem:s29+$0xFFFFFFE0]  }
0x3ad: {  	v21 =	vmov s16  }
0x3ae: {  	v21 =	vshrl.u32 v21, $0x3  }
0x3af: {  	v21 =	vshll.u32 v21, v1  }
0x3b0: {  	[tilespmem:v19+s22+$0x0] =	vst.idx.msk $0xffff, v17;
	v19 =	vbroadcast v21, $0x0  }
0x3b1: {  	[tilespmem:v18+s22+$0x0] =	vst.idx.msk $0xffff, v20  }
0x3b2: {  	v20 =	vld [tilespmem:s29+$0xFFFFFFF0];
	v21 =	vadd.s32 v15, v19  }
.Ltmp5:
0x3b3: {  	v19 =	vadd.s32 v16, v19;
	v17 =	vld [tilespmem:s29+$0x0];
	(pc) =	sbr.rel @p0 .LBB2_9-.Ltmp5, $4  }
0x3b4: {  	v18 =	vmov s13  }
0x3b5: {  	v18 =	vshrl.u32 v18, $0x3  }
0x3b6: {  	v18 =	vshll.u32 v18, v1  }
0x3b7: {  	v18 =	vbroadcast v18, $0x0;
	[tilespmem:v21+s22+$0x0] =	vst.idx.msk $0xffff, v20  }
0x3b8: {  	_ =	sdelay $0x3  }
0x3b9: {  	[tilespmem:v19+s22+$0x0] =	vst.idx.msk $0xffff, v17;
	s14 =	sadd.s32 $0x100, s29  }
0x3ba: {  	v17 =	vld [tilespmem:s14+$0xFFFFFF10];
	v19 =	vadd.s32 v0, v18  }
0x3bb: {  	s15 =	sadd.s32 $0x1, s13;
	v20 =	vld [tilespmem:s14+$0xFFFFFF20];
	v18 =	vadd.s32 v2, v18  }
0x3bc: {  	v21 =	vmov s15  }
0x3bd: {  	v21 =	vshrl.u32 v21, $0x3  }
0x3be: {  	v21 =	vshll.u32 v21, v1  }
0x3bf: {  	[tilespmem:v19+s22+$0x0] =	vst.idx.msk $0xffff, v17;
	v17 =	vbroadcast v21, $0x0  }
0x3c0: {  	[tilespmem:v18+s22+$0x0] =	vst.idx.msk $0xffff, v20  }
0x3c1: {  	v18 =	vld [tilespmem:s14+$0xFFFFFF30];
	v19 =	vadd.s32 v3, v17  }
0x3c2: {  	s31 =	sadd.s32 $0x2, s13;
	v20 =	vld [tilespmem:s14+$0xFFFFFF40];
	v17 =	vadd.s32 v4, v17  }
0x3c3: {  	v58 =	vmov s31  }
0x3c4: {  	v21 =	vshrl.u32 v58, $0x3  }
0x3c5: {  	v21 =	vshll.u32 v21, v1  }
0x3c6: {  	[tilespmem:v19+s22+$0x0] =	vst.idx.msk $0xffff, v18;
	v18 =	vbroadcast v21, $0x0  }
0x3c7: {  	[tilespmem:v17+s22+$0x0] =	vst.idx.msk $0xffff, v20  }
0x3c8: {  	v17 =	vld [tilespmem:s14+$0xFFFFFF50];
	v19 =	vadd.s32 v5, v18  }
0x3c9: {  	s16 =	sadd.s32 $0x3, s13;
	v20 =	vld [tilespmem:s14+$0xFFFFFF60];
	v18 =	vadd.s32 v6, v18  }
0x3ca: {  	v59 =	vmov s16  }
0x3cb: {  	v21 =	vshrl.u32 v59, $0x3  }
0x3cc: {  	v21 =	vshll.u32 v21, v1  }
0x3cd: {  	[tilespmem:v19+s22+$0x0] =	vst.idx.msk $0xffff, v17;
	v17 =	vbroadcast v21, $0x0  }
0x3ce: {  	[tilespmem:v18+s22+$0x0] =	vst.idx.msk $0xffff, v20  }
0x3cf: {  	v18 =	vld [tilespmem:s14+$0xFFFFFF70];
	v19 =	vadd.s32 v7, v17  }
0x3d0: {  	s29 =	sadd.s32 $0x4, s13;
	v20 =	vld [tilespmem:s14+$0xFFFFFF80];
	v17 =	vadd.s32 v8, v17  }
0x3d1: {  	v60 =	vmov s29  }
0x3d2: {  	v21 =	vshrl.u32 v60, $0x3  }
0x3d3: {  	v21 =	vshll.u32 v21, v1  }
0x3d4: {  	[tilespmem:v19+s22+$0x0] =	vst.idx.msk $0xffff, v18;
	v18 =	vbroadcast v21, $0x0  }
0x3d5: {  	[tilespmem:v17+s22+$0x0] =	vst.idx.msk $0xffff, v20  }
0x3d6: {  	v17 =	vld [tilespmem:s14+$0xFFFFFF90];
	v19 =	vadd.s32 v9, v18  }
0x3d7: {  	s30 =	sadd.s32 $0x5, s13;
	v20 =	vld [tilespmem:s14+$0xFFFFFFA0];
	v18 =	vadd.s32 v10, v18  }
0x3d8: {  	v61 =	vmov s30  }
0x3d9: {  	v21 =	vshrl.u32 v61, $0x3  }
0x3da: {  	v21 =	vshll.u32 v21, v1  }
0x3db: {  	[tilespmem:v19+s22+$0x0] =	vst.idx.msk $0xffff, v17;
	v17 =	vbroadcast v21, $0x0  }
0x3dc: {  	[tilespmem:v18+s22+$0x0] =	vst.idx.msk $0xffff, v20  }
0x3dd: {  	v18 =	vld [tilespmem:s14+$0xFFFFFFB0];
	v19 =	vadd.s32 v11, v17  }
0x3de: {  	s31 =	sadd.s32 $0x6, s13;
	v20 =	vld [tilespmem:s14+$0xFFFFFFC0];
	v17 =	vadd.s32 v12, v17  }
0x3df: {  	v62 =	vmov s31  }
0x3e0: {  	v21 =	vshrl.u32 v62, $0x3  }
0x3e1: {  	v21 =	vshll.u32 v21, v1  }
0x3e2: {  	[tilespmem:v19+s22+$0x0] =	vst.idx.msk $0xffff, v18;
	v18 =	vbroadcast v21, $0x0  }
0x3e3: {  	[tilespmem:v17+s22+$0x0] =	vst.idx.msk $0xffff, v20  }
0x3e4: {  	v17 =	vld [tilespmem:s14+$0xFFFFFFD0];
	v19 =	vadd.s32 v13, v18  }
0x3e5: {  	s15 =	sadd.s32 $0x7, s13;
	v20 =	vld [tilespmem:s14+$0xFFFFFFE0];
	v18 =	vadd.s32 v14, v18  }
0x3e6: {  	v63 =	vmov s15  }
0x3e7: {  	v21 =	vshrl.u32 v63, $0x3  }
0x3e8: {  	v21 =	vshll.u32 v21, v1  }
0x3e9: {  	[tilespmem:v19+s22+$0x0] =	vst.idx.msk $0xffff, v17;
	v17 =	vbroadcast v21, $0x0  }
0x3ea: {  	[tilespmem:v18+s22+$0x0] =	vst.idx.msk $0xffff, v20  }
0x3eb: {  	v18 =	vld [tilespmem:s14+$0xFFFFFFF0];
	v19 =	vadd.s32 v15, v17  }
0x3ec: {  	v20 =	vld [tilespmem:s14+$0x0];
	v17 =	vadd.s32 v16, v17;
	_ =	sdelay $0x1  }
0x3ed: {  	s16 =	sshll.u32 s28, $0x9;
	s28 =	sshll.u32 s28, $0x7  }
0x3ee: {  	s13 =	sand.u32 $0xFFF0000, s16;
	s14 =	sand.u32 $0x3F80, s28  }
0x3ef: {  	s13 =	sor.u32 s14, s13;
	[tilespmem:v19+s22+$0x0] =	vst.idx.msk $0xffff, v18  }
0x3f0: {  	s14 =	sadd.s32 s2, s13;
	[tilespmem:v17+s22+$0x0] =	vst.idx.msk $0xffff, v20  }
0x3f1: {  	[hbm4b:s14+s3] =	stream.linear.scatter [tilespmem:s22], [sflag:$0x8], $0x80, $0x38;
	[tilespmem:$0xEC00] =	vst v63  }
0x3f2: {  	s16 =	simm.s32 $0xDA90;
	s29 =	sadd.s32 $0x10, s14  }
0x3f3: {  	[hbm4b:s29+s3] =	stream.linear.scatter [tilespmem:s16], [sflag:$0x8], $0x80, $0x38;
	[tilespmem:$0xEC00] =	vst v63  }
0x3f4: {  	s31 =	simm.s32 $0xDB20;
	s30 =	sadd.s32 $0x20, s14  }
0x3f5: {  	[hbm4b:s30+s3] =	stream.linear.scatter [tilespmem:s31], [sflag:$0x8], $0x80, $0x38;
	[tilespmem:$0xEC00] =	vst v63  }
0x3f6: {  	s28 =	sadd.s32 $0x30, s14;
	s29 =	simm.s32 $0xDBB0  }
0x3f7: {  	[hbm4b:s28+s3] =	stream.linear.scatter [tilespmem:s29], [sflag:$0x8], $0x80, $0x38;
	[tilespmem:$0xEC00] =	vst v63  }
0x3f8: {  	s30 =	sadd.s32 $0x40, s14;
	s31 =	simm.s32 $0xDC40  }
0x3f9: {  	[hbm4b:s30+s3] =	stream.linear.scatter [tilespmem:s31], [sflag:$0x8], $0x80, $0x38;
	[tilespmem:$0xEC00] =	vst v63  }
0x3fa: {  	s16 =	sadd.s32 $0x50, s14;
	s28 =	simm.s32 $0xDCD0  }
0x3fb: {  	[hbm4b:s16+s3] =	stream.linear.scatter [tilespmem:s28], [sflag:$0x8], $0x80, $0x38;
	[tilespmem:$0xEC00] =	vst v63  }
0x3fc: {  	s29 =	sadd.s32 $0x60, s14;
	s30 =	simm.s32 $0xDD60  }
0x3fd: {  	[hbm4b:s29+s3] =	stream.linear.scatter [tilespmem:s30], [sflag:$0x8], $0x80, $0x38;
	[tilespmem:$0xEC00] =	vst v63  }
0x3fe: {  	s14 =	sadd.s32 $0x70, s14;
	s31 =	simm.s32 $0xDDF0  }
0x3ff: {  	[hbm4b:s14+s3] =	stream.linear.scatter [tilespmem:s31], [sflag:$0x8], $0x80, $0x38;
	[tilespmem:$0xEC00] =	vst v63  }
0x400: {  	s16 =	simm.s32 $0xDE80;
	s14 =	sadd.s32 s13, s7  }
0x401: {  	[hbm4b:s14+s3] =	stream.linear.scatter [tilespmem:s16], [sflag:$0x8], $0x80, $0x38;
	[tilespmem:$0xEC00] =	vst v63  }
0x402: {  	s29 =	simm.s32 $0xDF10;
	s28 =	sadd.s32 $0x10, s14  }
0x403: {  	[hbm4b:s28+s3] =	stream.linear.scatter [tilespmem:s29], [sflag:$0x8], $0x80, $0x38;
	[tilespmem:$0xEC00] =	vst v63  }
0x404: {  	s31 =	simm.s32 $0xDFA0;
	s30 =	sadd.s32 $0x20, s14  }
0x405: {  	[hbm4b:s30+s3] =	stream.linear.scatter [tilespmem:s31], [sflag:$0x8], $0x80, $0x38;
	[tilespmem:$0xEC00] =	vst v63  }
0x406: {  	s28 =	sadd.s32 $0x30, s14;
	s29 =	simm.s32 $0xE030  }
0x407: {  	[hbm4b:s28+s3] =	stream.linear.scatter [tilespmem:s29], [sflag:$0x8], $0x80, $0x38;
	[tilespmem:$0xEC00] =	vst v63  }
0x408: {  	s30 =	sadd.s32 $0x40, s14;
	s31 =	simm.s32 $0xE0C0  }
0x409: {  	[hbm4b:s30+s3] =	stream.linear.scatter [tilespmem:s31], [sflag:$0x8], $0x80, $0x38;
	[tilespmem:$0xEC00] =	vst v63  }
0x40a: {  	s16 =	sadd.s32 $0x50, s14;
	s28 =	simm.s32 $0xE150  }
0x40b: {  	[hbm4b:s16+s3] =	stream.linear.scatter [tilespmem:s28], [sflag:$0x8], $0x80, $0x38;
	[tilespmem:$0xEC00] =	vst v63  }
0x40c: {  	s29 =	sadd.s32 $0x60, s14;
	s30 =	simm.s32 $0xE1E0  }
0x40d: {  	[hbm4b:s29+s3] =	stream.linear.scatter [tilespmem:s30], [sflag:$0x8], $0x80, $0x38;
	[tilespmem:$0xEC00] =	vst v63  }
0x40e: {  	s14 =	sadd.s32 $0x70, s14;
	s31 =	simm.s32 $0xE270  }
0x40f: {  	[hbm4b:s14+s3] =	stream.linear.scatter [tilespmem:s31], [sflag:$0x8], $0x80, $0x38;
	[tilespmem:$0xEC00] =	vst v63  }
0x410: {  	s16 =	simm.s32 $0xE300;
	s14 =	sadd.s32 s13, s8  }
0x411: {  	[hbm4b:s14+s3] =	stream.linear.scatter [tilespmem:s16], [sflag:$0x8], $0x80, $0x38;
	[tilespmem:$0xEC00] =	vst v63  }
0x412: {  	s29 =	simm.s32 $0xE390;
	s28 =	sadd.s32 $0x10, s14  }
0x413: {  	[hbm4b:s28+s3] =	stream.linear.scatter [tilespmem:s29], [sflag:$0x8], $0x80, $0x38;
	[tilespmem:$0xEC00] =	vst v63  }
0x414: {  	s31 =	simm.s32 $0xE420;
	s30 =	sadd.s32 $0x20, s14  }
0x415: {  	[hbm4b:s30+s3] =	stream.linear.scatter [tilespmem:s31], [sflag:$0x8], $0x80, $0x38;
	[tilespmem:$0xEC00] =	vst v63  }
0x416: {  	s28 =	sadd.s32 $0x30, s14;
	s29 =	simm.s32 $0xE4B0  }
0x417: {  	[hbm4b:s28+s3] =	stream.linear.scatter [tilespmem:s29], [sflag:$0x8], $0x80, $0x38;
	[tilespmem:$0xEC00] =	vst v63  }
0x418: {  	s30 =	sadd.s32 $0x40, s14;
	s31 =	simm.s32 $0xE540  }
0x419: {  	[hbm4b:s30+s3] =	stream.linear.scatter [tilespmem:s31], [sflag:$0x8], $0x80, $0x38;
	[tilespmem:$0xEC00] =	vst v63  }
0x41a: {  	s28 =	sadd.s32 $0x50, s14;
	s29 =	simm.s32 $0xE5D0  }
0x41b: {  	[hbm4b:s28+s3] =	stream.linear.scatter [tilespmem:s29], [sflag:$0x8], $0x80, $0x38;
	[tilespmem:$0xEC00] =	vst v63  }
0x41c: {  	s30 =	sadd.s32 $0x60, s14;
	s31 =	simm.s32 $0xE660  }
0x41d: {  	[hbm4b:s30+s3] =	stream.linear.scatter [tilespmem:s31], [sflag:$0x8], $0x80, $0x38;
	[tilespmem:$0xEC00] =	vst v63  }
0x41e: {  	s14 =	sadd.s32 $0x70, s14;
	s28 =	simm.s32 $0xE6F0  }
0x41f: {  	[hbm4b:s14+s3] =	stream.linear.scatter [tilespmem:s28], [sflag:$0x8], $0x80, $0x38;
	[tilespmem:$0xEC00] =	vst v63  }
0x420: {  	s13 =	sadd.s32 s13, s9;
	s29 =	simm.s32 $0xE780  }
0x421: {  	[hbm4b:s13+s3] =	stream.linear.scatter [tilespmem:s29], [sflag:$0x8], $0x80, $0x38;
	[tilespmem:$0xEC00] =	vst v63  }
0x422: {  	s30 =	sadd.s32 $0x10, s13;
	s31 =	simm.s32 $0xE810  }
0x423: {  	[hbm4b:s30+s3] =	stream.linear.scatter [tilespmem:s31], [sflag:$0x8], $0x80, $0x38;
	[tilespmem:$0xEC00] =	vst v63  }
0x424: {  	s16 =	sadd.s32 $0x20, s13  }
0x425: {  	[hbm4b:s16+s3] =	stream.linear.scatter [tilespmem:s17], [sflag:$0x8], $0x80, $0x38;
	[tilespmem:$0xEC00] =	vst v63  }
0x426: {  	s28 =	sadd.s32 $0x30, s13  }
0x427: {  	[hbm4b:s28+s3] =	stream.linear.scatter [tilespmem:s6], [sflag:$0x8], $0x80, $0x38;
	[tilespmem:$0xEC00] =	vst v63  }
0x428: {  	s29 =	sadd.s32 $0x40, s13  }
0x429: {  	[hbm4b:s29+s3] =	stream.linear.scatter [tilespmem:s10], [sflag:$0x8], $0x80, $0x38;
	[tilespmem:$0xEC00] =	vst v63  }
0x42a: {  	s30 =	sadd.s32 $0x50, s13  }
0x42b: {  	[hbm4b:s30+s3] =	stream.linear.scatter [tilespmem:s11], [sflag:$0x8], $0x80, $0x38;
	[tilespmem:$0xEC00] =	vst v63  }
.Ltmp6:
0x42c: {  	_ = 	snop;
	(pc) =	sbr.rel @p1 .LBB2_12-.Ltmp6, $4  }
0x42d: {  	s31 =	sadd.s32 $0x60, s13  }
0x42e: {  	[hbm4b:s31+s3] =	stream.linear.scatter [tilespmem:s18], [sflag:$0x8], $0x80, $0x38;
	[tilespmem:$0xEC00] =	vst v63  }
0x42f: {  	s13 =	sadd.s32 $0x70, s13  }
0x430: {  	[hbm4b:s13+s3] =	stream.linear.scatter [tilespmem:s23], [sflag:$0x8], $0x80, $0x38;
	[tilespmem:$0xEC00] =	vst v63  }
.Ltmp7:
0x431: {  	(pc) =	sbr.rel .LBB2_2-.Ltmp7, $4  }
0x432: {  	s13 =	sshll.u32 s26, $0x9  }
0x433: {  	s13 =	sand.u32 $0x3FFFFE00, s13  }
0x434: {  	s14 =	simm.s32 $0x9400;
	s26 =	sadd.s32 $0x1, s26;
	s13 =	sadd.s32 $0x380, s13  }
0x435: {  	[tilespmem:s14], [sflag:$0x4] =	stream.indirect.gather [hbm4b:s4+s12], $0x20, s13, s12, $0xb8;
	[tilespmem:$0xEC00] =	vst v63  }
.LBB2_13:
0x436: {  	_ =	sfence.sel $0x180000  }
0x437: {  	[bflag:$0x0] =	sbarrier.arrive $0xFFFF  }
0x438: {  	_ =	strace $0x90000047  }
0x439: {  	s0 =	stileid.u32;
	[bflag:$0x2] =	sbarrier.arrive $0xFFFF  }
0x43a: {  	p0 =	sne.s32 s0, $0x0;
	s0 =	rddreg [dreg:$0x2]  }
0x43b: {  	s0 =	sadd.s32 @!p0 $0x100000, s0  }
0x43c: {  	[sflag:s0] =	ssyncadd.tile.s32 @!p0 $0x1;
	_ =	shalt  }
.Lfunc_end2:
_tile_overlayer_lowered:
.L_overlay_start_2:
0x43d: {  	(tag) =	ssettag $0x2  }
0x43e: {  	s0 =	rddreg [dreg:$0x0];
	s2 =	stileid.u32  }
0x43f: {  	s1 =	rddreg [dreg:$0x1];
	p0 =	sne.s32 s2, $0x0  }
0x440: {  	s3 =	rddreg [dreg:$0x2];
	[bflag:$0x3] =	sbarrier.arrive $0xFFFF;
	s2 =	simm.s32 @!p0 $0x1C09  }
0x441: {  	[timem:s3], [sflag:s2] =	dma.local @!p0 [hbm:s0], s1  }
0x442: {  	s0 =	simm.s32 @!p0 $0x9  }
0x443: {  	_ =	swait.ge @!p0 [sflag:s0], s1  }
0x444: {  	s1 =	ssub.s32 @!p0 $0x0, s1;
	[sflag:s0] =	ssyncset.done @!p0 $0x0  }
0x445: {  	[sflag:s0] =	ssyncadd.s32 @!p0 s1  }
0x446: {  	[bflag:$0x3] =	sbarrier.arrive $0xFFFF  }
0x447: {  	_ =	shalt  }

</sc_bundles>
